<compile_context>
chip_gen: v7x
topology: tpu7x:2x2x1
jax: 0.10.2.dev20260603
libtpu: 0.0.44.dev20260713+nightly
codegen_flags: <defaults>
</compile_context>

<pallas_src>
import functools
import jax
import jax.numpy as jnp
from jax import lax
from jax.experimental import pallas as pl
from jax.experimental.pallas import tpu as pltpu
from jax.experimental.pallas import tpu_sc as plsc

N = 10000
NP = 10240
D = 128
NOUT = 10
ROWB = 256
GRID = NP // ROWB

NEG = -1e30
E_TOT = 330000

NTILES = 32
EB = 128
EP = 335872
NBLK = EP // EB
WT = 72


def _tcA_body(x_ref, w_ref, t_ref, a_ref, gm_ref):
    i = pl.program_id(0)
    r = jnp.dot(x_ref[...], w_ref[...], preferred_element_type=jnp.float32)
    t_ref[...] = r[:, :WT]
    a_ref[...] = r[:, WT:WT + 8]
    cm = jnp.max(r, axis=0, keepdims=True)
    @pl.when(i == 0)
    def _():
        gm_ref[...] = jnp.full_like(gm_ref, NEG)
    gm_ref[0:1, :] = jnp.maximum(gm_ref[0:1, :], cm)


def _tcA(xpad, wcat):
    return pl.pallas_call(
        _tcA_body,
        grid=(GRID,),
        in_specs=[
            pl.BlockSpec((ROWB, 128), lambda i: (i, 0)),
            pl.BlockSpec((128, 128), lambda i: (0, 0)),
        ],
        out_specs=[
            pl.BlockSpec((ROWB, WT), lambda i: (i, 0)),
            pl.BlockSpec((ROWB, 8), lambda i: (i, 0)),
            pl.BlockSpec((8, 128), lambda i: (0, 0)),
        ],
        out_shape=[
            jax.ShapeDtypeStruct((NP, WT), jnp.float32),
            jax.ShapeDtypeStruct((NP, 8), jnp.float32),
            jax.ShapeDtypeStruct((8, 128), jnp.float32),
        ],
        compiler_params=pltpu.CompilerParams(
            dimension_semantics=("arbitrary",)),
    )(xpad, wcat)


def _tcB_body(p_ref, b_ref, rep_ref, w2_ref, t_ref, a_ref, gm_ref):
    i = pl.program_id(0)
    r1 = p_ref[0] + p_ref[1]
    acc = r1[:, :64]
    den = r1[:, 64:72]
    drep = jnp.dot(den, rep_ref[...], preferred_element_type=jnp.float32)
    h1 = jnp.maximum(acc / (drep + 1e-16) + b_ref[0:1, :], 0.0)
    r = jnp.dot(h1, w2_ref[...], preferred_element_type=jnp.float32)
    t_ref[...] = r[:, :WT]
    a_ref[...] = r[:, WT:WT + 8]
    cm = jnp.max(r, axis=0, keepdims=True)
    @pl.when(i == 0)
    def _():
        gm_ref[...] = jnp.full_like(gm_ref, NEG)
    gm_ref[0:1, :] = jnp.maximum(gm_ref[0:1, :], cm)


def _tcB(p, b1, rep8, w2cat):
    return pl.pallas_call(
        _tcB_body,
        grid=(GRID,),
        in_specs=[
            pl.BlockSpec((2, ROWB, 72), lambda i: (0, i, 0)),
            pl.BlockSpec((1, 64), lambda i: (0, 0)),
            pl.BlockSpec((8, 64), lambda i: (0, 0)),
            pl.BlockSpec((64, 128), lambda i: (0, 0)),
        ],
        out_specs=[
            pl.BlockSpec((ROWB, WT), lambda i: (i, 0)),
            pl.BlockSpec((ROWB, 8), lambda i: (i, 0)),
            pl.BlockSpec((8, 128), lambda i: (0, 0)),
        ],
        out_shape=[
            jax.ShapeDtypeStruct((NP, WT), jnp.float32),
            jax.ShapeDtypeStruct((NP, 8), jnp.float32),
            jax.ShapeDtypeStruct((8, 128), jnp.float32),
        ],
        compiler_params=pltpu.CompilerParams(
            dimension_semantics=("arbitrary",)),
    )(p, b1, rep8, w2cat)


def _tcC_body(p_ref, b_ref, pick_ref, wl_ref, bl_ref, out_ref):
    r2 = p_ref[0] + p_ref[1]
    acc = r2[:, :64]
    den8 = r2[:, 64:72]
    d = jnp.dot(den8, pick_ref[...], preferred_element_type=jnp.float32)
    out2 = jnp.maximum(acc / (d + 1e-16) + b_ref[0:1, :], 0.0)
    logits = jnp.dot(out2, wl_ref[...], preferred_element_type=jnp.float32)
    logits = logits + bl_ref[0:1, :]
    m = jnp.max(logits, axis=1, keepdims=True)
    s = logits - m
    lse = jnp.log(jnp.sum(jnp.exp(s), axis=1, keepdims=True))
    out_ref[...] = s - lse


def _tcC(p, b2, pick8, wlpad, blpad):
    return pl.pallas_call(
        _tcC_body,
        grid=(GRID,),
        in_specs=[
            pl.BlockSpec((2, ROWB, 72), lambda i: (0, i, 0)),
            pl.BlockSpec((1, 64), lambda i: (0, 0)),
            pl.BlockSpec((8, 64), lambda i: (0, 0)),
            pl.BlockSpec((64, 128), lambda i: (0, 0)),
            pl.BlockSpec((1, 128), lambda i: (0, 0)),
        ],
        out_specs=pl.BlockSpec((ROWB, 128), lambda i: (i, 0)),
        out_shape=jax.ShapeDtypeStruct((NP, 128), jnp.float32),
        compiler_params=pltpu.CompilerParams(
            dimension_semantics=("arbitrary",)),
    )(p, b2, pick8, wlpad, blpad)


def _make_sc_edge(H):
    mesh = plsc.VectorSubcoreMesh(core_axis_name="c", subcore_axis_name="s")
    nper = NBLK // NTILES
    half = nper // 2
    rows_per_sub = NP // 16

    buf_t = [pltpu.VMEM((EB, WT), jnp.float32)] * 2
    buf_a = [pltpu.VMEM((EB, 8), jnp.float32)] * 2

    @functools.partial(
        pl.kernel,
        out_type=jax.ShapeDtypeStruct((2, NP, WT), jnp.float32),
        mesh=mesh,
        scratch_types=buf_t + buf_a + [
            pltpu.VMEM((nper, EB), jnp.int32),
            pltpu.VMEM((nper, EB), jnp.int32),
            pltpu.VMEM((EB, 8), jnp.float32),
            pltpu.VMEM((16,), jnp.float32),
            pltpu.VMEM_SHARED((NP, WT), jnp.float32),
            pltpu.SemaphoreType.DMA,
            pltpu.SemaphoreType.DMA,
            pltpu.SemaphoreType.DMA,
            pltpu.SemaphoreType.DMA,
            pltpu.SemaphoreType.DMA,
        ],
        compiler_params=pltpu.CompilerParams(
            needs_layout_passes=False, use_tc_tiling_on_sc=False),
    )
    def sc_edge(t_hbm, a_hbm, src_hbm, dst_hbm, g_hbm, out_hbm,
                t0, t1, a0, a1, si_all, di_all,
                w_v, g_v, acc, semi, semt0, semt1, sema0, sema1):
        c = lax.axis_index("c")
        s = lax.axis_index("s")
        wid = s * 2 + c
        ii = lax.iota(jnp.int32, 16)
        zero16 = jnp.zeros((16,), jnp.float32)
        tb = [t0, t1]
        ab = [a0, a1]
        semt = [semt0, semt1]
        sema = [sema0, sema1]

        pltpu.sync_copy(g_hbm, g_v)
        gvec = g_v[...]

        c1 = pltpu.async_copy(src_hbm.at[wid], si_all, semi)
        c2 = pltpu.async_copy(dst_hbm.at[wid], di_all, semi)
        c1.wait()
        c2.wait()

        @plsc.parallel_loop(0, EB, unroll=4)
        def _zrow(e):
            for q in range(4):
                t0[e, pl.ds(16 * q, 16)] = zero16

        @plsc.parallel_loop(0, EB // 2, unroll=4)
        def _ztail(i):
            rows = 2 * i + jnp.where(ii >= 8, 1, 0)
            plsc.store_scatter(t0, [rows, 64 + (ii & 7)], zero16)

        rowbase = s * rows_per_sub
        for k in range(rows_per_sub // EB):
            pltpu.sync_copy(t0, acc.at[pl.ds(rowbase + k * EB, EB)])
        plsc.subcore_barrier()

        pair_rows = jnp.where(ii >= 8, 1, 0)
        head_cols = ii & 7
        col64 = jnp.full((16,), 64, jnp.int32)
        col0 = jnp.zeros((16,), jnp.int32)

        def issue(b, k):
            pltpu.async_copy(t_hbm.at[si_all.at[k]], tb[b], semt[b])
            pltpu.async_copy(a_hbm.at[di_all.at[k]], ab[b], sema[b])

        def wait_gathers(b, k):
            pltpu.make_async_copy(t_hbm.at[si_all.at[k]], tb[b], semt[b]).wait()
            pltpu.make_async_copy(a_hbm.at[di_all.at[k]], ab[b], sema[b]).wait()

        def compute_scatter(b):
            t_v = tb[b]
            a_v = ab[b]
            if H == 8:
                @plsc.parallel_loop(0, EB // 2, unroll=4)
                def wbody(i):
                    rows = 2 * i + pair_rows
                    asv = plsc.load_gather(t_v, [rows, 64 + head_cols])
                    adv = plsc.load_gather(a_v, [rows, head_cols])
                    t = asv + adv
                    t = jnp.maximum(t, 0.2 * t)
                    w = jnp.exp(t - gvec)
                    plsc.store_scatter(w_v, [rows, head_cols], w)
                    plsc.store_scatter(t_v, [rows, 64 + head_cols], w)

                @plsc.parallel_loop(0, EB, unroll=8)
                def mbody(e):
                    erows = jnp.full((16,), e, jnp.int32)
                    for q in range(4):
                        wexp = plsc.load_gather(
                            w_v, [erows, 2 * q + pair_rows])
                        t_v[e, pl.ds(16 * q, 16)] = (
                            t_v[e, pl.ds(16 * q, 16)] * wexp)
            else:
                @plsc.parallel_loop(0, EB // 16, unroll=2)
                def wbody(i):
                    rows = 16 * i + ii
                    asv = plsc.load_gather(t_v, [rows, col64])
                    adv = plsc.load_gather(a_v, [rows, col0])
                    t = asv + adv
                    t = jnp.maximum(t, 0.2 * t)
                    w = jnp.exp(t - gvec)
                    plsc.store_scatter(w_v, [rows, col0], w)
                    plsc.store_scatter(t_v, [rows, col64], w)

                @plsc.parallel_loop(0, EB, unroll=8)
                def mbody(e):
                    erows = jnp.full((16,), e, jnp.int32)
                    wexp = plsc.load_gather(w_v, [erows, col0])
                    for q in range(4):
                        t_v[e, pl.ds(16 * q, 16)] = (
                            t_v[e, pl.ds(16 * q, 16)] * wexp)

        issue(0, 0)

        def blk_body(j, _):
            issue(1, 2 * j + 1)
            wait_gathers(0, 2 * j)
            compute_scatter(0)
            pltpu.sync_copy(tb[0], acc.at[di_all.at[2 * j]], add=True)

            @pl.when(j < half - 1)
            def _():
                issue(0, 2 * j + 2)

            wait_gathers(1, 2 * j + 1)
            compute_scatter(1)
            pltpu.sync_copy(tb[1], acc.at[di_all.at[2 * j + 1]], add=True)
            return 0

        lax.fori_loop(0, half, blk_body, 0)
        plsc.subcore_barrier()

        pltpu.sync_copy(acc.at[pl.ds(rowbase, rows_per_sub)],
                        out_hbm.at[c, pl.ds(rowbase, rows_per_sub)])

    return sc_edge


_SC_EDGE_8 = _make_sc_edge(8)
_SC_EDGE_1 = _make_sc_edge(1)


def _block_diag_heads(a):
    H, C = a.shape
    return (a[:, :, None] * jnp.eye(H, dtype=a.dtype)[:, None, :]).reshape(H * C, H)


@jax.jit
def kernel(x, edge_index, W1, a_src1, a_dst1, b1, W2, a_src2, a_dst2, b2,
           Wlin, blin):
    f32 = jnp.float32
    xpad = jnp.pad(x, ((0, NP - N), (0, 0)))

    As1 = _block_diag_heads(a_src1)
    Ad1 = _block_diag_heads(a_dst1)
    wcat1 = jnp.zeros((128, 128), f32)
    wcat1 = wcat1.at[:, :64].set(W1)
    wcat1 = wcat1.at[:, 64:72].set(W1 @ As1)
    wcat1 = wcat1.at[:, 72:80].set(W1 @ Ad1)

    T1, A1, gm1 = _tcA(xpad, wcat1)
    g1 = gm1[0, 64:72] + gm1[0, 72:80]
    g16_1 = jnp.tile(g1, 2)

    loop = jnp.arange(N, dtype=jnp.int32)
    pad = jnp.full((EP - E_TOT,), N, jnp.int32)
    src = jnp.concatenate([edge_index[0].astype(jnp.int32), loop, pad])
    dst = jnp.concatenate([edge_index[1].astype(jnp.int32), loop, pad])
    nper = EP // (NTILES * EB)
    src = src.reshape(nper, NTILES, EB).transpose(1, 0, 2)
    dst = dst.reshape(nper, NTILES, EB).transpose(1, 0, 2)

    P1 = _SC_EDGE_8(T1, A1, src, dst, g16_1)

    rep8 = jnp.repeat(jnp.eye(8, dtype=f32), 8, axis=1)
    wcat2 = jnp.zeros((64, 128), f32)
    wcat2 = wcat2.at[:, :64].set(W2)
    wcat2 = wcat2.at[:, 64:65].set(W2 @ a_src2.T)
    wcat2 = wcat2.at[:, 72:73].set(W2 @ a_dst2.T)

    T2, A2, gm2 = _tcB(P1, b1.reshape(1, 64), rep8, wcat2)
    g2 = gm2[0, 64] + gm2[0, 72]
    g16_2 = jnp.full((16,), g2, f32)

    P2 = _SC_EDGE_1(T2, A2, src, dst, g16_2)

    pick8 = jnp.zeros((8, 64), f32).at[0, :].set(1.0)
    wlpad = jnp.zeros((64, 128), f32).at[:, :NOUT].set(Wlin)
    blpad = jnp.full((1, 128), NEG, f32).at[0, :NOUT].set(blin)

    rc = _tcC(P2, b2.reshape(1, 64), pick8, wlpad, blpad)
    return rc[:N, :NOUT]

# --- scband reference (transcript-rebuilt; emitter-appended) ---
"""Pipeline reference for scband-gnn-40810779246750 (READ-ONLY COPY).

The authoritative reference and input builder live on the scoring server;
editing this copy changes nothing except your own understanding.
"""

import jax, jax.numpy as jnp
import numpy as np

N = 10000
E = 320000
D = 128
NOUT = 10


def gat_conv(x, src, dst, W, a_src, a_dst, b):
    # PyG-style GATConv: linear proj, per-head additive attention with
    # LeakyReLU(0.2), softmax over incoming edges of each dst node,
    # weighted scatter-sum, concat heads, add bias.
    H, C = a_src.shape
    n = x.shape[0]
    xp = (x @ W).reshape(n, H, C)
    alpha_s = jnp.sum(xp * a_src[None], axis=-1)  # [n, H]
    alpha_d = jnp.sum(xp * a_dst[None], axis=-1)  # [n, H]
    e = alpha_s[src] + alpha_d[dst]               # [E, H]
    e = jax.nn.leaky_relu(e, negative_slope=0.2)
    emax = jax.ops.segment_max(e, dst, num_segments=n)
    ee = jnp.exp(e - emax[dst])
    denom = jax.ops.segment_sum(ee, dst, num_segments=n)
    alpha = ee / (denom[dst] + 1e-16)
    msg = xp[src] * alpha[:, :, None]             # [E, H, C]
    out = jax.ops.segment_sum(msg, dst, num_segments=n)
    return out.reshape(n, H * C) + b


def setup_inputs(seed: int = 0):
    key = jax.random.key(seed)
    ks = jax.random.split(key, 12)
    x = jax.random.normal(ks[0], (N, D), jnp.float32)
    edge_index = jax.random.randint(ks[1], (2, E), 0, N, jnp.int32)
    s1 = 1.0 / np.sqrt(D)
    W1 = jax.random.uniform(ks[2], (D, 64), jnp.float32, -s1, s1)
    a_src1 = jax.random.uniform(ks[3], (8, 8), jnp.float32, -1.0, 1.0) * 0.1
    a_dst1 = jax.random.uniform(ks[4], (8, 8), jnp.float32, -1.0, 1.0) * 0.1
    b1 = jnp.zeros((64,), jnp.float32)
    s2 = 1.0 / np.sqrt(64)
    W2 = jax.random.uniform(ks[5], (64, 64), jnp.float32, -s2, s2)
    a_src2 = jax.random.uniform(ks[6], (1, 64), jnp.float32, -1.0, 1.0) * 0.1
    a_dst2 = jax.random.uniform(ks[7], (1, 64), jnp.float32, -1.0, 1.0) * 0.1
    b2 = jnp.zeros((64,), jnp.float32)
    Wlin = jax.random.uniform(ks[8], (64, NOUT), jnp.float32, -s2, s2)
    blin = jnp.zeros((NOUT,), jnp.float32)
    return dict(x=x, edge_index=edge_index, W1=W1, a_src1=a_src1, a_dst1=a_dst1,
                b1=b1, W2=W2, a_src2=a_src2, a_dst2=a_dst2, b2=b2,
                Wlin=Wlin, blin=blin)


def reference(x, edge_index, W1, a_src1, a_dst1, b1, W2, a_src2, a_dst2, b2, Wlin, blin):
    # PyG GATConv adds self-loops by default
    loop = jnp.arange(N, dtype=edge_index.dtype)
    src = jnp.concatenate([edge_index[0], loop])
    dst = jnp.concatenate([edge_index[1], loop])
    h = jax.nn.relu(gat_conv(x, src, dst, W1, a_src1, a_dst1, b1))
    h = jax.nn.relu(gat_conv(h, src, dst, W2, a_src2, a_dst2, b2))
    out = h @ Wlin + blin
    return jax.nn.log_softmax(out, axis=1)

if __name__ == "__main__":
    import jax
    _d = setup_inputs()
    print(jax.jit(kernel)(*tuple(_d.values())))

</pallas_src>

<mosaic_0001>
#map = affine_map<(d0, d1) -> (0, 0)>
#map1 = affine_map<(d0, d1) -> (0, 0, 0)>
#map2 = affine_map<(d0, d1) -> (0)>
module attributes {stable_mosaic.version = 14 : i64} {
  func.func @sc_edge(%arg0: i32, %arg1: i32, %arg2: memref<10240x72xf32, #tpu.memory_space<hbm>>, %arg3: memref<10240x8xf32, #tpu.memory_space<hbm>>, %arg4: memref<32x82x128xi32, #tpu.memory_space<hbm>>, %arg5: memref<32x82x128xi32, #tpu.memory_space<hbm>>, %arg6: memref<16xf32, #tpu.memory_space<hbm>>, %arg7: memref<2x10240x72xf32, #tpu.memory_space<hbm>>, %arg8: memref<128x72xf32, #tpu.memory_space<vmem>>, %arg9: memref<128x72xf32, #tpu.memory_space<vmem>>, %arg10: memref<128x8xf32, #tpu.memory_space<vmem>>, %arg11: memref<128x8xf32, #tpu.memory_space<vmem>>, %arg12: memref<82x128xi32, #tpu.memory_space<vmem>>, %arg13: memref<82x128xi32, #tpu.memory_space<vmem>>, %arg14: memref<128x8xf32, #tpu.memory_space<vmem>>, %arg15: memref<16xf32, #tpu.memory_space<vmem>>, %arg16: memref<10240x72xf32, #tpu.memory_space<vmem_shared>>, %arg17: memref<!tpu.dma_semaphore, #tpu.memory_space<semaphore_mem>>, %arg18: memref<!tpu.dma_semaphore, #tpu.memory_space<semaphore_mem>>, %arg19: memref<!tpu.dma_semaphore, #tpu.memory_space<semaphore_mem>>, %arg20: memref<!tpu.dma_semaphore, #tpu.memory_space<semaphore_mem>>, %arg21: memref<!tpu.dma_semaphore, #tpu.memory_space<semaphore_mem>>) attributes {dimension_semantics = [#tpu.dimension_semantics<core_parallel>, #tpu.dimension_semantics<subcore_parallel>], iteration_bounds = array<i64: 2, 16>, scalar_prefetch = 0 : i64, scratch_operands = 14 : i64, tpu.core_type = #tpu.core_type<sc_vector_subcore>, window_params = [{transform_indices = #map}, {transform_indices = #map}, {transform_indices = #map1}, {transform_indices = #map1}, {transform_indices = #map2}, {transform_indices = #map1}]} {
    %mul3A = arith.constant 2 : i32
    %mul3A_0 = arith.muli %arg1, %mul3A : i32
    %add3A = arith.addi %mul3A_0, %arg0 : i32
    %iota3A = tpu.iota {dimensions = array<i32: 0>} : vector<16xi32>
    %broadcast_in_dim3A = arith.constant 0.000000e+00 : f32
    %broadcast_in_dim3A_1 = vector.broadcast %broadcast_in_dim3A : f32 to vector<16xf32>
    "tpu.region"() ({
      %run_scoped3A = tpu.sem_alloc : memref<!tpu.dma_semaphore, #tpu.memory_space<semaphore_mem>>
      tpu.enqueue_dma source(%arg6 : memref<16xf32, #tpu.memory_space<hbm>>) target(%arg15 : memref<16xf32, #tpu.memory_space<vmem>>) target_semaphore(%run_scoped3A : memref<!tpu.dma_semaphore, #tpu.memory_space<semaphore_mem>>)
      tpu.wait_dma2 semaphore(%run_scoped3A : memref<!tpu.dma_semaphore, #tpu.memory_space<semaphore_mem>>) src(%arg6 : memref<16xf32, #tpu.memory_space<hbm>>) dst(%arg15 : memref<16xf32, #tpu.memory_space<vmem>>)
      tpu.yield
    }) : () -> ()
    %get3A = arith.constant 0 : index
    %get3A_2 = tpu.vector_load %arg15[%get3A] {strides = array<i32>} : memref<16xf32, #tpu.memory_space<vmem>>, vector<16xf32>,
    %dma_start3A = arith.constant 0 : i32
    %dma_start3A_3 = arith.constant 0 : i32
    %dma_start3A_4 = tpu.memref_slice %arg4[%add3A, %dma_start3A, %dma_start3A_3] : memref<32x82x128xi32, #tpu.memory_space<hbm>> -> memref<1x82x128xi32, #tpu.memory_space<hbm>>
    %dma_start3A_5 = tpu.memref_squeeze %dma_start3A_4 : memref<1x82x128xi32, #tpu.memory_space<hbm>> -> memref<82x128xi32, #tpu.memory_space<hbm>>
    %dma_start3A_6 = arith.constant 0 : i32
    %dma_start3A_7 = arith.constant 0 : i32
    %dma_start3A_8 = tpu.memref_slice %arg4[%add3A, %dma_start3A_6, %dma_start3A_7] : memref<32x82x128xi32, #tpu.memory_space<hbm>> -> memref<1x82x128xi32, #tpu.memory_space<hbm>>
    %dma_start3A_9 = tpu.memref_squeeze %dma_start3A_8 : memref<1x82x128xi32, #tpu.memory_space<hbm>> -> memref<82x128xi32, #tpu.memory_space<hbm>>
    tpu.enqueue_dma source(%dma_start3A_9 : memref<82x128xi32, #tpu.memory_space<hbm>>) target(%arg12 : memref<82x128xi32, #tpu.memory_space<vmem>>) target_semaphore(%arg17 : memref<!tpu.dma_semaphore, #tpu.memory_space<semaphore_mem>>)
    %dma_start3A_10 = arith.constant 0 : i32
    %dma_start3A_11 = arith.constant 0 : i32
    %dma_start3A_12 = tpu.memref_slice %arg5[%add3A, %dma_start3A_10, %dma_start3A_11] : memref<32x82x128xi32, #tpu.memory_space<hbm>> -> memref<1x82x128xi32, #tpu.memory_space<hbm>>
    %dma_start3A_13 = tpu.memref_squeeze %dma_start3A_12 : memref<1x82x128xi32, #tpu.memory_space<hbm>> -> memref<82x128xi32, #tpu.memory_space<hbm>>
    %dma_start3A_14 = arith.constant 0 : i32
    %dma_start3A_15 = arith.constant 0 : i32
    %dma_start3A_16 = tpu.memref_slice %arg5[%add3A, %dma_start3A_14, %dma_start3A_15] : memref<32x82x128xi32, #tpu.memory_space<hbm>> -> memref<1x82x128xi32, #tpu.memory_space<hbm>>
    %dma_start3A_17 = tpu.memref_squeeze %dma_start3A_16 : memref<1x82x128xi32, #tpu.memory_space<hbm>> -> memref<82x128xi32, #tpu.memory_space<hbm>>
    tpu.enqueue_dma source(%dma_start3A_17 : memref<82x128xi32, #tpu.memory_space<hbm>>) target(%arg13 : memref<82x128xi32, #tpu.memory_space<vmem>>) target_semaphore(%arg17 : memref<!tpu.dma_semaphore, #tpu.memory_space<semaphore_mem>>)
    %dma_wait3A = arith.constant 0 : i32
    %dma_wait3A_18 = arith.constant 0 : i32
    %dma_wait3A_19 = tpu.memref_slice %arg4[%add3A, %dma_wait3A, %dma_wait3A_18] : memref<32x82x128xi32, #tpu.memory_space<hbm>> -> memref<1x82x128xi32, #tpu.memory_space<hbm>>
    %dma_wait3A_20 = tpu.memref_squeeze %dma_wait3A_19 : memref<1x82x128xi32, #tpu.memory_space<hbm>> -> memref<82x128xi32, #tpu.memory_space<hbm>>
    %dma_wait3A_21 = arith.constant 0 : i32
    %dma_wait3A_22 = arith.constant 0 : i32
    %dma_wait3A_23 = tpu.memref_slice %arg4[%add3A, %dma_wait3A_21, %dma_wait3A_22] : memref<32x82x128xi32, #tpu.memory_space<hbm>> -> memref<1x82x128xi32, #tpu.memory_space<hbm>>
    %dma_wait3A_24 = tpu.memref_squeeze %dma_wait3A_23 : memref<1x82x128xi32, #tpu.memory_space<hbm>> -> memref<82x128xi32, #tpu.memory_space<hbm>>
    tpu.wait_dma2 semaphore(%arg17 : memref<!tpu.dma_semaphore, #tpu.memory_space<semaphore_mem>>) src(%dma_wait3A_24 : memref<82x128xi32, #tpu.memory_space<hbm>>) dst(%arg12 : memref<82x128xi32, #tpu.memory_space<vmem>>)
    %dma_wait3A_25 = arith.constant 0 : i32
    %dma_wait3A_26 = arith.constant 0 : i32
    %dma_wait3A_27 = tpu.memref_slice %arg5[%add3A, %dma_wait3A_25, %dma_wait3A_26] : memref<32x82x128xi32, #tpu.memory_space<hbm>> -> memref<1x82x128xi32, #tpu.memory_space<hbm>>
    %dma_wait3A_28 = tpu.memref_squeeze %dma_wait3A_27 : memref<1x82x128xi32, #tpu.memory_space<hbm>> -> memref<82x128xi32, #tpu.memory_space<hbm>>
    %dma_wait3A_29 = arith.constant 0 : i32
    %dma_wait3A_30 = arith.constant 0 : i32
    %dma_wait3A_31 = tpu.memref_slice %arg5[%add3A, %dma_wait3A_29, %dma_wait3A_30] : memref<32x82x128xi32, #tpu.memory_space<hbm>> -> memref<1x82x128xi32, #tpu.memory_space<hbm>>
    %dma_wait3A_32 = tpu.memref_squeeze %dma_wait3A_31 : memref<1x82x128xi32, #tpu.memory_space<hbm>> -> memref<82x128xi32, #tpu.memory_space<hbm>>
    tpu.wait_dma2 semaphore(%arg17 : memref<!tpu.dma_semaphore, #tpu.memory_space<semaphore_mem>>) src(%dma_wait3A_32 : memref<82x128xi32, #tpu.memory_space<hbm>>) dst(%arg13 : memref<82x128xi32, #tpu.memory_space<vmem>>)
    %parallel_loop3A = arith.constant 0 : i32
    %parallel_loop3A_33 = arith.constant 128 : i32
    %parallel_loop3A_34 = arith.constant 1 : i32
    scf.for %parallel_loop3A_82 = %parallel_loop3A to %parallel_loop3A_33 step %parallel_loop3A_34  : i32 {
      %parallel_loop3A_83 = arith.index_cast %parallel_loop3A_82 : i32 to index
      %parallel_loop3A_84 = arith.constant 0 : index
      %parallel_loop3A_85 = tpu.vector_load %arg8[%parallel_loop3A_83, %parallel_loop3A_84] {strides = array<i32>} : memref<128x72xf32, #tpu.memory_space<vmem>>, vector<16xf32>,
      tpu.vector_store %arg8[%parallel_loop3A_83, %parallel_loop3A_84], %broadcast_in_dim3A_1 {strides = array<i32>} : memref<128x72xf32, #tpu.memory_space<vmem>>, vector<16xf32>,
      %parallel_loop3A_86 = arith.index_cast %parallel_loop3A_82 : i32 to index
      %parallel_loop3A_87 = arith.constant 16 : index
      %parallel_loop3A_88 = tpu.vector_load %arg8[%parallel_loop3A_86, %parallel_loop3A_87] {strides = array<i32>} : memref<128x72xf32, #tpu.memory_space<vmem>>, vector<16xf32>,
      tpu.vector_store %arg8[%parallel_loop3A_86, %parallel_loop3A_87], %broadcast_in_dim3A_1 {strides = array<i32>} : memref<128x72xf32, #tpu.memory_space<vmem>>, vector<16xf32>,
      %parallel_loop3A_89 = arith.index_cast %parallel_loop3A_82 : i32 to index
      %parallel_loop3A_90 = arith.constant 32 : index
      %parallel_loop3A_91 = tpu.vector_load %arg8[%parallel_loop3A_89, %parallel_loop3A_90] {strides = array<i32>} : memref<128x72xf32, #tpu.memory_space<vmem>>, vector<16xf32>,
      tpu.vector_store %arg8[%parallel_loop3A_89, %parallel_loop3A_90], %broadcast_in_dim3A_1 {strides = array<i32>} : memref<128x72xf32, #tpu.memory_space<vmem>>, vector<16xf32>,
      %parallel_loop3A_92 = arith.index_cast %parallel_loop3A_82 : i32 to index
      %parallel_loop3A_93 = arith.constant 48 : index
      %parallel_loop3A_94 = tpu.vector_load %arg8[%parallel_loop3A_92, %parallel_loop3A_93] {strides = array<i32>} : memref<128x72xf32, #tpu.memory_space<vmem>>, vector<16xf32>,
      tpu.vector_store %arg8[%parallel_loop3A_92, %parallel_loop3A_93], %broadcast_in_dim3A_1 {strides = array<i32>} : memref<128x72xf32, #tpu.memory_space<vmem>>, vector<16xf32>,
    } {sc.loop_unroll_factor = 4 : i64, sc.parallel_access}
    %parallel_loop3A_35 = arith.constant 0 : i32
    %parallel_loop3A_36 = arith.constant 64 : i32
    %parallel_loop3A_37 = arith.constant 1 : i32
    scf.for %parallel_loop3A_82 = %parallel_loop3A_35 to %parallel_loop3A_36 step %parallel_loop3A_37  : i32 {
      %parallel_loop3A_83 = arith.constant 2 : i32
      %parallel_loop3A_84 = arith.muli %parallel_loop3A_83, %parallel_loop3A_82 : i32
      %parallel_loop3A_85 = arith.constant 8 : i32
      %parallel_loop3A_86 = vector.broadcast %parallel_loop3A_85 : i32 to vector<16xi32>
      %parallel_loop3A_87 = arith.cmpi sge, %iota3A, %parallel_loop3A_86 : vector<16xi32>
      %parallel_loop3A_88 = arith.constant 1 : i32
      %parallel_loop3A_89 = arith.constant 0 : i32
      %parallel_loop3A_90 = vector.broadcast %parallel_loop3A_88 : i32 to vector<16xi32>
      %parallel_loop3A_91 = vector.broadcast %parallel_loop3A_89 : i32 to vector<16xi32>
      %parallel_loop3A_92 = arith.select %parallel_loop3A_87, %parallel_loop3A_90, %parallel_loop3A_91 : vector<16xi1>, vector<16xi32>
      %parallel_loop3A_93 = vector.broadcast %parallel_loop3A_84 : i32 to vector<16xi32>
      %parallel_loop3A_94 = arith.addi %parallel_loop3A_93, %parallel_loop3A_92 : vector<16xi32>
      %parallel_loop3A_95 = arith.constant 7 : i32
      %parallel_loop3A_96 = vector.broadcast %parallel_loop3A_95 : i32 to vector<16xi32>
      %parallel_loop3A_97 = arith.andi %iota3A, %parallel_loop3A_96 : vector<16xi32>
      %parallel_loop3A_98 = arith.constant 64 : i32
      %parallel_loop3A_99 = vector.broadcast %parallel_loop3A_98 : i32 to vector<16xi32>
      %parallel_loop3A_100 = arith.addi %parallel_loop3A_99, %parallel_loop3A_97 : vector<16xi32>
      tpu.vector_store_idx %arg8[%parallel_loop3A_94, %parallel_loop3A_100], %broadcast_in_dim3A_1 : memref<128x72xf32, #tpu.memory_space<vmem>>[vector<16xi32>, vector<16xi32>], vector<16xf32>,
    } {sc.loop_unroll_factor = 4 : i64, sc.parallel_access}
    %mul3A_38 = arith.constant 640 : i32
    %mul3A_39 = arith.muli %arg1, %mul3A_38 : i32
    %add3A_40 = arith.constant 0 : i32
    %add3A_41 = arith.addi %mul3A_39, %add3A_40 : i32
    "tpu.region"() ({
      %run_scoped3A = tpu.sem_alloc : memref<!tpu.dma_semaphore, #tpu.memory_space<semaphore_mem>>
      %dma_start3A_82 = arith.constant 0 : i32
      %dma_start3A_83 = tpu.memref_slice %arg16[%add3A_41, %dma_start3A_82] : memref<10240x72xf32, #tpu.memory_space<vmem_shared>> -> memref<128x72xf32, #tpu.memory_space<vmem_shared>>
      %dma_start3A_84 = arith.constant 0 : i32
      %dma_start3A_85 = tpu.memref_slice %arg16[%add3A_41, %dma_start3A_84] : memref<10240x72xf32, #tpu.memory_space<vmem_shared>> -> memref<128x72xf32, #tpu.memory_space<vmem_shared>>
      tpu.enqueue_dma source(%arg8 : memref<128x72xf32, #tpu.memory_space<vmem>>) target(%dma_start3A_85 : memref<128x72xf32, #tpu.memory_space<vmem_shared>>) target_semaphore(%run_scoped3A : memref<!tpu.dma_semaphore, #tpu.memory_space<semaphore_mem>>)
      %dma_wait3A_86 = arith.constant 0 : i32
      %dma_wait3A_87 = tpu.memref_slice %arg16[%add3A_41, %dma_wait3A_86] : memref<10240x72xf32, #tpu.memory_space<vmem_shared>> -> memref<128x72xf32, #tpu.memory_space<vmem_shared>>
      %dma_wait3A_88 = arith.constant 0 : i32
      %dma_wait3A_89 = tpu.memref_slice %arg16[%add3A_41, %dma_wait3A_88] : memref<10240x72xf32, #tpu.memory_space<vmem_shared>> -> memref<128x72xf32, #tpu.memory_space<vmem_shared>>
      tpu.wait_dma2 semaphore(%run_scoped3A : memref<!tpu.dma_semaphore, #tpu.memory_space<semaphore_mem>>) src(%arg8 : memref<128x72xf32, #tpu.memory_space<vmem>>) dst(%dma_wait3A_89 : memref<128x72xf32, #tpu.memory_space<vmem_shared>>)
      tpu.yield
    }) : () -> ()
    %add3A_42 = arith.constant 128 : i32
    %add3A_43 = arith.addi %mul3A_39, %add3A_42 : i32
    "tpu.region"() ({
      %run_scoped3A = tpu.sem_alloc : memref<!tpu.dma_semaphore, #tpu.memory_space<semaphore_mem>>
      %dma_start3A_82 = arith.constant 0 : i32
      %dma_start3A_83 = tpu.memref_slice %arg16[%add3A_43, %dma_start3A_82] : memref<10240x72xf32, #tpu.memory_space<vmem_shared>> -> memref<128x72xf32, #tpu.memory_space<vmem_shared>>
      %dma_start3A_84 = arith.constant 0 : i32
      %dma_start3A_85 = tpu.memref_slice %arg16[%add3A_43, %dma_start3A_84] : memref<10240x72xf32, #tpu.memory_space<vmem_shared>> -> memref<128x72xf32, #tpu.memory_space<vmem_shared>>
      tpu.enqueue_dma source(%arg8 : memref<128x72xf32, #tpu.memory_space<vmem>>) target(%dma_start3A_85 : memref<128x72xf32, #tpu.memory_space<vmem_shared>>) target_semaphore(%run_scoped3A : memref<!tpu.dma_semaphore, #tpu.memory_space<semaphore_mem>>)
      %dma_wait3A_86 = arith.constant 0 : i32
      %dma_wait3A_87 = tpu.memref_slice %arg16[%add3A_43, %dma_wait3A_86] : memref<10240x72xf32, #tpu.memory_space<vmem_shared>> -> memref<128x72xf32, #tpu.memory_space<vmem_shared>>
      %dma_wait3A_88 = arith.constant 0 : i32
      %dma_wait3A_89 = tpu.memref_slice %arg16[%add3A_43, %dma_wait3A_88] : memref<10240x72xf32, #tpu.memory_space<vmem_shared>> -> memref<128x72xf32, #tpu.memory_space<vmem_shared>>
      tpu.wait_dma2 semaphore(%run_scoped3A : memref<!tpu.dma_semaphore, #tpu.memory_space<semaphore_mem>>) src(%arg8 : memref<128x72xf32, #tpu.memory_space<vmem>>) dst(%dma_wait3A_89 : memref<128x72xf32, #tpu.memory_space<vmem_shared>>)
      tpu.yield
    }) : () -> ()
    %add3A_44 = arith.constant 256 : i32
    %add3A_45 = arith.addi %mul3A_39, %add3A_44 : i32
    "tpu.region"() ({
      %run_scoped3A = tpu.sem_alloc : memref<!tpu.dma_semaphore, #tpu.memory_space<semaphore_mem>>
      %dma_start3A_82 = arith.constant 0 : i32
      %dma_start3A_83 = tpu.memref_slice %arg16[%add3A_45, %dma_start3A_82] : memref<10240x72xf32, #tpu.memory_space<vmem_shared>> -> memref<128x72xf32, #tpu.memory_space<vmem_shared>>
      %dma_start3A_84 = arith.constant 0 : i32
      %dma_start3A_85 = tpu.memref_slice %arg16[%add3A_45, %dma_start3A_84] : memref<10240x72xf32, #tpu.memory_space<vmem_shared>> -> memref<128x72xf32, #tpu.memory_space<vmem_shared>>
      tpu.enqueue_dma source(%arg8 : memref<128x72xf32, #tpu.memory_space<vmem>>) target(%dma_start3A_85 : memref<128x72xf32, #tpu.memory_space<vmem_shared>>) target_semaphore(%run_scoped3A : memref<!tpu.dma_semaphore, #tpu.memory_space<semaphore_mem>>)
      %dma_wait3A_86 = arith.constant 0 : i32
      %dma_wait3A_87 = tpu.memref_slice %arg16[%add3A_45, %dma_wait3A_86] : memref<10240x72xf32, #tpu.memory_space<vmem_shared>> -> memref<128x72xf32, #tpu.memory_space<vmem_shared>>
      %dma_wait3A_88 = arith.constant 0 : i32
      %dma_wait3A_89 = tpu.memref_slice %arg16[%add3A_45, %dma_wait3A_88] : memref<10240x72xf32, #tpu.memory_space<vmem_shared>> -> memref<128x72xf32, #tpu.memory_space<vmem_shared>>
      tpu.wait_dma2 semaphore(%run_scoped3A : memref<!tpu.dma_semaphore, #tpu.memory_space<semaphore_mem>>) src(%arg8 : memref<128x72xf32, #tpu.memory_space<vmem>>) dst(%dma_wait3A_89 : memref<128x72xf32, #tpu.memory_space<vmem_shared>>)
      tpu.yield
    }) : () -> ()
    %add3A_46 = arith.constant 384 : i32
    %add3A_47 = arith.addi %mul3A_39, %add3A_46 : i32
    "tpu.region"() ({
      %run_scoped3A = tpu.sem_alloc : memref<!tpu.dma_semaphore, #tpu.memory_space<semaphore_mem>>
      %dma_start3A_82 = arith.constant 0 : i32
      %dma_start3A_83 = tpu.memref_slice %arg16[%add3A_47, %dma_start3A_82] : memref<10240x72xf32, #tpu.memory_space<vmem_shared>> -> memref<128x72xf32, #tpu.memory_space<vmem_shared>>
      %dma_start3A_84 = arith.constant 0 : i32
      %dma_start3A_85 = tpu.memref_slice %arg16[%add3A_47, %dma_start3A_84] : memref<10240x72xf32, #tpu.memory_space<vmem_shared>> -> memref<128x72xf32, #tpu.memory_space<vmem_shared>>
      tpu.enqueue_dma source(%arg8 : memref<128x72xf32, #tpu.memory_space<vmem>>) target(%dma_start3A_85 : memref<128x72xf32, #tpu.memory_space<vmem_shared>>) target_semaphore(%run_scoped3A : memref<!tpu.dma_semaphore, #tpu.memory_space<semaphore_mem>>)
      %dma_wait3A_86 = arith.constant 0 : i32
      %dma_wait3A_87 = tpu.memref_slice %arg16[%add3A_47, %dma_wait3A_86] : memref<10240x72xf32, #tpu.memory_space<vmem_shared>> -> memref<128x72xf32, #tpu.memory_space<vmem_shared>>
      %dma_wait3A_88 = arith.constant 0 : i32
      %dma_wait3A_89 = tpu.memref_slice %arg16[%add3A_47, %dma_wait3A_88] : memref<10240x72xf32, #tpu.memory_space<vmem_shared>> -> memref<128x72xf32, #tpu.memory_space<vmem_shared>>
      tpu.wait_dma2 semaphore(%run_scoped3A : memref<!tpu.dma_semaphore, #tpu.memory_space<semaphore_mem>>) src(%arg8 : memref<128x72xf32, #tpu.memory_space<vmem>>) dst(%dma_wait3A_89 : memref<128x72xf32, #tpu.memory_space<vmem_shared>>)
      tpu.yield
    }) : () -> ()
    %add3A_48 = arith.constant 512 : i32
    %add3A_49 = arith.addi %mul3A_39, %add3A_48 : i32
    "tpu.region"() ({
      %run_scoped3A = tpu.sem_alloc : memref<!tpu.dma_semaphore, #tpu.memory_space<semaphore_mem>>
      %dma_start3A_82 = arith.constant 0 : i32
      %dma_start3A_83 = tpu.memref_slice %arg16[%add3A_49, %dma_start3A_82] : memref<10240x72xf32, #tpu.memory_space<vmem_shared>> -> memref<128x72xf32, #tpu.memory_space<vmem_shared>>
      %dma_start3A_84 = arith.constant 0 : i32
      %dma_start3A_85 = tpu.memref_slice %arg16[%add3A_49, %dma_start3A_84] : memref<10240x72xf32, #tpu.memory_space<vmem_shared>> -> memref<128x72xf32, #tpu.memory_space<vmem_shared>>
      tpu.enqueue_dma source(%arg8 : memref<128x72xf32, #tpu.memory_space<vmem>>) target(%dma_start3A_85 : memref<128x72xf32, #tpu.memory_space<vmem_shared>>) target_semaphore(%run_scoped3A : memref<!tpu.dma_semaphore, #tpu.memory_space<semaphore_mem>>)
      %dma_wait3A_86 = arith.constant 0 : i32
      %dma_wait3A_87 = tpu.memref_slice %arg16[%add3A_49, %dma_wait3A_86] : memref<10240x72xf32, #tpu.memory_space<vmem_shared>> -> memref<128x72xf32, #tpu.memory_space<vmem_shared>>
      %dma_wait3A_88 = arith.constant 0 : i32
      %dma_wait3A_89 = tpu.memref_slice %arg16[%add3A_49, %dma_wait3A_88] : memref<10240x72xf32, #tpu.memory_space<vmem_shared>> -> memref<128x72xf32, #tpu.memory_space<vmem_shared>>
      tpu.wait_dma2 semaphore(%run_scoped3A : memref<!tpu.dma_semaphore, #tpu.memory_space<semaphore_mem>>) src(%arg8 : memref<128x72xf32, #tpu.memory_space<vmem>>) dst(%dma_wait3A_89 : memref<128x72xf32, #tpu.memory_space<vmem_shared>>)
      tpu.yield
    }) : () -> ()
    %barrier3A = arith.constant 0 : index
    tpu.barrier barrier_id(%barrier3A)
    %ge3A = arith.constant 8 : i32
    %ge3A_50 = vector.broadcast %ge3A : i32 to vector<16xi32>
    %ge3A_51 = arith.cmpi sge, %iota3A, %ge3A_50 : vector<16xi32>
    %jit3A = arith.constant 1 : i32
    %jit3A_52 = arith.constant 0 : i32
    %broadcast_in_dim3A_53 = vector.broadcast %jit3A : i32 to vector<16xi32>
    %broadcast_in_dim3A_54 = vector.broadcast %jit3A_52 : i32 to vector<16xi32>
    %select_n3A = arith.select %ge3A_51, %broadcast_in_dim3A_53, %broadcast_in_dim3A_54 : vector<16xi1>, vector<16xi32>
    %and3A = arith.constant 7 : i32
    %and3A_55 = vector.broadcast %and3A : i32 to vector<16xi32>
    %and3A_56 = arith.andi %iota3A, %and3A_55 : vector<16xi32>
    %broadcast_in_dim3A_57 = arith.constant 64 : i32
    %broadcast_in_dim3A_58 = vector.broadcast %broadcast_in_dim3A_57 : i32 to vector<16xi32>
    %broadcast_in_dim3A_59 = arith.constant 0 : i32
    %broadcast_in_dim3A_60 = vector.broadcast %broadcast_in_dim3A_59 : i32 to vector<16xi32>
    %dma_start3A_61 = arith.constant 0 : i32
    %dma_start3A_62 = arith.constant 0 : i32
    %dma_start3A_63 = tpu.memref_slice %arg12[%dma_start3A_61, %dma_start3A_62] : memref<82x128xi32, #tpu.memory_space<vmem>> -> memref<1x128xi32, #tpu.memory_space<vmem>>
    %dma_start3A_64 = tpu.memref_squeeze %dma_start3A_63 : memref<1x128xi32, #tpu.memory_space<vmem>> -> memref<128xi32, #tpu.memory_space<vmem>>
    %dma_start3A_65 = arith.constant 0 : i32
    %dma_start3A_66 = arith.constant 0 : i32
    %dma_start3A_67 = tpu.memref_slice %arg2[%dma_start3A_65, %dma_start3A_66] : memref<10240x72xf32, #tpu.memory_space<hbm>> -> memref<10240x72xf32, #tpu.memory_space<hbm>>
    tpu.enqueue_indirect_dma source(%dma_start3A_67 : memref<10240x72xf32, #tpu.memory_space<hbm>>) target(%arg8 : memref<128x72xf32, #tpu.memory_space<vmem>>) offsets(%dma_start3A_64 : memref<128xi32, #tpu.memory_space<vmem>>) semaphore(%arg18 : memref<!tpu.dma_semaphore, #tpu.memory_space<semaphore_mem>>)
    %dma_start3A_68 = arith.constant 0 : i32
    %dma_start3A_69 = arith.constant 0 : i32
    %dma_start3A_70 = tpu.memref_slice %arg13[%dma_start3A_68, %dma_start3A_69] : memref<82x128xi32, #tpu.memory_space<vmem>> -> memref<1x128xi32, #tpu.memory_space<vmem>>
    %dma_start3A_71 = tpu.memref_squeeze %dma_start3A_70 : memref<1x128xi32, #tpu.memory_space<vmem>> -> memref<128xi32, #tpu.memory_space<vmem>>
    %dma_start3A_72 = arith.constant 0 : i32
    %dma_start3A_73 = arith.constant 0 : i32
    %dma_start3A_74 = tpu.memref_slice %arg3[%dma_start3A_72, %dma_start3A_73] : memref<10240x8xf32, #tpu.memory_space<hbm>> -> memref<10240x8xf32, #tpu.memory_space<hbm>>
    tpu.enqueue_indirect_dma source(%dma_start3A_74 : memref<10240x8xf32, #tpu.memory_space<hbm>>) target(%arg10 : memref<128x8xf32, #tpu.memory_space<vmem>>) offsets(%dma_start3A_71 : memref<128xi32, #tpu.memory_space<vmem>>) semaphore(%arg20 : memref<!tpu.dma_semaphore, #tpu.memory_space<semaphore_mem>>)
    %scan3A = arith.constant 0 : i32
    %scan3A_75 = arith.constant 0 : i32
    %scan3A_76 = arith.constant 41 : i32
    %scan3A_77 = arith.addi %scan3A_75, %scan3A_76 : i32
    %scan3A_78 = arith.constant 1 : i32
    %scan3A_79 = scf.for %scan3A_82 = %scan3A_75 to %scan3A_77 step %scan3A_78 iter_args(%scan3A_83 = %scan3A) -> (i32)  : i32 {
      %mul3A_84 = arith.constant 2 : i32
      %mul3A_85 = arith.muli %mul3A_84, %scan3A_82 : i32
      %add3A_86 = arith.constant 1 : i32
      %add3A_87 = arith.addi %mul3A_85, %add3A_86 : i32
      %dma_start3A_88 = arith.constant 0 : i32
      %dma_start3A_89 = tpu.memref_slice %arg12[%add3A_87, %dma_start3A_88] : memref<82x128xi32, #tpu.memory_space<vmem>> -> memref<1x128xi32, #tpu.memory_space<vmem>>
      %dma_start3A_90 = tpu.memref_squeeze %dma_start3A_89 : memref<1x128xi32, #tpu.memory_space<vmem>> -> memref<128xi32, #tpu.memory_space<vmem>>
      %dma_start3A_91 = arith.constant 0 : i32
      %dma_start3A_92 = arith.constant 0 : i32
      %dma_start3A_93 = tpu.memref_slice %arg2[%dma_start3A_91, %dma_start3A_92] : memref<10240x72xf32, #tpu.memory_space<hbm>> -> memref<10240x72xf32, #tpu.memory_space<hbm>>
      tpu.enqueue_indirect_dma source(%dma_start3A_93 : memref<10240x72xf32, #tpu.memory_space<hbm>>) target(%arg9 : memref<128x72xf32, #tpu.memory_space<vmem>>) offsets(%dma_start3A_90 : memref<128xi32, #tpu.memory_space<vmem>>) semaphore(%arg19 : memref<!tpu.dma_semaphore, #tpu.memory_space<semaphore_mem>>)
      %dma_start3A_94 = arith.constant 0 : i32
      %dma_start3A_95 = tpu.memref_slice %arg13[%add3A_87, %dma_start3A_94] : memref<82x128xi32, #tpu.memory_space<vmem>> -> memref<1x128xi32, #tpu.memory_space<vmem>>
      %dma_start3A_96 = tpu.memref_squeeze %dma_start3A_95 : memref<1x128xi32, #tpu.memory_space<vmem>> -> memref<128xi32, #tpu.memory_space<vmem>>
      %dma_start3A_97 = arith.constant 0 : i32
      %dma_start3A_98 = arith.constant 0 : i32
      %dma_start3A_99 = tpu.memref_slice %arg3[%dma_start3A_97, %dma_start3A_98] : memref<10240x8xf32, #tpu.memory_space<hbm>> -> memref<10240x8xf32, #tpu.memory_space<hbm>>
      tpu.enqueue_indirect_dma source(%dma_start3A_99 : memref<10240x8xf32, #tpu.memory_space<hbm>>) target(%arg11 : memref<128x8xf32, #tpu.memory_space<vmem>>) offsets(%dma_start3A_96 : memref<128xi32, #tpu.memory_space<vmem>>) semaphore(%arg21 : memref<!tpu.dma_semaphore, #tpu.memory_space<semaphore_mem>>)
      %mul3A_100 = arith.constant 2 : i32
      %mul3A_101 = arith.muli %mul3A_100, %scan3A_82 : i32
      %dma_wait3A_102 = arith.constant 0 : i32
      %dma_wait3A_103 = tpu.memref_slice %arg12[%mul3A_101, %dma_wait3A_102] : memref<82x128xi32, #tpu.memory_space<vmem>> -> memref<1x128xi32, #tpu.memory_space<vmem>>
      %dma_wait3A_104 = tpu.memref_squeeze %dma_wait3A_103 : memref<1x128xi32, #tpu.memory_space<vmem>> -> memref<128xi32, #tpu.memory_space<vmem>>
      %dma_wait3A_105 = arith.constant 0 : i32
      %dma_wait3A_106 = arith.constant 0 : i32
      %dma_wait3A_107 = tpu.memref_slice %arg2[%dma_wait3A_105, %dma_wait3A_106] : memref<10240x72xf32, #tpu.memory_space<hbm>> -> memref<10240x72xf32, #tpu.memory_space<hbm>>
      tpu.wait_indirect_dma semaphore(%arg18 : memref<!tpu.dma_semaphore, #tpu.memory_space<semaphore_mem>>) src(%dma_wait3A_107 : memref<10240x72xf32, #tpu.memory_space<hbm>>) dst(%arg8 : memref<128x72xf32, #tpu.memory_space<vmem>>)
      %dma_wait3A_108 = arith.constant 0 : i32
      %dma_wait3A_109 = tpu.memref_slice %arg13[%mul3A_101, %dma_wait3A_108] : memref<82x128xi32, #tpu.memory_space<vmem>> -> memref<1x128xi32, #tpu.memory_space<vmem>>
      %dma_wait3A_110 = tpu.memref_squeeze %dma_wait3A_109 : memref<1x128xi32, #tpu.memory_space<vmem>> -> memref<128xi32, #tpu.memory_space<vmem>>
      %dma_wait3A_111 = arith.constant 0 : i32
      %dma_wait3A_112 = arith.constant 0 : i32
      %dma_wait3A_113 = tpu.memref_slice %arg3[%dma_wait3A_111, %dma_wait3A_112] : memref<10240x8xf32, #tpu.memory_space<hbm>> -> memref<10240x8xf32, #tpu.memory_space<hbm>>
      tpu.wait_indirect_dma semaphore(%arg20 : memref<!tpu.dma_semaphore, #tpu.memory_space<semaphore_mem>>) src(%dma_wait3A_113 : memref<10240x8xf32, #tpu.memory_space<hbm>>) dst(%arg10 : memref<128x8xf32, #tpu.memory_space<vmem>>)
      %parallel_loop3A_114 = arith.constant 0 : i32
      %parallel_loop3A_115 = arith.constant 8 : i32
      %parallel_loop3A_116 = arith.constant 1 : i32
      scf.for %parallel_loop3A_151 = %parallel_loop3A_114 to %parallel_loop3A_115 step %parallel_loop3A_116  : i32 {
        %parallel_loop3A_152 = arith.constant 16 : i32
        %parallel_loop3A_153 = arith.muli %parallel_loop3A_152, %parallel_loop3A_151 : i32
        %parallel_loop3A_154 = vector.broadcast %parallel_loop3A_153 : i32 to vector<16xi32>
        %parallel_loop3A_155 = arith.addi %parallel_loop3A_154, %iota3A : vector<16xi32>
        %parallel_loop3A_156 = tpu.vector_load_idx %arg8[%parallel_loop3A_155, %broadcast_in_dim3A_58] : memref<128x72xf32, #tpu.memory_space<vmem>>[vector<16xi32>, vector<16xi32>], vector<16xf32>,
        %parallel_loop3A_157 = tpu.vector_load_idx %arg10[%parallel_loop3A_155, %broadcast_in_dim3A_60] : memref<128x8xf32, #tpu.memory_space<vmem>>[vector<16xi32>, vector<16xi32>], vector<16xf32>,
        %parallel_loop3A_158 = arith.addf %parallel_loop3A_156, %parallel_loop3A_157 : vector<16xf32>
        %parallel_loop3A_159 = arith.constant 2.000000e-01 : f32
        %parallel_loop3A_160 = vector.broadcast %parallel_loop3A_159 : f32 to vector<16xf32>
        %parallel_loop3A_161 = arith.mulf %parallel_loop3A_160, %parallel_loop3A_158 : vector<16xf32>
        %parallel_loop3A_162 = arith.maximumf %parallel_loop3A_158, %parallel_loop3A_161 : vector<16xf32>
        %parallel_loop3A_163 = arith.subf %parallel_loop3A_162, %get3A_2 : vector<16xf32>
        %parallel_loop3A_164 = math.exp %parallel_loop3A_163 : vector<16xf32>
        tpu.vector_store_idx %arg14[%parallel_loop3A_155, %broadcast_in_dim3A_60], %parallel_loop3A_164 : memref<128x8xf32, #tpu.memory_space<vmem>>[vector<16xi32>, vector<16xi32>], vector<16xf32>,
        tpu.vector_store_idx %arg8[%parallel_loop3A_155, %broadcast_in_dim3A_58], %parallel_loop3A_164 : memref<128x72xf32, #tpu.memory_space<vmem>>[vector<16xi32>, vector<16xi32>], vector<16xf32>,
      } {sc.loop_unroll_factor = 2 : i64, sc.parallel_access}
      %parallel_loop3A_117 = arith.constant 0 : i32
      %parallel_loop3A_118 = arith.constant 128 : i32
      %parallel_loop3A_119 = arith.constant 1 : i32
      scf.for %parallel_loop3A_151 = %parallel_loop3A_117 to %parallel_loop3A_118 step %parallel_loop3A_119  : i32 {
        %parallel_loop3A_152 = vector.broadcast %parallel_loop3A_151 : i32 to vector<16xi32>
        %parallel_loop3A_153 = tpu.vector_load_idx %arg14[%parallel_loop3A_152, %broadcast_in_dim3A_60] : memref<128x8xf32, #tpu.memory_space<vmem>>[vector<16xi32>, vector<16xi32>], vector<16xf32>,
        %parallel_loop3A_154 = arith.index_cast %parallel_loop3A_151 : i32 to index
        %parallel_loop3A_155 = arith.constant 0 : index
        %parallel_loop3A_156 = tpu.vector_load %arg8[%parallel_loop3A_154, %parallel_loop3A_155] {strides = array<i32>} : memref<128x72xf32, #tpu.memory_space<vmem>>, vector<16xf32>,
        %parallel_loop3A_157 = arith.mulf %parallel_loop3A_156, %parallel_loop3A_153 : vector<16xf32>
        %parallel_loop3A_158 = arith.index_cast %parallel_loop3A_151 : i32 to index
        %parallel_loop3A_159 = arith.constant 0 : index
        %parallel_loop3A_160 = tpu.vector_load %arg8[%parallel_loop3A_158, %parallel_loop3A_159] {strides = array<i32>} : memref<128x72xf32, #tpu.memory_space<vmem>>, vector<16xf32>,
        tpu.vector_store %arg8[%parallel_loop3A_158, %parallel_loop3A_159], %parallel_loop3A_157 {strides = array<i32>} : memref<128x72xf32, #tpu.memory_space<vmem>>, vector<16xf32>,
        %parallel_loop3A_161 = arith.index_cast %parallel_loop3A_151 : i32 to index
        %parallel_loop3A_162 = arith.constant 16 : index
        %parallel_loop3A_163 = tpu.vector_load %arg8[%parallel_loop3A_161, %parallel_loop3A_162] {strides = array<i32>} : memref<128x72xf32, #tpu.memory_space<vmem>>, vector<16xf32>,
        %parallel_loop3A_164 = arith.mulf %parallel_loop3A_163, %parallel_loop3A_153 : vector<16xf32>
        %parallel_loop3A_165 = arith.index_cast %parallel_loop3A_151 : i32 to index
        %parallel_loop3A_166 = arith.constant 16 : index
        %parallel_loop3A_167 = tpu.vector_load %arg8[%parallel_loop3A_165, %parallel_loop3A_166] {strides = array<i32>} : memref<128x72xf32, #tpu.memory_space<vmem>>, vector<16xf32>,
        tpu.vector_store %arg8[%parallel_loop3A_165, %parallel_loop3A_166], %parallel_loop3A_164 {strides = array<i32>} : memref<128x72xf32, #tpu.memory_space<vmem>>, vector<16xf32>,
        %parallel_loop3A_168 = arith.index_cast %parallel_loop3A_151 : i32 to index
        %parallel_loop3A_169 = arith.constant 32 : index
        %parallel_loop3A_170 = tpu.vector_load %arg8[%parallel_loop3A_168, %parallel_loop3A_169] {strides = array<i32>} : memref<128x72xf32, #tpu.memory_space<vmem>>, vector<16xf32>,
        %parallel_loop3A_171 = arith.mulf %parallel_loop3A_170, %parallel_loop3A_153 : vector<16xf32>
        %parallel_loop3A_172 = arith.index_cast %parallel_loop3A_151 : i32 to index
        %parallel_loop3A_173 = arith.constant 32 : index
        %parallel_loop3A_174 = tpu.vector_load %arg8[%parallel_loop3A_172, %parallel_loop3A_173] {strides = array<i32>} : memref<128x72xf32, #tpu.memory_space<vmem>>, vector<16xf32>,
        tpu.vector_store %arg8[%parallel_loop3A_172, %parallel_loop3A_173], %parallel_loop3A_171 {strides = array<i32>} : memref<128x72xf32, #tpu.memory_space<vmem>>, vector<16xf32>,
        %parallel_loop3A_175 = arith.index_cast %parallel_loop3A_151 : i32 to index
        %parallel_loop3A_176 = arith.constant 48 : index
        %parallel_loop3A_177 = tpu.vector_load %arg8[%parallel_loop3A_175, %parallel_loop3A_176] {strides = array<i32>} : memref<128x72xf32, #tpu.memory_space<vmem>>, vector<16xf32>,
        %parallel_loop3A_178 = arith.mulf %parallel_loop3A_177, %parallel_loop3A_153 : vector<16xf32>
        %parallel_loop3A_179 = arith.index_cast %parallel_loop3A_151 : i32 to index
        %parallel_loop3A_180 = arith.constant 48 : index
        %parallel_loop3A_181 = tpu.vector_load %arg8[%parallel_loop3A_179, %parallel_loop3A_180] {strides = array<i32>} : memref<128x72xf32, #tpu.memory_space<vmem>>, vector<16xf32>,
        tpu.vector_store %arg8[%parallel_loop3A_179, %parallel_loop3A_180], %parallel_loop3A_178 {strides = array<i32>} : memref<128x72xf32, #tpu.memory_space<vmem>>, vector<16xf32>,
      } {sc.loop_unroll_factor = 8 : i64, sc.parallel_access}
      %mul3A_120 = arith.constant 2 : i32
      %mul3A_121 = arith.muli %mul3A_120, %scan3A_82 : i32
      "tpu.region"() ({
        %run_scoped3A = tpu.sem_alloc : memref<!tpu.dma_semaphore, #tpu.memory_space<semaphore_mem>>
        %dma_start3A_151 = arith.constant 0 : i32
        %dma_start3A_152 = tpu.memref_slice %arg13[%mul3A_121, %dma_start3A_151] : memref<82x128xi32, #tpu.memory_space<vmem>> -> memref<1x128xi32, #tpu.memory_space<vmem>>
        %dma_start3A_153 = tpu.memref_squeeze %dma_start3A_152 : memref<1x128xi32, #tpu.memory_space<vmem>> -> memref<128xi32, #tpu.memory_space<vmem>>
        %dma_start3A_154 = arith.constant 0 : i32
        %dma_start3A_155 = arith.constant 0 : i32
        %dma_start3A_156 = tpu.memref_slice %arg16[%dma_start3A_154, %dma_start3A_155] : memref<10240x72xf32, #tpu.memory_space<vmem_shared>> -> memref<10240x72xf32, #tpu.memory_space<vmem_shared>>
        tpu.enqueue_indirect_dma source(%arg8 : memref<128x72xf32, #tpu.memory_space<vmem>>) target(%dma_start3A_156 : memref<10240x72xf32, #tpu.memory_space<vmem_shared>>) offsets(%dma_start3A_153 : memref<128xi32, #tpu.memory_space<vmem>>) semaphore(%run_scoped3A : memref<!tpu.dma_semaphore, #tpu.memory_space<semaphore_mem>>) {add = true}
        %dma_wait3A_157 = arith.constant 0 : i32
        %dma_wait3A_158 = tpu.memref_slice %arg13[%mul3A_121, %dma_wait3A_157] : memref<82x128xi32, #tpu.memory_space<vmem>> -> memref<1x128xi32, #tpu.memory_space<vmem>>
        %dma_wait3A_159 = tpu.memref_squeeze %dma_wait3A_158 : memref<1x128xi32, #tpu.memory_space<vmem>> -> memref<128xi32, #tpu.memory_space<vmem>>
        %dma_wait3A_160 = arith.constant 0 : i32
        %dma_wait3A_161 = arith.constant 0 : i32
        %dma_wait3A_162 = tpu.memref_slice %arg16[%dma_wait3A_160, %dma_wait3A_161] : memref<10240x72xf32, #tpu.memory_space<vmem_shared>> -> memref<10240x72xf32, #tpu.memory_space<vmem_shared>>
        tpu.wait_indirect_dma semaphore(%run_scoped3A : memref<!tpu.dma_semaphore, #tpu.memory_space<semaphore_mem>>) src(%arg8 : memref<128x72xf32, #tpu.memory_space<vmem>>) dst(%dma_wait3A_162 : memref<10240x72xf32, #tpu.memory_space<vmem_shared>>)
        tpu.yield
      }) : () -> ()
      %lt3A = arith.constant 40 : i32
      %lt3A_122 = arith.cmpi slt, %scan3A_82, %lt3A : i32
      %convert_element_type3A = arith.extui %lt3A_122 : i1 to i32
      %cond3A = arith.constant 0 : i32
      %cond3A_123 = arith.cmpi ne, %convert_element_type3A, %cond3A : i32
      scf.if %cond3A_123 {
        %mul3A_151 = arith.constant 2 : i32
        %mul3A_152 = arith.muli %mul3A_151, %scan3A_82 : i32
        %add3A_153 = arith.constant 2 : i32
        %add3A_154 = arith.addi %mul3A_152, %add3A_153 : i32
        %dma_start3A_155 = arith.constant 0 : i32
        %dma_start3A_156 = tpu.memref_slice %arg12[%add3A_154, %dma_start3A_155] : memref<82x128xi32, #tpu.memory_space<vmem>> -> memref<1x128xi32, #tpu.memory_space<vmem>>
        %dma_start3A_157 = tpu.memref_squeeze %dma_start3A_156 : memref<1x128xi32, #tpu.memory_space<vmem>> -> memref<128xi32, #tpu.memory_space<vmem>>
        %dma_start3A_158 = arith.constant 0 : i32
        %dma_start3A_159 = arith.constant 0 : i32
        %dma_start3A_160 = tpu.memref_slice %arg2[%dma_start3A_158, %dma_start3A_159] : memref<10240x72xf32, #tpu.memory_space<hbm>> -> memref<10240x72xf32, #tpu.memory_space<hbm>>
        tpu.enqueue_indirect_dma source(%dma_start3A_160 : memref<10240x72xf32, #tpu.memory_space<hbm>>) target(%arg8 : memref<128x72xf32, #tpu.memory_space<vmem>>) offsets(%dma_start3A_157 : memref<128xi32, #tpu.memory_space<vmem>>) semaphore(%arg18 : memref<!tpu.dma_semaphore, #tpu.memory_space<semaphore_mem>>)
        %dma_start3A_161 = arith.constant 0 : i32
        %dma_start3A_162 = tpu.memref_slice %arg13[%add3A_154, %dma_start3A_161] : memref<82x128xi32, #tpu.memory_space<vmem>> -> memref<1x128xi32, #tpu.memory_space<vmem>>
        %dma_start3A_163 = tpu.memref_squeeze %dma_start3A_162 : memref<1x128xi32, #tpu.memory_space<vmem>> -> memref<128xi32, #tpu.memory_space<vmem>>
        %dma_start3A_164 = arith.constant 0 : i32
        %dma_start3A_165 = arith.constant 0 : i32
        %dma_start3A_166 = tpu.memref_slice %arg3[%dma_start3A_164, %dma_start3A_165] : memref<10240x8xf32, #tpu.memory_space<hbm>> -> memref<10240x8xf32, #tpu.memory_space<hbm>>
        tpu.enqueue_indirect_dma source(%dma_start3A_166 : memref<10240x8xf32, #tpu.memory_space<hbm>>) target(%arg10 : memref<128x8xf32, #tpu.memory_space<vmem>>) offsets(%dma_start3A_163 : memref<128xi32, #tpu.memory_space<vmem>>) semaphore(%arg20 : memref<!tpu.dma_semaphore, #tpu.memory_space<semaphore_mem>>)
      } else {
      }
      %mul3A_124 = arith.constant 2 : i32
      %mul3A_125 = arith.muli %mul3A_124, %scan3A_82 : i32
      %add3A_126 = arith.constant 1 : i32
      %add3A_127 = arith.addi %mul3A_125, %add3A_126 : i32
      %dma_wait3A_128 = arith.constant 0 : i32
      %dma_wait3A_129 = tpu.memref_slice %arg12[%add3A_127, %dma_wait3A_128] : memref<82x128xi32, #tpu.memory_space<vmem>> -> memref<1x128xi32, #tpu.memory_space<vmem>>
      %dma_wait3A_130 = tpu.memref_squeeze %dma_wait3A_129 : memref<1x128xi32, #tpu.memory_space<vmem>> -> memref<128xi32, #tpu.memory_space<vmem>>
      %dma_wait3A_131 = arith.constant 0 : i32
      %dma_wait3A_132 = arith.constant 0 : i32
      %dma_wait3A_133 = tpu.memref_slice %arg2[%dma_wait3A_131, %dma_wait3A_132] : memref<10240x72xf32, #tpu.memory_space<hbm>> -> memref<10240x72xf32, #tpu.memory_space<hbm>>
      tpu.wait_indirect_dma semaphore(%arg19 : memref<!tpu.dma_semaphore, #tpu.memory_space<semaphore_mem>>) src(%dma_wait3A_133 : memref<10240x72xf32, #tpu.memory_space<hbm>>) dst(%arg9 : memref<128x72xf32, #tpu.memory_space<vmem>>)
      %dma_wait3A_134 = arith.constant 0 : i32
      %dma_wait3A_135 = tpu.memref_slice %arg13[%add3A_127, %dma_wait3A_134] : memref<82x128xi32, #tpu.memory_space<vmem>> -> memref<1x128xi32, #tpu.memory_space<vmem>>
      %dma_wait3A_136 = tpu.memref_squeeze %dma_wait3A_135 : memref<1x128xi32, #tpu.memory_space<vmem>> -> memref<128xi32, #tpu.memory_space<vmem>>
      %dma_wait3A_137 = arith.constant 0 : i32
      %dma_wait3A_138 = arith.constant 0 : i32
      %dma_wait3A_139 = tpu.memref_slice %arg3[%dma_wait3A_137, %dma_wait3A_138] : memref<10240x8xf32, #tpu.memory_space<hbm>> -> memref<10240x8xf32, #tpu.memory_space<hbm>>
      tpu.wait_indirect_dma semaphore(%arg21 : memref<!tpu.dma_semaphore, #tpu.memory_space<semaphore_mem>>) src(%dma_wait3A_139 : memref<10240x8xf32, #tpu.memory_space<hbm>>) dst(%arg11 : memref<128x8xf32, #tpu.memory_space<vmem>>)
      %parallel_loop3A_140 = arith.constant 0 : i32
      %parallel_loop3A_141 = arith.constant 8 : i32
      %parallel_loop3A_142 = arith.constant 1 : i32
      scf.for %parallel_loop3A_151 = %parallel_loop3A_140 to %parallel_loop3A_141 step %parallel_loop3A_142  : i32 {
        %parallel_loop3A_152 = arith.constant 16 : i32
        %parallel_loop3A_153 = arith.muli %parallel_loop3A_152, %parallel_loop3A_151 : i32
        %parallel_loop3A_154 = vector.broadcast %parallel_loop3A_153 : i32 to vector<16xi32>
        %parallel_loop3A_155 = arith.addi %parallel_loop3A_154, %iota3A : vector<16xi32>
        %parallel_loop3A_156 = tpu.vector_load_idx %arg9[%parallel_loop3A_155, %broadcast_in_dim3A_58] : memref<128x72xf32, #tpu.memory_space<vmem>>[vector<16xi32>, vector<16xi32>], vector<16xf32>,
        %parallel_loop3A_157 = tpu.vector_load_idx %arg11[%parallel_loop3A_155, %broadcast_in_dim3A_60] : memref<128x8xf32, #tpu.memory_space<vmem>>[vector<16xi32>, vector<16xi32>], vector<16xf32>,
        %parallel_loop3A_158 = arith.addf %parallel_loop3A_156, %parallel_loop3A_157 : vector<16xf32>
        %parallel_loop3A_159 = arith.constant 2.000000e-01 : f32
        %parallel_loop3A_160 = vector.broadcast %parallel_loop3A_159 : f32 to vector<16xf32>
        %parallel_loop3A_161 = arith.mulf %parallel_loop3A_160, %parallel_loop3A_158 : vector<16xf32>
        %parallel_loop3A_162 = arith.maximumf %parallel_loop3A_158, %parallel_loop3A_161 : vector<16xf32>
        %parallel_loop3A_163 = arith.subf %parallel_loop3A_162, %get3A_2 : vector<16xf32>
        %parallel_loop3A_164 = math.exp %parallel_loop3A_163 : vector<16xf32>
        tpu.vector_store_idx %arg14[%parallel_loop3A_155, %broadcast_in_dim3A_60], %parallel_loop3A_164 : memref<128x8xf32, #tpu.memory_space<vmem>>[vector<16xi32>, vector<16xi32>], vector<16xf32>,
        tpu.vector_store_idx %arg9[%parallel_loop3A_155, %broadcast_in_dim3A_58], %parallel_loop3A_164 : memref<128x72xf32, #tpu.memory_space<vmem>>[vector<16xi32>, vector<16xi32>], vector<16xf32>,
      } {sc.loop_unroll_factor = 2 : i64, sc.parallel_access}
      %parallel_loop3A_143 = arith.constant 0 : i32
      %parallel_loop3A_144 = arith.constant 128 : i32
      %parallel_loop3A_145 = arith.constant 1 : i32
      scf.for %parallel_loop3A_151 = %parallel_loop3A_143 to %parallel_loop3A_144 step %parallel_loop3A_145  : i32 {
        %parallel_loop3A_152 = vector.broadcast %parallel_loop3A_151 : i32 to vector<16xi32>
        %parallel_loop3A_153 = tpu.vector_load_idx %arg14[%parallel_loop3A_152, %broadcast_in_dim3A_60] : memref<128x8xf32, #tpu.memory_space<vmem>>[vector<16xi32>, vector<16xi32>], vector<16xf32>,
        %parallel_loop3A_154 = arith.index_cast %parallel_loop3A_151 : i32 to index
        %parallel_loop3A_155 = arith.constant 0 : index
        %parallel_loop3A_156 = tpu.vector_load %arg9[%parallel_loop3A_154, %parallel_loop3A_155] {strides = array<i32>} : memref<128x72xf32, #tpu.memory_space<vmem>>, vector<16xf32>,
        %parallel_loop3A_157 = arith.mulf %parallel_loop3A_156, %parallel_loop3A_153 : vector<16xf32>
        %parallel_loop3A_158 = arith.index_cast %parallel_loop3A_151 : i32 to index
        %parallel_loop3A_159 = arith.constant 0 : index
        %parallel_loop3A_160 = tpu.vector_load %arg9[%parallel_loop3A_158, %parallel_loop3A_159] {strides = array<i32>} : memref<128x72xf32, #tpu.memory_space<vmem>>, vector<16xf32>,
        tpu.vector_store %arg9[%parallel_loop3A_158, %parallel_loop3A_159], %parallel_loop3A_157 {strides = array<i32>} : memref<128x72xf32, #tpu.memory_space<vmem>>, vector<16xf32>,
        %parallel_loop3A_161 = arith.index_cast %parallel_loop3A_151 : i32 to index
        %parallel_loop3A_162 = arith.constant 16 : index
        %parallel_loop3A_163 = tpu.vector_load %arg9[%parallel_loop3A_161, %parallel_loop3A_162] {strides = array<i32>} : memref<128x72xf32, #tpu.memory_space<vmem>>, vector<16xf32>,
        %parallel_loop3A_164 = arith.mulf %parallel_loop3A_163, %parallel_loop3A_153 : vector<16xf32>
        %parallel_loop3A_165 = arith.index_cast %parallel_loop3A_151 : i32 to index
        %parallel_loop3A_166 = arith.constant 16 : index
        %parallel_loop3A_167 = tpu.vector_load %arg9[%parallel_loop3A_165, %parallel_loop3A_166] {strides = array<i32>} : memref<128x72xf32, #tpu.memory_space<vmem>>, vector<16xf32>,
        tpu.vector_store %arg9[%parallel_loop3A_165, %parallel_loop3A_166], %parallel_loop3A_164 {strides = array<i32>} : memref<128x72xf32, #tpu.memory_space<vmem>>, vector<16xf32>,
        %parallel_loop3A_168 = arith.index_cast %parallel_loop3A_151 : i32 to index
        %parallel_loop3A_169 = arith.constant 32 : index
        %parallel_loop3A_170 = tpu.vector_load %arg9[%parallel_loop3A_168, %parallel_loop3A_169] {strides = array<i32>} : memref<128x72xf32, #tpu.memory_space<vmem>>, vector<16xf32>,
        %parallel_loop3A_171 = arith.mulf %parallel_loop3A_170, %parallel_loop3A_153 : vector<16xf32>
        %parallel_loop3A_172 = arith.index_cast %parallel_loop3A_151 : i32 to index
        %parallel_loop3A_173 = arith.constant 32 : index
        %parallel_loop3A_174 = tpu.vector_load %arg9[%parallel_loop3A_172, %parallel_loop3A_173] {strides = array<i32>} : memref<128x72xf32, #tpu.memory_space<vmem>>, vector<16xf32>,
        tpu.vector_store %arg9[%parallel_loop3A_172, %parallel_loop3A_173], %parallel_loop3A_171 {strides = array<i32>} : memref<128x72xf32, #tpu.memory_space<vmem>>, vector<16xf32>,
        %parallel_loop3A_175 = arith.index_cast %parallel_loop3A_151 : i32 to index
        %parallel_loop3A_176 = arith.constant 48 : index
        %parallel_loop3A_177 = tpu.vector_load %arg9[%parallel_loop3A_175, %parallel_loop3A_176] {strides = array<i32>} : memref<128x72xf32, #tpu.memory_space<vmem>>, vector<16xf32>,
        %parallel_loop3A_178 = arith.mulf %parallel_loop3A_177, %parallel_loop3A_153 : vector<16xf32>
        %parallel_loop3A_179 = arith.index_cast %parallel_loop3A_151 : i32 to index
        %parallel_loop3A_180 = arith.constant 48 : index
        %parallel_loop3A_181 = tpu.vector_load %arg9[%parallel_loop3A_179, %parallel_loop3A_180] {strides = array<i32>} : memref<128x72xf32, #tpu.memory_space<vmem>>, vector<16xf32>,
        tpu.vector_store %arg9[%parallel_loop3A_179, %parallel_loop3A_180], %parallel_loop3A_178 {strides = array<i32>} : memref<128x72xf32, #tpu.memory_space<vmem>>, vector<16xf32>,
      } {sc.loop_unroll_factor = 8 : i64, sc.parallel_access}
      %mul3A_146 = arith.constant 2 : i32
      %mul3A_147 = arith.muli %mul3A_146, %scan3A_82 : i32
      %add3A_148 = arith.constant 1 : i32
      %add3A_149 = arith.addi %mul3A_147, %add3A_148 : i32
      "tpu.region"() ({
        %run_scoped3A = tpu.sem_alloc : memref<!tpu.dma_semaphore, #tpu.memory_space<semaphore_mem>>
        %dma_start3A_151 = arith.constant 0 : i32
        %dma_start3A_152 = tpu.memref_slice %arg13[%add3A_149, %dma_start3A_151] : memref<82x128xi32, #tpu.memory_space<vmem>> -> memref<1x128xi32, #tpu.memory_space<vmem>>
        %dma_start3A_153 = tpu.memref_squeeze %dma_start3A_152 : memref<1x128xi32, #tpu.memory_space<vmem>> -> memref<128xi32, #tpu.memory_space<vmem>>
        %dma_start3A_154 = arith.constant 0 : i32
        %dma_start3A_155 = arith.constant 0 : i32
        %dma_start3A_156 = tpu.memref_slice %arg16[%dma_start3A_154, %dma_start3A_155] : memref<10240x72xf32, #tpu.memory_space<vmem_shared>> -> memref<10240x72xf32, #tpu.memory_space<vmem_shared>>
        tpu.enqueue_indirect_dma source(%arg9 : memref<128x72xf32, #tpu.memory_space<vmem>>) target(%dma_start3A_156 : memref<10240x72xf32, #tpu.memory_space<vmem_shared>>) offsets(%dma_start3A_153 : memref<128xi32, #tpu.memory_space<vmem>>) semaphore(%run_scoped3A : memref<!tpu.dma_semaphore, #tpu.memory_space<semaphore_mem>>) {add = true}
        %dma_wait3A_157 = arith.constant 0 : i32
        %dma_wait3A_158 = tpu.memref_slice %arg13[%add3A_149, %dma_wait3A_157] : memref<82x128xi32, #tpu.memory_space<vmem>> -> memref<1x128xi32, #tpu.memory_space<vmem>>
        %dma_wait3A_159 = tpu.memref_squeeze %dma_wait3A_158 : memref<1x128xi32, #tpu.memory_space<vmem>> -> memref<128xi32, #tpu.memory_space<vmem>>
        %dma_wait3A_160 = arith.constant 0 : i32
        %dma_wait3A_161 = arith.constant 0 : i32
        %dma_wait3A_162 = tpu.memref_slice %arg16[%dma_wait3A_160, %dma_wait3A_161] : memref<10240x72xf32, #tpu.memory_space<vmem_shared>> -> memref<10240x72xf32, #tpu.memory_space<vmem_shared>>
        tpu.wait_indirect_dma semaphore(%run_scoped3A : memref<!tpu.dma_semaphore, #tpu.memory_space<semaphore_mem>>) src(%arg9 : memref<128x72xf32, #tpu.memory_space<vmem>>) dst(%dma_wait3A_162 : memref<10240x72xf32, #tpu.memory_space<vmem_shared>>)
        tpu.yield
      }) : () -> ()
      %scan3A_150 = arith.constant 0 : i32
      scf.yield %scan3A_150 : i32
    }
    %scan3A_80 = arith.constant 41 : i32
    %barrier3A_81 = arith.constant 0 : index
    tpu.barrier barrier_id(%barrier3A_81)
    "tpu.region"() ({
      %run_scoped3A = tpu.sem_alloc : memref<!tpu.dma_semaphore, #tpu.memory_space<semaphore_mem>>
      %dma_start3A_82 = arith.constant 0 : i32
      %dma_start3A_83 = tpu.memref_slice %arg7[%arg0, %mul3A_39, %dma_start3A_82] : memref<2x10240x72xf32, #tpu.memory_space<hbm>> -> memref<1x640x72xf32, #tpu.memory_space<hbm>>
      %dma_start3A_84 = tpu.memref_squeeze %dma_start3A_83 : memref<1x640x72xf32, #tpu.memory_space<hbm>> -> memref<640x72xf32, #tpu.memory_space<hbm>>
      %dma_start3A_85 = arith.constant 0 : i32
      %dma_start3A_86 = tpu.memref_slice %arg16[%mul3A_39, %dma_start3A_85] : memref<10240x72xf32, #tpu.memory_space<vmem_shared>> -> memref<640x72xf32, #tpu.memory_space<vmem_shared>>
      tpu.enqueue_dma source(%dma_start3A_86 : memref<640x72xf32, #tpu.memory_space<vmem_shared>>) target(%dma_start3A_84 : memref<640x72xf32, #tpu.memory_space<hbm>>) target_semaphore(%run_scoped3A : memref<!tpu.dma_semaphore, #tpu.memory_space<semaphore_mem>>)
      %dma_wait3A_87 = arith.constant 0 : i32
      %dma_wait3A_88 = tpu.memref_slice %arg7[%arg0, %mul3A_39, %dma_wait3A_87] : memref<2x10240x72xf32, #tpu.memory_space<hbm>> -> memref<1x640x72xf32, #tpu.memory_space<hbm>>
      %dma_wait3A_89 = tpu.memref_squeeze %dma_wait3A_88 : memref<1x640x72xf32, #tpu.memory_space<hbm>> -> memref<640x72xf32, #tpu.memory_space<hbm>>
      %dma_wait3A_90 = arith.constant 0 : i32
      %dma_wait3A_91 = tpu.memref_slice %arg16[%mul3A_39, %dma_wait3A_90] : memref<10240x72xf32, #tpu.memory_space<vmem_shared>> -> memref<640x72xf32, #tpu.memory_space<vmem_shared>>
      tpu.wait_dma2 semaphore(%run_scoped3A : memref<!tpu.dma_semaphore, #tpu.memory_space<semaphore_mem>>) src(%dma_wait3A_91 : memref<640x72xf32, #tpu.memory_space<vmem_shared>>) dst(%dma_wait3A_89 : memref<640x72xf32, #tpu.memory_space<hbm>>)
      tpu.yield
    }) : () -> ()
    return
  }
}

#map = affine_map<(d0, d1) -> (0, 0)>
#map1 = affine_map<(d0, d1) -> (0, 0, 0)>
#map2 = affine_map<(d0, d1) -> (0)>
module attributes {stable_mosaic.version = 14 : i64} {
  func.func @sc_edge(%arg0: i32, %arg1: i32, %arg2: memref<10240x72xf32, #tpu.memory_space<hbm>>, %arg3: memref<10240x8xf32, #tpu.memory_space<hbm>>, %arg4: memref<32x82x128xi32, #tpu.memory_space<hbm>>, %arg5: memref<32x82x128xi32, #tpu.memory_space<hbm>>, %arg6: memref<16xf32, #tpu.memory_space<hbm>>, %arg7: memref<2x10240x72xf32, #tpu.memory_space<hbm>>, %arg8: memref<128x72xf32, #tpu.memory_space<vmem>>, %arg9: memref<128x72xf32, #tpu.memory_space<vmem>>, %arg10: memref<128x8xf32, #tpu.memory_space<vmem>>, %arg11: memref<128x8xf32, #tpu.memory_space<vmem>>, %arg12: memref<82x128xi32, #tpu.memory_space<vmem>>, %arg13: memref<82x128xi32, #tpu.memory_space<vmem>>, %arg14: memref<128x8xf32, #tpu.memory_space<vmem>>, %arg15: memref<16xf32, #tpu.memory_space<vmem>>, %arg16: memref<10240x72xf32, #tpu.memory_space<vmem_shared>>, %arg17: memref<!tpu.dma_semaphore, #tpu.memory_space<semaphore_mem>>, %arg18: memref<!tpu.dma_semaphore, #tpu.memory_space<semaphore_mem>>, %arg19: memref<!tpu.dma_semaphore, #tpu.memory_space<semaphore_mem>>, %arg20: memref<!tpu.dma_semaphore, #tpu.memory_space<semaphore_mem>>, %arg21: memref<!tpu.dma_semaphore, #tpu.memory_space<semaphore_mem>>) attributes {dimension_semantics = [#tpu.dimension_semantics<core_parallel>, #tpu.dimension_semantics<subcore_parallel>], iteration_bounds = array<i64: 2, 16>, scalar_prefetch = 0 : i64, scratch_operands = 14 : i64, tpu.core_type = #tpu.core_type<sc_vector_subcore>, window_params = [{transform_indices = #map}, {transform_indices = #map}, {transform_indices = #map1}, {transform_indices = #map1}, {transform_indices = #map2}, {transform_indices = #map1}]} {
    %mul3A = arith.constant 2 : i32
    %mul3A_0 = arith.muli %arg1, %mul3A : i32
    %add3A = arith.addi %mul3A_0, %arg0 : i32
    %iota3A = tpu.iota {dimensions = array<i32: 0>} : vector<16xi32>
    %broadcast_in_dim3A = arith.constant 0.000000e+00 : f32
    %broadcast_in_dim3A_1 = vector.broadcast %broadcast_in_dim3A : f32 to vector<16xf32>
    "tpu.region"() ({
      %run_scoped3A = tpu.sem_alloc : memref<!tpu.dma_semaphore, #tpu.memory_space<semaphore_mem>>
      tpu.enqueue_dma source(%arg6 : memref<16xf32, #tpu.memory_space<hbm>>) target(%arg15 : memref<16xf32, #tpu.memory_space<vmem>>) target_semaphore(%run_scoped3A : memref<!tpu.dma_semaphore, #tpu.memory_space<semaphore_mem>>)
      tpu.wait_dma2 semaphore(%run_scoped3A : memref<!tpu.dma_semaphore, #tpu.memory_space<semaphore_mem>>) src(%arg6 : memref<16xf32, #tpu.memory_space<hbm>>) dst(%arg15 : memref<16xf32, #tpu.memory_space<vmem>>)
      tpu.yield
    }) : () -> ()
    %get3A = arith.constant 0 : index
    %get3A_2 = tpu.vector_load %arg15[%get3A] {strides = array<i32>} : memref<16xf32, #tpu.memory_space<vmem>>, vector<16xf32>,
    %dma_start3A = arith.constant 0 : i32
    %dma_start3A_3 = arith.constant 0 : i32
    %dma_start3A_4 = tpu.memref_slice %arg4[%add3A, %dma_start3A, %dma_start3A_3] : memref<32x82x128xi32, #tpu.memory_space<hbm>> -> memref<1x82x128xi32, #tpu.memory_space<hbm>>
    %dma_start3A_5 = tpu.memref_squeeze %dma_start3A_4 : memref<1x82x128xi32, #tpu.memory_space<hbm>> -> memref<82x128xi32, #tpu.memory_space<hbm>>
    %dma_start3A_6 = arith.constant 0 : i32
    %dma_start3A_7 = arith.constant 0 : i32
    %dma_start3A_8 = tpu.memref_slice %arg4[%add3A, %dma_start3A_6, %dma_start3A_7] : memref<32x82x128xi32, #tpu.memory_space<hbm>> -> memref<1x82x128xi32, #tpu.memory_space<hbm>>
    %dma_start3A_9 = tpu.memref_squeeze %dma_start3A_8 : memref<1x82x128xi32, #tpu.memory_space<hbm>> -> memref<82x128xi32, #tpu.memory_space<hbm>>
    tpu.enqueue_dma source(%dma_start3A_9 : memref<82x128xi32, #tpu.memory_space<hbm>>) target(%arg12 : memref<82x128xi32, #tpu.memory_space<vmem>>) target_semaphore(%arg17 : memref<!tpu.dma_semaphore, #tpu.memory_space<semaphore_mem>>)
    %dma_start3A_10 = arith.constant 0 : i32
    %dma_start3A_11 = arith.constant 0 : i32
    %dma_start3A_12 = tpu.memref_slice %arg5[%add3A, %dma_start3A_10, %dma_start3A_11] : memref<32x82x128xi32, #tpu.memory_space<hbm>> -> memref<1x82x128xi32, #tpu.memory_space<hbm>>
    %dma_start3A_13 = tpu.memref_squeeze %dma_start3A_12 : memref<1x82x128xi32, #tpu.memory_space<hbm>> -> memref<82x128xi32, #tpu.memory_space<hbm>>
    %dma_start3A_14 = arith.constant 0 : i32
    %dma_start3A_15 = arith.constant 0 : i32
    %dma_start3A_16 = tpu.memref_slice %arg5[%add3A, %dma_start3A_14, %dma_start3A_15] : memref<32x82x128xi32, #tpu.memory_space<hbm>> -> memref<1x82x128xi32, #tpu.memory_space<hbm>>
    %dma_start3A_17 = tpu.memref_squeeze %dma_start3A_16 : memref<1x82x128xi32, #tpu.memory_space<hbm>> -> memref<82x128xi32, #tpu.memory_space<hbm>>
    tpu.enqueue_dma source(%dma_start3A_17 : memref<82x128xi32, #tpu.memory_space<hbm>>) target(%arg13 : memref<82x128xi32, #tpu.memory_space<vmem>>) target_semaphore(%arg17 : memref<!tpu.dma_semaphore, #tpu.memory_space<semaphore_mem>>)
    %dma_wait3A = arith.constant 0 : i32
    %dma_wait3A_18 = arith.constant 0 : i32
    %dma_wait3A_19 = tpu.memref_slice %arg4[%add3A, %dma_wait3A, %dma_wait3A_18] : memref<32x82x128xi32, #tpu.memory_space<hbm>> -> memref<1x82x128xi32, #tpu.memory_space<hbm>>
    %dma_wait3A_20 = tpu.memref_squeeze %dma_wait3A_19 : memref<1x82x128xi32, #tpu.memory_space<hbm>> -> memref<82x128xi32, #tpu.memory_space<hbm>>
    %dma_wait3A_21 = arith.constant 0 : i32
    %dma_wait3A_22 = arith.constant 0 : i32
    %dma_wait3A_23 = tpu.memref_slice %arg4[%add3A, %dma_wait3A_21, %dma_wait3A_22] : memref<32x82x128xi32, #tpu.memory_space<hbm>> -> memref<1x82x128xi32, #tpu.memory_space<hbm>>
    %dma_wait3A_24 = tpu.memref_squeeze %dma_wait3A_23 : memref<1x82x128xi32, #tpu.memory_space<hbm>> -> memref<82x128xi32, #tpu.memory_space<hbm>>
    tpu.wait_dma2 semaphore(%arg17 : memref<!tpu.dma_semaphore, #tpu.memory_space<semaphore_mem>>) src(%dma_wait3A_24 : memref<82x128xi32, #tpu.memory_space<hbm>>) dst(%arg12 : memref<82x128xi32, #tpu.memory_space<vmem>>)
    %dma_wait3A_25 = arith.constant 0 : i32
    %dma_wait3A_26 = arith.constant 0 : i32
    %dma_wait3A_27 = tpu.memref_slice %arg5[%add3A, %dma_wait3A_25, %dma_wait3A_26] : memref<32x82x128xi32, #tpu.memory_space<hbm>> -> memref<1x82x128xi32, #tpu.memory_space<hbm>>
    %dma_wait3A_28 = tpu.memref_squeeze %dma_wait3A_27 : memref<1x82x128xi32, #tpu.memory_space<hbm>> -> memref<82x128xi32, #tpu.memory_space<hbm>>
    %dma_wait3A_29 = arith.constant 0 : i32
    %dma_wait3A_30 = arith.constant 0 : i32
    %dma_wait3A_31 = tpu.memref_slice %arg5[%add3A, %dma_wait3A_29, %dma_wait3A_30] : memref<32x82x128xi32, #tpu.memory_space<hbm>> -> memref<1x82x128xi32, #tpu.memory_space<hbm>>
    %dma_wait3A_32 = tpu.memref_squeeze %dma_wait3A_31 : memref<1x82x128xi32, #tpu.memory_space<hbm>> -> memref<82x128xi32, #tpu.memory_space<hbm>>
    tpu.wait_dma2 semaphore(%arg17 : memref<!tpu.dma_semaphore, #tpu.memory_space<semaphore_mem>>) src(%dma_wait3A_32 : memref<82x128xi32, #tpu.memory_space<hbm>>) dst(%arg13 : memref<82x128xi32, #tpu.memory_space<vmem>>)
    %parallel_loop3A = arith.constant 0 : i32
    %parallel_loop3A_33 = arith.constant 128 : i32
    %parallel_loop3A_34 = arith.constant 1 : i32
    scf.for %parallel_loop3A_82 = %parallel_loop3A to %parallel_loop3A_33 step %parallel_loop3A_34  : i32 {
      %parallel_loop3A_83 = arith.index_cast %parallel_loop3A_82 : i32 to index
      %parallel_loop3A_84 = arith.constant 0 : index
      %parallel_loop3A_85 = tpu.vector_load %arg8[%parallel_loop3A_83, %parallel_loop3A_84] {strides = array<i32>} : memref<128x72xf32, #tpu.memory_space<vmem>>, vector<16xf32>,
      tpu.vector_store %arg8[%parallel_loop3A_83, %parallel_loop3A_84], %broadcast_in_dim3A_1 {strides = array<i32>} : memref<128x72xf32, #tpu.memory_space<vmem>>, vector<16xf32>,
      %parallel_loop3A_86 = arith.index_cast %parallel_loop3A_82 : i32 to index
      %parallel_loop3A_87 = arith.constant 16 : index
      %parallel_loop3A_88 = tpu.vector_load %arg8[%parallel_loop3A_86, %parallel_loop3A_87] {strides = array<i32>} : memref<128x72xf32, #tpu.memory_space<vmem>>, vector<16xf32>,
      tpu.vector_store %arg8[%parallel_loop3A_86, %parallel_loop3A_87], %broadcast_in_dim3A_1 {strides = array<i32>} : memref<128x72xf32, #tpu.memory_space<vmem>>, vector<16xf32>,
      %parallel_loop3A_89 = arith.index_cast %parallel_loop3A_82 : i32 to index
      %parallel_loop3A_90 = arith.constant 32 : index
      %parallel_loop3A_91 = tpu.vector_load %arg8[%parallel_loop3A_89, %parallel_loop3A_90] {strides = array<i32>} : memref<128x72xf32, #tpu.memory_space<vmem>>, vector<16xf32>,
      tpu.vector_store %arg8[%parallel_loop3A_89, %parallel_loop3A_90], %broadcast_in_dim3A_1 {strides = array<i32>} : memref<128x72xf32, #tpu.memory_space<vmem>>, vector<16xf32>,
      %parallel_loop3A_92 = arith.index_cast %parallel_loop3A_82 : i32 to index
      %parallel_loop3A_93 = arith.constant 48 : index
      %parallel_loop3A_94 = tpu.vector_load %arg8[%parallel_loop3A_92, %parallel_loop3A_93] {strides = array<i32>} : memref<128x72xf32, #tpu.memory_space<vmem>>, vector<16xf32>,
      tpu.vector_store %arg8[%parallel_loop3A_92, %parallel_loop3A_93], %broadcast_in_dim3A_1 {strides = array<i32>} : memref<128x72xf32, #tpu.memory_space<vmem>>, vector<16xf32>,
    } {sc.loop_unroll_factor = 4 : i64, sc.parallel_access}
    %parallel_loop3A_35 = arith.constant 0 : i32
    %parallel_loop3A_36 = arith.constant 64 : i32
    %parallel_loop3A_37 = arith.constant 1 : i32
    scf.for %parallel_loop3A_82 = %parallel_loop3A_35 to %parallel_loop3A_36 step %parallel_loop3A_37  : i32 {
      %parallel_loop3A_83 = arith.constant 2 : i32
      %parallel_loop3A_84 = arith.muli %parallel_loop3A_83, %parallel_loop3A_82 : i32
      %parallel_loop3A_85 = arith.constant 8 : i32
      %parallel_loop3A_86 = vector.broadcast %parallel_loop3A_85 : i32 to vector<16xi32>
      %parallel_loop3A_87 = arith.cmpi sge, %iota3A, %parallel_loop3A_86 : vector<16xi32>
      %parallel_loop3A_88 = arith.constant 1 : i32
      %parallel_loop3A_89 = arith.constant 0 : i32
      %parallel_loop3A_90 = vector.broadcast %parallel_loop3A_88 : i32 to vector<16xi32>
      %parallel_loop3A_91 = vector.broadcast %parallel_loop3A_89 : i32 to vector<16xi32>
      %parallel_loop3A_92 = arith.select %parallel_loop3A_87, %parallel_loop3A_90, %parallel_loop3A_91 : vector<16xi1>, vector<16xi32>
      %parallel_loop3A_93 = vector.broadcast %parallel_loop3A_84 : i32 to vector<16xi32>
      %parallel_loop3A_94 = arith.addi %parallel_loop3A_93, %parallel_loop3A_92 : vector<16xi32>
      %parallel_loop3A_95 = arith.constant 7 : i32
      %parallel_loop3A_96 = vector.broadcast %parallel_loop3A_95 : i32 to vector<16xi32>
      %parallel_loop3A_97 = arith.andi %iota3A, %parallel_loop3A_96 : vector<16xi32>
      %parallel_loop3A_98 = arith.constant 64 : i32
      %parallel_loop3A_99 = vector.broadcast %parallel_loop3A_98 : i32 to vector<16xi32>
      %parallel_loop3A_100 = arith.addi %parallel_loop3A_99, %parallel_loop3A_97 : vector<16xi32>
      tpu.vector_store_idx %arg8[%parallel_loop3A_94, %parallel_loop3A_100], %broadcast_in_dim3A_1 : memref<128x72xf32, #tpu.memory_space<vmem>>[vector<16xi32>, vector<16xi32>], vector<16xf32>,
    } {sc.loop_unroll_factor = 4 : i64, sc.parallel_access}
    %mul3A_38 = arith.constant 640 : i32
    %mul3A_39 = arith.muli %arg1, %mul3A_38 : i32
    %add3A_40 = arith.constant 0 : i32
    %add3A_41 = arith.addi %mul3A_39, %add3A_40 : i32
    "tpu.region"() ({
      %run_scoped3A = tpu.sem_alloc : memref<!tpu.dma_semaphore, #tpu.memory_space<semaphore_mem>>
      %dma_start3A_82 = arith.constant 0 : i32
      %dma_start3A_83 = tpu.memref_slice %arg16[%add3A_41, %dma_start3A_82] : memref<10240x72xf32, #tpu.memory_space<vmem_shared>> -> memref<128x72xf32, #tpu.memory_space<vmem_shared>>
      %dma_start3A_84 = arith.constant 0 : i32
      %dma_start3A_85 = tpu.memref_slice %arg16[%add3A_41, %dma_start3A_84] : memref<10240x72xf32, #tpu.memory_space<vmem_shared>> -> memref<128x72xf32, #tpu.memory_space<vmem_shared>>
      tpu.enqueue_dma source(%arg8 : memref<128x72xf32, #tpu.memory_space<vmem>>) target(%dma_start3A_85 : memref<128x72xf32, #tpu.memory_space<vmem_shared>>) target_semaphore(%run_scoped3A : memref<!tpu.dma_semaphore, #tpu.memory_space<semaphore_mem>>)
      %dma_wait3A_86 = arith.constant 0 : i32
      %dma_wait3A_87 = tpu.memref_slice %arg16[%add3A_41, %dma_wait3A_86] : memref<10240x72xf32, #tpu.memory_space<vmem_shared>> -> memref<128x72xf32, #tpu.memory_space<vmem_shared>>
      %dma_wait3A_88 = arith.constant 0 : i32
      %dma_wait3A_89 = tpu.memref_slice %arg16[%add3A_41, %dma_wait3A_88] : memref<10240x72xf32, #tpu.memory_space<vmem_shared>> -> memref<128x72xf32, #tpu.memory_space<vmem_shared>>
      tpu.wait_dma2 semaphore(%run_scoped3A : memref<!tpu.dma_semaphore, #tpu.memory_space<semaphore_mem>>) src(%arg8 : memref<128x72xf32, #tpu.memory_space<vmem>>) dst(%dma_wait3A_89 : memref<128x72xf32, #tpu.memory_space<vmem_shared>>)
      tpu.yield
    }) : () -> ()
    %add3A_42 = arith.constant 128 : i32
    %add3A_43 = arith.addi %mul3A_39, %add3A_42 : i32
    "tpu.region"() ({
      %run_scoped3A = tpu.sem_alloc : memref<!tpu.dma_semaphore, #tpu.memory_space<semaphore_mem>>
      %dma_start3A_82 = arith.constant 0 : i32
      %dma_start3A_83 = tpu.memref_slice %arg16[%add3A_43, %dma_start3A_82] : memref<10240x72xf32, #tpu.memory_space<vmem_shared>> -> memref<128x72xf32, #tpu.memory_space<vmem_shared>>
      %dma_start3A_84 = arith.constant 0 : i32
      %dma_start3A_85 = tpu.memref_slice %arg16[%add3A_43, %dma_start3A_84] : memref<10240x72xf32, #tpu.memory_space<vmem_shared>> -> memref<128x72xf32, #tpu.memory_space<vmem_shared>>
      tpu.enqueue_dma source(%arg8 : memref<128x72xf32, #tpu.memory_space<vmem>>) target(%dma_start3A_85 : memref<128x72xf32, #tpu.memory_space<vmem_shared>>) target_semaphore(%run_scoped3A : memref<!tpu.dma_semaphore, #tpu.memory_space<semaphore_mem>>)
      %dma_wait3A_86 = arith.constant 0 : i32
      %dma_wait3A_87 = tpu.memref_slice %arg16[%add3A_43, %dma_wait3A_86] : memref<10240x72xf32, #tpu.memory_space<vmem_shared>> -> memref<128x72xf32, #tpu.memory_space<vmem_shared>>
      %dma_wait3A_88 = arith.constant 0 : i32
      %dma_wait3A_89 = tpu.memref_slice %arg16[%add3A_43, %dma_wait3A_88] : memref<10240x72xf32, #tpu.memory_space<vmem_shared>> -> memref<128x72xf32, #tpu.memory_space<vmem_shared>>
      tpu.wait_dma2 semaphore(%run_scoped3A : memref<!tpu.dma_semaphore, #tpu.memory_space<semaphore_mem>>) src(%arg8 : memref<128x72xf32, #tpu.memory_space<vmem>>) dst(%dma_wait3A_89 : memref<128x72xf32, #tpu.memory_space<vmem_shared>>)
      tpu.yield
    }) : () -> ()
    %add3A_44 = arith.constant 256 : i32
    %add3A_45 = arith.addi %mul3A_39, %add3A_44 : i32
    "tpu.region"() ({
      %run_scoped3A = tpu.sem_alloc : memref<!tpu.dma_semaphore, #tpu.memory_space<semaphore_mem>>
      %dma_start3A_82 = arith.constant 0 : i32
      %dma_start3A_83 = tpu.memref_slice %arg16[%add3A_45, %dma_start3A_82] : memref<10240x72xf32, #tpu.memory_space<vmem_shared>> -> memref<128x72xf32, #tpu.memory_space<vmem_shared>>
      %dma_start3A_84 = arith.constant 0 : i32
      %dma_start3A_85 = tpu.memref_slice %arg16[%add3A_45, %dma_start3A_84] : memref<10240x72xf32, #tpu.memory_space<vmem_shared>> -> memref<128x72xf32, #tpu.memory_space<vmem_shared>>
      tpu.enqueue_dma source(%arg8 : memref<128x72xf32, #tpu.memory_space<vmem>>) target(%dma_start3A_85 : memref<128x72xf32, #tpu.memory_space<vmem_shared>>) target_semaphore(%run_scoped3A : memref<!tpu.dma_semaphore, #tpu.memory_space<semaphore_mem>>)
      %dma_wait3A_86 = arith.constant 0 : i32
      %dma_wait3A_87 = tpu.memref_slice %arg16[%add3A_45, %dma_wait3A_86] : memref<10240x72xf32, #tpu.memory_space<vmem_shared>> -> memref<128x72xf32, #tpu.memory_space<vmem_shared>>
      %dma_wait3A_88 = arith.constant 0 : i32
      %dma_wait3A_89 = tpu.memref_slice %arg16[%add3A_45, %dma_wait3A_88] : memref<10240x72xf32, #tpu.memory_space<vmem_shared>> -> memref<128x72xf32, #tpu.memory_space<vmem_shared>>
      tpu.wait_dma2 semaphore(%run_scoped3A : memref<!tpu.dma_semaphore, #tpu.memory_space<semaphore_mem>>) src(%arg8 : memref<128x72xf32, #tpu.memory_space<vmem>>) dst(%dma_wait3A_89 : memref<128x72xf32, #tpu.memory_space<vmem_shared>>)
      tpu.yield
    }) : () -> ()
    %add3A_46 = arith.constant 384 : i32
    %add3A_47 = arith.addi %mul3A_39, %add3A_46 : i32
    "tpu.region"() ({
      %run_scoped3A = tpu.sem_alloc : memref<!tpu.dma_semaphore, #tpu.memory_space<semaphore_mem>>
      %dma_start3A_82 = arith.constant 0 : i32
      %dma_start3A_83 = tpu.memref_slice %arg16[%add3A_47, %dma_start3A_82] : memref<10240x72xf32, #tpu.memory_space<vmem_shared>> -> memref<128x72xf32, #tpu.memory_space<vmem_shared>>
      %dma_start3A_84 = arith.constant 0 : i32
      %dma_start3A_85 = tpu.memref_slice %arg16[%add3A_47, %dma_start3A_84] : memref<10240x72xf32, #tpu.memory_space<vmem_shared>> -> memref<128x72xf32, #tpu.memory_space<vmem_shared>>
      tpu.enqueue_dma source(%arg8 : memref<128x72xf32, #tpu.memory_space<vmem>>) target(%dma_start3A_85 : memref<128x72xf32, #tpu.memory_space<vmem_shared>>) target_semaphore(%run_scoped3A : memref<!tpu.dma_semaphore, #tpu.memory_space<semaphore_mem>>)
      %dma_wait3A_86 = arith.constant 0 : i32
      %dma_wait3A_87 = tpu.memref_slice %arg16[%add3A_47, %dma_wait3A_86] : memref<10240x72xf32, #tpu.memory_space<vmem_shared>> -> memref<128x72xf32, #tpu.memory_space<vmem_shared>>
      %dma_wait3A_88 = arith.constant 0 : i32
      %dma_wait3A_89 = tpu.memref_slice %arg16[%add3A_47, %dma_wait3A_88] : memref<10240x72xf32, #tpu.memory_space<vmem_shared>> -> memref<128x72xf32, #tpu.memory_space<vmem_shared>>
      tpu.wait_dma2 semaphore(%run_scoped3A : memref<!tpu.dma_semaphore, #tpu.memory_space<semaphore_mem>>) src(%arg8 : memref<128x72xf32, #tpu.memory_space<vmem>>) dst(%dma_wait3A_89 : memref<128x72xf32, #tpu.memory_space<vmem_shared>>)
      tpu.yield
    }) : () -> ()
    %add3A_48 = arith.constant 512 : i32
    %add3A_49 = arith.addi %mul3A_39, %add3A_48 : i32
    "tpu.region"() ({
      %run_scoped3A = tpu.sem_alloc : memref<!tpu.dma_semaphore, #tpu.memory_space<semaphore_mem>>
      %dma_start3A_82 = arith.constant 0 : i32
      %dma_start3A_83 = tpu.memref_slice %arg16[%add3A_49, %dma_start3A_82] : memref<10240x72xf32, #tpu.memory_space<vmem_shared>> -> memref<128x72xf32, #tpu.memory_space<vmem_shared>>
      %dma_start3A_84 = arith.constant 0 : i32
      %dma_start3A_85 = tpu.memref_slice %arg16[%add3A_49, %dma_start3A_84] : memref<10240x72xf32, #tpu.memory_space<vmem_shared>> -> memref<128x72xf32, #tpu.memory_space<vmem_shared>>
      tpu.enqueue_dma source(%arg8 : memref<128x72xf32, #tpu.memory_space<vmem>>) target(%dma_start3A_85 : memref<128x72xf32, #tpu.memory_space<vmem_shared>>) target_semaphore(%run_scoped3A : memref<!tpu.dma_semaphore, #tpu.memory_space<semaphore_mem>>)
      %dma_wait3A_86 = arith.constant 0 : i32
      %dma_wait3A_87 = tpu.memref_slice %arg16[%add3A_49, %dma_wait3A_86] : memref<10240x72xf32, #tpu.memory_space<vmem_shared>> -> memref<128x72xf32, #tpu.memory_space<vmem_shared>>
      %dma_wait3A_88 = arith.constant 0 : i32
      %dma_wait3A_89 = tpu.memref_slice %arg16[%add3A_49, %dma_wait3A_88] : memref<10240x72xf32, #tpu.memory_space<vmem_shared>> -> memref<128x72xf32, #tpu.memory_space<vmem_shared>>
      tpu.wait_dma2 semaphore(%run_scoped3A : memref<!tpu.dma_semaphore, #tpu.memory_space<semaphore_mem>>) src(%arg8 : memref<128x72xf32, #tpu.memory_space<vmem>>) dst(%dma_wait3A_89 : memref<128x72xf32, #tpu.memory_space<vmem_shared>>)
      tpu.yield
    }) : () -> ()
    %barrier3A = arith.constant 0 : index
    tpu.barrier barrier_id(%barrier3A)
    %ge3A = arith.constant 8 : i32
    %ge3A_50 = vector.broadcast %ge3A : i32 to vector<16xi32>
    %ge3A_51 = arith.cmpi sge, %iota3A, %ge3A_50 : vector<16xi32>
    %jit3A = arith.constant 1 : i32
    %jit3A_52 = arith.constant 0 : i32
    %broadcast_in_dim3A_53 = vector.broadcast %jit3A : i32 to vector<16xi32>
    %broadcast_in_dim3A_54 = vector.broadcast %jit3A_52 : i32 to vector<16xi32>
    %select_n3A = arith.select %ge3A_51, %broadcast_in_dim3A_53, %broadcast_in_dim3A_54 : vector<16xi1>, vector<16xi32>
    %and3A = arith.constant 7 : i32
    %and3A_55 = vector.broadcast %and3A : i32 to vector<16xi32>
    %and3A_56 = arith.andi %iota3A, %and3A_55 : vector<16xi32>
    %broadcast_in_dim3A_57 = arith.constant 64 : i32
    %broadcast_in_dim3A_58 = vector.broadcast %broadcast_in_dim3A_57 : i32 to vector<16xi32>
    %broadcast_in_dim3A_59 = arith.constant 0 : i32
    %broadcast_in_dim3A_60 = vector.broadcast %broadcast_in_dim3A_59 : i32 to vector<16xi32>
    %dma_start3A_61 = arith.constant 0 : i32
    %dma_start3A_62 = arith.constant 0 : i32
    %dma_start3A_63 = tpu.memref_slice %arg12[%dma_start3A_61, %dma_start3A_62] : memref<82x128xi32, #tpu.memory_space<vmem>> -> memref<1x128xi32, #tpu.memory_space<vmem>>
    %dma_start3A_64 = tpu.memref_squeeze %dma_start3A_63 : memref<1x128xi32, #tpu.memory_space<vmem>> -> memref<128xi32, #tpu.memory_space<vmem>>
    %dma_start3A_65 = arith.constant 0 : i32
    %dma_start3A_66 = arith.constant 0 : i32
    %dma_start3A_67 = tpu.memref_slice %arg2[%dma_start3A_65, %dma_start3A_66] : memref<10240x72xf32, #tpu.memory_space<hbm>> -> memref<10240x72xf32, #tpu.memory_space<hbm>>
    tpu.enqueue_indirect_dma source(%dma_start3A_67 : memref<10240x72xf32, #tpu.memory_space<hbm>>) target(%arg8 : memref<128x72xf32, #tpu.memory_space<vmem>>) offsets(%dma_start3A_64 : memref<128xi32, #tpu.memory_space<vmem>>) semaphore(%arg18 : memref<!tpu.dma_semaphore, #tpu.memory_space<semaphore_mem>>)
    %dma_start3A_68 = arith.constant 0 : i32
    %dma_start3A_69 = arith.constant 0 : i32
    %dma_start3A_70 = tpu.memref_slice %arg13[%dma_start3A_68, %dma_start3A_69] : memref<82x128xi32, #tpu.memory_space<vmem>> -> memref<1x128xi32, #tpu.memory_space<vmem>>
    %dma_start3A_71 = tpu.memref_squeeze %dma_start3A_70 : memref<1x128xi32, #tpu.memory_space<vmem>> -> memref<128xi32, #tpu.memory_space<vmem>>
    %dma_start3A_72 = arith.constant 0 : i32
    %dma_start3A_73 = arith.constant 0 : i32
    %dma_start3A_74 = tpu.memref_slice %arg3[%dma_start3A_72, %dma_start3A_73] : memref<10240x8xf32, #tpu.memory_space<hbm>> -> memref<10240x8xf32, #tpu.memory_space<hbm>>
    tpu.enqueue_indirect_dma source(%dma_start3A_74 : memref<10240x8xf32, #tpu.memory_space<hbm>>) target(%arg10 : memref<128x8xf32, #tpu.memory_space<vmem>>) offsets(%dma_start3A_71 : memref<128xi32, #tpu.memory_space<vmem>>) semaphore(%arg20 : memref<!tpu.dma_semaphore, #tpu.memory_space<semaphore_mem>>)
    %scan3A = arith.constant 0 : i32
    %scan3A_75 = arith.constant 0 : i32
    %scan3A_76 = arith.constant 41 : i32
    %scan3A_77 = arith.addi %scan3A_75, %scan3A_76 : i32
    %scan3A_78 = arith.constant 1 : i32
    %scan3A_79 = scf.for %scan3A_82 = %scan3A_75 to %scan3A_77 step %scan3A_78 iter_args(%scan3A_83 = %scan3A) -> (i32)  : i32 {
      %mul3A_84 = arith.constant 2 : i32
      %mul3A_85 = arith.muli %mul3A_84, %scan3A_82 : i32
      %add3A_86 = arith.constant 1 : i32
      %add3A_87 = arith.addi %mul3A_85, %add3A_86 : i32
      %dma_start3A_88 = arith.constant 0 : i32
      %dma_start3A_89 = tpu.memref_slice %arg12[%add3A_87, %dma_start3A_88] : memref<82x128xi32, #tpu.memory_space<vmem>> -> memref<1x128xi32, #tpu.memory_space<vmem>>
      %dma_start3A_90 = tpu.memref_squeeze %dma_start3A_89 : memref<1x128xi32, #tpu.memory_space<vmem>> -> memref<128xi32, #tpu.memory_space<vmem>>
      %dma_start3A_91 = arith.constant 0 : i32
      %dma_start3A_92 = arith.constant 0 : i32
      %dma_start3A_93 = tpu.memref_slice %arg2[%dma_start3A_91, %dma_start3A_92] : memref<10240x72xf32, #tpu.memory_space<hbm>> -> memref<10240x72xf32, #tpu.memory_space<hbm>>
      tpu.enqueue_indirect_dma source(%dma_start3A_93 : memref<10240x72xf32, #tpu.memory_space<hbm>>) target(%arg9 : memref<128x72xf32, #tpu.memory_space<vmem>>) offsets(%dma_start3A_90 : memref<128xi32, #tpu.memory_space<vmem>>) semaphore(%arg19 : memref<!tpu.dma_semaphore, #tpu.memory_space<semaphore_mem>>)
      %dma_start3A_94 = arith.constant 0 : i32
      %dma_start3A_95 = tpu.memref_slice %arg13[%add3A_87, %dma_start3A_94] : memref<82x128xi32, #tpu.memory_space<vmem>> -> memref<1x128xi32, #tpu.memory_space<vmem>>
      %dma_start3A_96 = tpu.memref_squeeze %dma_start3A_95 : memref<1x128xi32, #tpu.memory_space<vmem>> -> memref<128xi32, #tpu.memory_space<vmem>>
      %dma_start3A_97 = arith.constant 0 : i32
      %dma_start3A_98 = arith.constant 0 : i32
      %dma_start3A_99 = tpu.memref_slice %arg3[%dma_start3A_97, %dma_start3A_98] : memref<10240x8xf32, #tpu.memory_space<hbm>> -> memref<10240x8xf32, #tpu.memory_space<hbm>>
      tpu.enqueue_indirect_dma source(%dma_start3A_99 : memref<10240x8xf32, #tpu.memory_space<hbm>>) target(%arg11 : memref<128x8xf32, #tpu.memory_space<vmem>>) offsets(%dma_start3A_96 : memref<128xi32, #tpu.memory_space<vmem>>) semaphore(%arg21 : memref<!tpu.dma_semaphore, #tpu.memory_space<semaphore_mem>>)
      %mul3A_100 = arith.constant 2 : i32
      %mul3A_101 = arith.muli %mul3A_100, %scan3A_82 : i32
      %dma_wait3A_102 = arith.constant 0 : i32
      %dma_wait3A_103 = tpu.memref_slice %arg12[%mul3A_101, %dma_wait3A_102] : memref<82x128xi32, #tpu.memory_space<vmem>> -> memref<1x128xi32, #tpu.memory_space<vmem>>
      %dma_wait3A_104 = tpu.memref_squeeze %dma_wait3A_103 : memref<1x128xi32, #tpu.memory_space<vmem>> -> memref<128xi32, #tpu.memory_space<vmem>>
      %dma_wait3A_105 = arith.constant 0 : i32
      %dma_wait3A_106 = arith.constant 0 : i32
      %dma_wait3A_107 = tpu.memref_slice %arg2[%dma_wait3A_105, %dma_wait3A_106] : memref<10240x72xf32, #tpu.memory_space<hbm>> -> memref<10240x72xf32, #tpu.memory_space<hbm>>
      tpu.wait_indirect_dma semaphore(%arg18 : memref<!tpu.dma_semaphore, #tpu.memory_space<semaphore_mem>>) src(%dma_wait3A_107 : memref<10240x72xf32, #tpu.memory_space<hbm>>) dst(%arg8 : memref<128x72xf32, #tpu.memory_space<vmem>>)
      %dma_wait3A_108 = arith.constant 0 : i32
      %dma_wait3A_109 = tpu.memref_slice %arg13[%mul3A_101, %dma_wait3A_108] : memref<82x128xi32, #tpu.memory_space<vmem>> -> memref<1x128xi32, #tpu.memory_space<vmem>>
      %dma_wait3A_110 = tpu.memref_squeeze %dma_wait3A_109 : memref<1x128xi32, #tpu.memory_space<vmem>> -> memref<128xi32, #tpu.memory_space<vmem>>
      %dma_wait3A_111 = arith.constant 0 : i32
      %dma_wait3A_112 = arith.constant 0 : i32
      %dma_wait3A_113 = tpu.memref_slice %arg3[%dma_wait3A_111, %dma_wait3A_112] : memref<10240x8xf32, #tpu.memory_space<hbm>> -> memref<10240x8xf32, #tpu.memory_space<hbm>>
      tpu.wait_indirect_dma semaphore(%arg20 : memref<!tpu.dma_semaphore, #tpu.memory_space<semaphore_mem>>) src(%dma_wait3A_113 : memref<10240x8xf32, #tpu.memory_space<hbm>>) dst(%arg10 : memref<128x8xf32, #tpu.memory_space<vmem>>)
      %parallel_loop3A_114 = arith.constant 0 : i32
      %parallel_loop3A_115 = arith.constant 64 : i32
      %parallel_loop3A_116 = arith.constant 1 : i32
      scf.for %parallel_loop3A_151 = %parallel_loop3A_114 to %parallel_loop3A_115 step %parallel_loop3A_116  : i32 {
        %parallel_loop3A_152 = arith.constant 2 : i32
        %parallel_loop3A_153 = arith.muli %parallel_loop3A_152, %parallel_loop3A_151 : i32
        %parallel_loop3A_154 = vector.broadcast %parallel_loop3A_153 : i32 to vector<16xi32>
        %parallel_loop3A_155 = arith.addi %parallel_loop3A_154, %select_n3A : vector<16xi32>
        %parallel_loop3A_156 = arith.constant 64 : i32
        %parallel_loop3A_157 = vector.broadcast %parallel_loop3A_156 : i32 to vector<16xi32>
        %parallel_loop3A_158 = arith.addi %parallel_loop3A_157, %and3A_56 : vector<16xi32>
        %parallel_loop3A_159 = tpu.vector_load_idx %arg8[%parallel_loop3A_155, %parallel_loop3A_158] : memref<128x72xf32, #tpu.memory_space<vmem>>[vector<16xi32>, vector<16xi32>], vector<16xf32>,
        %parallel_loop3A_160 = tpu.vector_load_idx %arg10[%parallel_loop3A_155, %and3A_56] : memref<128x8xf32, #tpu.memory_space<vmem>>[vector<16xi32>, vector<16xi32>], vector<16xf32>,
        %parallel_loop3A_161 = arith.addf %parallel_loop3A_159, %parallel_loop3A_160 : vector<16xf32>
        %parallel_loop3A_162 = arith.constant 2.000000e-01 : f32
        %parallel_loop3A_163 = vector.broadcast %parallel_loop3A_162 : f32 to vector<16xf32>
        %parallel_loop3A_164 = arith.mulf %parallel_loop3A_163, %parallel_loop3A_161 : vector<16xf32>
        %parallel_loop3A_165 = arith.maximumf %parallel_loop3A_161, %parallel_loop3A_164 : vector<16xf32>
        %parallel_loop3A_166 = arith.subf %parallel_loop3A_165, %get3A_2 : vector<16xf32>
        %parallel_loop3A_167 = math.exp %parallel_loop3A_166 : vector<16xf32>
        tpu.vector_store_idx %arg14[%parallel_loop3A_155, %and3A_56], %parallel_loop3A_167 : memref<128x8xf32, #tpu.memory_space<vmem>>[vector<16xi32>, vector<16xi32>], vector<16xf32>,
        %parallel_loop3A_168 = arith.constant 64 : i32
        %parallel_loop3A_169 = vector.broadcast %parallel_loop3A_168 : i32 to vector<16xi32>
        %parallel_loop3A_170 = arith.addi %parallel_loop3A_169, %and3A_56 : vector<16xi32>
        tpu.vector_store_idx %arg8[%parallel_loop3A_155, %parallel_loop3A_170], %parallel_loop3A_167 : memref<128x72xf32, #tpu.memory_space<vmem>>[vector<16xi32>, vector<16xi32>], vector<16xf32>,
      } {sc.loop_unroll_factor = 4 : i64, sc.parallel_access}
      %parallel_loop3A_117 = arith.constant 0 : i32
      %parallel_loop3A_118 = arith.constant 128 : i32
      %parallel_loop3A_119 = arith.constant 1 : i32
      scf.for %parallel_loop3A_151 = %parallel_loop3A_117 to %parallel_loop3A_118 step %parallel_loop3A_119  : i32 {
        %parallel_loop3A_152 = vector.broadcast %parallel_loop3A_151 : i32 to vector<16xi32>
        %parallel_loop3A_153 = arith.constant 0 : i32
        %parallel_loop3A_154 = vector.broadcast %parallel_loop3A_153 : i32 to vector<16xi32>
        %parallel_loop3A_155 = arith.addi %parallel_loop3A_154, %select_n3A : vector<16xi32>
        %parallel_loop3A_156 = tpu.vector_load_idx %arg14[%parallel_loop3A_152, %parallel_loop3A_155] : memref<128x8xf32, #tpu.memory_space<vmem>>[vector<16xi32>, vector<16xi32>], vector<16xf32>,
        %parallel_loop3A_157 = arith.index_cast %parallel_loop3A_151 : i32 to index
        %parallel_loop3A_158 = arith.constant 0 : index
        %parallel_loop3A_159 = tpu.vector_load %arg8[%parallel_loop3A_157, %parallel_loop3A_158] {strides = array<i32>} : memref<128x72xf32, #tpu.memory_space<vmem>>, vector<16xf32>,
        %parallel_loop3A_160 = arith.mulf %parallel_loop3A_159, %parallel_loop3A_156 : vector<16xf32>
        %parallel_loop3A_161 = arith.index_cast %parallel_loop3A_151 : i32 to index
        %parallel_loop3A_162 = arith.constant 0 : index
        %parallel_loop3A_163 = tpu.vector_load %arg8[%parallel_loop3A_161, %parallel_loop3A_162] {strides = array<i32>} : memref<128x72xf32, #tpu.memory_space<vmem>>, vector<16xf32>,
        tpu.vector_store %arg8[%parallel_loop3A_161, %parallel_loop3A_162], %parallel_loop3A_160 {strides = array<i32>} : memref<128x72xf32, #tpu.memory_space<vmem>>, vector<16xf32>,
        %parallel_loop3A_164 = arith.constant 2 : i32
        %parallel_loop3A_165 = vector.broadcast %parallel_loop3A_164 : i32 to vector<16xi32>
        %parallel_loop3A_166 = arith.addi %parallel_loop3A_165, %select_n3A : vector<16xi32>
        %parallel_loop3A_167 = tpu.vector_load_idx %arg14[%parallel_loop3A_152, %parallel_loop3A_166] : memref<128x8xf32, #tpu.memory_space<vmem>>[vector<16xi32>, vector<16xi32>], vector<16xf32>,
        %parallel_loop3A_168 = arith.index_cast %parallel_loop3A_151 : i32 to index
        %parallel_loop3A_169 = arith.constant 16 : index
        %parallel_loop3A_170 = tpu.vector_load %arg8[%parallel_loop3A_168, %parallel_loop3A_169] {strides = array<i32>} : memref<128x72xf32, #tpu.memory_space<vmem>>, vector<16xf32>,
        %parallel_loop3A_171 = arith.mulf %parallel_loop3A_170, %parallel_loop3A_167 : vector<16xf32>
        %parallel_loop3A_172 = arith.index_cast %parallel_loop3A_151 : i32 to index
        %parallel_loop3A_173 = arith.constant 16 : index
        %parallel_loop3A_174 = tpu.vector_load %arg8[%parallel_loop3A_172, %parallel_loop3A_173] {strides = array<i32>} : memref<128x72xf32, #tpu.memory_space<vmem>>, vector<16xf32>,
        tpu.vector_store %arg8[%parallel_loop3A_172, %parallel_loop3A_173], %parallel_loop3A_171 {strides = array<i32>} : memref<128x72xf32, #tpu.memory_space<vmem>>, vector<16xf32>,
        %parallel_loop3A_175 = arith.constant 4 : i32
        %parallel_loop3A_176 = vector.broadcast %parallel_loop3A_175 : i32 to vector<16xi32>
        %parallel_loop3A_177 = arith.addi %parallel_loop3A_176, %select_n3A : vector<16xi32>
        %parallel_loop3A_178 = tpu.vector_load_idx %arg14[%parallel_loop3A_152, %parallel_loop3A_177] : memref<128x8xf32, #tpu.memory_space<vmem>>[vector<16xi32>, vector<16xi32>], vector<16xf32>,
        %parallel_loop3A_179 = arith.index_cast %parallel_loop3A_151 : i32 to index
        %parallel_loop3A_180 = arith.constant 32 : index
        %parallel_loop3A_181 = tpu.vector_load %arg8[%parallel_loop3A_179, %parallel_loop3A_180] {strides = array<i32>} : memref<128x72xf32, #tpu.memory_space<vmem>>, vector<16xf32>,
        %parallel_loop3A_182 = arith.mulf %parallel_loop3A_181, %parallel_loop3A_178 : vector<16xf32>
        %parallel_loop3A_183 = arith.index_cast %parallel_loop3A_151 : i32 to index
        %parallel_loop3A_184 = arith.constant 32 : index
        %parallel_loop3A_185 = tpu.vector_load %arg8[%parallel_loop3A_183, %parallel_loop3A_184] {strides = array<i32>} : memref<128x72xf32, #tpu.memory_space<vmem>>, vector<16xf32>,
        tpu.vector_store %arg8[%parallel_loop3A_183, %parallel_loop3A_184], %parallel_loop3A_182 {strides = array<i32>} : memref<128x72xf32, #tpu.memory_space<vmem>>, vector<16xf32>,
        %parallel_loop3A_186 = arith.constant 6 : i32
        %parallel_loop3A_187 = vector.broadcast %parallel_loop3A_186 : i32 to vector<16xi32>
        %parallel_loop3A_188 = arith.addi %parallel_loop3A_187, %select_n3A : vector<16xi32>
        %parallel_loop3A_189 = tpu.vector_load_idx %arg14[%parallel_loop3A_152, %parallel_loop3A_188] : memref<128x8xf32, #tpu.memory_space<vmem>>[vector<16xi32>, vector<16xi32>], vector<16xf32>,
        %parallel_loop3A_190 = arith.index_cast %parallel_loop3A_151 : i32 to index
        %parallel_loop3A_191 = arith.constant 48 : index
        %parallel_loop3A_192 = tpu.vector_load %arg8[%parallel_loop3A_190, %parallel_loop3A_191] {strides = array<i32>} : memref<128x72xf32, #tpu.memory_space<vmem>>, vector<16xf32>,
        %parallel_loop3A_193 = arith.mulf %parallel_loop3A_192, %parallel_loop3A_189 : vector<16xf32>
        %parallel_loop3A_194 = arith.index_cast %parallel_loop3A_151 : i32 to index
        %parallel_loop3A_195 = arith.constant 48 : index
        %parallel_loop3A_196 = tpu.vector_load %arg8[%parallel_loop3A_194, %parallel_loop3A_195] {strides = array<i32>} : memref<128x72xf32, #tpu.memory_space<vmem>>, vector<16xf32>,
        tpu.vector_store %arg8[%parallel_loop3A_194, %parallel_loop3A_195], %parallel_loop3A_193 {strides = array<i32>} : memref<128x72xf32, #tpu.memory_space<vmem>>, vector<16xf32>,
      } {sc.loop_unroll_factor = 8 : i64, sc.parallel_access}
      %mul3A_120 = arith.constant 2 : i32
      %mul3A_121 = arith.muli %mul3A_120, %scan3A_82 : i32
      "tpu.region"() ({
        %run_scoped3A = tpu.sem_alloc : memref<!tpu.dma_semaphore, #tpu.memory_space<semaphore_mem>>
        %dma_start3A_151 = arith.constant 0 : i32
        %dma_start3A_152 = tpu.memref_slice %arg13[%mul3A_121, %dma_start3A_151] : memref<82x128xi32, #tpu.memory_space<vmem>> -> memref<1x128xi32, #tpu.memory_space<vmem>>
        %dma_start3A_153 = tpu.memref_squeeze %dma_start3A_152 : memref<1x128xi32, #tpu.memory_space<vmem>> -> memref<128xi32, #tpu.memory_space<vmem>>
        %dma_start3A_154 = arith.constant 0 : i32
        %dma_start3A_155 = arith.constant 0 : i32
        %dma_start3A_156 = tpu.memref_slice %arg16[%dma_start3A_154, %dma_start3A_155] : memref<10240x72xf32, #tpu.memory_space<vmem_shared>> -> memref<10240x72xf32, #tpu.memory_space<vmem_shared>>
        tpu.enqueue_indirect_dma source(%arg8 : memref<128x72xf32, #tpu.memory_space<vmem>>) target(%dma_start3A_156 : memref<10240x72xf32, #tpu.memory_space<vmem_shared>>) offsets(%dma_start3A_153 : memref<128xi32, #tpu.memory_space<vmem>>) semaphore(%run_scoped3A : memref<!tpu.dma_semaphore, #tpu.memory_space<semaphore_mem>>) {add = true}
        %dma_wait3A_157 = arith.constant 0 : i32
        %dma_wait3A_158 = tpu.memref_slice %arg13[%mul3A_121, %dma_wait3A_157] : memref<82x128xi32, #tpu.memory_space<vmem>> -> memref<1x128xi32, #tpu.memory_space<vmem>>
        %dma_wait3A_159 = tpu.memref_squeeze %dma_wait3A_158 : memref<1x128xi32, #tpu.memory_space<vmem>> -> memref<128xi32, #tpu.memory_space<vmem>>
        %dma_wait3A_160 = arith.constant 0 : i32
        %dma_wait3A_161 = arith.constant 0 : i32
        %dma_wait3A_162 = tpu.memref_slice %arg16[%dma_wait3A_160, %dma_wait3A_161] : memref<10240x72xf32, #tpu.memory_space<vmem_shared>> -> memref<10240x72xf32, #tpu.memory_space<vmem_shared>>
        tpu.wait_indirect_dma semaphore(%run_scoped3A : memref<!tpu.dma_semaphore, #tpu.memory_space<semaphore_mem>>) src(%arg8 : memref<128x72xf32, #tpu.memory_space<vmem>>) dst(%dma_wait3A_162 : memref<10240x72xf32, #tpu.memory_space<vmem_shared>>)
        tpu.yield
      }) : () -> ()
      %lt3A = arith.constant 40 : i32
      %lt3A_122 = arith.cmpi slt, %scan3A_82, %lt3A : i32
      %convert_element_type3A = arith.extui %lt3A_122 : i1 to i32
      %cond3A = arith.constant 0 : i32
      %cond3A_123 = arith.cmpi ne, %convert_element_type3A, %cond3A : i32
      scf.if %cond3A_123 {
        %mul3A_151 = arith.constant 2 : i32
        %mul3A_152 = arith.muli %mul3A_151, %scan3A_82 : i32
        %add3A_153 = arith.constant 2 : i32
        %add3A_154 = arith.addi %mul3A_152, %add3A_153 : i32
        %dma_start3A_155 = arith.constant 0 : i32
        %dma_start3A_156 = tpu.memref_slice %arg12[%add3A_154, %dma_start3A_155] : memref<82x128xi32, #tpu.memory_space<vmem>> -> memref<1x128xi32, #tpu.memory_space<vmem>>
        %dma_start3A_157 = tpu.memref_squeeze %dma_start3A_156 : memref<1x128xi32, #tpu.memory_space<vmem>> -> memref<128xi32, #tpu.memory_space<vmem>>
        %dma_start3A_158 = arith.constant 0 : i32
        %dma_start3A_159 = arith.constant 0 : i32
        %dma_start3A_160 = tpu.memref_slice %arg2[%dma_start3A_158, %dma_start3A_159] : memref<10240x72xf32, #tpu.memory_space<hbm>> -> memref<10240x72xf32, #tpu.memory_space<hbm>>
        tpu.enqueue_indirect_dma source(%dma_start3A_160 : memref<10240x72xf32, #tpu.memory_space<hbm>>) target(%arg8 : memref<128x72xf32, #tpu.memory_space<vmem>>) offsets(%dma_start3A_157 : memref<128xi32, #tpu.memory_space<vmem>>) semaphore(%arg18 : memref<!tpu.dma_semaphore, #tpu.memory_space<semaphore_mem>>)
        %dma_start3A_161 = arith.constant 0 : i32
        %dma_start3A_162 = tpu.memref_slice %arg13[%add3A_154, %dma_start3A_161] : memref<82x128xi32, #tpu.memory_space<vmem>> -> memref<1x128xi32, #tpu.memory_space<vmem>>
        %dma_start3A_163 = tpu.memref_squeeze %dma_start3A_162 : memref<1x128xi32, #tpu.memory_space<vmem>> -> memref<128xi32, #tpu.memory_space<vmem>>
        %dma_start3A_164 = arith.constant 0 : i32
        %dma_start3A_165 = arith.constant 0 : i32
        %dma_start3A_166 = tpu.memref_slice %arg3[%dma_start3A_164, %dma_start3A_165] : memref<10240x8xf32, #tpu.memory_space<hbm>> -> memref<10240x8xf32, #tpu.memory_space<hbm>>
        tpu.enqueue_indirect_dma source(%dma_start3A_166 : memref<10240x8xf32, #tpu.memory_space<hbm>>) target(%arg10 : memref<128x8xf32, #tpu.memory_space<vmem>>) offsets(%dma_start3A_163 : memref<128xi32, #tpu.memory_space<vmem>>) semaphore(%arg20 : memref<!tpu.dma_semaphore, #tpu.memory_space<semaphore_mem>>)
      } else {
      }
      %mul3A_124 = arith.constant 2 : i32
      %mul3A_125 = arith.muli %mul3A_124, %scan3A_82 : i32
      %add3A_126 = arith.constant 1 : i32
      %add3A_127 = arith.addi %mul3A_125, %add3A_126 : i32
      %dma_wait3A_128 = arith.constant 0 : i32
      %dma_wait3A_129 = tpu.memref_slice %arg12[%add3A_127, %dma_wait3A_128] : memref<82x128xi32, #tpu.memory_space<vmem>> -> memref<1x128xi32, #tpu.memory_space<vmem>>
      %dma_wait3A_130 = tpu.memref_squeeze %dma_wait3A_129 : memref<1x128xi32, #tpu.memory_space<vmem>> -> memref<128xi32, #tpu.memory_space<vmem>>
      %dma_wait3A_131 = arith.constant 0 : i32
      %dma_wait3A_132 = arith.constant 0 : i32
      %dma_wait3A_133 = tpu.memref_slice %arg2[%dma_wait3A_131, %dma_wait3A_132] : memref<10240x72xf32, #tpu.memory_space<hbm>> -> memref<10240x72xf32, #tpu.memory_space<hbm>>
      tpu.wait_indirect_dma semaphore(%arg19 : memref<!tpu.dma_semaphore, #tpu.memory_space<semaphore_mem>>) src(%dma_wait3A_133 : memref<10240x72xf32, #tpu.memory_space<hbm>>) dst(%arg9 : memref<128x72xf32, #tpu.memory_space<vmem>>)
      %dma_wait3A_134 = arith.constant 0 : i32
      %dma_wait3A_135 = tpu.memref_slice %arg13[%add3A_127, %dma_wait3A_134] : memref<82x128xi32, #tpu.memory_space<vmem>> -> memref<1x128xi32, #tpu.memory_space<vmem>>
      %dma_wait3A_136 = tpu.memref_squeeze %dma_wait3A_135 : memref<1x128xi32, #tpu.memory_space<vmem>> -> memref<128xi32, #tpu.memory_space<vmem>>
      %dma_wait3A_137 = arith.constant 0 : i32
      %dma_wait3A_138 = arith.constant 0 : i32
      %dma_wait3A_139 = tpu.memref_slice %arg3[%dma_wait3A_137, %dma_wait3A_138] : memref<10240x8xf32, #tpu.memory_space<hbm>> -> memref<10240x8xf32, #tpu.memory_space<hbm>>
      tpu.wait_indirect_dma semaphore(%arg21 : memref<!tpu.dma_semaphore, #tpu.memory_space<semaphore_mem>>) src(%dma_wait3A_139 : memref<10240x8xf32, #tpu.memory_space<hbm>>) dst(%arg11 : memref<128x8xf32, #tpu.memory_space<vmem>>)
      %parallel_loop3A_140 = arith.constant 0 : i32
      %parallel_loop3A_141 = arith.constant 64 : i32
      %parallel_loop3A_142 = arith.constant 1 : i32
      scf.for %parallel_loop3A_151 = %parallel_loop3A_140 to %parallel_loop3A_141 step %parallel_loop3A_142  : i32 {
        %parallel_loop3A_152 = arith.constant 2 : i32
        %parallel_loop3A_153 = arith.muli %parallel_loop3A_152, %parallel_loop3A_151 : i32
        %parallel_loop3A_154 = vector.broadcast %parallel_loop3A_153 : i32 to vector<16xi32>
        %parallel_loop3A_155 = arith.addi %parallel_loop3A_154, %select_n3A : vector<16xi32>
        %parallel_loop3A_156 = arith.constant 64 : i32
        %parallel_loop3A_157 = vector.broadcast %parallel_loop3A_156 : i32 to vector<16xi32>
        %parallel_loop3A_158 = arith.addi %parallel_loop3A_157, %and3A_56 : vector<16xi32>
        %parallel_loop3A_159 = tpu.vector_load_idx %arg9[%parallel_loop3A_155, %parallel_loop3A_158] : memref<128x72xf32, #tpu.memory_space<vmem>>[vector<16xi32>, vector<16xi32>], vector<16xf32>,
        %parallel_loop3A_160 = tpu.vector_load_idx %arg11[%parallel_loop3A_155, %and3A_56] : memref<128x8xf32, #tpu.memory_space<vmem>>[vector<16xi32>, vector<16xi32>], vector<16xf32>,
        %parallel_loop3A_161 = arith.addf %parallel_loop3A_159, %parallel_loop3A_160 : vector<16xf32>
        %parallel_loop3A_162 = arith.constant 2.000000e-01 : f32
        %parallel_loop3A_163 = vector.broadcast %parallel_loop3A_162 : f32 to vector<16xf32>
        %parallel_loop3A_164 = arith.mulf %parallel_loop3A_163, %parallel_loop3A_161 : vector<16xf32>
        %parallel_loop3A_165 = arith.maximumf %parallel_loop3A_161, %parallel_loop3A_164 : vector<16xf32>
        %parallel_loop3A_166 = arith.subf %parallel_loop3A_165, %get3A_2 : vector<16xf32>
        %parallel_loop3A_167 = math.exp %parallel_loop3A_166 : vector<16xf32>
        tpu.vector_store_idx %arg14[%parallel_loop3A_155, %and3A_56], %parallel_loop3A_167 : memref<128x8xf32, #tpu.memory_space<vmem>>[vector<16xi32>, vector<16xi32>], vector<16xf32>,
        %parallel_loop3A_168 = arith.constant 64 : i32
        %parallel_loop3A_169 = vector.broadcast %parallel_loop3A_168 : i32 to vector<16xi32>
        %parallel_loop3A_170 = arith.addi %parallel_loop3A_169, %and3A_56 : vector<16xi32>
        tpu.vector_store_idx %arg9[%parallel_loop3A_155, %parallel_loop3A_170], %parallel_loop3A_167 : memref<128x72xf32, #tpu.memory_space<vmem>>[vector<16xi32>, vector<16xi32>], vector<16xf32>,
      } {sc.loop_unroll_factor = 4 : i64, sc.parallel_access}
      %parallel_loop3A_143 = arith.constant 0 : i32
      %parallel_loop3A_144 = arith.constant 128 : i32
      %parallel_loop3A_145 = arith.constant 1 : i32
      scf.for %parallel_loop3A_151 = %parallel_loop3A_143 to %parallel_loop3A_144 step %parallel_loop3A_145  : i32 {
        %parallel_loop3A_152 = vector.broadcast %parallel_loop3A_151 : i32 to vector<16xi32>
        %parallel_loop3A_153 = arith.constant 0 : i32
        %parallel_loop3A_154 = vector.broadcast %parallel_loop3A_153 : i32 to vector<16xi32>
        %parallel_loop3A_155 = arith.addi %parallel_loop3A_154, %select_n3A : vector<16xi32>
        %parallel_loop3A_156 = tpu.vector_load_idx %arg14[%parallel_loop3A_152, %parallel_loop3A_155] : memref<128x8xf32, #tpu.memory_space<vmem>>[vector<16xi32>, vector<16xi32>], vector<16xf32>,
        %parallel_loop3A_157 = arith.index_cast %parallel_loop3A_151 : i32 to index
        %parallel_loop3A_158 = arith.constant 0 : index
        %parallel_loop3A_159 = tpu.vector_load %arg9[%parallel_loop3A_157, %parallel_loop3A_158] {strides = array<i32>} : memref<128x72xf32, #tpu.memory_space<vmem>>, vector<16xf32>,
        %parallel_loop3A_160 = arith.mulf %parallel_loop3A_159, %parallel_loop3A_156 : vector<16xf32>
        %parallel_loop3A_161 = arith.index_cast %parallel_loop3A_151 : i32 to index
        %parallel_loop3A_162 = arith.constant 0 : index
        %parallel_loop3A_163 = tpu.vector_load %arg9[%parallel_loop3A_161, %parallel_loop3A_162] {strides = array<i32>} : memref<128x72xf32, #tpu.memory_space<vmem>>, vector<16xf32>,
        tpu.vector_store %arg9[%parallel_loop3A_161, %parallel_loop3A_162], %parallel_loop3A_160 {strides = array<i32>} : memref<128x72xf32, #tpu.memory_space<vmem>>, vector<16xf32>,
        %parallel_loop3A_164 = arith.constant 2 : i32
        %parallel_loop3A_165 = vector.broadcast %parallel_loop3A_164 : i32 to vector<16xi32>
        %parallel_loop3A_166 = arith.addi %parallel_loop3A_165, %select_n3A : vector<16xi32>
        %parallel_loop3A_167 = tpu.vector_load_idx %arg14[%parallel_loop3A_152, %parallel_loop3A_166] : memref<128x8xf32, #tpu.memory_space<vmem>>[vector<16xi32>, vector<16xi32>], vector<16xf32>,
        %parallel_loop3A_168 = arith.index_cast %parallel_loop3A_151 : i32 to index
        %parallel_loop3A_169 = arith.constant 16 : index
        %parallel_loop3A_170 = tpu.vector_load %arg9[%parallel_loop3A_168, %parallel_loop3A_169] {strides = array<i32>} : memref<128x72xf32, #tpu.memory_space<vmem>>, vector<16xf32>,
        %parallel_loop3A_171 = arith.mulf %parallel_loop3A_170, %parallel_loop3A_167 : vector<16xf32>
        %parallel_loop3A_172 = arith.index_cast %parallel_loop3A_151 : i32 to index
        %parallel_loop3A_173 = arith.constant 16 : index
        %parallel_loop3A_174 = tpu.vector_load %arg9[%parallel_loop3A_172, %parallel_loop3A_173] {strides = array<i32>} : memref<128x72xf32, #tpu.memory_space<vmem>>, vector<16xf32>,
        tpu.vector_store %arg9[%parallel_loop3A_172, %parallel_loop3A_173], %parallel_loop3A_171 {strides = array<i32>} : memref<128x72xf32, #tpu.memory_space<vmem>>, vector<16xf32>,
        %parallel_loop3A_175 = arith.constant 4 : i32
        %parallel_loop3A_176 = vector.broadcast %parallel_loop3A_175 : i32 to vector<16xi32>
        %parallel_loop3A_177 = arith.addi %parallel_loop3A_176, %select_n3A : vector<16xi32>
        %parallel_loop3A_178 = tpu.vector_load_idx %arg14[%parallel_loop3A_152, %parallel_loop3A_177] : memref<128x8xf32, #tpu.memory_space<vmem>>[vector<16xi32>, vector<16xi32>], vector<16xf32>,
        %parallel_loop3A_179 = arith.index_cast %parallel_loop3A_151 : i32 to index
        %parallel_loop3A_180 = arith.constant 32 : index
        %parallel_loop3A_181 = tpu.vector_load %arg9[%parallel_loop3A_179, %parallel_loop3A_180] {strides = array<i32>} : memref<128x72xf32, #tpu.memory_space<vmem>>, vector<16xf32>,
        %parallel_loop3A_182 = arith.mulf %parallel_loop3A_181, %parallel_loop3A_178 : vector<16xf32>
        %parallel_loop3A_183 = arith.index_cast %parallel_loop3A_151 : i32 to index
        %parallel_loop3A_184 = arith.constant 32 : index
        %parallel_loop3A_185 = tpu.vector_load %arg9[%parallel_loop3A_183, %parallel_loop3A_184] {strides = array<i32>} : memref<128x72xf32, #tpu.memory_space<vmem>>, vector<16xf32>,
        tpu.vector_store %arg9[%parallel_loop3A_183, %parallel_loop3A_184], %parallel_loop3A_182 {strides = array<i32>} : memref<128x72xf32, #tpu.memory_space<vmem>>, vector<16xf32>,
        %parallel_loop3A_186 = arith.constant 6 : i32
        %parallel_loop3A_187 = vector.broadcast %parallel_loop3A_186 : i32 to vector<16xi32>
        %parallel_loop3A_188 = arith.addi %parallel_loop3A_187, %select_n3A : vector<16xi32>
        %parallel_loop3A_189 = tpu.vector_load_idx %arg14[%parallel_loop3A_152, %parallel_loop3A_188] : memref<128x8xf32, #tpu.memory_space<vmem>>[vector<16xi32>, vector<16xi32>], vector<16xf32>,
        %parallel_loop3A_190 = arith.index_cast %parallel_loop3A_151 : i32 to index
        %parallel_loop3A_191 = arith.constant 48 : index
        %parallel_loop3A_192 = tpu.vector_load %arg9[%parallel_loop3A_190, %parallel_loop3A_191] {strides = array<i32>} : memref<128x72xf32, #tpu.memory_space<vmem>>, vector<16xf32>,
        %parallel_loop3A_193 = arith.mulf %parallel_loop3A_192, %parallel_loop3A_189 : vector<16xf32>
        %parallel_loop3A_194 = arith.index_cast %parallel_loop3A_151 : i32 to index
        %parallel_loop3A_195 = arith.constant 48 : index
        %parallel_loop3A_196 = tpu.vector_load %arg9[%parallel_loop3A_194, %parallel_loop3A_195] {strides = array<i32>} : memref<128x72xf32, #tpu.memory_space<vmem>>, vector<16xf32>,
        tpu.vector_store %arg9[%parallel_loop3A_194, %parallel_loop3A_195], %parallel_loop3A_193 {strides = array<i32>} : memref<128x72xf32, #tpu.memory_space<vmem>>, vector<16xf32>,
      } {sc.loop_unroll_factor = 8 : i64, sc.parallel_access}
      %mul3A_146 = arith.constant 2 : i32
      %mul3A_147 = arith.muli %mul3A_146, %scan3A_82 : i32
      %add3A_148 = arith.constant 1 : i32
      %add3A_149 = arith.addi %mul3A_147, %add3A_148 : i32
      "tpu.region"() ({
        %run_scoped3A = tpu.sem_alloc : memref<!tpu.dma_semaphore, #tpu.memory_space<semaphore_mem>>
        %dma_start3A_151 = arith.constant 0 : i32
        %dma_start3A_152 = tpu.memref_slice %arg13[%add3A_149, %dma_start3A_151] : memref<82x128xi32, #tpu.memory_space<vmem>> -> memref<1x128xi32, #tpu.memory_space<vmem>>
        %dma_start3A_153 = tpu.memref_squeeze %dma_start3A_152 : memref<1x128xi32, #tpu.memory_space<vmem>> -> memref<128xi32, #tpu.memory_space<vmem>>
        %dma_start3A_154 = arith.constant 0 : i32
        %dma_start3A_155 = arith.constant 0 : i32
        %dma_start3A_156 = tpu.memref_slice %arg16[%dma_start3A_154, %dma_start3A_155] : memref<10240x72xf32, #tpu.memory_space<vmem_shared>> -> memref<10240x72xf32, #tpu.memory_space<vmem_shared>>
        tpu.enqueue_indirect_dma source(%arg9 : memref<128x72xf32, #tpu.memory_space<vmem>>) target(%dma_start3A_156 : memref<10240x72xf32, #tpu.memory_space<vmem_shared>>) offsets(%dma_start3A_153 : memref<128xi32, #tpu.memory_space<vmem>>) semaphore(%run_scoped3A : memref<!tpu.dma_semaphore, #tpu.memory_space<semaphore_mem>>) {add = true}
        %dma_wait3A_157 = arith.constant 0 : i32
        %dma_wait3A_158 = tpu.memref_slice %arg13[%add3A_149, %dma_wait3A_157] : memref<82x128xi32, #tpu.memory_space<vmem>> -> memref<1x128xi32, #tpu.memory_space<vmem>>
        %dma_wait3A_159 = tpu.memref_squeeze %dma_wait3A_158 : memref<1x128xi32, #tpu.memory_space<vmem>> -> memref<128xi32, #tpu.memory_space<vmem>>
        %dma_wait3A_160 = arith.constant 0 : i32
        %dma_wait3A_161 = arith.constant 0 : i32
        %dma_wait3A_162 = tpu.memref_slice %arg16[%dma_wait3A_160, %dma_wait3A_161] : memref<10240x72xf32, #tpu.memory_space<vmem_shared>> -> memref<10240x72xf32, #tpu.memory_space<vmem_shared>>
        tpu.wait_indirect_dma semaphore(%run_scoped3A : memref<!tpu.dma_semaphore, #tpu.memory_space<semaphore_mem>>) src(%arg9 : memref<128x72xf32, #tpu.memory_space<vmem>>) dst(%dma_wait3A_162 : memref<10240x72xf32, #tpu.memory_space<vmem_shared>>)
        tpu.yield
      }) : () -> ()
      %scan3A_150 = arith.constant 0 : i32
      scf.yield %scan3A_150 : i32
    }
    %scan3A_80 = arith.constant 41 : i32
    %barrier3A_81 = arith.constant 0 : index
    tpu.barrier barrier_id(%barrier3A_81)
    "tpu.region"() ({
      %run_scoped3A = tpu.sem_alloc : memref<!tpu.dma_semaphore, #tpu.memory_space<semaphore_mem>>
      %dma_start3A_82 = arith.constant 0 : i32
      %dma_start3A_83 = tpu.memref_slice %arg7[%arg0, %mul3A_39, %dma_start3A_82] : memref<2x10240x72xf32, #tpu.memory_space<hbm>> -> memref<1x640x72xf32, #tpu.memory_space<hbm>>
      %dma_start3A_84 = tpu.memref_squeeze %dma_start3A_83 : memref<1x640x72xf32, #tpu.memory_space<hbm>> -> memref<640x72xf32, #tpu.memory_space<hbm>>
      %dma_start3A_85 = arith.constant 0 : i32
      %dma_start3A_86 = tpu.memref_slice %arg16[%mul3A_39, %dma_start3A_85] : memref<10240x72xf32, #tpu.memory_space<vmem_shared>> -> memref<640x72xf32, #tpu.memory_space<vmem_shared>>
      tpu.enqueue_dma source(%dma_start3A_86 : memref<640x72xf32, #tpu.memory_space<vmem_shared>>) target(%dma_start3A_84 : memref<640x72xf32, #tpu.memory_space<hbm>>) target_semaphore(%run_scoped3A : memref<!tpu.dma_semaphore, #tpu.memory_space<semaphore_mem>>)
      %dma_wait3A_87 = arith.constant 0 : i32
      %dma_wait3A_88 = tpu.memref_slice %arg7[%arg0, %mul3A_39, %dma_wait3A_87] : memref<2x10240x72xf32, #tpu.memory_space<hbm>> -> memref<1x640x72xf32, #tpu.memory_space<hbm>>
      %dma_wait3A_89 = tpu.memref_squeeze %dma_wait3A_88 : memref<1x640x72xf32, #tpu.memory_space<hbm>> -> memref<640x72xf32, #tpu.memory_space<hbm>>
      %dma_wait3A_90 = arith.constant 0 : i32
      %dma_wait3A_91 = tpu.memref_slice %arg16[%mul3A_39, %dma_wait3A_90] : memref<10240x72xf32, #tpu.memory_space<vmem_shared>> -> memref<640x72xf32, #tpu.memory_space<vmem_shared>>
      tpu.wait_dma2 semaphore(%run_scoped3A : memref<!tpu.dma_semaphore, #tpu.memory_space<semaphore_mem>>) src(%dma_wait3A_91 : memref<640x72xf32, #tpu.memory_space<vmem_shared>>) dst(%dma_wait3A_89 : memref<640x72xf32, #tpu.memory_space<hbm>>)
      tpu.yield
    }) : () -> ()
    return
  }
}

module attributes {stable_mosaic.version = 14 : i64} {
  func.func @_tcA_body(%arg0: i32, %arg1: memref<256x128xf32, #tpu.memory_space<vmem>>, %arg2: memref<128x128xf32, #tpu.memory_space<vmem>>, %arg3: memref<256x72xf32, #tpu.memory_space<vmem>>, %arg4: memref<256x8xf32, #tpu.memory_space<vmem>>, %arg5: memref<8x128xf32, #tpu.memory_space<vmem>>) attributes {dimension_semantics = [#tpu.dimension_semantics<arbitrary>], iteration_bounds = array<i64: 40>, scalar_prefetch = 0 : i64, scratch_operands = 0 : i64, tpu.core_type = #tpu.core_type<tc>, window_params = [{transform_indices = @transform_0, window_bounds = array<i64: 256, 128>}, {pipeline_mode = #tpu.pipeline_mode<synchronous>, transform_indices = @transform_1, window_bounds = array<i64: 128, 128>}, {transform_indices = @transform_2, window_bounds = array<i64: 256, 72>}, {transform_indices = @transform_3, window_bounds = array<i64: 256, 8>}, {pipeline_mode = #tpu.pipeline_mode<synchronous>, transform_indices = @transform_4, window_bounds = array<i64: 8, 128>}]} {
    %get3A = arith.constant 0 : index
    %get3A_0 = arith.constant 0 : index
    %get3A_1 = vector.load %arg1[%get3A, %get3A_0] : memref<256x128xf32, #tpu.memory_space<vmem>>, vector<256x128xf32>
    %get3A_2 = arith.constant 0 : index
    %get3A_3 = arith.constant 0 : index
    %get3A_4 = vector.load %arg2[%get3A_2, %get3A_3] : memref<128x128xf32, #tpu.memory_space<vmem>>, vector<128x128xf32>
    %dot_general3A = arith.constant dense<0.000000e+00> : vector<256x128xf32>
    %dot_general3A_5 = tpu.matmul %get3A_1, %get3A_4, %dot_general3A {dimension_numbers = #tpu.dot_dimension_numbers<[1], [0], [0], [1], [0, 0, 1, 1], [], []>, transpose_lhs_hint = false} : vector<256x128xf32>, vector<128x128xf32>, vector<256x128xf32> -> vector<256x128xf32>
    %slice3A = vector.extract_strided_slice %dot_general3A_5 {offsets = [0, 0], sizes = [256, 72], strides = [1, 1]} : vector<256x128xf32> to vector<256x72xf32>
    %swap3A = arith.constant 0 : index
    %swap3A_6 = arith.constant 0 : index
    %swap3A_7 = vector.load %arg3[%swap3A, %swap3A_6] : memref<256x72xf32, #tpu.memory_space<vmem>>, vector<256x72xf32>
    tpu.vector_store %arg3[%swap3A, %swap3A_6], %slice3A {strides = array<i32>} : memref<256x72xf32, #tpu.memory_space<vmem>>, vector<256x72xf32>,
    %slice3A_8 = vector.extract_strided_slice %dot_general3A_5 {offsets = [0, 72], sizes = [256, 8], strides = [1, 1]} : vector<256x128xf32> to vector<256x8xf32>
    %swap3A_9 = arith.constant 0 : index
    %swap3A_10 = arith.constant 0 : index
    %swap3A_11 = vector.load %arg4[%swap3A_9, %swap3A_10] : memref<256x8xf32, #tpu.memory_space<vmem>>, vector<256x8xf32>
    tpu.vector_store %arg4[%swap3A_9, %swap3A_10], %slice3A_8 {strides = array<i32>} : memref<256x8xf32, #tpu.memory_space<vmem>>, vector<256x8xf32>,
    %reduce_max3A = arith.constant dense<0xFF800000> : vector<128xf32>
    %reduce_max3A_12 = vector.multi_reduction <maximumf>, %dot_general3A_5, %reduce_max3A [0] : vector<256x128xf32> to vector<128xf32>
    %broadcast_in_dim3A = vector.shape_cast %reduce_max3A_12 : vector<128xf32> to vector<1x128xf32>
    %eq3A = arith.constant 0 : i32
    %eq3A_13 = arith.cmpi eq, %arg0, %eq3A : i32
    %convert_element_type3A = arith.extui %eq3A_13 : i1 to i32
    %cond3A = arith.constant 0 : i32
    %cond3A_14 = arith.cmpi ne, %convert_element_type3A, %cond3A : i32
    scf.if %cond3A_14 {
      %broadcast_in_dim3A_21 = arith.constant -1.000000e+30 : f32
      %broadcast_in_dim3A_22 = vector.broadcast %broadcast_in_dim3A_21 : f32 to vector<8x128xf32>
      %swap3A_23 = arith.constant 0 : index
      %swap3A_24 = arith.constant 0 : index
      %swap3A_25 = vector.load %arg5[%swap3A_23, %swap3A_24] : memref<8x128xf32, #tpu.memory_space<vmem>>, vector<8x128xf32>
      tpu.vector_store %arg5[%swap3A_23, %swap3A_24], %broadcast_in_dim3A_22 {strides = array<i32>} : memref<8x128xf32, #tpu.memory_space<vmem>>, vector<8x128xf32>,
    } else {
    }
    %get3A_15 = arith.constant 0 : index
    %get3A_16 = arith.constant 0 : index
    %get3A_17 = vector.load %arg5[%get3A_15, %get3A_16] : memref<8x128xf32, #tpu.memory_space<vmem>>, vector<1x128xf32>
    %max3A = arith.maximumf %get3A_17, %broadcast_in_dim3A : vector<1x128xf32>
    %swap3A_18 = arith.constant 0 : index
    %swap3A_19 = arith.constant 0 : index
    %swap3A_20 = vector.load %arg5[%swap3A_18, %swap3A_19] : memref<8x128xf32, #tpu.memory_space<vmem>>, vector<1x128xf32>
    tpu.vector_store %arg5[%swap3A_18, %swap3A_19], %max3A {strides = array<i32>} : memref<8x128xf32, #tpu.memory_space<vmem>>, vector<1x128xf32>,
    return
  }
  func.func @transform_0(%arg0: i32) -> (i32, i32) {
    %c0_i32 = arith.constant 0 : i32
    %c0_i32_0 = arith.constant 0 : i32
    return %arg0, %c0_i32 : i32, i32
  }
  func.func @transform_1(%arg0: i32) -> (i32, i32) {
    %c0_i32 = arith.constant 0 : i32
    %c0_i32_0 = arith.constant 0 : i32
    %c0_i32_1 = arith.constant 0 : i32
    return %c0_i32, %c0_i32_0 : i32, i32
  }
  func.func @transform_2(%arg0: i32) -> (i32, i32) {
    %c0_i32 = arith.constant 0 : i32
    %c0_i32_0 = arith.constant 0 : i32
    return %arg0, %c0_i32 : i32, i32
  }
  func.func @transform_3(%arg0: i32) -> (i32, i32) {
    %c0_i32 = arith.constant 0 : i32
    %c0_i32_0 = arith.constant 0 : i32
    return %arg0, %c0_i32 : i32, i32
  }
  func.func @transform_4(%arg0: i32) -> (i32, i32) {
    %c0_i32 = arith.constant 0 : i32
    %c0_i32_0 = arith.constant 0 : i32
    %c0_i32_1 = arith.constant 0 : i32
    return %c0_i32, %c0_i32_0 : i32, i32
  }
}

module attributes {stable_mosaic.version = 14 : i64} {
  func.func @_tcB_body(%arg0: i32, %arg1: memref<2x256x72xf32, #tpu.memory_space<vmem>>, %arg2: memref<1x64xf32, #tpu.memory_space<vmem>>, %arg3: memref<8x64xf32, #tpu.memory_space<vmem>>, %arg4: memref<64x128xf32, #tpu.memory_space<vmem>>, %arg5: memref<256x72xf32, #tpu.memory_space<vmem>>, %arg6: memref<256x8xf32, #tpu.memory_space<vmem>>, %arg7: memref<8x128xf32, #tpu.memory_space<vmem>>) attributes {dimension_semantics = [#tpu.dimension_semantics<arbitrary>], iteration_bounds = array<i64: 40>, scalar_prefetch = 0 : i64, scratch_operands = 0 : i64, tpu.core_type = #tpu.core_type<tc>, window_params = [{transform_indices = @transform_0, window_bounds = array<i64: 2, 256, 72>}, {pipeline_mode = #tpu.pipeline_mode<synchronous>, transform_indices = @transform_1, window_bounds = array<i64: 1, 64>}, {pipeline_mode = #tpu.pipeline_mode<synchronous>, transform_indices = @transform_2, window_bounds = array<i64: 8, 64>}, {pipeline_mode = #tpu.pipeline_mode<synchronous>, transform_indices = @transform_3, window_bounds = array<i64: 64, 128>}, {transform_indices = @transform_4, window_bounds = array<i64: 256, 72>}, {transform_indices = @transform_5, window_bounds = array<i64: 256, 8>}, {pipeline_mode = #tpu.pipeline_mode<synchronous>, transform_indices = @transform_6, window_bounds = array<i64: 8, 128>}]} {
    %get3A = arith.constant 0 : index
    %get3A_0 = arith.constant 0 : index
    %get3A_1 = arith.constant 0 : index
    %get3A_2 = vector.load %arg1[%get3A, %get3A_0, %get3A_1] : memref<2x256x72xf32, #tpu.memory_space<vmem>>, vector<1x256x72xf32>
    %get3A_3 = vector.shape_cast %get3A_2 : vector<1x256x72xf32> to vector<256x72xf32>
    %get3A_4 = arith.constant 1 : index
    %get3A_5 = arith.constant 0 : index
    %get3A_6 = arith.constant 0 : index
    %get3A_7 = vector.load %arg1[%get3A_4, %get3A_5, %get3A_6] : memref<2x256x72xf32, #tpu.memory_space<vmem>>, vector<1x256x72xf32>
    %get3A_8 = vector.shape_cast %get3A_7 : vector<1x256x72xf32> to vector<256x72xf32>
    %add3A = arith.addf %get3A_3, %get3A_8 : vector<256x72xf32>
    %slice3A = vector.extract_strided_slice %add3A {offsets = [0, 0], sizes = [256, 64], strides = [1, 1]} : vector<256x72xf32> to vector<256x64xf32>
    %slice3A_9 = vector.extract_strided_slice %add3A {offsets = [0, 64], sizes = [256, 8], strides = [1, 1]} : vector<256x72xf32> to vector<256x8xf32>
    %get3A_10 = arith.constant 0 : index
    %get3A_11 = arith.constant 0 : index
    %get3A_12 = vector.load %arg3[%get3A_10, %get3A_11] : memref<8x64xf32, #tpu.memory_space<vmem>>, vector<8x64xf32>
    %dot_general3A = arith.constant dense<0.000000e+00> : vector<256x64xf32>
    %dot_general3A_13 = tpu.matmul %slice3A_9, %get3A_12, %dot_general3A {dimension_numbers = #tpu.dot_dimension_numbers<[1], [0], [0], [1], [0, 0, 1, 1], [], []>, transpose_lhs_hint = false} : vector<256x8xf32>, vector<8x64xf32>, vector<256x64xf32> -> vector<256x64xf32>
    %add3A_14 = arith.constant 1.000000e-16 : f32
    %add3A_15 = vector.broadcast %add3A_14 : f32 to vector<256x64xf32>
    %add3A_16 = arith.addf %dot_general3A_13, %add3A_15 : vector<256x64xf32>
    %div3A = arith.divf %slice3A, %add3A_16 : vector<256x64xf32>
    %get3A_17 = arith.constant 0 : index
    %get3A_18 = arith.constant 0 : index
    %get3A_19 = vector.load %arg2[%get3A_17, %get3A_18] : memref<1x64xf32, #tpu.memory_space<vmem>>, vector<1x64xf32>
    %add3A_20 = vector.broadcast %get3A_19 : vector<1x64xf32> to vector<256x64xf32>
    %add3A_21 = arith.addf %div3A, %add3A_20 : vector<256x64xf32>
    %max3A = arith.constant 0.000000e+00 : f32
    %max3A_22 = vector.broadcast %max3A : f32 to vector<256x64xf32>
    %max3A_23 = arith.maximumf %add3A_21, %max3A_22 : vector<256x64xf32>
    %get3A_24 = arith.constant 0 : index
    %get3A_25 = arith.constant 0 : index
    %get3A_26 = vector.load %arg4[%get3A_24, %get3A_25] : memref<64x128xf32, #tpu.memory_space<vmem>>, vector<64x128xf32>
    %dot_general3A_27 = arith.constant dense<0.000000e+00> : vector<256x128xf32>
    %dot_general3A_28 = tpu.matmul %max3A_23, %get3A_26, %dot_general3A_27 {dimension_numbers = #tpu.dot_dimension_numbers<[1], [0], [0], [1], [0, 0, 1, 1], [], []>, transpose_lhs_hint = false} : vector<256x64xf32>, vector<64x128xf32>, vector<256x128xf32> -> vector<256x128xf32>
    %slice3A_29 = vector.extract_strided_slice %dot_general3A_28 {offsets = [0, 0], sizes = [256, 72], strides = [1, 1]} : vector<256x128xf32> to vector<256x72xf32>
    %swap3A = arith.constant 0 : index
    %swap3A_30 = arith.constant 0 : index
    %swap3A_31 = vector.load %arg5[%swap3A, %swap3A_30] : memref<256x72xf32, #tpu.memory_space<vmem>>, vector<256x72xf32>
    tpu.vector_store %arg5[%swap3A, %swap3A_30], %slice3A_29 {strides = array<i32>} : memref<256x72xf32, #tpu.memory_space<vmem>>, vector<256x72xf32>,
    %slice3A_32 = vector.extract_strided_slice %dot_general3A_28 {offsets = [0, 72], sizes = [256, 8], strides = [1, 1]} : vector<256x128xf32> to vector<256x8xf32>
    %swap3A_33 = arith.constant 0 : index
    %swap3A_34 = arith.constant 0 : index
    %swap3A_35 = vector.load %arg6[%swap3A_33, %swap3A_34] : memref<256x8xf32, #tpu.memory_space<vmem>>, vector<256x8xf32>
    tpu.vector_store %arg6[%swap3A_33, %swap3A_34], %slice3A_32 {strides = array<i32>} : memref<256x8xf32, #tpu.memory_space<vmem>>, vector<256x8xf32>,
    %reduce_max3A = arith.constant dense<0xFF800000> : vector<128xf32>
    %reduce_max3A_36 = vector.multi_reduction <maximumf>, %dot_general3A_28, %reduce_max3A [0] : vector<256x128xf32> to vector<128xf32>
    %broadcast_in_dim3A = vector.shape_cast %reduce_max3A_36 : vector<128xf32> to vector<1x128xf32>
    %eq3A = arith.constant 0 : i32
    %eq3A_37 = arith.cmpi eq, %arg0, %eq3A : i32
    %convert_element_type3A = arith.extui %eq3A_37 : i1 to i32
    %cond3A = arith.constant 0 : i32
    %cond3A_38 = arith.cmpi ne, %convert_element_type3A, %cond3A : i32
    scf.if %cond3A_38 {
      %broadcast_in_dim3A_46 = arith.constant -1.000000e+30 : f32
      %broadcast_in_dim3A_47 = vector.broadcast %broadcast_in_dim3A_46 : f32 to vector<8x128xf32>
      %swap3A_48 = arith.constant 0 : index
      %swap3A_49 = arith.constant 0 : index
      %swap3A_50 = vector.load %arg7[%swap3A_48, %swap3A_49] : memref<8x128xf32, #tpu.memory_space<vmem>>, vector<8x128xf32>
      tpu.vector_store %arg7[%swap3A_48, %swap3A_49], %broadcast_in_dim3A_47 {strides = array<i32>} : memref<8x128xf32, #tpu.memory_space<vmem>>, vector<8x128xf32>,
    } else {
    }
    %get3A_39 = arith.constant 0 : index
    %get3A_40 = arith.constant 0 : index
    %get3A_41 = vector.load %arg7[%get3A_39, %get3A_40] : memref<8x128xf32, #tpu.memory_space<vmem>>, vector<1x128xf32>
    %max3A_42 = arith.maximumf %get3A_41, %broadcast_in_dim3A : vector<1x128xf32>
    %swap3A_43 = arith.constant 0 : index
    %swap3A_44 = arith.constant 0 : index
    %swap3A_45 = vector.load %arg7[%swap3A_43, %swap3A_44] : memref<8x128xf32, #tpu.memory_space<vmem>>, vector<1x128xf32>
    tpu.vector_store %arg7[%swap3A_43, %swap3A_44], %max3A_42 {strides = array<i32>} : memref<8x128xf32, #tpu.memory_space<vmem>>, vector<1x128xf32>,
    return
  }
  func.func @transform_0(%arg0: i32) -> (i32, i32, i32) {
    %c0_i32 = arith.constant 0 : i32
    %c0_i32_0 = arith.constant 0 : i32
    %c0_i32_1 = arith.constant 0 : i32
    return %c0_i32, %arg0, %c0_i32_0 : i32, i32, i32
  }
  func.func @transform_1(%arg0: i32) -> (i32, i32) {
    %c0_i32 = arith.constant 0 : i32
    %c0_i32_0 = arith.constant 0 : i32
    %c0_i32_1 = arith.constant 0 : i32
    return %c0_i32, %c0_i32_0 : i32, i32
  }
  func.func @transform_2(%arg0: i32) -> (i32, i32) {
    %c0_i32 = arith.constant 0 : i32
    %c0_i32_0 = arith.constant 0 : i32
    %c0_i32_1 = arith.constant 0 : i32
    return %c0_i32, %c0_i32_0 : i32, i32
  }
  func.func @transform_3(%arg0: i32) -> (i32, i32) {
    %c0_i32 = arith.constant 0 : i32
    %c0_i32_0 = arith.constant 0 : i32
    %c0_i32_1 = arith.constant 0 : i32
    return %c0_i32, %c0_i32_0 : i32, i32
  }
  func.func @transform_4(%arg0: i32) -> (i32, i32) {
    %c0_i32 = arith.constant 0 : i32
    %c0_i32_0 = arith.constant 0 : i32
    return %arg0, %c0_i32 : i32, i32
  }
  func.func @transform_5(%arg0: i32) -> (i32, i32) {
    %c0_i32 = arith.constant 0 : i32
    %c0_i32_0 = arith.constant 0 : i32
    return %arg0, %c0_i32 : i32, i32
  }
  func.func @transform_6(%arg0: i32) -> (i32, i32) {
    %c0_i32 = arith.constant 0 : i32
    %c0_i32_0 = arith.constant 0 : i32
    %c0_i32_1 = arith.constant 0 : i32
    return %c0_i32, %c0_i32_0 : i32, i32
  }
}

module attributes {stable_mosaic.version = 14 : i64} {
  func.func @_tcC_body(%arg0: i32, %arg1: memref<2x256x72xf32, #tpu.memory_space<vmem>>, %arg2: memref<1x64xf32, #tpu.memory_space<vmem>>, %arg3: memref<8x64xf32, #tpu.memory_space<vmem>>, %arg4: memref<64x128xf32, #tpu.memory_space<vmem>>, %arg5: memref<1x128xf32, #tpu.memory_space<vmem>>, %arg6: memref<256x128xf32, #tpu.memory_space<vmem>>) attributes {dimension_semantics = [#tpu.dimension_semantics<arbitrary>], iteration_bounds = array<i64: 40>, scalar_prefetch = 0 : i64, scratch_operands = 0 : i64, tpu.core_type = #tpu.core_type<tc>, window_params = [{transform_indices = @transform_0, window_bounds = array<i64: 2, 256, 72>}, {pipeline_mode = #tpu.pipeline_mode<synchronous>, transform_indices = @transform_1, window_bounds = array<i64: 1, 64>}, {pipeline_mode = #tpu.pipeline_mode<synchronous>, transform_indices = @transform_2, window_bounds = array<i64: 8, 64>}, {pipeline_mode = #tpu.pipeline_mode<synchronous>, transform_indices = @transform_3, window_bounds = array<i64: 64, 128>}, {pipeline_mode = #tpu.pipeline_mode<synchronous>, transform_indices = @transform_4, window_bounds = array<i64: 1, 128>}, {transform_indices = @transform_5, window_bounds = array<i64: 256, 128>}]} {
    %get3A = arith.constant 0 : index
    %get3A_0 = arith.constant 0 : index
    %get3A_1 = arith.constant 0 : index
    %get3A_2 = vector.load %arg1[%get3A, %get3A_0, %get3A_1] : memref<2x256x72xf32, #tpu.memory_space<vmem>>, vector<1x256x72xf32>
    %get3A_3 = vector.shape_cast %get3A_2 : vector<1x256x72xf32> to vector<256x72xf32>
    %get3A_4 = arith.constant 1 : index
    %get3A_5 = arith.constant 0 : index
    %get3A_6 = arith.constant 0 : index
    %get3A_7 = vector.load %arg1[%get3A_4, %get3A_5, %get3A_6] : memref<2x256x72xf32, #tpu.memory_space<vmem>>, vector<1x256x72xf32>
    %get3A_8 = vector.shape_cast %get3A_7 : vector<1x256x72xf32> to vector<256x72xf32>
    %add3A = arith.addf %get3A_3, %get3A_8 : vector<256x72xf32>
    %slice3A = vector.extract_strided_slice %add3A {offsets = [0, 0], sizes = [256, 64], strides = [1, 1]} : vector<256x72xf32> to vector<256x64xf32>
    %slice3A_9 = vector.extract_strided_slice %add3A {offsets = [0, 64], sizes = [256, 8], strides = [1, 1]} : vector<256x72xf32> to vector<256x8xf32>
    %get3A_10 = arith.constant 0 : index
    %get3A_11 = arith.constant 0 : index
    %get3A_12 = vector.load %arg3[%get3A_10, %get3A_11] : memref<8x64xf32, #tpu.memory_space<vmem>>, vector<8x64xf32>
    %dot_general3A = arith.constant dense<0.000000e+00> : vector<256x64xf32>
    %dot_general3A_13 = tpu.matmul %slice3A_9, %get3A_12, %dot_general3A {dimension_numbers = #tpu.dot_dimension_numbers<[1], [0], [0], [1], [0, 0, 1, 1], [], []>, transpose_lhs_hint = false} : vector<256x8xf32>, vector<8x64xf32>, vector<256x64xf32> -> vector<256x64xf32>
    %add3A_14 = arith.constant 1.000000e-16 : f32
    %add3A_15 = vector.broadcast %add3A_14 : f32 to vector<256x64xf32>
    %add3A_16 = arith.addf %dot_general3A_13, %add3A_15 : vector<256x64xf32>
    %div3A = arith.divf %slice3A, %add3A_16 : vector<256x64xf32>
    %get3A_17 = arith.constant 0 : index
    %get3A_18 = arith.constant 0 : index
    %get3A_19 = vector.load %arg2[%get3A_17, %get3A_18] : memref<1x64xf32, #tpu.memory_space<vmem>>, vector<1x64xf32>
    %add3A_20 = vector.broadcast %get3A_19 : vector<1x64xf32> to vector<256x64xf32>
    %add3A_21 = arith.addf %div3A, %add3A_20 : vector<256x64xf32>
    %max3A = arith.constant 0.000000e+00 : f32
    %max3A_22 = vector.broadcast %max3A : f32 to vector<256x64xf32>
    %max3A_23 = arith.maximumf %add3A_21, %max3A_22 : vector<256x64xf32>
    %get3A_24 = arith.constant 0 : index
    %get3A_25 = arith.constant 0 : index
    %get3A_26 = vector.load %arg4[%get3A_24, %get3A_25] : memref<64x128xf32, #tpu.memory_space<vmem>>, vector<64x128xf32>
    %dot_general3A_27 = arith.constant dense<0.000000e+00> : vector<256x128xf32>
    %dot_general3A_28 = tpu.matmul %max3A_23, %get3A_26, %dot_general3A_27 {dimension_numbers = #tpu.dot_dimension_numbers<[1], [0], [0], [1], [0, 0, 1, 1], [], []>, transpose_lhs_hint = false} : vector<256x64xf32>, vector<64x128xf32>, vector<256x128xf32> -> vector<256x128xf32>
    %get3A_29 = arith.constant 0 : index
    %get3A_30 = arith.constant 0 : index
    %get3A_31 = vector.load %arg5[%get3A_29, %get3A_30] : memref<1x128xf32, #tpu.memory_space<vmem>>, vector<1x128xf32>
    %add3A_32 = vector.broadcast %get3A_31 : vector<1x128xf32> to vector<256x128xf32>
    %add3A_33 = arith.addf %dot_general3A_28, %add3A_32 : vector<256x128xf32>
    %reduce_max3A = arith.constant dense<0xFF800000> : vector<256xf32>
    %reduce_max3A_34 = vector.multi_reduction <maximumf>, %add3A_33, %reduce_max3A [1] : vector<256x128xf32> to vector<256xf32>
    %broadcast_in_dim3A = vector.shape_cast %reduce_max3A_34 : vector<256xf32> to vector<256x1xf32>
    %sub3A = vector.broadcast %broadcast_in_dim3A : vector<256x1xf32> to vector<256x128xf32>
    %sub3A_35 = arith.subf %add3A_33, %sub3A : vector<256x128xf32>
    %exp3A = math.exp %sub3A_35 : vector<256x128xf32>
    %reduce_sum3A = arith.constant dense<0.000000e+00> : vector<256xf32>
    %reduce_sum3A_36 = vector.multi_reduction <add>, %exp3A, %reduce_sum3A [1] : vector<256x128xf32> to vector<256xf32>
    %broadcast_in_dim3A_37 = vector.shape_cast %reduce_sum3A_36 : vector<256xf32> to vector<256x1xf32>
    %log3A = math.log %broadcast_in_dim3A_37 : vector<256x1xf32>
    %sub3A_38 = vector.broadcast %log3A : vector<256x1xf32> to vector<256x128xf32>
    %sub3A_39 = arith.subf %sub3A_35, %sub3A_38 : vector<256x128xf32>
    %swap3A = arith.constant 0 : index
    %swap3A_40 = arith.constant 0 : index
    %swap3A_41 = vector.load %arg6[%swap3A, %swap3A_40] : memref<256x128xf32, #tpu.memory_space<vmem>>, vector<256x128xf32>
    tpu.vector_store %arg6[%swap3A, %swap3A_40], %sub3A_39 {strides = array<i32>} : memref<256x128xf32, #tpu.memory_space<vmem>>, vector<256x128xf32>,
    return
  }
  func.func @transform_0(%arg0: i32) -> (i32, i32, i32) {
    %c0_i32 = arith.constant 0 : i32
    %c0_i32_0 = arith.constant 0 : i32
    %c0_i32_1 = arith.constant 0 : i32
    return %c0_i32, %arg0, %c0_i32_0 : i32, i32, i32
  }
  func.func @transform_1(%arg0: i32) -> (i32, i32) {
    %c0_i32 = arith.constant 0 : i32
    %c0_i32_0 = arith.constant 0 : i32
    %c0_i32_1 = arith.constant 0 : i32
    return %c0_i32, %c0_i32_0 : i32, i32
  }
  func.func @transform_2(%arg0: i32) -> (i32, i32) {
    %c0_i32 = arith.constant 0 : i32
    %c0_i32_0 = arith.constant 0 : i32
    %c0_i32_1 = arith.constant 0 : i32
    return %c0_i32, %c0_i32_0 : i32, i32
  }
  func.func @transform_3(%arg0: i32) -> (i32, i32) {
    %c0_i32 = arith.constant 0 : i32
    %c0_i32_0 = arith.constant 0 : i32
    %c0_i32_1 = arith.constant 0 : i32
    return %c0_i32, %c0_i32_0 : i32, i32
  }
  func.func @transform_4(%arg0: i32) -> (i32, i32) {
    %c0_i32 = arith.constant 0 : i32
    %c0_i32_0 = arith.constant 0 : i32
    %c0_i32_1 = arith.constant 0 : i32
    return %c0_i32, %c0_i32_0 : i32, i32
  }
  func.func @transform_5(%arg0: i32) -> (i32, i32) {
    %c0_i32 = arith.constant 0 : i32
    %c0_i32_0 = arith.constant 0 : i32
    return %arg0, %c0_i32 : i32, i32
  }
}

</mosaic_0001>

<sc_bundles>
// kernel: kernel.10.cloned.1.call-start
scs
__scs_entry_jumppad:
0x0: {  	(pc) =	sbr.rel $0x88, $3  }
0x1: {  	(tag) =	ssettag $0x0;
	lr =	simm.s32 $0x1  }
0x2: {  	[smem:$0x3F95] =	sst lr;
	_ =	strace $0xD0000000  }
0x3: {  	_ = 	snop  }
0x4: {  	_ = 	snop  }
0x5: {  	_ = 	snop  }
0x6: {  	_ = 	snop  }
0x7: {  	_ = 	snop  }
__scs_overlays_trampoline_lowered:
0x8: {  	[smem:$0x3FA4] =	sst s0  }
0x9: {  	[smem:$0x3FA5] =	sst s1  }
0xa: {  	[smem:$0x3FA6] =	sst s2  }
0xb: {  	[smem:$0x3FA7] =	sst s3  }
0xc: {  	[smem:$0x3FA8] =	sst s4  }
0xd: {  	[smem:$0x3FA9] =	sst s5  }
0xe: {  	[smem:$0x3FAA] =	sst s6  }
0xf: {  	[smem:$0x3FAB] =	sst s7  }
0x10: {  	[smem:$0x3FAC] =	sst s8  }
0x11: {  	[smem:$0x3FAD] =	sst s9;
	s0 =	simm.s32 @!p0 $0x0  }
0x12: {  	s1 =	sld [smem:$0x3F93];
	s0 =	simm.s32 @p0 $0x1  }
0x13: {  	[smem:$0x3FAE] =	sst s0;
	s0 =	simm.s32 @!p1 $0x0  }
0x14: {  	s2 =	sld [smem:$0x3F92];
	s0 =	simm.s32 @p1 $0x1  }
0x15: {  	[smem:$0x3FAF] =	sst s0;
	s0 =	simm.s32 @!p2 $0x0  }
0x16: {  	s3 =	sld [smem:$0x3FDB];
	s0 =	simm.s32 @p2 $0x1  }
0x17: {  	s4 =	simm.s32 $0x1BF5;
	[smem:$0x3FB1] =	sst s0  }
0x18: {  	s0 =	sld [smem:$0x3F94];
	_ =	swait.ge [sflag:s4], $0x0  }
0x19: {  	s7 =	sld [smem:$0x3F95]  }
0x1a: {  	s8 =	sadd.s32 $0xFFFFE003, lr  }
0x1b: {  	s9 =	sadd.s32 $0xFFFFFEF7, lr;
	s5 =	simm.s32 $0xFFFFFFFF;
	p2 =	slt.u32 s8, $0xFFFFF086  }
0x1c: {  	p1 =	slt.u32 s9, $0xF7A;
	s5 =	simm.s32 @!p2 $0x0  }
0x1d: {  	s5 =	simm.s32 @p1 $0x1;
	p0 =	seq.s32 s7, s2  }
0x1e: {  	s7 =	smul.u32 @!p0 $0xF7A, s2;
	p2 =	seq.s32 @!p0 s5, $0x0  }
0x1f: {  	s9 =	smul.u32 $0xF7A, s1;
	s8 =	simm.s32 @!p0 $0x1BF5;
	p2 =	por !p2, p0  }
0x20: {  	[sflag:s8] =	ssyncset.s32 @!p0 $0xFFFFF086;
	s6 =	sadd.s32 @!p0 s3, s7;
	s7 =	simm.s32 @!p0 $0x108  }
0x21: {  	s3 =	sadd.s32 s3, s9;
	s6 =	sadd.s32 @!p0 $0x88, s6;
	s7 =	simm.s32 @p2 $0x1082  }
0x22: {  	[simem:s7], [sflag:s8] =	dma.local @!p0 [hbm:s6], $0xF7A  }
0x23: {  	s9 =	sor.u32 $0xD0000000, s2;
	s6 =	simm.s32 $0x108;
	_ =	swait.ge @!p0 [sflag:s8], $0x0  }
0x24: {  	s3 =	sadd.s32 $0x88, s3;
	s6 =	simm.s32 @!p1 $0x1082;
	[sflag:s4] =	ssyncset.s32 $0xFFFFF086  }
0x25: {  	[simem:s6], [sflag:s4] =	dma.local [hbm:s3], $0xF7A  }
0x26: {  	[smem:$0x3F95] =	sst s1;
	(tag) =	ssettag s2;
	_ =	strace s9  }
0x27: {  	s1 =	sld [smem:$0x3FA5]  }
0x28: {  	s2 =	sld [smem:$0x3FA6]  }
0x29: {  	s4 =	sld [smem:$0x3FA8]  }
0x2a: {  	p0 =	seq.s32 s5, $0x0;
	s5 =	sld [smem:$0x3FA9]  }
0x2b: {  	s6 =	sld [smem:$0x3FAA]  }
0x2c: {  	s7 =	sld [smem:$0x3FAB]  }
0x2d: {  	s3 =	simm.s32 $0x108;
	s8 =	sld [smem:$0x3FAC]  }
0x2e: {  	s3 =	simm.s32 @!p0 $0x1082;
	s9 =	sld [smem:$0x3FAD]  }
0x2f: {  	lr =	sadd.s32 s0, s3;
	s0 =	sld [smem:$0x3FA4]  }
0x30: {  	s3 =	sld [smem:$0x3FA7]  }
0x31: {  	[smem:$0x3FB0] =	sst s10  }
0x32: {  	s10 =	sld [smem:$0x3FAE];
	_ =	sdelay $0x3  }
0x33: {  	p0 =	seq.s32 s10, $0x1;
	s10 =	sld [smem:$0x3FB0];
	_ =	sdelay $0x3  }
0x34: {  	[smem:$0x3FB0] =	sst s10  }
0x35: {  	s10 =	sld [smem:$0x3FAF];
	_ =	sdelay $0x3  }
0x36: {  	p1 =	seq.s32 s10, $0x1;
	s10 =	sld [smem:$0x3FB0];
	_ =	sdelay $0x3  }
0x37: {  	[smem:$0x3FB0] =	sst s10  }
0x38: {  	s10 =	sld [smem:$0x3FB1]  }
0x39: {  	_ = 	snop;
	(pc) =	sbr.ind lr, $3  }
0x3a: {  	_ = 	snop  }
0x3b: {  	_ = 	snop  }
0x3c: {  	p2 =	seq.s32 s10, $0x1;
	s10 =	sld [smem:$0x3FB0]  }
0x3d: {  	_ =	shalt  }
0x3e: {  	_ =	shalt  }
0x3f: {  	_ =	shalt  }
0x40: {  	_ =	shalt  }
0x41: {  	_ =	shalt  }
0x42: {  	_ =	shalt  }
0x43: {  	_ =	shalt  }
0x44: {  	_ =	shalt  }
0x45: {  	_ =	shalt  }
0x46: {  	_ =	shalt  }
0x47: {  	_ =	shalt  }
0x48: {  	_ =	shalt  }
0x49: {  	_ =	shalt  }
0x4a: {  	_ =	shalt  }
0x4b: {  	_ =	shalt  }
0x4c: {  	_ =	shalt  }
0x4d: {  	_ =	shalt  }
0x4e: {  	_ =	shalt  }
0x4f: {  	_ =	shalt  }
0x50: {  	_ =	shalt  }
0x51: {  	_ =	shalt  }
0x52: {  	_ =	shalt  }
0x53: {  	_ =	shalt  }
0x54: {  	_ =	shalt  }
0x55: {  	_ =	shalt  }
0x56: {  	_ =	shalt  }
0x57: {  	_ =	shalt  }
0x58: {  	_ =	shalt  }
0x59: {  	_ =	shalt  }
0x5a: {  	_ =	shalt  }
0x5b: {  	_ =	shalt  }
0x5c: {  	_ =	shalt  }
0x5d: {  	_ =	shalt  }
0x5e: {  	_ =	shalt  }
0x5f: {  	_ =	shalt  }
0x60: {  	_ =	shalt  }
0x61: {  	_ =	shalt  }
0x62: {  	_ =	shalt  }
0x63: {  	_ =	shalt  }
0x64: {  	_ =	shalt  }
0x65: {  	_ =	shalt  }
0x66: {  	_ =	shalt  }
0x67: {  	_ =	shalt  }
0x68: {  	_ =	shalt  }
0x69: {  	_ =	shalt  }
0x6a: {  	_ =	shalt  }
0x6b: {  	_ =	shalt  }
0x6c: {  	_ =	shalt  }
0x6d: {  	_ =	shalt  }
0x6e: {  	_ =	shalt  }
0x6f: {  	_ =	shalt  }
0x70: {  	_ =	shalt  }
0x71: {  	_ =	shalt  }
0x72: {  	_ =	shalt  }
0x73: {  	_ =	shalt  }
0x74: {  	_ =	shalt  }
0x75: {  	_ =	shalt  }
0x76: {  	_ =	shalt  }
0x77: {  	_ =	shalt  }
0x78: {  	_ =	shalt  }
0x79: {  	_ =	shalt  }
0x7a: {  	_ =	shalt  }
0x7b: {  	_ =	shalt  }
0x7c: {  	_ =	shalt  }
0x7d: {  	_ =	shalt  }
0x7e: {  	_ =	shalt  }
0x7f: {  	_ =	shalt  }
0x80: {  	_ =	shalt  }
0x81: {  	_ =	shalt  }
0x82: {  	_ =	shalt  }
0x83: {  	_ =	shalt  }
0x84: {  	_ =	shalt  }
0x85: {  	_ =	shalt  }
0x86: {  	_ =	shalt  }
0x87: {  	_ =	shalt  }
.Lfunc_end0:
.L_simem_size_0:
called_computation.1_lowered:
.L_overlay_start_0:
0x88: {  	s2 =	sld [smem:$0x3FD9]  }
0x89: {  	s3 =	sld [smem:$0x3FFE];
	_ =	sdelay $0x1  }
0x8a: {  	s1 =	srdreg.scid  }
0x8b: {  	s0 =	sand.u32 $0x1, s1  }
0x8c: {  	s17 =	sshll.u32 s0, $0xA;
	s2 =	sadd.s32 s3, s2  }
0x8d: {  	s2 =	sadd.s32 s2, s17  }
0x8e: {  	[smem:$0x3FBC] =	sst s2  }
0x8f: {  	_ = 	snop  }
0x90: {  	s2 =	sld [smem:$0x3FD0];
	(tm) =	ssettm $0x1  }
0x91: {  	s18 =	sld [smem:$0x3FFB];
	_ =	sdelay $0x3  }
0x92: {  	_ =	strace s18  }
0x93: {  	s3 =	sld [smem:$0x3FFC];
	_ =	sdelay $0x3  }
0x94: {  	_ =	strace s3  }
0x95: {  	s3 =	sld [smem:$0x3FFD];
	_ =	sdelay $0x3  }
0x96: {  	_ =	strace s3  }
0x97: {  	_ =	strace $0x8FFFFFFF  }
0x98: {  	s19 =	sld [smem:$0x3FDB];
	_ =	sdelay $0x1  }
0x99: {  	s4 =	simm.s32 $_scs_section_size  }
0x9a: {  	s5 =	simm.s32 $_size__tile_overlayer_lowered;
	s6 =	simm.s32 $_tile_overlayer_lowered  }
0x9b: {  	s22 =	simm.s32 $0x1BFF;
	s21 =	sshll.u32 s6, $0x1;
	s3 =	sadd.s32 s4, s19  }
0x9c: {  	s7 =	simm.s32 $0x0;
	s20 =	sshll.u32 s5, $0x1;
	s5 =	sadd.s32 s21, s3  }
0x9d: {  	[timem:s7], [sflag:s22] =	dma.local [hbm:s5], s20  }
0x9e: {  	_ =	swait.ge [sflag:s22], s20  }
0x9f: {  	s4 =	ssub.s32 $0x0, s20;
	[sflag:s22] =	ssyncset.done $0x0  }
0xa0: {  	[sflag:s22] =	ssyncadd.s32 s4;
	_ =	sdelay $0x1  }
0xa1: {  	s23 =	simm.s32 $0x1B8B  }
0xa2: {  	_ =	swait.ge [sflag:s23], $0x1  }
0xa3: {  	[sflag:s23] =	ssyncset.done $0x0  }
0xa4: {  	s25 =	simm.s32 $0x1B8E;
	s24 =	sld [smem:$0x3FFE];
	[sflag:s23] =	ssyncadd.s32 $0xFFFFFFFF  }
0xa5: {  	s26 =	simm.s32 $execute0_lowered;
	[smem:$0x3FD2] =	sst s25  }
0xa6: {  	s5 =	sshll.u32 s26, $0x1;
	_ =	strace $0x80000049;
	[dreg:$0x1] =	wrdreg $0xFFFFFFFF  }
0xa7: {  	s28 =	simm.s32 $_size_execute0_lowered;
	s3 =	sadd.s32 s3, s5;
	[dreg:$0x0] =	wrdreg $0x0  }
0xa8: {  	s5 =	sshll.u32 s28, $0x1;
	[dreg:$0x2] =	wrdreg s3  }
0xa9: {  	[dreg:$0x3] =	wrdreg s5  }
0xaa: {  	[dreg:$0x4] =	wrdreg $0xC0  }
0xab: {  	_ =	task [dreg:s7], $0x5FFFF  }
0xac: {  	[dreg:$0x1] =	wrdreg $0xFFFFFFFF  }
0xad: {  	[dreg:$0x0] =	wrdreg $0x60  }
0xae: {  	[dreg:$0x2] =	wrdreg s24  }
0xaf: {  	[dreg:$0x3] =	wrdreg s2  }
0xb0: {  	[dreg:$0x4] =	wrdreg $0xA6100  }
0xb1: {  	[dreg:$0x5] =	wrdreg $0x9  }
0xb2: {  	_ =	task.clear_ibuf [dreg:s7], $0x6FFFF;
	_ =	strace $0x90000049  }
0xb3: {  	s29 =	simm.s32 $0x9;
	_ =	strace $0x8000004B  }
0xb4: {  	_ =	swait.ge [sflag:s29], $0x1  }
0xb5: {  	[sflag:s29] =	ssyncadd.s32 $0xFFFFFFFF  }
0xb6: {  	_ =	strace $0x9000004B  }
0xb7: {  	_ =	sfence  }
0xb8: {  	s30 =	sld [smem:$0x0];
	_ =	sdelay $0x2  }
0xb9: {  	s31 =	sshll.u32 s1, $0xD;
	s1 =	sshrl.u32 s1, $0x2  }
0xba: {  	s3 =	sand.u32 $0x4000, s31;
	s1 =	sadd.s32 s1, s30  }
0xbb: {  	s0 =	sor.u32 s3, s0;
	s1 =	sshll.u32 s1, $0x11  }
0xbc: {  	s0 =	sor.u32 s1, s0  }
0xbd: {  	s0 =	sadd.s32 $0x8F2B, s0  }
0xbe: {  	[sflag:s0] =	ssyncadd.remote.s32 $0x1  }
0xbf: {  	_ =	sfence.sel $0xFFFF  }
0xc0: {  	[dreg:$0x0] =	wrdreg $0xFFFFFFFF;
	(pc) =	sbr.abs _section_cstart, $3  }
0xc1: {  	[dreg:$0x1] =	wrdreg $0xFFFFFFFF  }
0xc2: {  	_ =	task.clear_ibuf [dreg:s7], $0x2FFFF;
	_ =	strace $0x9FFFFFFF  }
0xc3: {  	(tm) =	ssettm $0x7FFFFFFF  }
tec
execute0_lowered:
.L_overlay_start_1:
0x0: {  	(tag) =	ssettag $0x1  }
0x1: {  	s10 =	rddreg [dreg:$0x0]  }
0x2: {  	s0 =	srdreg.scid;
	s3 =	rddreg [dreg:$0x1]  }
0x3: {  	s8 =	stileid.u32;
	s4 =	rddreg [dreg:$0x2]  }
0x4: {  	s5 =	simm.s32 $0x0;
	s17 =	simm.s32 $0x6;
	s20 =	simm.s32 $0x1  }
0x5: {  	s21 =	simm.s32 $0x80;
	s22 =	simm.s32 $0x4800;
	s28 =	simm.s32 $0xA200  }
0x6: {  	s29 =	simm.s32 $0x3;
	s30 =	simm.s32 $0x5;
	s31 =	simm.s32 $0x0  }
0x7: {  	s0 =	sand.u32 $0x1, s0;
	s1 =	sshll.u32 s8, $0x1;
	s2 =	smul.u32 $0xB400, s8  }
0x8: {  	[smem:$0x7FF] =	sst s5;
	s6 =	sadd.s32 $0x2B400, s10;
	s8 =	smul.u32 $0x2D000, s8  }
0x9: {  	s1 =	sor.u32 s0, s1;
	s7 =	smul.u32 $0xB4000, s0;
	s0 =	ssub.s32 $0x2, s0  }
0xa: {  	_ =	strace $0x8000004A;
	s1 =	smul.u32 $0x520, s1;
	s9 =	sshrl.u32 s0, $0x1  }
0xb: {  	s8 =	sshrl.u32 s8, $0x2;
	s12 =	sadd.s32 s2, s4;
	s7 =	sadd.s32 s2, s7  }
0xc: {  	s23 =	sadd.s32 s8, s4;
	s0 =	ssub.s32 s0, s9;
	s9 =	simm.s32 $0x5000  }
0xd: {  	v0 =	vimm.s32 $0x8B8A8988;
	v1 =	vimm.s32 $0x8F8E8D8C;
	s1 =	sadd.s32 s1, s10;
	s7 =	sshrl.u32 s7, $0x3;
	s8 =	sadd.s32 $0x2400, s23  }
0xe: {  	v2 =	vimm.s32 $0x43424140;
	v3 =	vimm.s32 $0x47464544;
	v0 =	vunpack.c.0.s8.s32 v0;
	s24 =	sadd.s32 $0x4800, s23;
	s25 =	sadd.s32 $0x6C00, s23;
	[dreg:$0x6] =	wrdreg s8  }
0xf: {  	v1 =	vunpack.c.0.s8.s32 v1;
	v2 =	vunpack.c.0.s8.s32 v2;
	v3 =	vunpack.c.0.s8.s32 v3;
	s15 =	smax.u32 s0, $0x1;
	s11 =	sadd.s32 $0x21000, s1;
	[dreg:$0x7] =	wrdreg s24  }
.Ltmp0:
0x10: {  	vm0 =	vcmask $0x1F10;
	s1 =	sadd.s32 $0x16C00, s1;
	[dreg:$0x8] =	wrdreg s25;
	(pc) =	sbr.rel .LBB2_1-.Ltmp0, $4  }
0x11: {  	v0 =	vsel vm0, v1, v0;
	v1 =	vsel vm0, v3, v2;
	s7 =	sadd.s32 s7, s10;
	s10 =	simm.s32 $0x7900;
	[dreg:$0x4] =	wrdreg s11  }
0x12: {  	v1 =	vcombine.low v1, v0;
	s24 =	simm.s32 $0x4C00;
	[dreg:$0x5] =	wrdreg s1;
	s1 =	sadd.s32 $0x9000, s23  }
0x13: {  	s25 =	simm.s32 $0x2;
	s26 =	sadd.s32 $0x41C00, s7;
	[dreg:$0x9] =	wrdreg s1  }
0x14: {  	v2 =	vlaneseq.u32;
	v0 =	vimm.f32 $0.0e+00;
	v1 =	vand.u32 $0xFF, v1;
	s23 =	simm.s32 $0x2400;
	[dreg:$0xa] =	wrdreg s26;
	s26 =	simm.s32 $0x4  }
.LBB2_18:
0x15: {  	s0 =	stileid.u32;
	[bflag:$0x0] =	sbarrier.arrive $0xFFFF;
	s31 =	sadd.s32 $0x1, s31  }
0x16: {  	s1 =	sshrl.u32 s12, $0x3;
	s0 =	sshll.u32 s0, $0x6;
	p0 =	sne.s32 s31, s15  }
.Ltmp1:
0x17: {  	s2 =	rddreg [dreg:$0xa];
	s0 =	sor.u32 $0x1C06, s0;
	(pc) =	sbr.rel @!p0 .LBB2_19-.Ltmp1, $4  }
0x18: {  	[hbm:s2], [sflag:s0] =	dma.local [spmem:s1], $0x1680  }
0x19: {  	_ =	swait.ge [sflag:s17], $0x1680  }
0x1a: {  	[sflag:s17] =	ssyncset.done $0x0  }
0x1b: {  	s9 =	simm.s32 $0x5000;
	s10 =	simm.s32 $0x7900;
	[sflag:s17] =	ssyncadd.s32 $0xFFFFE980  }
.LBB2_1:
0x1c: {  	s0 =	rddreg [dreg:$0x0];
	s1 =	simm.s32 $0xA600  }
0x1d: {  	[tilespmem:s1], [sflag:$0x6] =	stream.linear.gather [hbm4b:s0+s5], $0x10, $0x38;
	[tilespmem:$0x15A10] =	vst v63  }
0x1e: {  	_ =	swait.ge [sflag:s17], $0x10  }
0x1f: {  	[sflag:s17] =	ssyncset.done $0x0  }
0x20: {  	s18 =	rddreg [dreg:$0x4];
	[sflag:s17] =	ssyncadd.s32 $0xFFFFFFF0  }
0x21: {  	v3 =	vld [tilespmem:$0xA600];
	[tilespmem:s9], [sflag:$0x1] =	stream.linear.gather [hbm4b:s18+s5], $0x2900, $0x38  }
0x22: {  	s19 =	rddreg [dreg:$0x5]  }
0x23: {  	[tilespmem:s10], [sflag:$0x1] =	stream.linear.gather [hbm4b:s19+s5], $0x2900, $0x38;
	[tilespmem:$0x15A10] =	vst v63  }
0x24: {  	_ =	swait.ge [sflag:s20], $0x2900  }
0x25: {  	[sflag:s20] =	ssyncset.done $0x0  }
0x26: {  	[sflag:s20] =	ssyncadd.s32 $0xFFFFD700  }
0x27: {  	_ =	swait.ge [sflag:s20], $0x2900  }
0x28: {  	[sflag:s20] =	ssyncset.done $0x0  }
0x29: {  	s0 =	simm.s32 $0x90;
	[sflag:s20] =	ssyncadd.s32 $0xFFFFD700  }
0x2a: {  	[tilespmem:s0+$0xFFFFFF70] =	vst v0  }
0x2b: {  	[tilespmem:s0+$0x78] =	vst v0  }
0x2c: {  	[tilespmem:s0+$0x68] =	vst v0  }
0x2d: {  	[tilespmem:s0+$0x58] =	vst v0  }
0x2e: {  	[tilespmem:s0+$0x48] =	vst v0  }
0x2f: {  	[tilespmem:s0+$0x30] =	vst v0  }
0x30: {  	[tilespmem:s0+$0x20] =	vst v0  }
0x31: {  	[tilespmem:s0+$0x10] =	vst v0  }
0x32: {  	[tilespmem:s0+$0x0] =	vst v0  }
0x33: {  	[tilespmem:s0+$0xFFFFFFE8] =	vst v0  }
0x34: {  	[tilespmem:s0+$0xFFFFFFD8] =	vst v0  }
0x35: {  	[tilespmem:s0+$0xFFFFFFC8] =	vst v0  }
0x36: {  	[tilespmem:s0+$0xFFFFFFB8] =	vst v0  }
0x37: {  	[tilespmem:s0+$0xFFFFFFA0] =	vst v0  }
0x38: {  	s1 =	simm.s32 $0x0;
	[tilespmem:s0+$0xFFFFFF90] =	vst v0  }
.LBB2_2:
0x39: {  	s1 =	sadd.s32 $0x4, s1;
	[tilespmem:s0+$0xFFFFFF80] =	vst v0;
	s0 =	sadd.s32 $0x120, s0  }
0x3a: {  	[tilespmem:s0+$0xFFFFFF70] =	vst v0;
	p0 =	slt.u32 s1, $0x7C  }
0x3b: {  	[tilespmem:s0+$0x78] =	vst v0  }
0x3c: {  	[tilespmem:s0+$0x68] =	vst v0  }
0x3d: {  	[tilespmem:s0+$0x58] =	vst v0  }
0x3e: {  	[tilespmem:s0+$0x48] =	vst v0  }
0x3f: {  	[tilespmem:s0+$0x30] =	vst v0  }
0x40: {  	[tilespmem:s0+$0x20] =	vst v0  }
0x41: {  	[tilespmem:s0+$0x10] =	vst v0  }
0x42: {  	[tilespmem:s0+$0x0] =	vst v0  }
0x43: {  	[tilespmem:s0+$0xFFFFFFE8] =	vst v0  }
.Ltmp2:
0x44: {  	[tilespmem:s0+$0xFFFFFFD8] =	vst v0;
	(pc) =	sbr.rel @p0 .LBB2_2-.Ltmp2, $4  }
0x45: {  	[tilespmem:s0+$0xFFFFFFC8] =	vst v0  }
0x46: {  	[tilespmem:s0+$0xFFFFFFB8] =	vst v0  }
0x47: {  	[tilespmem:s0+$0xFFFFFFA0] =	vst v0  }
0x48: {  	[tilespmem:s0+$0xFFFFFF90] =	vst v0  }
0x49: {  	s1 =	simm.s32 $0x2  }
0x4a: {  	s2 =	simm.s32 $0x0;
	s13 =	simm.s32 $0x6;
	v4 =	vmov s1  }
0x4b: {  	s7 =	simm.s32 $0x4;
	s14 =	simm.s32 $0xE;
	s18 =	simm.s32 $0xA;
	v5 =	vmov s2;
	v6 =	vmov s13;
	v4 =	vmul.u32 $0x48, v4  }
0x4c: {  	v7 =	vmov s7;
	v8 =	vmov s14;
	v9 =	vmov s18  }
0x4d: {  	s19 =	simm.s32 $0xC;
	v5 =	vmul.u32 $0x48, v5;
	v6 =	vmul.u32 $0x48, v6;
	v4 =	vbroadcast v4, $0x0  }
0x4e: {  	v12 =	vmov s19;
	v7 =	vmul.u32 $0x48, v7;
	v9 =	vmul.u32 $0x48, v9  }
0x4f: {  	s16 =	simm.s32 $0x8;
	v5 =	vbroadcast v5, $0x0;
	v6 =	vbroadcast v6, $0x0;
	v11 =	vadd.s32 v1, v4  }
0x50: {  	v12 =	vmul.u32 $0x48, v12;
	v7 =	vbroadcast v7, $0x0;
	v4 =	vmov s16  }
0x51: {  	v10 =	vmul.u32 $0x48, v4;
	v4 =	vadd.s32 v1, v5;
	v5 =	vadd.s32 v1, v6  }
0x52: {  	v13 =	vmul.u32 $0x48, v8  }
0x53: {  	[tilespmem:s0+$0xFFFFFF80] =	vst v0;
	v9 =	vbroadcast v9, $0x0;
	v6 =	vadd.s32 v1, v7;
	v7 =	vbroadcast v12, $0x0  }
0x54: {  	s0 =	simm.s32 $0x4;
	s1 =	simm.s32 $0x16;
	v8 =	vbroadcast v10, $0x0;
	v10 =	vbroadcast v13, $0x0;
	[tilespmem:v11+s5+$0x0] =	vst.idx.msk $0xffff, v0  }
.LBB2_4:
0x55: {  	s2 =	sadd.s32 $0xFFFFFFFA, s1;
	s0 =	sadd.s32 $0x4, s0  }
0x56: {  	s7 =	sadd.s32 $0xFFFFFFFC, s1;
	s8 =	sadd.s32 $0xFFFFFFFE, s1;
	v11 =	vmov s1;
	v8 =	vadd.s32 v1, v8;
	v12 =	vadd.s32 v1, v9;
	[tilespmem:v5+s5+$0x0] =	vst.idx.msk $0xffff, v0;
	p0 =	slt.u32 s0, $0x3C  }
.Ltmp3:
0x57: {  	v9 =	vmov s2;
	v13 =	vmov s7;
	v5 =	vadd.s32 v1, v10;
	[tilespmem:v4+s5+$0x0] =	vst.idx.msk $0xffff, v0;
	v4 =	vmovc v8;
	(pc) =	sbr.rel @p0 .LBB2_4-.Ltmp3, $4  }
0x58: {  	v10 =	vmov s8;
	v8 =	vmul.u32 $0x48, v9;
	v9 =	vmul.u32 $0x48, v13;
	[tilespmem:v6+s5+$0x0] =	vst.idx.msk $0xffff, v0  }
0x59: {  	v11 =	vmul.u32 $0x48, v11;
	v10 =	vmul.u32 $0x48, v10;
	v6 =	vadd.s32 v1, v7  }
0x5a: {  	v8 =	vbroadcast v8, $0x0;
	v9 =	vbroadcast v9, $0x0  }
0x5b: {  	s1 =	sadd.s32 $0x8, s1;
	v7 =	vbroadcast v10, $0x0;
	v10 =	vbroadcast v11, $0x0;
	[tilespmem:v12+s5+$0x0] =	vst.idx.msk $0xffff, v0  }
0x5c: {  	_ =	sdelay $0x1  }
0x5d: {  	v9 =	vadd.s32 v1, v9  }
0x5e: {  	v8 =	vadd.s32 v1, v8  }
0x5f: {  	[tilespmem:v5+s5+$0x0] =	vst.idx.msk $0xffff, v0;
	v10 =	vadd.s32 v1, v10  }
0x60: {  	[tilespmem:v4+s5+$0x0] =	vst.idx.msk $0xffff, v0;
	v4 =	vadd.s32 v1, v7  }
0x61: {  	[tilespmem:v6+s5+$0x0] =	vst.idx.msk $0xffff, v0  }
0x62: {  	[tilespmem:v9+s5+$0x0] =	vst.idx.msk $0xffff, v0  }
0x63: {  	[tilespmem:v8+s5+$0x0] =	vst.idx.msk $0xffff, v0  }
0x64: {  	[tilespmem:v10+s5+$0x0] =	vst.idx.msk $0xffff, v0  }
0x65: {  	s2 =	simm.s32 $0x0;
	[tilespmem:v4+s5+$0x0] =	vst.idx.msk $0xffff, v0  }
0x66: {  	[spmem:s12] =	stream.linear.scatter [tilespmem:s2], [sflag:$0x6], $0x2400, $0x38;
	[tilespmem:$0x15A10] =	vst v63  }
0x67: {  	_ =	swait.ge [sflag:s17], $0x2400  }
0x68: {  	[sflag:s17] =	ssyncset.done $0x0  }
0x69: {  	s0 =	rddreg [dreg:$0x6];
	[sflag:s17] =	ssyncadd.s32 $0xFFFFDC00  }
0x6a: {  	[spmem:s0] =	stream.linear.scatter [tilespmem:s2], [sflag:$0x6], $0x2400, $0x38;
	[tilespmem:$0x15A10] =	vst v63  }
0x6b: {  	_ =	swait.ge [sflag:s17], $0x2400  }
0x6c: {  	[sflag:s17] =	ssyncset.done $0x0  }
0x6d: {  	s16 =	rddreg [dreg:$0x7];
	[sflag:s17] =	ssyncadd.s32 $0xFFFFDC00  }
0x6e: {  	[spmem:s16] =	stream.linear.scatter [tilespmem:s2], [sflag:$0x6], $0x2400, $0x38;
	[tilespmem:$0x15A10] =	vst v63  }
0x6f: {  	_ =	swait.ge [sflag:s17], $0x2400  }
0x70: {  	[sflag:s17] =	ssyncset.done $0x0  }
0x71: {  	s18 =	rddreg [dreg:$0x8];
	[sflag:s17] =	ssyncadd.s32 $0xFFFFDC00  }
0x72: {  	[spmem:s18] =	stream.linear.scatter [tilespmem:s2], [sflag:$0x6], $0x2400, $0x38;
	[tilespmem:$0x15A10] =	vst v63  }
0x73: {  	_ =	swait.ge [sflag:s17], $0x2400  }
0x74: {  	[sflag:s17] =	ssyncset.done $0x0  }
0x75: {  	s19 =	rddreg [dreg:$0x9];
	[sflag:s17] =	ssyncadd.s32 $0xFFFFDC00  }
0x76: {  	[spmem:s19] =	stream.linear.scatter [tilespmem:s2], [sflag:$0x6], $0x2400, $0x38;
	[tilespmem:$0x15A10] =	vst v63  }
0x77: {  	_ =	swait.ge [sflag:s17], $0x2400  }
0x78: {  	[sflag:s17] =	ssyncset.done $0x0  }
0x79: {  	[sflag:s17] =	ssyncadd.s32 $0xFFFFDC00  }
0x7a: {  	[bflag:$0x0] =	sbarrier.arrive $0xFFFF  }
0x7b: {  	[tilespmem:s2], [sflag:$0x2] =	stream.indirect.gather [hbm4b:s6+s21], $0x48, s9, s21, $0xb8;
	[tilespmem:$0x15A10] =	vst v63  }
0x7c: {  	s16 =	simm.s32 $0x0  }
0x7d: {  	[tilespmem:s22], [sflag:$0x4] =	stream.indirect.gather [hbm4b:s3+s21], $0x8, s10, s21, $0xb8;
	[tilespmem:$0x15A10] =	vst v63  }
.LBB2_6:
0x7e: {  	s0 =	sshll.u32 s16, $0x8  }
0x7f: {  	s1 =	sadd.s32 $0x5080, s0  }
0x80: {  	[tilespmem:s23], [sflag:$0x3] =	stream.indirect.gather [hbm4b:s6+s21], $0x48, s1, s21, $0xb8;
	[tilespmem:$0x15A10] =	vst v63  }
0x81: {  	s7 =	simm.s32 $0x10;
	s8 =	simm.s32 $0x0;
	s1 =	sadd.s32 $0x7980, s0  }
0x82: {  	[tilespmem:s24], [sflag:$0x5] =	stream.indirect.gather [hbm4b:s3+s21], $0x8, s1, s21, $0xb8;
	[tilespmem:$0x15A10] =	vst v63  }
0x83: {  	v5 =	vor.u32 s7, v2;
	v6 =	vor.u32 s8, v2;
	_ =	swait.ge [sflag:s25], $0x2400  }
0x84: {  	v4 =	vshll.u32 v5, $0x3;
	v7 =	vmul.u32 $0x48, v6;
	[sflag:s25] =	ssyncset.done $0x0  }
0x85: {  	v8 =	vmul.u32 $0x48, v5;
	v5 =	vshll.u32 v6, $0x3;
	[sflag:s25] =	ssyncadd.s32 $0xFFFFDC00  }
0x86: {  	v7 =	vadd.s32 $0x40, v7;
	_ =	swait.ge [sflag:s26], $0x400  }
0x87: {  	v6 =	vadd.s32 $0x40, v8;
	[sflag:s26] =	ssyncset.done $0x0  }
0x88: {  	[sflag:s26] =	ssyncadd.s32 $0xFFFFFC00  }
0x89: {  	s13 =	simm.s32 $0x20;
	v11 =	vld.idx.msk [tilespmem:v4+s22+$0x0], $0xffff  }
0x8a: {  	v8 =	vor.u32 s13, v2;
	v12 =	vld.idx.msk [tilespmem:v5+s22+$0x0], $0xffff  }
0x8b: {  	v9 =	vmul.u32 $0x48, v8;
	v13 =	vld.idx.msk [tilespmem:v7+s2+$0x0], $0xffff  }
0x8c: {  	v8 =	vshll.u32 v8, $0x3;
	v15 =	vld.idx.msk [tilespmem:v6+s2+$0x0], $0xffff  }
0x8d: {  	s14 =	simm.s32 $0x30;
	v14 =	vadd.s32 $0x40, v9  }
0x8e: {  	v10 =	vor.u32 s14, v2  }
0x8f: {  	v16 =	vmul.u32 $0x48, v10  }
0x90: {  	v10 =	vshll.u32 v10, $0x3;
	v12 =	vadd.f32 v12, v13  }
0x91: {  	v9 =	vadd.s32 $0x40, v16;
	v16 =	vld.idx.msk [tilespmem:v8+s22+$0x0], $0xffff;
	v15 =	vadd.f32 v11, v15  }
0x92: {  	s19 =	simm.s32 $0x40;
	v17 =	vld.idx.msk [tilespmem:v14+s2+$0x0], $0xffff;
	v13 =	vmul.f32 $2.000000030e-01, v12  }
0x93: {  	s18 =	simm.s32 $0x50;
	v20 =	vor.u32 s19, v2;
	v21 =	vmul.f32 $2.000000030e-01, v15  }
0x94: {  	v19 =	vor.u32 s18, v2;
	v23 =	vmul.u32 $0x48, v20;
	v12 =	vmax.f32 v12, v13  }
0x95: {  	v18 =	vld.idx.msk [tilespmem:v10+s22+$0x0], $0xffff;
	v13 =	vshll.u32 v20, $0x3;
	v15 =	vmax.f32 v15, v21;
	v20 =	vsub.f32 v12, v3  }
0x96: {  	v22 =	vld.idx.msk [tilespmem:v9+s2+$0x0], $0xffff;
	v11 =	vshll.u32 v19, $0x3;
	v12 =	vadd.s32 $0x40, v23;
	v15 =	vsub.f32 v15, v3  }
0x97: {  	v23 =	vadd.f32 v16, v17;
	v17 =	vmul.u32 $0x48, v19;
	v19 =	vmul.f32 $1.442695020e+00, v20;
	_ =	sdelay $0x1  }
0x98: {  	v15 =	vmul.f32 $1.442695020e+00, v15;
	(erf) = vpow2.f32 v19  }
0x99: {  	v17 =	vadd.s32 $0x40, v17  }
0x9a: {  	v18 =	vadd.f32 v18, v22;
	(erf) = vpow2.f32 v15  }
0x9b: {  	v16 =	vld.idx.msk [tilespmem:v11+s22+$0x0], $0xffff;
	v22 =	vmul.f32 $2.000000030e-01, v23  }
0x9c: {  	s9 =	simm.s32 $0x4;
	s10 =	simm.s32 $0x70;
	v21 =	vmul.f32 $2.000000030e-01, v18;
	v19 =	vld.idx.msk [tilespmem:v13+s22+$0x0], $0xffff  }
0x9d: {  	s7 =	simm.s32 $0x0;
	s19 =	simm.s32 $0x0;
	s8 =	simm.s32 $0x0;
	v22 =	vmax.f32 v23, v22;
	v20 =	vld.idx.msk [tilespmem:v12+s2+$0x0], $0xffff;
	v15 =	vmov v17  }
.LBB2_7:
0x9e: {  	s18 =	sadd.s32 $0xFFFFFFF0, s10;
	v23 =	vor.u32 s10, v2;
	v24 =	vld.idx.msk [tilespmem:v17+s7+$0x0], $0xffff;
	v17 =	vsub.f32 v22, v3;
	v18 =	vmax.f32 v18, v21  }
0x9f: {  	s9 =	sadd.s32 $0x2, s9;
	v21 =	vor.u32 s18, v2;
	v27 =	vmul.u32 $0x48, v23;
	v23 =	vshll.u32 v23, $0x3  }
0xa0: {  	p0 =	slt.u32 s9, $0x6;
	v18 =	vsub.f32 v18, v3;
	v25 =	vmul.u32 $0x48, v21;
	v26 =	vmul.f32 $1.442695020e+00, v17  }
0xa1: {  	v21 =	vshll.u32 v21, $0x3;
	v17 =	vadd.s32 $0x40, v27;
	v22 =	vpop (erf)  }
0xa2: {  	v27 =	vmul.f32 $1.442695020e+00, v18;
	v25 =	vadd.s32 $0x40, v25;
	(erf) = vpow2.f32 v26;
	[tilespmem:v5+s28+$0x0] =	vst.idx.msk $0xffff, v22;
	v5 =	vmovc v8;
	v8 =	vmovc v13  }
.Ltmp4:
0xa3: {  	s18 =	simm.s32 $0x120;
	v26 =	vadd.f32 v19, v20;
	v13 =	vmov v21;
	[tilespmem:v7+s19+$0x0] =	vst.idx.msk $0xffff, v22;
	v19 =	vpop (erf);
	v7 =	vmov v14;
	(pc) =	sbr.rel @p0 .LBB2_7-.Ltmp4, $4  }
0xa4: {  	v18 =	vadd.f32 v16, v24;
	v16 =	vld.idx.msk [tilespmem:v23+s22+$0x0], $0xffff;
	(erf) = vpow2.f32 v27;
	[tilespmem:v4+s28+$0x0] =	vst.idx.msk $0xffff, v19;
	v4 =	vmov v10  }
0xa5: {  	v22 =	vmul.f32 $2.000000030e-01, v26;
	v10 =	vmovc v11;
	v11 =	vmovc v23;
	[tilespmem:v6+s19+$0x0] =	vst.idx.msk $0xffff, v19;
	v6 =	vmov v9;
	v9 =	vmov v15;
	s19 =	smov.u32 s8;
	s8 =	smov.u32 s7  }
0xa6: {  	v14 =	vmovc v12;
	v12 =	vmov v25;
	s7 =	simm.s32 $0x0;
	v15 =	vmov v17;
	v19 =	vld.idx.msk [tilespmem:v21+s22+$0x0], $0xffff;
	v21 =	vmul.f32 $2.000000030e-01, v18  }
0xa7: {  	s10 =	sadd.s32 $0x20, s10;
	v22 =	vmax.f32 v26, v22;
	v20 =	vld.idx.msk [tilespmem:v25+s7+$0x0], $0xffff  }
0xa8: {  	_ =	sdelay $0x3  }
0xa9: {  	v17 =	vld.idx.msk [tilespmem:v17+s7+$0x0], $0xffff;
	_ =	sdelay $0x2  }
0xaa: {  	v19 =	vadd.f32 v19, v20  }
0xab: {  	v60 =	vsub.f32 v22, v3  }
0xac: {  	v18 =	vmax.f32 v18, v21;
	v16 =	vadd.f32 v16, v17;
	v61 =	vmul.f32 $2.000000030e-01, v19  }
0xad: {  	v18 =	vsub.f32 v18, v3;
	v20 =	vmul.f32 $1.442695020e+00, v60  }
0xae: {  	v62 =	vmul.f32 $2.000000030e-01, v16;
	v17 =	vmax.f32 v19, v61  }
0xaf: {  	v18 =	vmul.f32 $1.442695020e+00, v18;
	(erf) = vpow2.f32 v20;
	v17 =	vsub.f32 v17, v3  }
0xb0: {  	v16 =	vmax.f32 v16, v62  }
0xb1: {  	(erf) = vpow2.f32 v18;
	v16 =	vsub.f32 v16, v3;
	v17 =	vmul.f32 $1.442695020e+00, v17;
	_ =	sdelay $0x1  }
0xb2: {  	v16 =	vmul.f32 $1.442695020e+00, v16;
	(erf) = vpow2.f32 v17  }
0xb3: {  	v63 =	vpop (erf)  }
0xb4: {  	[tilespmem:v5+s28+$0x0] =	vst.idx.msk $0xffff, v63;
	(erf) = vpow2.f32 v16  }
0xb5: {  	v5 =	vpop (erf);
	[tilespmem:v7+s19+$0x0] =	vst.idx.msk $0xffff, v63  }
0xb6: {  	[tilespmem:v4+s28+$0x0] =	vst.idx.msk $0xffff, v5  }
0xb7: {  	[tilespmem:v6+s19+$0x0] =	vst.idx.msk $0xffff, v5;
	v4 =	vpop (erf)  }
0xb8: {  	[tilespmem:v8+s28+$0x0] =	vst.idx.msk $0xffff, v4  }
0xb9: {  	v5 =	vpop (erf);
	[tilespmem:v14+s8+$0x0] =	vst.idx.msk $0xffff, v4  }
0xba: {  	p1 =	por $0x1, $0x1;
	[tilespmem:v10+s28+$0x0] =	vst.idx.msk $0xffff, v5  }
.Ltmp5:
0xbb: {  	[tilespmem:v9+s8+$0x0] =	vst.idx.msk $0xffff, v5;
	v4 =	vpop (erf);
	(pc) =	sbr.rel @!p1 .LBB2_9-.Ltmp5, $4  }
0xbc: {  	[tilespmem:v13+s28+$0x0] =	vst.idx.msk $0xffff, v4  }
0xbd: {  	[tilespmem:v12+s7+$0x0] =	vst.idx.msk $0xffff, v4;
	v4 =	vpop (erf)  }
0xbe: {  	[tilespmem:v11+s28+$0x0] =	vst.idx.msk $0xffff, v4  }
0xbf: {  	s9 =	simm.s32 $0x0;
	p0 =	por $0x0, $0x0;
	[tilespmem:v15+s7+$0x0] =	vst.idx.msk $0xffff, v4  }
0xc0: {  	v4 =	vmov s9;
	s7 =	simm.s32 $0x38  }
0xc1: {  	v5 =	vmov s7  }
0xc2: {  	s10 =	simm.s32 $0x8  }
0xc3: {  	s13 =	simm.s32 $0x20;
	v11 =	vld [tilespmem:s18+$0x108];
	v6 =	vmov s10  }
0xc4: {  	v15 =	vld [tilespmem:s18+$0xFFFFFF00];
	v10 =	vmov s13  }
0xc5: {  	s14 =	simm.s32 $0x28;
	v9 =	vld.idx.msk [tilespmem:v4+s28+$0x0], $0xffff  }
0xc6: {  	s19 =	simm.s32 $0x30;
	v4 =	vld.idx.msk [tilespmem:v5+s28+$0x0], $0xffff;
	v5 =	vmov s14  }
0xc7: {  	v16 =	vld [tilespmem:s18+$0xFFFFFF10];
	v12 =	vmov s19  }
0xc8: {  	v13 =	vld.idx.msk [tilespmem:v6+s28+$0x0], $0xffff  }
0xc9: {  	v14 =	vld.idx.msk [tilespmem:v10+s28+$0x0], $0xffff  }
0xca: {  	v10 =	vld [tilespmem:s18+$0xFFFFFEE0]  }
0xcb: {  	s11 =	simm.s32 $0x10;
	v6 =	vld.idx.msk [tilespmem:v5+s28+$0x0], $0xffff  }
0xcc: {  	v7 =	vmov s11;
	v5 =	vld.idx.msk [tilespmem:v12+s28+$0x0], $0xffff  }
0xcd: {  	v12 =	vld [tilespmem:s18+$0xFFFFFEF0]  }
0xce: {  	v17 =	vld [tilespmem:s18+$0xFFFFFF28]  }
0xcf: {  	v18 =	vld [tilespmem:s18+$0xFFFFFF38]  }
0xd0: {  	s8 =	simm.s32 $0x18;
	v61 =	vld [tilespmem:s18+$0xFFFFFF80];
	v11 =	vmul.f32 v11, v4  }
0xd1: {  	v8 =	vmov s8;
	v7 =	vld.idx.msk [tilespmem:v7+s28+$0x0], $0xffff;
	v10 =	vmul.f32 v10, v9  }
0xd2: {  	[tilespmem:s18+$0x108] =	vst v11;
	v11 =	vmul.f32 v12, v9;
	v12 =	vld [tilespmem:s18+$0xFFFFFF48]  }
0xd3: {  	[tilespmem:s18+$0xFFFFFEE0] =	vst v10;
	v10 =	vmul.f32 v15, v9;
	v15 =	vld [tilespmem:s18+$0xFFFFFF58]  }
0xd4: {  	v9 =	vmul.f32 v16, v9;
	[tilespmem:s18+$0xFFFFFEF0] =	vst v11;
	v11 =	vld [tilespmem:s18+$0xFFFFFF70]  }
0xd5: {  	v62 =	vld [tilespmem:s18+$0xFFFFFF90];
	[tilespmem:s18+$0xFFFFFF00] =	vst v10;
	v10 =	vmul.f32 v17, v13  }
0xd6: {  	v8 =	vld.idx.msk [tilespmem:v8+s28+$0x0], $0xffff;
	[tilespmem:s18+$0xFFFFFF10] =	vst v9;
	v9 =	vmul.f32 v18, v13  }
0xd7: {  	[tilespmem:s18+$0xFFFFFF28] =	vst v10;
	v10 =	vmul.f32 v12, v13;
	v12 =	vld [tilespmem:s18+$0xFFFFFFA0]  }
0xd8: {  	[tilespmem:s18+$0xFFFFFF38] =	vst v9;
	v9 =	vmul.f32 v15, v13;
	v13 =	vld [tilespmem:s18+$0xFFFFFFB8]  }
0xd9: {  	[tilespmem:s18+$0xFFFFFF48] =	vst v10;
	v10 =	vmul.f32 v11, v7;
	v11 =	vld [tilespmem:s18+$0xFFFFFFC8]  }
0xda: {  	v15 =	vld [tilespmem:s18+$0xFFFFFFD8];
	[tilespmem:s18+$0xFFFFFF58] =	vst v9;
	v9 =	vmul.f32 v61, v7  }
0xdb: {  	v63 =	vld [tilespmem:s18+$0xFFFFFFE8];
	[tilespmem:s18+$0xFFFFFF70] =	vst v10;
	v10 =	vmul.f32 v62, v7  }
0xdc: {  	[tilespmem:s18+$0xFFFFFF80] =	vst v9;
	v9 =	vld [tilespmem:s18+$0x0];
	v7 =	vmul.f32 v12, v7  }
0xdd: {  	v12 =	vld [tilespmem:s18+$0x10];
	[tilespmem:s18+$0xFFFFFF90] =	vst v10;
	v10 =	vmul.f32 v13, v8  }
0xde: {  	[tilespmem:s18+$0xFFFFFFA0] =	vst v7;
	v7 =	vmul.f32 v11, v8;
	v11 =	vld [tilespmem:s18+$0x20]  }
0xdf: {  	v13 =	vld [tilespmem:s18+$0x30];
	[tilespmem:s18+$0xFFFFFFB8] =	vst v10;
	v10 =	vmul.f32 v15, v8  }
0xe0: {  	p1 =	por $0x1, $0x1;
	v15 =	vld [tilespmem:s18+$0x48];
	[tilespmem:s18+$0xFFFFFFC8] =	vst v7;
	v7 =	vmul.f32 v63, v8  }
.Ltmp6:
0xe1: {  	v8 =	vmul.f32 v9, v14;
	[tilespmem:s18+$0xFFFFFFD8] =	vst v10;
	v10 =	vld [tilespmem:s18+$0x58];
	(pc) =	sbr.rel @!p1 .LBB2_11-.Ltmp6, $4  }
0xe2: {  	v9 =	vld [tilespmem:s18+$0x68];
	v12 =	vmul.f32 v12, v14;
	[tilespmem:s18+$0xFFFFFFE8] =	vst v7  }
0xe3: {  	[tilespmem:s18+$0x0] =	vst v8;
	v7 =	vld [tilespmem:s18+$0x78];
	v11 =	vmul.f32 v11, v14  }
0xe4: {  	s9 =	simm.s32 $0x40;
	p0 =	por $0x1, $0x1;
	v8 =	vld [tilespmem:s18+$0x90];
	v13 =	vmul.f32 v13, v14;
	[tilespmem:s18+$0x10] =	vst v12  }
0xe5: {  	s19 =	simm.s32 $0x10;
	s8 =	simm.s32 $0x120;
	s7 =	simm.s32 $0x120;
	v12 =	vmul.f32 v15, v6;
	[tilespmem:s18+$0x20] =	vst v11;
	v11 =	vld [tilespmem:s18+$0xA0]  }
.LBB2_12:
0xe6: {  	p1 =	slt.u32 s19, $0x78;
	v14 =	vmov s9;
	s10 =	sadd.s32 $0x8, s9;
	s11 =	sadd.s32 $0x38, s9;
	[tilespmem:s8+$0x30] =	vst v13;
	v10 =	vmul.f32 v10, v6;
	v13 =	vld [tilespmem:s8+$0xB0]  }
0xe7: {  	s13 =	sadd.s32 $0x18, s9;
	s14 =	sadd.s32 $0x20, s9;
	v15 =	vmov s10;
	s10 =	sadd.s32 $0x10, s9;
	v16 =	vmov s11;
	[tilespmem:s8+$0x48] =	vst v12;
	v9 =	vmul.f32 v9, v6;
	v12 =	vld [tilespmem:s8+$0xC0]  }
0xe8: {  	v18 =	vmov s13;
	v19 =	vmov s14;
	v17 =	vmov s10;
	s10 =	sadd.s32 $0x28, s9;
	s9 =	sadd.s32 $0x30, s9;
	[tilespmem:s8+$0x58] =	vst v10;
	v10 =	vld [tilespmem:s8+$0xD8]  }
0xe9: {  	v6 =	vmul.f32 v7, v6;
	v20 =	vmov s10;
	v21 =	vmov s9;
	[tilespmem:s8+$0x68] =	vst v9;
	v7 =	vld [tilespmem:s8+$0xE8]  }
0xea: {  	v8 =	vmul.f32 v8, v5;
	v9 =	vmul.f32 v11, v5;
	v11 =	vld [tilespmem:s8+$0xF8]  }
0xeb: {  	v14 =	vld.idx.msk [tilespmem:v14+s28+$0x0], $0xffff;
	[tilespmem:s8+$0x78] =	vst v6;
	v6 =	vmul.f32 v13, v5  }
0xec: {  	s8 =	sadd.s32 $0x240, s8;
	v13 =	vld.idx.msk [tilespmem:v16+s28+$0x0], $0xffff;
	[tilespmem:s7+$0x90] =	vst v8;
	v5 =	vmul.f32 v12, v5  }
0xed: {  	v8 =	vld [tilespmem:s8+$0x108];
	[tilespmem:s7+$0xA0] =	vst v9;
	v9 =	vmul.f32 v10, v4  }
0xee: {  	v10 =	vld.idx.msk [tilespmem:v15+s28+$0x0], $0xffff;
	[tilespmem:s7+$0xB0] =	vst v6;
	v6 =	vmul.f32 v7, v4  }
0xef: {  	v7 =	vld.idx.msk [tilespmem:v17+s28+$0x0], $0xffff;
	[tilespmem:s7+$0xC0] =	vst v5;
	v5 =	vmul.f32 v11, v4  }
0xf0: {  	v11 =	vld.idx.msk [tilespmem:v18+s28+$0x0], $0xffff;
	[tilespmem:s7+$0xD8] =	vst v9  }
0xf1: {  	v12 =	vld.idx.msk [tilespmem:v19+s28+$0x0], $0xffff;
	[tilespmem:s7+$0xE8] =	vst v6  }
0xf2: {  	v4 =	vmov v13;
	v6 =	vld.idx.msk [tilespmem:v20+s28+$0x0], $0xffff;
	v8 =	vmul.f32 v8, v13;
	[tilespmem:s7+$0xF8] =	vst v5;
	s7 =	smov.u32 s8  }
0xf3: {  	v5 =	vld.idx.msk [tilespmem:v21+s28+$0x0], $0xffff  }
0xf4: {  	v9 =	vld [tilespmem:s8+$0xFFFFFEE0];
	[tilespmem:s8+$0x108] =	vst v8  }
0xf5: {  	v8 =	vld [tilespmem:s8+$0xFFFFFEF0]  }
0xf6: {  	v13 =	vld [tilespmem:s8+$0xFFFFFF00]  }
0xf7: {  	v15 =	vld [tilespmem:s8+$0xFFFFFF10]  }
0xf8: {  	v16 =	vld [tilespmem:s8+$0xFFFFFF28]  }
0xf9: {  	v9 =	vmul.f32 v9, v14;
	v17 =	vld [tilespmem:s8+$0xFFFFFF38]  }
0xfa: {  	v8 =	vmul.f32 v8, v14;
	v18 =	vld [tilespmem:s8+$0xFFFFFF48]  }
0xfb: {  	[tilespmem:s8+$0xFFFFFEE0] =	vst v9;
	v9 =	vmul.f32 v13, v14;
	v13 =	vld [tilespmem:s8+$0xFFFFFF58]  }
0xfc: {  	[tilespmem:s8+$0xFFFFFEF0] =	vst v8;
	v8 =	vmul.f32 v15, v14;
	v14 =	vld [tilespmem:s8+$0xFFFFFF70]  }
0xfd: {  	[tilespmem:s8+$0xFFFFFF00] =	vst v9;
	v9 =	vmul.f32 v16, v10;
	v15 =	vld [tilespmem:s8+$0xFFFFFF80]  }
0xfe: {  	[tilespmem:s8+$0xFFFFFF10] =	vst v8;
	v8 =	vmul.f32 v17, v10;
	v16 =	vld [tilespmem:s8+$0xFFFFFF90]  }
0xff: {  	[tilespmem:s8+$0xFFFFFF28] =	vst v9;
	v9 =	vmul.f32 v18, v10;
	v17 =	vld [tilespmem:s8+$0xFFFFFFA0]  }
0x100: {  	[tilespmem:s8+$0xFFFFFF38] =	vst v8;
	v8 =	vmul.f32 v13, v10;
	v10 =	vld [tilespmem:s8+$0xFFFFFFB8]  }
0x101: {  	[tilespmem:s8+$0xFFFFFF48] =	vst v9;
	v9 =	vmul.f32 v14, v7;
	v13 =	vld [tilespmem:s8+$0xFFFFFFC8]  }
0x102: {  	[tilespmem:s8+$0xFFFFFF58] =	vst v8;
	v8 =	vmul.f32 v15, v7;
	v14 =	vld [tilespmem:s8+$0xFFFFFFD8]  }
0x103: {  	[tilespmem:s8+$0xFFFFFF70] =	vst v9;
	v9 =	vmul.f32 v16, v7;
	v15 =	vld [tilespmem:s8+$0xFFFFFFE8]  }
0x104: {  	[tilespmem:s8+$0xFFFFFF80] =	vst v8;
	v7 =	vmul.f32 v17, v7;
	v8 =	vld [tilespmem:s8+$0x0]  }
0x105: {  	[tilespmem:s8+$0xFFFFFF90] =	vst v9;
	v9 =	vmul.f32 v10, v11;
	v16 =	vld [tilespmem:s8+$0x10]  }
0x106: {  	[tilespmem:s8+$0xFFFFFFA0] =	vst v7;
	v7 =	vmul.f32 v13, v11;
	v13 =	vld [tilespmem:s8+$0x20]  }
0x107: {  	[tilespmem:s8+$0xFFFFFFB8] =	vst v9;
	v9 =	vmul.f32 v14, v11;
	v14 =	vld [tilespmem:s8+$0x30]  }
0x108: {  	[tilespmem:s8+$0xFFFFFFC8] =	vst v7;
	v7 =	vmul.f32 v15, v11;
	v11 =	vld [tilespmem:s8+$0x48]  }
.Ltmp7:
0x109: {  	[tilespmem:s8+$0xFFFFFFD8] =	vst v9;
	v8 =	vmul.f32 v8, v12;
	v10 =	vld [tilespmem:s8+$0x58];
	(pc) =	sbr.rel @p1 .LBB2_12-.Ltmp7, $4  }
0x10a: {  	[tilespmem:s8+$0xFFFFFFE8] =	vst v7;
	v15 =	vmul.f32 v16, v12;
	v9 =	vld [tilespmem:s8+$0x68]  }
0x10b: {  	[tilespmem:s8+$0x0] =	vst v8;
	v16 =	vmul.f32 v13, v12;
	v7 =	vld [tilespmem:s8+$0x78]  }
0x10c: {  	[tilespmem:s8+$0x10] =	vst v15;
	v13 =	vmul.f32 v14, v12;
	v8 =	vld [tilespmem:s8+$0x90]  }
0x10d: {  	s9 =	sshll.u32 s19, $0x3;
	s19 =	sadd.s32 $0x8, s19;
	[tilespmem:s8+$0x20] =	vst v16;
	v12 =	vmul.f32 v11, v6;
	v11 =	vld [tilespmem:s8+$0xA0]  }
.LBB2_13:
0x10e: {  	v15 =	vld @p0 [tilespmem:s8+$0xB0]  }
0x10f: {  	v14 =	vmov s9;
	v17 =	vld @p0 [tilespmem:s8+$0xC0]  }
0x110: {  	s10 =	sadd.s32 $0x38, s9;
	v18 =	vld @p0 [tilespmem:s8+$0xD8];
	s11 =	sadd.s32 $0x18, s9  }
0x111: {  	s14 =	sadd.s32 $0x8, s9;
	v20 =	vld @p0 [tilespmem:s8+$0xE8];
	v16 =	vmov s10;
	v23 =	vmov s11;
	s11 =	sadd.s32 @p0 $0x240, s8  }
0x112: {  	s19 =	sadd.s32 $0x10, s9;
	v22 =	vld @p0 [tilespmem:s8+$0xF8];
	v10 =	vmul.f32 @p0 v10, v6;
	v19 =	vmov s14;
	s18 =	smov.u32 @p0 s11  }
0x113: {  	v21 =	vmov s19;
	v26 =	vld [tilespmem:s18+$0x108]  }
0x114: {  	s13 =	sadd.s32 $0x20, s9;
	[tilespmem:s8+$0x58] =	vst @p0 v10;
	v8 =	vmul.f32 @p0 v8, v5;
	v10 =	vmul.f32 @p0 v11, v5;
	v14 =	vld.idx.msk [tilespmem:v14+s28+$0x0], $0xffff  }
0x115: {  	v24 =	vmov s13;
	v11 =	vmul.f32 @p0 v15, v5;
	v5 =	vmul.f32 @p0 v17, v5;
	v17 =	vld [tilespmem:s18+$0xFFFFFF28]  }
0x116: {  	s19 =	sadd.s32 $0x30, s9;
	v16 =	vld.idx.msk [tilespmem:v16+s28+$0x0], $0xffff  }
0x117: {  	[tilespmem:s8+$0x30] =	vst @p0 v13;
	v9 =	vmul.f32 @p0 v9, v6;
	v13 =	vmov s19;
	v19 =	vld.idx.msk [tilespmem:v19+s28+$0x0], $0xffff  }
0x118: {  	[tilespmem:s8+$0x48] =	vst @p0 v12;
	v6 =	vmul.f32 @p0 v7, v6;
	v12 =	vld.idx.msk [tilespmem:v21+s28+$0x0], $0xffff  }
0x119: {  	[tilespmem:s8+$0x68] =	vst @p0 v9;
	v7 =	vld.idx.msk [tilespmem:v23+s28+$0x0], $0xffff  }
0x11a: {  	s14 =	sadd.s32 $0x28, s9;
	[tilespmem:s8+$0x78] =	vst @p0 v6;
	v9 =	vld.idx.msk [tilespmem:v24+s28+$0x0], $0xffff  }
0x11b: {  	v25 =	vmov s14;
	[tilespmem:s7+$0xA0] =	vst @p0 v10;
	v10 =	vld [tilespmem:s18+$0xFFFFFEE0]  }
0x11c: {  	[tilespmem:s7+$0x90] =	vst @p0 v8;
	v8 =	vld.idx.msk [tilespmem:v13+s28+$0x0], $0xffff  }
0x11d: {  	v13 =	vmul.f32 @p0 v18, v4;
	[tilespmem:s7+$0xB0] =	vst @p0 v11;
	v11 =	vld [tilespmem:s18+$0xFFFFFEF0]  }
0x11e: {  	v15 =	vmul.f32 @p0 v20, v4;
	[tilespmem:s7+$0xC0] =	vst @p0 v5;
	v5 =	vld [tilespmem:s18+$0xFFFFFF00]  }
0x11f: {  	v4 =	vmul.f32 @p0 v22, v4;
	[tilespmem:s7+$0xD8] =	vst @p0 v13;
	v13 =	vld [tilespmem:s18+$0xFFFFFF10]  }
0x120: {  	v6 =	vld.idx.msk [tilespmem:v25+s28+$0x0], $0xffff;
	[tilespmem:s7+$0xE8] =	vst @p0 v15;
	v15 =	vmul.f32 v26, v16  }
0x121: {  	[tilespmem:s7+$0xF8] =	vst @p0 v4;
	v4 =	vmul.f32 v10, v14;
	v10 =	vld [tilespmem:s18+$0xFFFFFF38]  }
0x122: {  	v11 =	vmul.f32 v11, v14;
	[tilespmem:s18+$0x108] =	vst v15;
	v15 =	vld [tilespmem:s18+$0xFFFFFF48]  }
0x123: {  	[tilespmem:s18+$0xFFFFFEE0] =	vst v4;
	v4 =	vmul.f32 v5, v14;
	v5 =	vld [tilespmem:s18+$0xFFFFFF58]  }
0x124: {  	[tilespmem:s18+$0xFFFFFEF0] =	vst v11;
	v11 =	vmul.f32 v13, v14;
	v13 =	vld [tilespmem:s18+$0xFFFFFF70]  }
0x125: {  	v14 =	vld [tilespmem:s18+$0xFFFFFF80];
	[tilespmem:s18+$0xFFFFFF00] =	vst v4;
	v4 =	vmul.f32 v17, v19  }
0x126: {  	[tilespmem:s18+$0xFFFFFF10] =	vst v11;
	v10 =	vmul.f32 v10, v19;
	v11 =	vld [tilespmem:s18+$0xFFFFFF90]  }
0x127: {  	[tilespmem:s18+$0xFFFFFF28] =	vst v4;
	v4 =	vmul.f32 v15, v19;
	v15 =	vld [tilespmem:s18+$0xFFFFFFA0]  }
0x128: {  	[tilespmem:s18+$0xFFFFFF38] =	vst v10;
	v5 =	vmul.f32 v5, v19;
	v10 =	vld [tilespmem:s18+$0xFFFFFFB8]  }
0x129: {  	[tilespmem:s18+$0xFFFFFF48] =	vst v4;
	v4 =	vmul.f32 v13, v12;
	v13 =	vld [tilespmem:s18+$0xFFFFFFC8]  }
0x12a: {  	[tilespmem:s18+$0xFFFFFF58] =	vst v5;
	v5 =	vmul.f32 v14, v12;
	v14 =	vld [tilespmem:s18+$0xFFFFFFD8]  }
0x12b: {  	[tilespmem:s18+$0xFFFFFF70] =	vst v4;
	v4 =	vmul.f32 v11, v12;
	v11 =	vld [tilespmem:s18+$0xFFFFFFE8]  }
0x12c: {  	[tilespmem:s18+$0xFFFFFF80] =	vst v5;
	v5 =	vmul.f32 v15, v12;
	v12 =	vld [tilespmem:s18+$0x0]  }
0x12d: {  	[tilespmem:s18+$0xFFFFFF90] =	vst v4;
	v4 =	vmul.f32 v10, v7;
	v10 =	vld [tilespmem:s18+$0x10]  }
0x12e: {  	[tilespmem:s18+$0xFFFFFFA0] =	vst v5;
	v5 =	vmul.f32 v13, v7;
	v13 =	vld [tilespmem:s18+$0x20]  }
0x12f: {  	[tilespmem:s18+$0xFFFFFFB8] =	vst v4;
	v4 =	vmul.f32 v14, v7;
	v14 =	vld [tilespmem:s18+$0x30]  }
0x130: {  	[tilespmem:s18+$0xFFFFFFC8] =	vst v5;
	v5 =	vmul.f32 v11, v7;
	v7 =	vld [tilespmem:s18+$0x48]  }
0x131: {  	v11 =	vld [tilespmem:s18+$0x58];
	[tilespmem:s18+$0xFFFFFFD8] =	vst v4;
	v4 =	vmul.f32 v12, v9  }
0x132: {  	[tilespmem:s18+$0xFFFFFFE8] =	vst v5;
	v5 =	vmul.f32 v10, v9;
	v10 =	vld [tilespmem:s18+$0x68]  }
0x133: {  	v12 =	vld [tilespmem:s18+$0x78];
	[tilespmem:s18+$0x0] =	vst v4;
	v4 =	vmul.f32 v13, v9  }
0x134: {  	[tilespmem:s18+$0x10] =	vst v5;
	v5 =	vmul.f32 v14, v9;
	v9 =	vld [tilespmem:s18+$0x90]  }
0x135: {  	[tilespmem:s18+$0x20] =	vst v4;
	v4 =	vmul.f32 v7, v6;
	v7 =	vld [tilespmem:s18+$0xA0]  }
0x136: {  	[tilespmem:s18+$0x30] =	vst v5;
	v5 =	vmul.f32 v11, v6;
	v11 =	vld [tilespmem:s18+$0xB0]  }
0x137: {  	[tilespmem:s18+$0x48] =	vst v4;
	v4 =	vmul.f32 v10, v6;
	v10 =	vld [tilespmem:s18+$0xC0]  }
0x138: {  	v6 =	vmul.f32 v12, v6;
	[tilespmem:s18+$0x58] =	vst v5;
	v5 =	vld [tilespmem:s18+$0xD8]  }
0x139: {  	v12 =	vld [tilespmem:s18+$0xF8];
	[tilespmem:s18+$0x68] =	vst v4;
	v9 =	vmul.f32 v9, v8  }
0x13a: {  	v4 =	vld [tilespmem:s18+$0xE8];
	[tilespmem:s18+$0x78] =	vst v6;
	v7 =	vmul.f32 v7, v8  }
0x13b: {  	v6 =	vmul.f32 v11, v8;
	[tilespmem:s18+$0x90] =	vst v9  }
0x13c: {  	v8 =	vmul.f32 v10, v8;
	[tilespmem:s18+$0xA0] =	vst v7  }
0x13d: {  	v5 =	vmul.f32 v5, v16;
	[tilespmem:s18+$0xB0] =	vst v6  }
0x13e: {  	v6 =	vmul.f32 v12, v16;
	[tilespmem:s18+$0xC0] =	vst v8  }
0x13f: {  	v4 =	vmul.f32 v4, v16;
	[tilespmem:s18+$0xD8] =	vst v5  }
0x140: {  	s9 =	sand.u32 $0x3FFFFF00, s0;
	[tilespmem:s18+$0xF8] =	vst v6  }
0x141: {  	s7 =	sadd.s32 $0x7900, s9;
	[tilespmem:s18+$0xE8] =	vst v4  }
0x142: {  	[spmem:s4] =	stream.indirect.scatter.add.f32 [tilespmem:s5], [sflag:$0x6], $0x48, s7, s21, $0xb8;
	[tilespmem:$0x15A10] =	vst v63  }
0x143: {  	p0 =	seq.s32 s16, $0x28;
	_ =	swait.ge [sflag:s17], $0x2400  }
0x144: {  	s10 =	simm.s32 $0x10;
	s8 =	simm.s32 @!p0 $0x80;
	[sflag:s17] =	ssyncset.done $0x0  }
0x145: {  	s9 =	simm.s32 @!p0 $0x0;
	s7 =	sadd.s32 @!p0 $0x5100, s0;
	[sflag:s17] =	ssyncadd.s32 $0xFFFFDC00  }
0x146: {  	[tilespmem:s9], [sflag:$0x2] =	stream.indirect.gather @!p0 [hbm4b:s6+s8], $0x48, s7, s8, $0xb8;
	[tilespmem:$0x15A10] =	vst v63  }
0x147: {  	s11 =	simm.s32 $0x0;
	s0 =	sadd.s32 @!p0 $0x7A00, s0;
	s7 =	simm.s32 @!p0 $0x4800  }
0x148: {  	v6 =	vor.u32 s11, v2;
	[tilespmem:s7], [sflag:$0x4] =	stream.indirect.gather @!p0 [hbm4b:s3+s8], $0x8, s0, s8, $0xb8;
	[tilespmem:$0x15A10] =	vst v63  }
0x149: {  	v5 =	vor.u32 s10, v2;
	v7 =	vmul.u32 $0x48, v6;
	_ =	swait.ge [sflag:s29], $0x2400  }
0x14a: {  	v4 =	vshll.u32 v5, $0x3;
	v8 =	vmul.u32 $0x48, v5;
	v5 =	vshll.u32 v6, $0x3;
	[sflag:s29] =	ssyncset.done $0x0  }
0x14b: {  	v7 =	vadd.s32 $0x40, v7;
	[sflag:s29] =	ssyncadd.s32 $0xFFFFDC00  }
0x14c: {  	_ =	swait.ge [sflag:s30], $0x400  }
0x14d: {  	v6 =	vadd.s32 $0x40, v8;
	[sflag:s30] =	ssyncset.done $0x0  }
0x14e: {  	[sflag:s30] =	ssyncadd.s32 $0xFFFFFC00  }
0x14f: {  	s13 =	simm.s32 $0x20;
	v12 =	vld.idx.msk [tilespmem:v5+s24+$0x0], $0xffff  }
0x150: {  	v8 =	vor.u32 s13, v2;
	v13 =	vld.idx.msk [tilespmem:v7+s23+$0x0], $0xffff  }
0x151: {  	v9 =	vmul.u32 $0x48, v8;
	v11 =	vld.idx.msk [tilespmem:v4+s24+$0x0], $0xffff  }
0x152: {  	s14 =	simm.s32 $0x30;
	v8 =	vshll.u32 v8, $0x3;
	v15 =	vld.idx.msk [tilespmem:v6+s23+$0x0], $0xffff  }
0x153: {  	v10 =	vor.u32 s14, v2;
	v14 =	vadd.s32 $0x40, v9  }
0x154: {  	v16 =	vmul.u32 $0x48, v10  }
0x155: {  	v10 =	vshll.u32 v10, $0x3;
	v12 =	vadd.f32 v12, v13  }
0x156: {  	v9 =	vadd.s32 $0x40, v16  }
0x157: {  	v16 =	vld.idx.msk [tilespmem:v8+s24+$0x0], $0xffff;
	v15 =	vadd.f32 v11, v15;
	v13 =	vmul.f32 $2.000000030e-01, v12  }
0x158: {  	s19 =	simm.s32 $0x40;
	v17 =	vld.idx.msk [tilespmem:v14+s23+$0x0], $0xffff  }
0x159: {  	v20 =	vor.u32 s19, v2;
	v21 =	vmul.f32 $2.000000030e-01, v15;
	v12 =	vmax.f32 v12, v13  }
0x15a: {  	v23 =	vmul.u32 $0x48, v20;
	s18 =	simm.s32 $0x50;
	v18 =	vld.idx.msk [tilespmem:v10+s24+$0x0], $0xffff;
	v13 =	vshll.u32 v20, $0x3;
	v20 =	vsub.f32 v12, v3  }
0x15b: {  	v19 =	vor.u32 s18, v2;
	v22 =	vld.idx.msk [tilespmem:v9+s23+$0x0], $0xffff;
	v15 =	vmax.f32 v15, v21  }
0x15c: {  	v11 =	vshll.u32 v19, $0x3;
	v15 =	vsub.f32 v15, v3;
	v20 =	vmul.f32 $1.442695020e+00, v20  }
0x15d: {  	v12 =	vadd.s32 $0x40, v23;
	v23 =	vadd.f32 v16, v17;
	v17 =	vmul.u32 $0x48, v19  }
0x15e: {  	v15 =	vmul.f32 $1.442695020e+00, v15;
	(erf) = vpow2.f32 v20  }
0x15f: {  	v17 =	vadd.s32 $0x40, v17  }
0x160: {  	v19 =	vadd.f32 v18, v22;
	(erf) = vpow2.f32 v15  }
0x161: {  	v16 =	vld.idx.msk [tilespmem:v11+s24+$0x0], $0xffff;
	v22 =	vmul.f32 $2.000000030e-01, v23  }
0x162: {  	v21 =	vmul.f32 $2.000000030e-01, v19;
	v18 =	vld.idx.msk [tilespmem:v13+s24+$0x0], $0xffff  }
0x163: {  	s7 =	simm.s32 $0x4;
	s8 =	simm.s32 $0x70;
	v22 =	vmax.f32 v23, v22;
	v20 =	vld.idx.msk [tilespmem:v12+s23+$0x0], $0xffff;
	v15 =	vmov v17  }
.LBB2_14:
0x164: {  	s0 =	sadd.s32 $0xFFFFFFF0, s8;
	v23 =	vor.u32 s8, v2;
	v24 =	vld.idx.msk [tilespmem:v17+s23+$0x0], $0xffff;
	v17 =	vsub.f32 v22, v3;
	v19 =	vmax.f32 v19, v21  }
0x165: {  	s7 =	sadd.s32 $0x2, s7;
	v21 =	vor.u32 s0, v2;
	v27 =	vmul.u32 $0x48, v23;
	v23 =	vshll.u32 v23, $0x3  }
0x166: {  	p0 =	slt.u32 s7, $0x6;
	v19 =	vsub.f32 v19, v3;
	v25 =	vmul.u32 $0x48, v21;
	v26 =	vmul.f32 $1.442695020e+00, v17  }
0x167: {  	v21 =	vshll.u32 v21, $0x3;
	v17 =	vadd.s32 $0x40, v27;
	v22 =	vpop (erf)  }
0x168: {  	v27 =	vmul.f32 $1.442695020e+00, v19;
	v25 =	vadd.s32 $0x40, v25;
	(erf) = vpow2.f32 v26;
	[tilespmem:v5+s28+$0x0] =	vst.idx.msk $0xffff, v22;
	v5 =	vmovc v8;
	v8 =	vmovc v13  }
.Ltmp8:
0x169: {  	s0 =	simm.s32 $0x2520;
	v26 =	vadd.f32 v18, v20;
	v13 =	vmov v21;
	[tilespmem:v7+s23+$0x0] =	vst.idx.msk $0xffff, v22;
	v18 =	vpop (erf);
	v7 =	vmov v14;
	(pc) =	sbr.rel @p0 .LBB2_14-.Ltmp8, $4  }
0x16a: {  	v19 =	vadd.f32 v16, v24;
	v16 =	vld.idx.msk [tilespmem:v23+s24+$0x0], $0xffff;
	(erf) = vpow2.f32 v27;
	[tilespmem:v4+s28+$0x0] =	vst.idx.msk $0xffff, v18;
	v4 =	vmov v10  }
0x16b: {  	v22 =	vmul.f32 $2.000000030e-01, v26;
	v10 =	vmovc v11;
	v11 =	vmovc v23;
	[tilespmem:v6+s23+$0x0] =	vst.idx.msk $0xffff, v18;
	v6 =	vmov v9;
	v9 =	vmov v15  }
0x16c: {  	v14 =	vmovc v12;
	v12 =	vmov v25;
	v15 =	vmov v17;
	v18 =	vld.idx.msk [tilespmem:v21+s24+$0x0], $0xffff;
	v21 =	vmul.f32 $2.000000030e-01, v19  }
0x16d: {  	s8 =	sadd.s32 $0x20, s8;
	v22 =	vmax.f32 v26, v22;
	v20 =	vld.idx.msk [tilespmem:v25+s23+$0x0], $0xffff  }
0x16e: {  	_ =	sdelay $0x3  }
0x16f: {  	v17 =	vld.idx.msk [tilespmem:v17+s23+$0x0], $0xffff;
	_ =	sdelay $0x2  }
0x170: {  	v18 =	vadd.f32 v18, v20  }
0x171: {  	v54 =	vsub.f32 v22, v3  }
0x172: {  	v19 =	vmax.f32 v19, v21;
	v16 =	vadd.f32 v16, v17;
	v55 =	vmul.f32 $2.000000030e-01, v18  }
0x173: {  	v19 =	vsub.f32 v19, v3;
	v20 =	vmul.f32 $1.442695020e+00, v54  }
0x174: {  	v56 =	vmul.f32 $2.000000030e-01, v16;
	v17 =	vmax.f32 v18, v55  }
0x175: {  	v57 =	vmul.f32 $1.442695020e+00, v19;
	(erf) = vpow2.f32 v20;
	v17 =	vsub.f32 v17, v3  }
0x176: {  	v16 =	vmax.f32 v16, v56  }
0x177: {  	(erf) = vpow2.f32 v57;
	v16 =	vsub.f32 v16, v3;
	v17 =	vmul.f32 $1.442695020e+00, v17;
	_ =	sdelay $0x1  }
0x178: {  	v16 =	vmul.f32 $1.442695020e+00, v16;
	(erf) = vpow2.f32 v17  }
0x179: {  	v58 =	vpop (erf)  }
0x17a: {  	[tilespmem:v5+s28+$0x0] =	vst.idx.msk $0xffff, v58;
	(erf) = vpow2.f32 v16  }
0x17b: {  	v5 =	vpop (erf);
	[tilespmem:v7+s23+$0x0] =	vst.idx.msk $0xffff, v58  }
0x17c: {  	[tilespmem:v4+s28+$0x0] =	vst.idx.msk $0xffff, v5  }
0x17d: {  	[tilespmem:v6+s23+$0x0] =	vst.idx.msk $0xffff, v5;
	v4 =	vpop (erf)  }
0x17e: {  	[tilespmem:v8+s28+$0x0] =	vst.idx.msk $0xffff, v4  }
0x17f: {  	v5 =	vpop (erf);
	[tilespmem:v14+s23+$0x0] =	vst.idx.msk $0xffff, v4  }
0x180: {  	s7 =	simm.s32 $0x0;
	[tilespmem:v10+s28+$0x0] =	vst.idx.msk $0xffff, v5  }
0x181: {  	s10 =	simm.s32 $0x38;
	[tilespmem:v9+s23+$0x0] =	vst.idx.msk $0xffff, v5;
	v5 =	vmov s7;
	v4 =	vpop (erf)  }
0x182: {  	v6 =	vmov s10;
	[tilespmem:v13+s28+$0x0] =	vst.idx.msk $0xffff, v4  }
0x183: {  	s11 =	simm.s32 $0x8;
	[tilespmem:v12+s23+$0x0] =	vst.idx.msk $0xffff, v4;
	v4 =	vpop (erf)  }
0x184: {  	s13 =	simm.s32 $0x10;
	v7 =	vmov s11;
	[tilespmem:v11+s28+$0x0] =	vst.idx.msk $0xffff, v4  }
0x185: {  	s8 =	simm.s32 $0x18;
	v8 =	vmov s13;
	[tilespmem:v15+s23+$0x0] =	vst.idx.msk $0xffff, v4  }
0x186: {  	v9 =	vmov s8;
	v10 =	vld.idx.msk [tilespmem:v5+s28+$0x0], $0xffff  }
0x187: {  	s14 =	simm.s32 $0x20;
	v4 =	vld.idx.msk [tilespmem:v6+s28+$0x0], $0xffff  }
0x188: {  	s19 =	simm.s32 $0x30;
	v5 =	vmov s14;
	v11 =	vld [tilespmem:s0+$0x108]  }
0x189: {  	v12 =	vmov s19;
	v7 =	vld.idx.msk [tilespmem:v7+s28+$0x0], $0xffff  }
0x18a: {  	v8 =	vld.idx.msk [tilespmem:v8+s28+$0x0], $0xffff  }
0x18b: {  	v9 =	vld.idx.msk [tilespmem:v9+s28+$0x0], $0xffff  }
0x18c: {  	v14 =	vld [tilespmem:s0+$0xFFFFFEF0]  }
0x18d: {  	v13 =	vld.idx.msk [tilespmem:v5+s28+$0x0], $0xffff  }
0x18e: {  	v5 =	vld.idx.msk [tilespmem:v12+s28+$0x0], $0xffff  }
0x18f: {  	v12 =	vld [tilespmem:s0+$0xFFFFFEE0]  }
0x190: {  	v15 =	vld [tilespmem:s0+$0xFFFFFF00]  }
0x191: {  	v59 =	vld [tilespmem:s0+$0xFFFFFF10]  }
0x192: {  	v17 =	vld [tilespmem:s0+$0xFFFFFF28]  }
0x193: {  	v60 =	vld [tilespmem:s0+$0xFFFFFF38];
	v11 =	vmul.f32 v11, v4  }
0x194: {  	v61 =	vld [tilespmem:s0+$0xFFFFFF80];
	v12 =	vmul.f32 v12, v10  }
0x195: {  	[tilespmem:s0+$0x108] =	vst v11;
	v11 =	vmul.f32 v14, v10;
	v14 =	vld [tilespmem:s0+$0xFFFFFF48]  }
0x196: {  	[tilespmem:s0+$0xFFFFFEE0] =	vst v12;
	v12 =	vmul.f32 v15, v10;
	v15 =	vld [tilespmem:s0+$0xFFFFFF58]  }
0x197: {  	[tilespmem:s0+$0xFFFFFEF0] =	vst v11;
	v11 =	vld [tilespmem:s0+$0xFFFFFF70];
	v10 =	vmul.f32 v59, v10  }
0x198: {  	s18 =	simm.s32 $0x28;
	v62 =	vld [tilespmem:s0+$0xFFFFFF90];
	[tilespmem:s0+$0xFFFFFF00] =	vst v12;
	v12 =	vmul.f32 v17, v7  }
0x199: {  	v6 =	vmov s18;
	v63 =	vld [tilespmem:s0+$0xFFFFFFE8];
	[tilespmem:s0+$0xFFFFFF10] =	vst v10;
	v10 =	vmul.f32 v60, v7  }
0x19a: {  	[tilespmem:s0+$0xFFFFFF28] =	vst v12;
	v12 =	vmul.f32 v14, v7;
	v14 =	vld [tilespmem:s0+$0xFFFFFFA0]  }
0x19b: {  	[tilespmem:s0+$0xFFFFFF38] =	vst v10;
	v10 =	vld [tilespmem:s0+$0xFFFFFFB8];
	v7 =	vmul.f32 v15, v7  }
0x19c: {  	v11 =	vmul.f32 v11, v8;
	[tilespmem:s0+$0xFFFFFF48] =	vst v12;
	v12 =	vld [tilespmem:s0+$0xFFFFFFC8]  }
0x19d: {  	v15 =	vld [tilespmem:s0+$0xFFFFFFD8];
	[tilespmem:s0+$0xFFFFFF58] =	vst v7;
	v7 =	vmul.f32 v61, v8  }
0x19e: {  	v6 =	vld.idx.msk [tilespmem:v6+s28+$0x0], $0xffff;
	[tilespmem:s0+$0xFFFFFF70] =	vst v11;
	v11 =	vmul.f32 v62, v8  }
0x19f: {  	[tilespmem:s0+$0xFFFFFF80] =	vst v7;
	v7 =	vmul.f32 v14, v8;
	v8 =	vld [tilespmem:s0+$0x0]  }
0x1a0: {  	[tilespmem:s0+$0xFFFFFF90] =	vst v11;
	v10 =	vmul.f32 v10, v9;
	v14 =	vld [tilespmem:s0+$0x10]  }
0x1a1: {  	[tilespmem:s0+$0xFFFFFFA0] =	vst v7;
	v7 =	vmul.f32 v12, v9;
	v12 =	vld [tilespmem:s0+$0x20]  }
0x1a2: {  	[tilespmem:s0+$0xFFFFFFB8] =	vst v10;
	v10 =	vmul.f32 v15, v9;
	v15 =	vld [tilespmem:s0+$0x30]  }
0x1a3: {  	[tilespmem:s0+$0xFFFFFFC8] =	vst v7;
	v7 =	vmul.f32 v63, v9;
	v9 =	vld [tilespmem:s0+$0x48]  }
0x1a4: {  	v11 =	vld [tilespmem:s0+$0x58];
	[tilespmem:s0+$0xFFFFFFD8] =	vst v10;
	v8 =	vmul.f32 v8, v13  }
0x1a5: {  	v10 =	vld [tilespmem:s0+$0x68];
	v14 =	vmul.f32 v14, v13;
	[tilespmem:s0+$0xFFFFFFE8] =	vst v7  }
0x1a6: {  	v7 =	vld [tilespmem:s0+$0x78];
	[tilespmem:s0+$0x0] =	vst v8;
	v12 =	vmul.f32 v12, v13  }
0x1a7: {  	[tilespmem:s0+$0x10] =	vst v14;
	v8 =	vld [tilespmem:s0+$0x90];
	v13 =	vmul.f32 v15, v13  }
0x1a8: {  	s9 =	simm.s32 $0x40;
	s8 =	simm.s32 $0x10;
	s7 =	simm.s32 $0x2520;
	[tilespmem:s0+$0x20] =	vst v12;
	v12 =	vmul.f32 v9, v6;
	v9 =	vld [tilespmem:s0+$0xA0]  }
.LBB2_16:
0x1a9: {  	p0 =	slt.u32 s8, $0x78;
	v14 =	vmov s9;
	s10 =	sadd.s32 $0x8, s9;
	s11 =	sadd.s32 $0x38, s9;
	[tilespmem:s0+$0x30] =	vst v13;
	v11 =	vmul.f32 v11, v6;
	v13 =	vld [tilespmem:s0+$0xB0]  }
0x1aa: {  	s13 =	sadd.s32 $0x18, s9;
	s14 =	sadd.s32 $0x20, s9;
	v15 =	vmov s10;
	s10 =	sadd.s32 $0x10, s9;
	v16 =	vmov s11;
	[tilespmem:s0+$0x48] =	vst v12;
	v10 =	vmul.f32 v10, v6;
	v12 =	vld [tilespmem:s0+$0xC0]  }
0x1ab: {  	v18 =	vmov s13;
	v19 =	vmov s14;
	v17 =	vmov s10;
	s10 =	sadd.s32 $0x28, s9;
	s9 =	sadd.s32 $0x30, s9;
	[tilespmem:s0+$0x58] =	vst v11;
	v11 =	vld [tilespmem:s0+$0xD8]  }
0x1ac: {  	v6 =	vmul.f32 v7, v6;
	v20 =	vmov s10;
	v21 =	vmov s9;
	[tilespmem:s0+$0x68] =	vst v10;
	v7 =	vld [tilespmem:s0+$0xE8]  }
0x1ad: {  	v8 =	vmul.f32 v8, v5;
	v9 =	vmul.f32 v9, v5;
	v10 =	vld [tilespmem:s0+$0xF8]  }
0x1ae: {  	v14 =	vld.idx.msk [tilespmem:v14+s28+$0x0], $0xffff;
	[tilespmem:s0+$0x78] =	vst v6;
	v6 =	vmul.f32 v13, v5  }
0x1af: {  	s0 =	sadd.s32 $0x240, s0;
	v13 =	vld.idx.msk [tilespmem:v16+s28+$0x0], $0xffff;
	[tilespmem:s7+$0x90] =	vst v8;
	v5 =	vmul.f32 v12, v5  }
0x1b0: {  	v8 =	vld [tilespmem:s0+$0x108];
	[tilespmem:s7+$0xA0] =	vst v9;
	v9 =	vmul.f32 v11, v4  }
0x1b1: {  	v11 =	vld.idx.msk [tilespmem:v15+s28+$0x0], $0xffff;
	[tilespmem:s7+$0xB0] =	vst v6;
	v6 =	vmul.f32 v7, v4  }
0x1b2: {  	v7 =	vld.idx.msk [tilespmem:v17+s28+$0x0], $0xffff;
	[tilespmem:s7+$0xC0] =	vst v5;
	v5 =	vmul.f32 v10, v4  }
0x1b3: {  	v10 =	vld.idx.msk [tilespmem:v18+s28+$0x0], $0xffff;
	[tilespmem:s7+$0xD8] =	vst v9  }
0x1b4: {  	v9 =	vld.idx.msk [tilespmem:v19+s28+$0x0], $0xffff;
	[tilespmem:s7+$0xE8] =	vst v6  }
0x1b5: {  	v4 =	vmov v13;
	v6 =	vld.idx.msk [tilespmem:v20+s28+$0x0], $0xffff;
	v8 =	vmul.f32 v8, v13;
	[tilespmem:s7+$0xF8] =	vst v5;
	s7 =	smov.u32 s0  }
0x1b6: {  	v5 =	vld.idx.msk [tilespmem:v21+s28+$0x0], $0xffff  }
0x1b7: {  	v12 =	vld [tilespmem:s0+$0xFFFFFEE0];
	[tilespmem:s0+$0x108] =	vst v8  }
0x1b8: {  	v8 =	vld [tilespmem:s0+$0xFFFFFEF0]  }
0x1b9: {  	v13 =	vld [tilespmem:s0+$0xFFFFFF00]  }
0x1ba: {  	v15 =	vld [tilespmem:s0+$0xFFFFFF10]  }
0x1bb: {  	v16 =	vld [tilespmem:s0+$0xFFFFFF28]  }
0x1bc: {  	v12 =	vmul.f32 v12, v14;
	v17 =	vld [tilespmem:s0+$0xFFFFFF38]  }
0x1bd: {  	v8 =	vmul.f32 v8, v14;
	v18 =	vld [tilespmem:s0+$0xFFFFFF48]  }
0x1be: {  	[tilespmem:s0+$0xFFFFFEE0] =	vst v12;
	v12 =	vmul.f32 v13, v14;
	v13 =	vld [tilespmem:s0+$0xFFFFFF58]  }
0x1bf: {  	[tilespmem:s0+$0xFFFFFEF0] =	vst v8;
	v8 =	vmul.f32 v15, v14;
	v14 =	vld [tilespmem:s0+$0xFFFFFF70]  }
0x1c0: {  	[tilespmem:s0+$0xFFFFFF00] =	vst v12;
	v12 =	vmul.f32 v16, v11;
	v15 =	vld [tilespmem:s0+$0xFFFFFF80]  }
0x1c1: {  	[tilespmem:s0+$0xFFFFFF10] =	vst v8;
	v8 =	vmul.f32 v17, v11;
	v16 =	vld [tilespmem:s0+$0xFFFFFF90]  }
0x1c2: {  	[tilespmem:s0+$0xFFFFFF28] =	vst v12;
	v12 =	vmul.f32 v18, v11;
	v17 =	vld [tilespmem:s0+$0xFFFFFFA0]  }
0x1c3: {  	[tilespmem:s0+$0xFFFFFF38] =	vst v8;
	v8 =	vmul.f32 v13, v11;
	v11 =	vld [tilespmem:s0+$0xFFFFFFB8]  }
0x1c4: {  	[tilespmem:s0+$0xFFFFFF48] =	vst v12;
	v12 =	vmul.f32 v14, v7;
	v13 =	vld [tilespmem:s0+$0xFFFFFFC8]  }
0x1c5: {  	[tilespmem:s0+$0xFFFFFF58] =	vst v8;
	v8 =	vmul.f32 v15, v7;
	v14 =	vld [tilespmem:s0+$0xFFFFFFD8]  }
0x1c6: {  	[tilespmem:s0+$0xFFFFFF70] =	vst v12;
	v12 =	vmul.f32 v16, v7;
	v15 =	vld [tilespmem:s0+$0xFFFFFFE8]  }
0x1c7: {  	[tilespmem:s0+$0xFFFFFF80] =	vst v8;
	v7 =	vmul.f32 v17, v7;
	v8 =	vld [tilespmem:s0+$0x0]  }
0x1c8: {  	[tilespmem:s0+$0xFFFFFF90] =	vst v12;
	v11 =	vmul.f32 v11, v10;
	v12 =	vld [tilespmem:s0+$0x10]  }
0x1c9: {  	[tilespmem:s0+$0xFFFFFFA0] =	vst v7;
	v7 =	vmul.f32 v13, v10;
	v13 =	vld [tilespmem:s0+$0x20]  }
0x1ca: {  	[tilespmem:s0+$0xFFFFFFB8] =	vst v11;
	v11 =	vmul.f32 v14, v10;
	v14 =	vld [tilespmem:s0+$0x30]  }
0x1cb: {  	[tilespmem:s0+$0xFFFFFFC8] =	vst v7;
	v7 =	vmul.f32 v15, v10;
	v15 =	vld [tilespmem:s0+$0x48]  }
.Ltmp9:
0x1cc: {  	[tilespmem:s0+$0xFFFFFFD8] =	vst v11;
	v8 =	vmul.f32 v8, v9;
	v11 =	vld [tilespmem:s0+$0x58];
	(pc) =	sbr.rel @p0 .LBB2_16-.Ltmp9, $4  }
0x1cd: {  	[tilespmem:s0+$0xFFFFFFE8] =	vst v7;
	v12 =	vmul.f32 v12, v9;
	v10 =	vld [tilespmem:s0+$0x68]  }
0x1ce: {  	[tilespmem:s0+$0x0] =	vst v8;
	v16 =	vmul.f32 v13, v9;
	v7 =	vld [tilespmem:s0+$0x78]  }
0x1cf: {  	[tilespmem:s0+$0x10] =	vst v12;
	v13 =	vmul.f32 v14, v9;
	v8 =	vld [tilespmem:s0+$0x90]  }
0x1d0: {  	s9 =	sshll.u32 s8, $0x3;
	s8 =	sadd.s32 $0x8, s8;
	[tilespmem:s0+$0x20] =	vst v16;
	v12 =	vmul.f32 v15, v6;
	v9 =	vld [tilespmem:s0+$0xA0]  }
0x1d1: {  	v15 =	vld [tilespmem:s0+$0xB0]  }
0x1d2: {  	v17 =	vld [tilespmem:s0+$0xC0]  }
0x1d3: {  	v18 =	vld [tilespmem:s0+$0xD8]  }
0x1d4: {  	v20 =	vld [tilespmem:s0+$0xE8]  }
0x1d5: {  	v22 =	vld [tilespmem:s0+$0xF8];
	s18 =	sadd.s32 $0x240, s0  }
0x1d6: {  	v26 =	vld [tilespmem:s18+$0x108]  }
0x1d7: {  	v31 =	vld [tilespmem:s18+$0xFFFFFEE0]  }
0x1d8: {  	v33 =	vld [tilespmem:s18+$0xFFFFFEF0]  }
0x1d9: {  	v14 =	vmov s9;
	[tilespmem:s0+$0x30] =	vst v13;
	v11 =	vmul.f32 v11, v6;
	v35 =	vld [tilespmem:s18+$0xFFFFFF10]  }
0x1da: {  	s8 =	sadd.s32 $0x38, s9;
	[tilespmem:s0+$0x48] =	vst v12;
	v10 =	vmul.f32 v10, v6;
	v37 =	vld [tilespmem:s18+$0xFFFFFF28]  }
0x1db: {  	s11 =	sadd.s32 $0x10, s9;
	v16 =	vmov s8;
	v38 =	vld [tilespmem:s18+$0xFFFFFF38];
	[tilespmem:s0+$0x58] =	vst v11;
	v8 =	vmul.f32 v8, v5  }
0x1dc: {  	v21 =	vmov s11;
	v39 =	vld [tilespmem:s18+$0xFFFFFF48];
	[tilespmem:s0+$0x68] =	vst v10;
	v27 =	vmul.f32 v9, v5  }
0x1dd: {  	s10 =	sadd.s32 $0x8, s9;
	v41 =	vld [tilespmem:s18+$0xFFFFFF70];
	v29 =	vmul.f32 v15, v5;
	[tilespmem:s7+$0x90] =	vst v8  }
0x1de: {  	v19 =	vmov s10;
	v14 =	vld.idx.msk [tilespmem:v14+s28+$0x0], $0xffff;
	v5 =	vmul.f32 v17, v5;
	[tilespmem:s7+$0xA0] =	vst v27  }
0x1df: {  	s14 =	sadd.s32 $0x28, s9;
	v42 =	vld [tilespmem:s18+$0xFFFFFF80];
	v32 =	vmul.f32 v18, v4;
	[tilespmem:s7+$0xB0] =	vst v29  }
0x1e0: {  	v25 =	vmov s14;
	v34 =	vmul.f32 v20, v4;
	v16 =	vld.idx.msk [tilespmem:v16+s28+$0x0], $0xffff;
	[tilespmem:s7+$0xC0] =	vst v5  }
0x1e1: {  	v4 =	vmul.f32 v22, v4;
	v63 =	vld.idx.msk [tilespmem:v21+s28+$0x0], $0xffff;
	[tilespmem:s7+$0xD8] =	vst v32  }
0x1e2: {  	v21 =	vmul.f32 v7, v6;
	v5 =	vld [tilespmem:s18+$0xFFFFFF00];
	[tilespmem:s7+$0xE8] =	vst v34  }
0x1e3: {  	v19 =	vld.idx.msk [tilespmem:v19+s28+$0x0], $0xffff;
	[tilespmem:s7+$0xF8] =	vst v4;
	v4 =	vmul.f32 v31, v14  }
0x1e4: {  	v56 =	vld [tilespmem:s18+$0x78];
	[tilespmem:s0+$0x78] =	vst v21;
	v11 =	vmul.f32 v33, v14  }
0x1e5: {  	v28 =	vld.idx.msk [tilespmem:v25+s28+$0x0], $0xffff;
	v40 =	vmul.f32 v35, v14;
	[tilespmem:s18+$0xFFFFFEE0] =	vst v4  }
0x1e6: {  	s10 =	sadd.s32 $0x18, s9;
	v43 =	vld [tilespmem:s18+$0xFFFFFF90];
	v36 =	vmul.f32 v26, v16;
	[tilespmem:s18+$0xFFFFFEF0] =	vst v11  }
0x1e7: {  	v23 =	vmov s10;
	v4 =	vmul.f32 v5, v14;
	v5 =	vld [tilespmem:s18+$0xFFFFFF58];
	[tilespmem:s18+$0xFFFFFF10] =	vst v40  }
0x1e8: {  	v44 =	vld [tilespmem:s18+$0xFFFFFFA0];
	v6 =	vmul.f32 v38, v19;
	[tilespmem:s18+$0x108] =	vst v36  }
0x1e9: {  	v45 =	vld [tilespmem:s18+$0xFFFFFFB8];
	[tilespmem:s18+$0xFFFFFF00] =	vst v4;
	v4 =	vmul.f32 v37, v19  }
0x1ea: {  	s13 =	sadd.s32 $0x20, s9;
	v46 =	vld [tilespmem:s18+$0xFFFFFFC8];
	v9 =	vmul.f32 v56, v28;
	[tilespmem:s18+$0xFFFFFF38] =	vst v6  }
0x1eb: {  	v24 =	vmov s13;
	v47 =	vld [tilespmem:s18+$0xFFFFFFD8];
	[tilespmem:s18+$0xFFFFFF28] =	vst v4;
	v4 =	vmul.f32 v39, v19  }
0x1ec: {  	v23 =	vld.idx.msk [tilespmem:v23+s28+$0x0], $0xffff;
	[tilespmem:s18+$0x78] =	vst v9;
	v5 =	vmul.f32 v5, v19  }
0x1ed: {  	v48 =	vld [tilespmem:s18+$0xFFFFFFE8];
	[tilespmem:s18+$0xFFFFFF48] =	vst v4;
	v4 =	vmul.f32 v41, v63  }
0x1ee: {  	v49 =	vld [tilespmem:s18+$0x0];
	[tilespmem:s18+$0xFFFFFF58] =	vst v5;
	v5 =	vmul.f32 v42, v63  }
0x1ef: {  	v50 =	vld [tilespmem:s18+$0x10];
	[tilespmem:s18+$0xFFFFFF70] =	vst v4;
	v4 =	vmul.f32 v43, v63  }
0x1f0: {  	v24 =	vld.idx.msk [tilespmem:v24+s28+$0x0], $0xffff;
	[tilespmem:s18+$0xFFFFFF80] =	vst v5;
	v5 =	vmul.f32 v44, v63  }
0x1f1: {  	s19 =	sadd.s32 $0x30, s9;
	v51 =	vld [tilespmem:s18+$0x20];
	[tilespmem:s18+$0xFFFFFF90] =	vst v4;
	v4 =	vmul.f32 v45, v23  }
0x1f2: {  	v62 =	vmov s19;
	v52 =	vld [tilespmem:s18+$0x30];
	[tilespmem:s18+$0xFFFFFFA0] =	vst v5;
	v5 =	vmul.f32 v46, v23  }
0x1f3: {  	v53 =	vld [tilespmem:s18+$0x48];
	[tilespmem:s18+$0xFFFFFFB8] =	vst v4;
	v4 =	vmul.f32 v47, v23  }
0x1f4: {  	v54 =	vld [tilespmem:s18+$0x58];
	[tilespmem:s18+$0xFFFFFFC8] =	vst v5;
	v5 =	vmul.f32 v48, v23  }
0x1f5: {  	v55 =	vld [tilespmem:s18+$0x68];
	[tilespmem:s18+$0xFFFFFFD8] =	vst v4;
	v4 =	vmul.f32 v49, v24  }
0x1f6: {  	v57 =	vld [tilespmem:s18+$0x90];
	[tilespmem:s18+$0xFFFFFFE8] =	vst v5;
	v5 =	vmul.f32 v50, v24  }
0x1f7: {  	v30 =	vld.idx.msk [tilespmem:v62+s28+$0x0], $0xffff;
	[tilespmem:s18+$0x0] =	vst v4;
	v4 =	vmul.f32 v51, v24  }
0x1f8: {  	v58 =	vld [tilespmem:s18+$0xA0];
	[tilespmem:s18+$0x10] =	vst v5;
	v5 =	vmul.f32 v52, v24  }
0x1f9: {  	v59 =	vld [tilespmem:s18+$0xB0];
	[tilespmem:s18+$0x20] =	vst v4;
	v4 =	vmul.f32 v53, v28  }
0x1fa: {  	v60 =	vld [tilespmem:s18+$0xC0];
	[tilespmem:s18+$0x30] =	vst v5;
	v5 =	vmul.f32 v54, v28  }
0x1fb: {  	v61 =	vld [tilespmem:s18+$0xF8];
	[tilespmem:s18+$0x48] =	vst v4;
	v4 =	vmul.f32 v55, v28  }
0x1fc: {  	v10 =	vmul.f32 v57, v30;
	[tilespmem:s18+$0x58] =	vst v5;
	v5 =	vld [tilespmem:s18+$0xD8]  }
0x1fd: {  	v7 =	vmul.f32 v58, v30;
	[tilespmem:s18+$0x68] =	vst v4;
	v4 =	vld [tilespmem:s18+$0xE8]  }
0x1fe: {  	v62 =	vmul.f32 v59, v30;
	[tilespmem:s18+$0x90] =	vst v10  }
0x1ff: {  	v6 =	vmul.f32 v60, v30;
	[tilespmem:s18+$0xA0] =	vst v7  }
0x200: {  	[tilespmem:s18+$0xB0] =	vst v62;
	v63 =	vmul.f32 v61, v16  }
0x201: {  	[tilespmem:s18+$0xC0] =	vst v6;
	v5 =	vmul.f32 v5, v16  }
0x202: {  	[tilespmem:s18+$0xF8] =	vst v63;
	v4 =	vmul.f32 v4, v16  }
0x203: {  	s16 =	sadd.s32 $0x1, s16;
	[tilespmem:s18+$0xD8] =	vst v5  }
0x204: {  	p0 =	sne.s32 s16, $0x29;
	[tilespmem:s18+$0xE8] =	vst v4  }
0x205: {  	[spmem:s4] =	stream.indirect.scatter.add.f32 [tilespmem:s23], [sflag:$0x6], $0x48, s1, s21, $0xb8;
	[tilespmem:$0x15A10] =	vst v63  }
.Ltmp10:
0x206: {  	_ = 	snop;
	(pc) =	sbr.rel @p0 .LBB2_6-.Ltmp10, $4  }
.Ltmp11:
0x207: {  	_ = 	snop;
	(pc) =	sbr.rel @!p0 .LBB2_18-.Ltmp11, $4  }
0x208: {  	_ =	swait.ge [sflag:s17], $0x2400  }
0x209: {  	[sflag:s17] =	ssyncset.done $0x0  }
0x20a: {  	[sflag:s17] =	ssyncadd.s32 $0xFFFFDC00  }
0x20b: {  	_ = 	snop  }
.LBB2_9:
.Ltmp12:
0x20c: {  	(pc) =	sbr.rel .LBB2_13-.Ltmp12, $2  }
0x20d: {  	_ =	sdelay $0x2  }
0x20e: {  	s8 =	simm.s32 $0x120  }
.LBB2_11:
.Ltmp13:
0x20f: {  	(pc) =	sbr.rel .LBB2_13-.Ltmp13, $2  }
0x210: {  	_ =	sdelay $0x2  }
0x211: {  	s8 =	simm.s32 $0x120;
	s7 =	simm.s32 $0x120  }
.LBB2_19:
0x212: {  	_ =	sfence.sel $0x180000  }
0x213: {  	[bflag:$0x0] =	sbarrier.arrive $0xFFFF  }
0x214: {  	_ =	strace $0x9000004A  }
0x215: {  	s0 =	stileid.u32;
	[bflag:$0x2] =	sbarrier.arrive $0xFFFF  }
0x216: {  	p0 =	sne.s32 s0, $0x0;
	s0 =	rddreg [dreg:$0x3]  }
0x217: {  	s0 =	sadd.s32 @!p0 $0x100000, s0  }
0x218: {  	[sflag:s0] =	ssyncadd.tile.s32 @!p0 $0x1;
	_ =	shalt  }
.Lfunc_end2:
_tile_overlayer_lowered:
.L_overlay_start_2:
0x219: {  	(tag) =	ssettag $0x2  }
0x21a: {  	s0 =	rddreg [dreg:$0x0];
	s2 =	stileid.u32  }
0x21b: {  	s1 =	rddreg [dreg:$0x1];
	p0 =	sne.s32 s2, $0x0  }
0x21c: {  	s3 =	rddreg [dreg:$0x2];
	[bflag:$0x3] =	sbarrier.arrive $0xFFFF;
	s2 =	simm.s32 @!p0 $0x1C06  }
0x21d: {  	[timem:s3], [sflag:s2] =	dma.local @!p0 [hbm:s0], s1  }
0x21e: {  	s0 =	simm.s32 @!p0 $0x6  }
0x21f: {  	_ =	swait.ge @!p0 [sflag:s0], s1  }
0x220: {  	s1 =	ssub.s32 @!p0 $0x0, s1;
	[sflag:s0] =	ssyncset.done @!p0 $0x0  }
0x221: {  	[sflag:s0] =	ssyncadd.s32 @!p0 s1  }
0x222: {  	[bflag:$0x3] =	sbarrier.arrive $0xFFFF  }
0x223: {  	_ =	shalt  }

// kernel: kernel.7.cloned.1.call-start
scs
__scs_entry_jumppad:
0x0: {  	(pc) =	sbr.rel $0x88, $3  }
0x1: {  	(tag) =	ssettag $0x0;
	lr =	simm.s32 $0x1  }
0x2: {  	[smem:$0x3F95] =	sst lr;
	_ =	strace $0xD0000000  }
0x3: {  	_ = 	snop  }
0x4: {  	_ = 	snop  }
0x5: {  	_ = 	snop  }
0x6: {  	_ = 	snop  }
0x7: {  	_ = 	snop  }
__scs_overlays_trampoline_lowered:
0x8: {  	[smem:$0x3FA4] =	sst s0  }
0x9: {  	[smem:$0x3FA5] =	sst s1  }
0xa: {  	[smem:$0x3FA6] =	sst s2  }
0xb: {  	[smem:$0x3FA7] =	sst s3  }
0xc: {  	[smem:$0x3FA8] =	sst s4  }
0xd: {  	[smem:$0x3FA9] =	sst s5  }
0xe: {  	[smem:$0x3FAA] =	sst s6  }
0xf: {  	[smem:$0x3FAB] =	sst s7  }
0x10: {  	[smem:$0x3FAC] =	sst s8  }
0x11: {  	[smem:$0x3FAD] =	sst s9;
	s0 =	simm.s32 @!p0 $0x0  }
0x12: {  	s1 =	sld [smem:$0x3F93];
	s0 =	simm.s32 @p0 $0x1  }
0x13: {  	[smem:$0x3FAE] =	sst s0;
	s0 =	simm.s32 @!p1 $0x0  }
0x14: {  	s2 =	sld [smem:$0x3F92];
	s0 =	simm.s32 @p1 $0x1  }
0x15: {  	[smem:$0x3FAF] =	sst s0;
	s0 =	simm.s32 @!p2 $0x0  }
0x16: {  	s3 =	sld [smem:$0x3FDB];
	s0 =	simm.s32 @p2 $0x1  }
0x17: {  	s4 =	simm.s32 $0x1BF5;
	[smem:$0x3FB1] =	sst s0  }
0x18: {  	s0 =	sld [smem:$0x3F94];
	_ =	swait.ge [sflag:s4], $0x0  }
0x19: {  	s7 =	sld [smem:$0x3F95]  }
0x1a: {  	s8 =	sadd.s32 $0xFFFFE003, lr  }
0x1b: {  	s9 =	sadd.s32 $0xFFFFFEF7, lr;
	s5 =	simm.s32 $0xFFFFFFFF;
	p2 =	slt.u32 s8, $0xFFFFF086  }
0x1c: {  	p1 =	slt.u32 s9, $0xF7A;
	s5 =	simm.s32 @!p2 $0x0  }
0x1d: {  	s5 =	simm.s32 @p1 $0x1;
	p0 =	seq.s32 s7, s2  }
0x1e: {  	s7 =	smul.u32 @!p0 $0xF7A, s2;
	p2 =	seq.s32 @!p0 s5, $0x0  }
0x1f: {  	s9 =	smul.u32 $0xF7A, s1;
	s8 =	simm.s32 @!p0 $0x1BF5;
	p2 =	por !p2, p0  }
0x20: {  	[sflag:s8] =	ssyncset.s32 @!p0 $0xFFFFF086;
	s6 =	sadd.s32 @!p0 s3, s7;
	s7 =	simm.s32 @!p0 $0x108  }
0x21: {  	s3 =	sadd.s32 s3, s9;
	s6 =	sadd.s32 @!p0 $0x88, s6;
	s7 =	simm.s32 @p2 $0x1082  }
0x22: {  	[simem:s7], [sflag:s8] =	dma.local @!p0 [hbm:s6], $0xF7A  }
0x23: {  	s9 =	sor.u32 $0xD0000000, s2;
	s6 =	simm.s32 $0x108;
	_ =	swait.ge @!p0 [sflag:s8], $0x0  }
0x24: {  	s3 =	sadd.s32 $0x88, s3;
	s6 =	simm.s32 @!p1 $0x1082;
	[sflag:s4] =	ssyncset.s32 $0xFFFFF086  }
0x25: {  	[simem:s6], [sflag:s4] =	dma.local [hbm:s3], $0xF7A  }
0x26: {  	[smem:$0x3F95] =	sst s1;
	(tag) =	ssettag s2;
	_ =	strace s9  }
0x27: {  	s1 =	sld [smem:$0x3FA5]  }
0x28: {  	s2 =	sld [smem:$0x3FA6]  }
0x29: {  	s4 =	sld [smem:$0x3FA8]  }
0x2a: {  	p0 =	seq.s32 s5, $0x0;
	s5 =	sld [smem:$0x3FA9]  }
0x2b: {  	s6 =	sld [smem:$0x3FAA]  }
0x2c: {  	s7 =	sld [smem:$0x3FAB]  }
0x2d: {  	s3 =	simm.s32 $0x108;
	s8 =	sld [smem:$0x3FAC]  }
0x2e: {  	s3 =	simm.s32 @!p0 $0x1082;
	s9 =	sld [smem:$0x3FAD]  }
0x2f: {  	lr =	sadd.s32 s0, s3;
	s0 =	sld [smem:$0x3FA4]  }
0x30: {  	s3 =	sld [smem:$0x3FA7]  }
0x31: {  	[smem:$0x3FB0] =	sst s10  }
0x32: {  	s10 =	sld [smem:$0x3FAE];
	_ =	sdelay $0x3  }
0x33: {  	p0 =	seq.s32 s10, $0x1;
	s10 =	sld [smem:$0x3FB0];
	_ =	sdelay $0x3  }
0x34: {  	[smem:$0x3FB0] =	sst s10  }
0x35: {  	s10 =	sld [smem:$0x3FAF];
	_ =	sdelay $0x3  }
0x36: {  	p1 =	seq.s32 s10, $0x1;
	s10 =	sld [smem:$0x3FB0];
	_ =	sdelay $0x3  }
0x37: {  	[smem:$0x3FB0] =	sst s10  }
0x38: {  	s10 =	sld [smem:$0x3FB1]  }
0x39: {  	_ = 	snop;
	(pc) =	sbr.ind lr, $3  }
0x3a: {  	_ = 	snop  }
0x3b: {  	_ = 	snop  }
0x3c: {  	p2 =	seq.s32 s10, $0x1;
	s10 =	sld [smem:$0x3FB0]  }
0x3d: {  	_ =	shalt  }
0x3e: {  	_ =	shalt  }
0x3f: {  	_ =	shalt  }
0x40: {  	_ =	shalt  }
0x41: {  	_ =	shalt  }
0x42: {  	_ =	shalt  }
0x43: {  	_ =	shalt  }
0x44: {  	_ =	shalt  }
0x45: {  	_ =	shalt  }
0x46: {  	_ =	shalt  }
0x47: {  	_ =	shalt  }
0x48: {  	_ =	shalt  }
0x49: {  	_ =	shalt  }
0x4a: {  	_ =	shalt  }
0x4b: {  	_ =	shalt  }
0x4c: {  	_ =	shalt  }
0x4d: {  	_ =	shalt  }
0x4e: {  	_ =	shalt  }
0x4f: {  	_ =	shalt  }
0x50: {  	_ =	shalt  }
0x51: {  	_ =	shalt  }
0x52: {  	_ =	shalt  }
0x53: {  	_ =	shalt  }
0x54: {  	_ =	shalt  }
0x55: {  	_ =	shalt  }
0x56: {  	_ =	shalt  }
0x57: {  	_ =	shalt  }
0x58: {  	_ =	shalt  }
0x59: {  	_ =	shalt  }
0x5a: {  	_ =	shalt  }
0x5b: {  	_ =	shalt  }
0x5c: {  	_ =	shalt  }
0x5d: {  	_ =	shalt  }
0x5e: {  	_ =	shalt  }
0x5f: {  	_ =	shalt  }
0x60: {  	_ =	shalt  }
0x61: {  	_ =	shalt  }
0x62: {  	_ =	shalt  }
0x63: {  	_ =	shalt  }
0x64: {  	_ =	shalt  }
0x65: {  	_ =	shalt  }
0x66: {  	_ =	shalt  }
0x67: {  	_ =	shalt  }
0x68: {  	_ =	shalt  }
0x69: {  	_ =	shalt  }
0x6a: {  	_ =	shalt  }
0x6b: {  	_ =	shalt  }
0x6c: {  	_ =	shalt  }
0x6d: {  	_ =	shalt  }
0x6e: {  	_ =	shalt  }
0x6f: {  	_ =	shalt  }
0x70: {  	_ =	shalt  }
0x71: {  	_ =	shalt  }
0x72: {  	_ =	shalt  }
0x73: {  	_ =	shalt  }
0x74: {  	_ =	shalt  }
0x75: {  	_ =	shalt  }
0x76: {  	_ =	shalt  }
0x77: {  	_ =	shalt  }
0x78: {  	_ =	shalt  }
0x79: {  	_ =	shalt  }
0x7a: {  	_ =	shalt  }
0x7b: {  	_ =	shalt  }
0x7c: {  	_ =	shalt  }
0x7d: {  	_ =	shalt  }
0x7e: {  	_ =	shalt  }
0x7f: {  	_ =	shalt  }
0x80: {  	_ =	shalt  }
0x81: {  	_ =	shalt  }
0x82: {  	_ =	shalt  }
0x83: {  	_ =	shalt  }
0x84: {  	_ =	shalt  }
0x85: {  	_ =	shalt  }
0x86: {  	_ =	shalt  }
0x87: {  	_ =	shalt  }
.Lfunc_end0:
.L_simem_size_0:
called_computation_lowered:
.L_overlay_start_0:
0x88: {  	s2 =	sld [smem:$0x3FD9]  }
0x89: {  	s3 =	sld [smem:$0x3FFE];
	_ =	sdelay $0x1  }
0x8a: {  	s1 =	srdreg.scid  }
0x8b: {  	s0 =	sand.u32 $0x1, s1  }
0x8c: {  	s17 =	sshll.u32 s0, $0xA;
	s2 =	sadd.s32 s3, s2  }
0x8d: {  	s2 =	sadd.s32 s2, s17  }
0x8e: {  	[smem:$0x3FBC] =	sst s2  }
0x8f: {  	_ = 	snop  }
0x90: {  	s2 =	sld [smem:$0x3FD0];
	(tm) =	ssettm $0x1  }
0x91: {  	s18 =	sld [smem:$0x3FFB];
	_ =	sdelay $0x3  }
0x92: {  	_ =	strace s18  }
0x93: {  	s3 =	sld [smem:$0x3FFC];
	_ =	sdelay $0x3  }
0x94: {  	_ =	strace s3  }
0x95: {  	s3 =	sld [smem:$0x3FFD];
	_ =	sdelay $0x3  }
0x96: {  	_ =	strace s3  }
0x97: {  	_ =	strace $0x8FFFFFFF  }
0x98: {  	s19 =	sld [smem:$0x3FDB];
	_ =	sdelay $0x1  }
0x99: {  	s4 =	simm.s32 $_scs_section_size  }
0x9a: {  	s5 =	simm.s32 $_size__tile_overlayer_lowered;
	s6 =	simm.s32 $_tile_overlayer_lowered  }
0x9b: {  	s22 =	simm.s32 $0x1BFF;
	s21 =	sshll.u32 s6, $0x1;
	s3 =	sadd.s32 s4, s19  }
0x9c: {  	s7 =	simm.s32 $0x0;
	s20 =	sshll.u32 s5, $0x1;
	s5 =	sadd.s32 s21, s3  }
0x9d: {  	[timem:s7], [sflag:s22] =	dma.local [hbm:s5], s20  }
0x9e: {  	_ =	swait.ge [sflag:s22], s20  }
0x9f: {  	s4 =	ssub.s32 $0x0, s20;
	[sflag:s22] =	ssyncset.done $0x0  }
0xa0: {  	[sflag:s22] =	ssyncadd.s32 s4;
	_ =	sdelay $0x1  }
0xa1: {  	s23 =	simm.s32 $0x1B8B  }
0xa2: {  	_ =	swait.ge [sflag:s23], $0x1  }
0xa3: {  	[sflag:s23] =	ssyncset.done $0x0  }
0xa4: {  	s25 =	simm.s32 $0x1B8E;
	s24 =	sld [smem:$0x3FFE];
	[sflag:s23] =	ssyncadd.s32 $0xFFFFFFFF  }
0xa5: {  	s26 =	simm.s32 $execute0_lowered;
	[smem:$0x3FD2] =	sst s25  }
0xa6: {  	s5 =	sshll.u32 s26, $0x1;
	_ =	strace $0x80000046;
	[dreg:$0x1] =	wrdreg $0xFFFFFFFF  }
0xa7: {  	s28 =	simm.s32 $_size_execute0_lowered;
	s3 =	sadd.s32 s3, s5;
	[dreg:$0x0] =	wrdreg $0x0  }
0xa8: {  	s5 =	sshll.u32 s28, $0x1;
	[dreg:$0x2] =	wrdreg s3  }
0xa9: {  	[dreg:$0x3] =	wrdreg s5  }
0xaa: {  	[dreg:$0x4] =	wrdreg $0xC0  }
0xab: {  	_ =	task [dreg:s7], $0x5FFFF  }
0xac: {  	[dreg:$0x1] =	wrdreg $0xFFFFFFFF  }
0xad: {  	[dreg:$0x0] =	wrdreg $0x60  }
0xae: {  	[dreg:$0x2] =	wrdreg s24  }
0xaf: {  	[dreg:$0x3] =	wrdreg s2  }
0xb0: {  	[dreg:$0x4] =	wrdreg $0xA6100  }
0xb1: {  	[dreg:$0x5] =	wrdreg $0x9  }
0xb2: {  	_ =	task.clear_ibuf [dreg:s7], $0x6FFFF;
	_ =	strace $0x90000046  }
0xb3: {  	s29 =	simm.s32 $0x9;
	_ =	strace $0x80000048  }
0xb4: {  	_ =	swait.ge [sflag:s29], $0x1  }
0xb5: {  	[sflag:s29] =	ssyncadd.s32 $0xFFFFFFFF  }
0xb6: {  	_ =	strace $0x90000048  }
0xb7: {  	_ =	sfence  }
0xb8: {  	s30 =	sld [smem:$0x0];
	_ =	sdelay $0x2  }
0xb9: {  	s31 =	sshll.u32 s1, $0xD;
	s1 =	sshrl.u32 s1, $0x2  }
0xba: {  	s3 =	sand.u32 $0x4000, s31;
	s1 =	sadd.s32 s1, s30  }
0xbb: {  	s0 =	sor.u32 s3, s0;
	s1 =	sshll.u32 s1, $0x11  }
0xbc: {  	s0 =	sor.u32 s1, s0  }
0xbd: {  	s0 =	sadd.s32 $0x8F2B, s0  }
0xbe: {  	[sflag:s0] =	ssyncadd.remote.s32 $0x1  }
0xbf: {  	_ =	sfence.sel $0xFFFF  }
0xc0: {  	[dreg:$0x0] =	wrdreg $0xFFFFFFFF;
	(pc) =	sbr.abs _section_cstart, $3  }
0xc1: {  	[dreg:$0x1] =	wrdreg $0xFFFFFFFF  }
0xc2: {  	_ =	task.clear_ibuf [dreg:s7], $0x2FFFF;
	_ =	strace $0x9FFFFFFF  }
0xc3: {  	(tm) =	ssettm $0x7FFFFFFF  }
tec
execute0_lowered:
.L_overlay_start_1:
0x0: {  	(tag) =	ssettag $0x1  }
0x1: {  	s0 =	srdreg.scid;
	s1 =	rddreg [dreg:$0x0]  }
0x2: {  	s9 =	stileid.u32;
	s2 =	rddreg [dreg:$0x1];
	s17 =	simm.s32 $0x6  }
0x3: {  	s11 =	simm.s32 $0x7900;
	s28 =	simm.s32 $0xA200;
	s29 =	simm.s32 $0x3  }
0x4: {  	s30 =	simm.s32 $0x5;
	s0 =	sand.u32 $0x1, s0;
	s7 =	smul.u32 $0xB400, s9  }
0x5: {  	s3 =	sshll.u32 s9, $0x1;
	s5 =	sadd.s32 $0x200, s1;
	s9 =	smul.u32 $0x2D000, s9  }
0x6: {  	s10 =	sadd.s32 $0x16A00, s1;
	s4 =	sor.u32 s0, s3;
	s8 =	smul.u32 $0xB4000, s0  }
0x7: {  	s3 =	rddreg [dreg:$0x2];
	s0 =	ssub.s32 $0x2, s0;
	s6 =	smul.u32 $0x520, s4  }
0x8: {  	s4 =	simm.s32 $0x0;
	s21 =	sshrl.u32 s0, $0x1;
	s23 =	sshrl.u32 s9, $0x2  }
0x9: {  	s9 =	sadd.s32 s7, s3;
	[smem:$0x7FF] =	sst s4;
	s8 =	sadd.s32 s7, s8  }
0xa: {  	s0 =	ssub.s32 s0, s21;
	_ =	strace $0x80000047;
	[dreg:$0x4] =	wrdreg s10  }
0xb: {  	s6 =	sadd.s32 s6, s1;
	s0 =	smax.u32 s0, $0x1;
	[dreg:$0x7] =	wrdreg s9  }
0xc: {  	s8 =	sshrl.u32 s8, $0x3;
	s22 =	sadd.s32 $0x21000, s6;
	[dreg:$0xd] =	wrdreg s0  }
0xd: {  	v0 =	vimm.s32 $0x8B8A8988;
	v1 =	vimm.s32 $0x8F8E8D8C;
	s1 =	sadd.s32 s8, s1;
	s6 =	sadd.s32 $0x16C00, s6;
	[dreg:$0x5] =	wrdreg s22  }
0xe: {  	v2 =	vimm.s32 $0x43424140;
	v3 =	vimm.s32 $0x47464544;
	v0 =	vunpack.c.0.s8.s32 v0;
	[dreg:$0x6] =	wrdreg s6;
	s6 =	sadd.s32 s23, s3;
	s1 =	sadd.s32 $0x2B400, s1  }
0xf: {  	s31 =	simm.s32 $0x0;
	v1 =	vunpack.c.0.s8.s32 v1;
	v2 =	vunpack.c.0.s8.s32 v2;
	v3 =	vunpack.c.0.s8.s32 v3;
	s24 =	sadd.s32 $0x2400, s6;
	[dreg:$0xc] =	wrdreg s1  }
.Ltmp0:
0x10: {  	vm0 =	vcmask $0x1F10;
	s25 =	sadd.s32 $0x4800, s6;
	[dreg:$0x8] =	wrdreg s24;
	(pc) =	sbr.rel .LBB2_1-.Ltmp0, $4  }
0x11: {  	v0 =	vsel vm0, v1, v0;
	v1 =	vsel vm0, v3, v2;
	v3 =	vlaneseq.u32;
	s21 =	simm.s32 $0x80;
	s26 =	sadd.s32 $0x6C00, s6;
	[dreg:$0x9] =	wrdreg s25  }
0x12: {  	v2 =	vcombine.low v1, v0;
	v1 =	vand.u32 $0x7, v3;
	v3 =	vshrl.u32 v3, $0x3;
	s10 =	simm.s32 $0x5000;
	s6 =	sadd.s32 $0x9000, s6;
	[dreg:$0xa] =	wrdreg s26  }
0x13: {  	v0 =	vimm.f32 $0.0e+00;
	v4 =	vor.u32 $0x40, v1;
	v5 =	vor.u32 $0x2, v3;
	s22 =	simm.s32 $0x4800;
	s23 =	simm.s32 $0x2400;
	[dreg:$0xb] =	wrdreg s6  }
0x14: {  	v6 =	vor.u32 $0x4, v3;
	v7 =	vor.u32 $0x6, v3;
	v2 =	vand.u32 $0xFF, v2;
	s24 =	simm.s32 $0x4C00;
	s25 =	simm.s32 $0x2;
	s26 =	simm.s32 $0x4  }
.LBB2_21:
0x15: {  	s0 =	stileid.u32;
	[bflag:$0x0] =	sbarrier.arrive $0xFFFF  }
0x16: {  	s0 =	sshll.u32 s0, $0x6;
	s9 =	rddreg [dreg:$0x7]  }
0x17: {  	s6 =	rddreg [dreg:$0xc];
	s0 =	sor.u32 $0x1C06, s0;
	s1 =	sshrl.u32 s9, $0x3  }
0x18: {  	[hbm:s6], [sflag:s0] =	dma.local [spmem:s1], $0x1680  }
0x19: {  	_ =	swait.ge [sflag:s17], $0x1680  }
0x1a: {  	s31 =	sadd.s32 $0x1, s31;
	s20 =	rddreg [dreg:$0xd]  }
0x1b: {  	p0 =	sne.s32 s31, s20  }
.Ltmp1:
0x1c: {  	_ = 	snop;
	(pc) =	sbr.rel @!p0 .LBB2_22-.Ltmp1, $3  }
0x1d: {  	_ =	sdelay $0x1  }
0x1e: {  	[sflag:s17] =	ssyncset.done $0x0  }
0x1f: {  	s10 =	simm.s32 $0x5000;
	s11 =	simm.s32 $0x7900;
	[sflag:s17] =	ssyncadd.s32 $0xFFFFE980  }
.LBB2_1:
0x20: {  	s0 =	rddreg [dreg:$0x4];
	s1 =	simm.s32 $0xA600  }
0x21: {  	[tilespmem:s1], [sflag:$0x6] =	stream.linear.gather [hbm4b:s0+s4], $0x10, $0x38;
	[tilespmem:$0x15A10] =	vst v63  }
0x22: {  	_ =	swait.ge [sflag:s17], $0x10  }
0x23: {  	[sflag:s17] =	ssyncset.done $0x0  }
0x24: {  	s18 =	rddreg [dreg:$0x5];
	[sflag:s17] =	ssyncadd.s32 $0xFFFFFFF0  }
0x25: {  	v8 =	vld [tilespmem:$0xA600];
	[tilespmem:s10], [sflag:$0x1] =	stream.linear.gather [hbm4b:s18+s4], $0x2900, $0x38  }
0x26: {  	s20 =	simm.s32 $0x1;
	s19 =	rddreg [dreg:$0x6]  }
0x27: {  	[tilespmem:s11], [sflag:$0x1] =	stream.linear.gather [hbm4b:s19+s4], $0x2900, $0x38;
	[tilespmem:$0x15A10] =	vst v63  }
0x28: {  	_ =	swait.ge [sflag:s20], $0x2900  }
0x29: {  	[sflag:s20] =	ssyncset.done $0x0  }
0x2a: {  	[sflag:s20] =	ssyncadd.s32 $0xFFFFD700  }
0x2b: {  	_ =	swait.ge [sflag:s20], $0x2900  }
0x2c: {  	[sflag:s20] =	ssyncset.done $0x0  }
0x2d: {  	s0 =	simm.s32 $0x90;
	[sflag:s20] =	ssyncadd.s32 $0xFFFFD700  }
0x2e: {  	[tilespmem:s0+$0xFFFFFF70] =	vst v0  }
0x2f: {  	[tilespmem:s0+$0x78] =	vst v0  }
0x30: {  	[tilespmem:s0+$0x68] =	vst v0  }
0x31: {  	[tilespmem:s0+$0x58] =	vst v0  }
0x32: {  	[tilespmem:s0+$0x48] =	vst v0  }
0x33: {  	[tilespmem:s0+$0x30] =	vst v0  }
0x34: {  	[tilespmem:s0+$0x20] =	vst v0  }
0x35: {  	[tilespmem:s0+$0x10] =	vst v0  }
0x36: {  	[tilespmem:s0+$0x0] =	vst v0  }
0x37: {  	[tilespmem:s0+$0xFFFFFFE8] =	vst v0  }
0x38: {  	[tilespmem:s0+$0xFFFFFFD8] =	vst v0  }
0x39: {  	[tilespmem:s0+$0xFFFFFFC8] =	vst v0  }
0x3a: {  	[tilespmem:s0+$0xFFFFFFB8] =	vst v0  }
0x3b: {  	[tilespmem:s0+$0xFFFFFFA0] =	vst v0  }
0x3c: {  	s1 =	simm.s32 $0x0;
	[tilespmem:s0+$0xFFFFFF90] =	vst v0  }
.LBB2_2:
0x3d: {  	s1 =	sadd.s32 $0x4, s1;
	[tilespmem:s0+$0xFFFFFF80] =	vst v0;
	s0 =	sadd.s32 $0x120, s0  }
0x3e: {  	[tilespmem:s0+$0xFFFFFF70] =	vst v0;
	p0 =	slt.u32 s1, $0x7C  }
0x3f: {  	[tilespmem:s0+$0x78] =	vst v0  }
0x40: {  	[tilespmem:s0+$0x68] =	vst v0  }
0x41: {  	[tilespmem:s0+$0x58] =	vst v0  }
0x42: {  	[tilespmem:s0+$0x48] =	vst v0  }
0x43: {  	[tilespmem:s0+$0x30] =	vst v0  }
0x44: {  	[tilespmem:s0+$0x20] =	vst v0  }
0x45: {  	[tilespmem:s0+$0x10] =	vst v0  }
0x46: {  	[tilespmem:s0+$0x0] =	vst v0  }
0x47: {  	[tilespmem:s0+$0xFFFFFFE8] =	vst v0  }
.Ltmp2:
0x48: {  	[tilespmem:s0+$0xFFFFFFD8] =	vst v0;
	(pc) =	sbr.rel @p0 .LBB2_2-.Ltmp2, $4  }
0x49: {  	[tilespmem:s0+$0xFFFFFFC8] =	vst v0  }
0x4a: {  	[tilespmem:s0+$0xFFFFFFB8] =	vst v0  }
0x4b: {  	[tilespmem:s0+$0xFFFFFFA0] =	vst v0  }
0x4c: {  	[tilespmem:s0+$0xFFFFFF90] =	vst v0  }
0x4d: {  	s1 =	simm.s32 $0x2  }
0x4e: {  	s6 =	simm.s32 $0x0;
	s15 =	simm.s32 $0x6;
	v9 =	vmov s1  }
0x4f: {  	s7 =	simm.s32 $0x4;
	s16 =	simm.s32 $0xE;
	s19 =	simm.s32 $0xA;
	v10 =	vmov s6;
	v11 =	vmov s15;
	v9 =	vmul.u32 $0x48, v9  }
0x50: {  	v12 =	vmov s7;
	v13 =	vmov s16;
	v14 =	vmov s19  }
0x51: {  	s20 =	simm.s32 $0xC;
	v10 =	vmul.u32 $0x48, v10;
	v11 =	vmul.u32 $0x48, v11;
	v9 =	vbroadcast v9, $0x0  }
0x52: {  	v17 =	vmov s20;
	v12 =	vmul.u32 $0x48, v12;
	v14 =	vmul.u32 $0x48, v14  }
0x53: {  	s18 =	simm.s32 $0x8;
	v10 =	vbroadcast v10, $0x0;
	v11 =	vbroadcast v11, $0x0;
	v16 =	vadd.s32 v2, v9  }
0x54: {  	v17 =	vmul.u32 $0x48, v17;
	v12 =	vbroadcast v12, $0x0;
	v9 =	vmov s18  }
0x55: {  	v15 =	vmul.u32 $0x48, v9;
	v9 =	vadd.s32 v2, v10;
	v10 =	vadd.s32 v2, v11  }
0x56: {  	v18 =	vmul.u32 $0x48, v13  }
0x57: {  	[tilespmem:s0+$0xFFFFFF80] =	vst v0;
	v14 =	vbroadcast v14, $0x0;
	v11 =	vadd.s32 v2, v12;
	v12 =	vbroadcast v17, $0x0  }
0x58: {  	s0 =	simm.s32 $0x4;
	s1 =	simm.s32 $0x16;
	v13 =	vbroadcast v15, $0x0;
	v15 =	vbroadcast v18, $0x0;
	[tilespmem:v16+s4+$0x0] =	vst.idx.msk $0xffff, v0  }
.LBB2_4:
0x59: {  	s6 =	sadd.s32 $0xFFFFFFFA, s1;
	s0 =	sadd.s32 $0x4, s0  }
0x5a: {  	s7 =	sadd.s32 $0xFFFFFFFC, s1;
	s8 =	sadd.s32 $0xFFFFFFFE, s1;
	v16 =	vmov s1;
	v13 =	vadd.s32 v2, v13;
	v17 =	vadd.s32 v2, v14;
	[tilespmem:v10+s4+$0x0] =	vst.idx.msk $0xffff, v0;
	p0 =	slt.u32 s0, $0x3C  }
.Ltmp3:
0x5b: {  	v14 =	vmov s6;
	v18 =	vmov s7;
	v10 =	vadd.s32 v2, v15;
	[tilespmem:v9+s4+$0x0] =	vst.idx.msk $0xffff, v0;
	v9 =	vmovc v13;
	(pc) =	sbr.rel @p0 .LBB2_4-.Ltmp3, $4  }
0x5c: {  	v15 =	vmov s8;
	v13 =	vmul.u32 $0x48, v14;
	v14 =	vmul.u32 $0x48, v18;
	[tilespmem:v11+s4+$0x0] =	vst.idx.msk $0xffff, v0  }
0x5d: {  	v16 =	vmul.u32 $0x48, v16;
	v15 =	vmul.u32 $0x48, v15;
	v11 =	vadd.s32 v2, v12  }
0x5e: {  	v13 =	vbroadcast v13, $0x0;
	v14 =	vbroadcast v14, $0x0  }
0x5f: {  	s1 =	sadd.s32 $0x8, s1;
	v12 =	vbroadcast v15, $0x0;
	v15 =	vbroadcast v16, $0x0;
	[tilespmem:v17+s4+$0x0] =	vst.idx.msk $0xffff, v0  }
0x60: {  	_ =	sdelay $0x1  }
0x61: {  	v14 =	vadd.s32 v2, v14  }
0x62: {  	v13 =	vadd.s32 v2, v13  }
0x63: {  	[tilespmem:v10+s4+$0x0] =	vst.idx.msk $0xffff, v0;
	v15 =	vadd.s32 v2, v15  }
0x64: {  	[tilespmem:v9+s4+$0x0] =	vst.idx.msk $0xffff, v0;
	v9 =	vadd.s32 v2, v12  }
0x65: {  	[tilespmem:v11+s4+$0x0] =	vst.idx.msk $0xffff, v0  }
0x66: {  	[tilespmem:v14+s4+$0x0] =	vst.idx.msk $0xffff, v0  }
0x67: {  	[tilespmem:v13+s4+$0x0] =	vst.idx.msk $0xffff, v0  }
0x68: {  	[tilespmem:v15+s4+$0x0] =	vst.idx.msk $0xffff, v0  }
0x69: {  	s1 =	simm.s32 $0x0;
	[tilespmem:v9+s4+$0x0] =	vst.idx.msk $0xffff, v0  }
0x6a: {  	[spmem:s9] =	stream.linear.scatter [tilespmem:s1], [sflag:$0x6], $0x2400, $0x38;
	[tilespmem:$0x15A10] =	vst v63  }
0x6b: {  	_ =	swait.ge [sflag:s17], $0x2400  }
0x6c: {  	[sflag:s17] =	ssyncset.done $0x0  }
0x6d: {  	s0 =	rddreg [dreg:$0x8];
	[sflag:s17] =	ssyncadd.s32 $0xFFFFDC00  }
0x6e: {  	[spmem:s0] =	stream.linear.scatter [tilespmem:s1], [sflag:$0x6], $0x2400, $0x38;
	[tilespmem:$0x15A10] =	vst v63  }
0x6f: {  	_ =	swait.ge [sflag:s17], $0x2400  }
0x70: {  	[sflag:s17] =	ssyncset.done $0x0  }
0x71: {  	s18 =	rddreg [dreg:$0x9];
	[sflag:s17] =	ssyncadd.s32 $0xFFFFDC00  }
0x72: {  	[spmem:s18] =	stream.linear.scatter [tilespmem:s1], [sflag:$0x6], $0x2400, $0x38;
	[tilespmem:$0x15A10] =	vst v63  }
0x73: {  	_ =	swait.ge [sflag:s17], $0x2400  }
0x74: {  	[sflag:s17] =	ssyncset.done $0x0  }
0x75: {  	s19 =	rddreg [dreg:$0xa];
	[sflag:s17] =	ssyncadd.s32 $0xFFFFDC00  }
0x76: {  	[spmem:s19] =	stream.linear.scatter [tilespmem:s1], [sflag:$0x6], $0x2400, $0x38;
	[tilespmem:$0x15A10] =	vst v63  }
0x77: {  	_ =	swait.ge [sflag:s17], $0x2400  }
0x78: {  	[sflag:s17] =	ssyncset.done $0x0  }
0x79: {  	s20 =	rddreg [dreg:$0xb];
	[sflag:s17] =	ssyncadd.s32 $0xFFFFDC00  }
0x7a: {  	[spmem:s20] =	stream.linear.scatter [tilespmem:s1], [sflag:$0x6], $0x2400, $0x38;
	[tilespmem:$0x15A10] =	vst v63  }
0x7b: {  	_ =	swait.ge [sflag:s17], $0x2400  }
0x7c: {  	[sflag:s17] =	ssyncset.done $0x0  }
0x7d: {  	[sflag:s17] =	ssyncadd.s32 $0xFFFFDC00  }
0x7e: {  	[bflag:$0x0] =	sbarrier.arrive $0xFFFF  }
0x7f: {  	[tilespmem:s1], [sflag:$0x2] =	stream.indirect.gather [hbm4b:s5+s21], $0x48, s10, s21, $0xb8;
	[tilespmem:$0x15A10] =	vst v63  }
0x80: {  	s16 =	simm.s32 $0x0  }
0x81: {  	[tilespmem:s22], [sflag:$0x4] =	stream.indirect.gather [hbm4b:s2+s21], $0x8, s11, s21, $0xb8;
	[tilespmem:$0x15A10] =	vst v63  }
.LBB2_6:
0x82: {  	s18 =	sshll.u32 s16, $0x8  }
0x83: {  	s0 =	sadd.s32 $0x5080, s18  }
0x84: {  	[tilespmem:s23], [sflag:$0x3] =	stream.indirect.gather [hbm4b:s5+s21], $0x48, s0, s21, $0xb8;
	[tilespmem:$0x15A10] =	vst v63  }
0x85: {  	s6 =	simm.s32 $0x4;
	s0 =	sadd.s32 $0x7980, s18  }
0x86: {  	v9 =	vor.u32 s6, v3;
	[tilespmem:s24], [sflag:$0x5] =	stream.indirect.gather [hbm4b:s2+s21], $0x8, s0, s21, $0xb8;
	[tilespmem:$0x15A10] =	vst v63  }
0x87: {  	s9 =	simm.s32 $0x0;
	v10 =	vmul.u32 $0x48, v9;
	v9 =	vshll.u32 v9, $0x3;
	_ =	swait.ge [sflag:s25], $0x2400  }
0x88: {  	v29 =	vor.u32 v1, v9;
	v9 =	vor.u32 s9, v3;
	[sflag:s25] =	ssyncset.done $0x0  }
0x89: {  	s7 =	simm.s32 $0x2;
	v32 =	vadd.s32 v4, v10;
	v11 =	vmul.u32 $0x48, v9;
	[sflag:s25] =	ssyncadd.s32 $0xFFFFDC00  }
0x8a: {  	v10 =	vor.u32 s7, v3;
	_ =	swait.ge [sflag:s26], $0x400  }
0x8b: {  	v12 =	vmul.u32 $0x48, v10;
	v10 =	vshll.u32 v10, $0x3;
	v15 =	vadd.s32 v4, v11;
	[sflag:s26] =	ssyncset.done $0x0  }
0x8c: {  	v23 =	vor.u32 v1, v10;
	[sflag:s26] =	ssyncadd.s32 $0xFFFFFC00  }
0x8d: {  	v9 =	vshll.u32 v9, $0x3;
	v11 =	vadd.s32 v4, v12;
	v13 =	vld.idx.msk [tilespmem:v29+s22+$0x0], $0xffff  }
0x8e: {  	s10 =	simm.s32 $0x6;
	v20 =	vor.u32 v1, v9;
	v12 =	vld.idx.msk [tilespmem:v32+s1+$0x0], $0xffff  }
0x8f: {  	v14 =	vor.u32 s10, v3  }
0x90: {  	v16 =	vmul.u32 $0x48, v14;
	v10 =	vshll.u32 v14, $0x3;
	v14 =	vld.idx.msk [tilespmem:v15+s1+$0x0], $0xffff  }
0x91: {  	v21 =	vld.idx.msk [tilespmem:v23+s22+$0x0], $0xffff  }
0x92: {  	s11 =	simm.s32 $0xC;
	v9 =	vadd.s32 v4, v16;
	v16 =	vld.idx.msk [tilespmem:v11+s1+$0x0], $0xffff  }
0x93: {  	s12 =	simm.s32 $0xE;
	v10 =	vor.u32 v1, v10;
	v17 =	vld.idx.msk [tilespmem:v20+s22+$0x0], $0xffff;
	v12 =	vadd.f32 v13, v12;
	v13 =	vor.u32 s11, v3  }
0x94: {  	s13 =	simm.s32 $0x8;
	s8 =	simm.s32 $0xA;
	v25 =	vor.u32 s12, v3;
	v19 =	vmul.u32 $0x48, v13;
	v13 =	vshll.u32 v13, $0x3  }
0x95: {  	v26 =	vor.u32 s13, v3;
	v27 =	vor.u32 s8, v3;
	v18 =	vor.u32 v1, v13  }
0x96: {  	v28 =	vmul.u32 $0x48, v27;
	v24 =	vmul.f32 $2.000000030e-01, v12;
	v22 =	vadd.s32 v4, v19  }
0x97: {  	v27 =	vshll.u32 v27, $0x3;
	v31 =	vmul.u32 $0x48, v25;
	v21 =	vadd.f32 v21, v16;
	v13 =	vld.idx.msk [tilespmem:v9+s1+$0x0], $0xffff  }
0x98: {  	v33 =	vadd.f32 v17, v14;
	v19 =	vld.idx.msk [tilespmem:v10+s22+$0x0], $0xffff;
	v12 =	vmax.f32 v12, v24;
	v24 =	vmul.u32 $0x48, v26  }
0x99: {  	v16 =	vor.u32 v1, v27;
	v27 =	vmul.f32 $2.000000030e-01, v21;
	v26 =	vshll.u32 v26, $0x3  }
0x9a: {  	v30 =	vsub.f32 v12, v8;
	v12 =	vadd.s32 v4, v24;
	v24 =	vshll.u32 v25, $0x3;
	v25 =	vld.idx.msk [tilespmem:v18+s22+$0x0], $0xffff  }
0x9b: {  	s14 =	simm.s32 $0x16;
	v17 =	vadd.s32 v4, v28;
	v14 =	vor.u32 v1, v26;
	v26 =	vld.idx.msk [tilespmem:v22+s1+$0x0], $0xffff  }
0x9c: {  	v35 =	vor.u32 s14, v3;
	v34 =	vmul.f32 $2.000000030e-01, v33;
	v21 =	vmax.f32 v21, v27  }
0x9d: {  	v21 =	vsub.f32 v21, v8;
	v30 =	vmul.f32 $1.442695020e+00, v30;
	v28 =	vadd.f32 v19, v13  }
0x9e: {  	v13 =	vadd.s32 v4, v31;
	v19 =	vor.u32 v1, v24;
	v31 =	vmax.f32 v33, v34  }
0x9f: {  	s15 =	simm.s32 $0x10;
	v38 =	vmul.f32 $1.442695020e+00, v21;
	v27 =	vsub.f32 v31, v8;
	v24 =	vmul.f32 $2.000000030e-01, v28  }
0xa0: {  	s20 =	simm.s32 $0x12;
	v54 =	vld.idx.msk [tilespmem:v17+s1+$0x0], $0xffff;
	v21 =	vor.u32 s15, v3;
	(erf) = vpow2.f32 v30;
	v25 =	vadd.f32 v25, v26  }
0xa1: {  	s19 =	simm.s32 $0x14;
	v39 =	vld.idx.msk [tilespmem:v16+s22+$0x0], $0xffff;
	v30 =	vor.u32 s20, v3;
	v36 =	vmul.f32 $1.442695020e+00, v27;
	v24 =	vmax.f32 v28, v24  }
0xa2: {  	v37 =	vld.idx.msk [tilespmem:v14+s22+$0x0], $0xffff;
	v55 =	vsub.f32 v24, v8;
	v24 =	vor.u32 s19, v3;
	v27 =	vmul.f32 $2.000000030e-01, v25  }
0xa3: {  	v41 =	vmul.u32 $0x48, v21;
	v31 =	vld.idx.msk [tilespmem:v12+s1+$0x0], $0xffff;
	v28 =	vmul.u32 $0x48, v24;
	v24 =	vshll.u32 v24, $0x3  }
0xa4: {  	v43 =	vshll.u32 v21, $0x3;
	v40 =	vld.idx.msk [tilespmem:v13+s1+$0x0], $0xffff;
	v26 =	vor.u32 v1, v24;
	v24 =	vmax.f32 v25, v27  }
0xa5: {  	v21 =	vadd.s32 v4, v41;
	v42 =	vld.idx.msk [tilespmem:v19+s22+$0x0], $0xffff;
	v27 =	vadd.s32 v4, v28;
	v28 =	vsub.f32 v24, v8  }
0xa6: {  	v39 =	vadd.f32 v39, v54;
	v25 =	vmul.u32 $0x48, v30;
	v30 =	vshll.u32 v30, $0x3  }
0xa7: {  	v56 =	vmul.u32 $0x48, v35;
	v30 =	vor.u32 v1, v30;
	v44 =	vmul.f32 $1.442695020e+00, v28  }
0xa8: {  	v62 =	vmul.f32 $2.000000030e-01, v39;
	v37 =	vadd.f32 v37, v31;
	v24 =	vadd.s32 v4, v25  }
0xa9: {  	v60 =	vmul.f32 $1.442695020e+00, v55;
	v25 =	vor.u32 v1, v43;
	v57 =	vld.idx.msk [tilespmem:v26+s22+$0x0], $0xffff;
	(erf) = vpow2.f32 v44  }
0xaa: {  	v58 =	vpop (erf);
	v40 =	vadd.f32 v42, v40;
	v61 =	vmul.f32 $2.000000030e-01, v37;
	v28 =	vadd.s32 v4, v56;
	v59 =	vld.idx.msk [tilespmem:v27+s1+$0x0], $0xffff  }
0xab: {  	v31 =	vld.idx.msk [tilespmem:v21+s1+$0x0], $0xffff;
	[tilespmem:v29+s28+$0x0] =	vst.idx.msk $0xffff, v58;
	v29 =	vshll.u32 v35, $0x3;
	v35 =	vmax.f32 v39, v62;
	(erf) = vpow2.f32 v36  }
0xac: {  	v29 =	vor.u32 v1, v29;
	v63 =	vmul.f32 $2.000000030e-01, v40;
	v37 =	vmax.f32 v37, v61;
	v34 =	vld.idx.msk [tilespmem:v30+s22+$0x0], $0xffff  }
0xad: {  	[tilespmem:v32+s1+$0x0] =	vst.idx.msk $0xffff, v58;
	v39 =	vsub.f32 v37, v8;
	v32 =	vld.idx.msk [tilespmem:v24+s1+$0x0], $0xffff;
	(erf) = vpow2.f32 v38  }
0xae: {  	s10 =	simm.s32 $0x8;
	s8 =	simm.s32 $0x0;
	v36 =	vmax.f32 v40, v63;
	v33 =	vld.idx.msk [tilespmem:v25+s22+$0x0], $0xffff;
	v38 =	vsub.f32 v35, v8;
	(erf) = vpow2.f32 v60  }
0xaf: {  	s6 =	simm.s32 $0x0;
	s7 =	simm.s32 $0x0;
	s11 =	simm.s32 $0x1E;
	v36 =	vsub.f32 v36, v8;
	v35 =	vld.idx.msk [tilespmem:v28+s1+$0x0], $0xffff;
	v37 =	vadd.f32 v57, v59  }
.LBB2_7:
0xb0: {  	v40 =	vor.u32 s11, v3;
	v39 =	vmul.f32 $1.442695020e+00, v39;
	v38 =	vmul.f32 $1.442695020e+00, v38;
	v42 =	vmovc v16;
	v16 =	vmovc v30  }
0xb1: {  	s12 =	sadd.s32 $0xFFFFFFFA, s11;
	s13 =	sadd.s32 $0xFFFFFFFC, s11;
	s14 =	sadd.s32 $0xFFFFFFFE, s11;
	v41 =	vld.idx.msk [tilespmem:v29+s22+$0x0], $0xffff;
	v43 =	vmovc v9;
	v9 =	vmovc v13;
	v13 =	vmov v28;
	v44 =	vmov v10;
	v10 =	vmov v19  }
0xb2: {  	s10 =	sadd.s32 $0x4, s10;
	v28 =	vor.u32 s12, v3;
	v49 =	vor.u32 s14, v3;
	v30 =	vmul.f32 $2.000000030e-01, v37;
	v45 =	vpop (erf)  }
0xb3: {  	v19 =	vmovc v29;
	v46 =	vor.u32 s13, v3;
	p0 =	slt.u32 s10, $0x3C;
	v50 =	vmul.u32 $0x48, v49;
	v48 =	vshll.u32 v49, $0x3;
	[tilespmem:v18+s28+$0x0] =	vst.idx.msk $0xffff, v45;
	v18 =	vmovc v26  }
0xb4: {  	v29 =	vmul.u32 $0x48, v28;
	v26 =	vor.u32 v1, v48;
	v30 =	vmax.f32 v37, v30;
	[tilespmem:v22+s7+$0x0] =	vst.idx.msk $0xffff, v45;
	v22 =	vpop (erf)  }
0xb5: {  	v37 =	vmul.u32 $0x48, v46;
	v45 =	vadd.s32 v4, v50;
	v30 =	vsub.f32 v30, v8;
	[tilespmem:v20+s28+$0x0] =	vst.idx.msk $0xffff, v22  }
0xb6: {  	v20 =	vshll.u32 v28, $0x3;
	v28 =	vshll.u32 v46, $0x3;
	v46 =	vmul.u32 $0x48, v40;
	[tilespmem:v15+s8+$0x0] =	vst.idx.msk $0xffff, v22;
	v47 =	vpop (erf)  }
0xb7: {  	v48 =	vadd.s32 v4, v29;
	v15 =	vshll.u32 v40, $0x3;
	v40 =	vmul.f32 $1.442695020e+00, v30;
	[tilespmem:v23+s28+$0x0] =	vst.idx.msk $0xffff, v47;
	v23 =	vpop (erf)  }
0xb8: {  	v49 =	vor.u32 v1, v20;
	v50 =	vadd.s32 v4, v37;
	v22 =	vmovc v27;
	v30 =	vor.u32 v1, v28  }
0xb9: {  	s12 =	simm.s32 $0x0;
	v27 =	vmovc v45;
	v28 =	vadd.s32 v4, v46;
	v29 =	vor.u32 v1, v15;
	v37 =	vld.idx.msk [tilespmem:v26+s22+$0x0], $0xffff;
	(erf) = vpow2.f32 v40  }
0xba: {  	v36 =	vmul.f32 $1.442695020e+00, v36;
	v34 =	vadd.f32 v34, v32;
	v15 =	vmovc v12;
	v40 =	vld.idx.msk [tilespmem:v45+s12+$0x0], $0xffff;
	v45 =	vadd.f32 v33, v31  }
0xbb: {  	v35 =	vadd.f32 v41, v35;
	v12 =	vmovc v21;
	v21 =	vmov v48;
	(erf) = vpow2.f32 v39;
	[tilespmem:v11+s8+$0x0] =	vst.idx.msk $0xffff, v47  }
.Ltmp4:
0xbc: {  	v41 =	vmul.f32 $2.000000030e-01, v34;
	v20 =	vmovc v14;
	v14 =	vmov v25;
	v31 =	vld.idx.msk [tilespmem:v48+s12+$0x0], $0xffff;
	v39 =	vmul.f32 $2.000000030e-01, v45;
	[tilespmem:v44+s28+$0x0] =	vst.idx.msk $0xffff, v23;
	(pc) =	sbr.rel @p0 .LBB2_7-.Ltmp4, $4  }
0xbd: {  	v25 =	vmovc v49;
	v11 =	vmov v17;
	v44 =	vmul.f32 $2.000000030e-01, v35;
	v32 =	vld.idx.msk [tilespmem:v50+s12+$0x0], $0xffff;
	(erf) = vpow2.f32 v38;
	[tilespmem:v43+s8+$0x0] =	vst.idx.msk $0xffff, v23;
	s8 =	smov.u32 s7;
	s7 =	smov.u32 s6;
	s6 =	smov.u32 s12  }
0xbe: {  	v17 =	vmovc v24;
	v38 =	vmax.f32 v34, v41;
	v33 =	vld.idx.msk [tilespmem:v49+s22+$0x0], $0xffff;
	v43 =	vmax.f32 v45, v39;
	(erf) = vpow2.f32 v36  }
0xbf: {  	v38 =	vsub.f32 v38, v8;
	v41 =	vmax.f32 v35, v44;
	v34 =	vld.idx.msk [tilespmem:v30+s22+$0x0], $0xffff;
	v39 =	vsub.f32 v43, v8  }
0xc0: {  	s11 =	sadd.s32 $0x8, s11;
	v24 =	vmovc v50;
	v23 =	vmov v42;
	v37 =	vadd.f32 v37, v40;
	v36 =	vsub.f32 v41, v8;
	v35 =	vld.idx.msk [tilespmem:v28+s6+$0x0], $0xffff  }
0xc1: {  	_ = 	snop  }
0xc2: {  	v40 =	vmul.f32 $2.000000030e-01, v37;
	_ =	sdelay $0x1  }
0xc3: {  	v37 =	vmax.f32 v37, v40  }
0xc4: {  	v51 =	vld.idx.msk [tilespmem:v29+s22+$0x0], $0xffff;
	v37 =	vsub.f32 v37, v8;
	_ =	sdelay $0x1  }
0xc5: {  	v31 =	vadd.f32 v33, v31;
	v37 =	vmul.f32 $1.442695020e+00, v37  }
0xc6: {  	v52 =	vmul.f32 $1.442695020e+00, v39  }
0xc7: {  	v32 =	vadd.f32 v34, v32;
	v54 =	vmul.f32 $2.000000030e-01, v31;
	(erf) = vpow2.f32 v37  }
0xc8: {  	v38 =	vmul.f32 $1.442695020e+00, v38;
	v53 =	vpop (erf);
	v56 =	vadd.f32 v51, v35  }
0xc9: {  	[tilespmem:v18+s28+$0x0] =	vst.idx.msk $0xffff, v53;
	v57 =	vmul.f32 $2.000000030e-01, v32;
	v31 =	vmax.f32 v31, v54;
	(erf) = vpow2.f32 v52  }
0xca: {  	v58 =	vmul.f32 $1.442695020e+00, v36;
	[tilespmem:v22+s7+$0x0] =	vst.idx.msk $0xffff, v53;
	v55 =	vpop (erf);
	v31 =	vsub.f32 v31, v8  }
0xcb: {  	[tilespmem:v20+s28+$0x0] =	vst.idx.msk $0xffff, v55;
	v59 =	vpop (erf);
	v60 =	vmul.f32 $2.000000030e-01, v56;
	v32 =	vmax.f32 v32, v57;
	(erf) = vpow2.f32 v38  }
0xcc: {  	[tilespmem:v23+s28+$0x0] =	vst.idx.msk $0xffff, v59;
	v61 =	vsub.f32 v32, v8  }
0xcd: {  	v63 =	vpop (erf);
	[tilespmem:v11+s8+$0x0] =	vst.idx.msk $0xffff, v59;
	v62 =	vmul.f32 $1.442695020e+00, v31;
	v11 =	vmax.f32 v56, v60;
	(erf) = vpow2.f32 v58  }
0xce: {  	[tilespmem:v10+s28+$0x0] =	vst.idx.msk $0xffff, v63;
	v10 =	vsub.f32 v11, v8  }
0xcf: {  	[tilespmem:v15+s8+$0x0] =	vst.idx.msk $0xffff, v55;
	v11 =	vmul.f32 $1.442695020e+00, v61;
	(erf) = vpow2.f32 v62  }
0xd0: {  	[tilespmem:v9+s8+$0x0] =	vst.idx.msk $0xffff, v63;
	v10 =	vmul.f32 $1.442695020e+00, v10;
	v9 =	vpop (erf)  }
0xd1: {  	(erf) = vpow2.f32 v11;
	[tilespmem:v26+s28+$0x0] =	vst.idx.msk $0xffff, v9  }
0xd2: {  	[tilespmem:v27+s6+$0x0] =	vst.idx.msk $0xffff, v9;
	v9 =	vpop (erf)  }
0xd3: {  	(erf) = vpow2.f32 v10;
	[tilespmem:v14+s28+$0x0] =	vst.idx.msk $0xffff, v9  }
0xd4: {  	v10 =	vpop (erf);
	[tilespmem:v12+s7+$0x0] =	vst.idx.msk $0xffff, v9  }
0xd5: {  	[tilespmem:v16+s28+$0x0] =	vst.idx.msk $0xffff, v10  }
0xd6: {  	v9 =	vpop (erf);
	[tilespmem:v17+s7+$0x0] =	vst.idx.msk $0xffff, v10  }
0xd7: {  	[tilespmem:v19+s28+$0x0] =	vst.idx.msk $0xffff, v9  }
0xd8: {  	[tilespmem:v13+s7+$0x0] =	vst.idx.msk $0xffff, v9;
	v9 =	vpop (erf)  }
0xd9: {  	p1 =	por $0x1, $0x1;
	[tilespmem:v25+s28+$0x0] =	vst.idx.msk $0xffff, v9  }
.Ltmp5:
0xda: {  	[tilespmem:v21+s6+$0x0] =	vst.idx.msk $0xffff, v9;
	v9 =	vpop (erf);
	(pc) =	sbr.rel @!p1 .LBB2_9-.Ltmp5, $4  }
0xdb: {  	[tilespmem:v30+s28+$0x0] =	vst.idx.msk $0xffff, v9  }
0xdc: {  	v10 =	vpop (erf);
	[tilespmem:v24+s6+$0x0] =	vst.idx.msk $0xffff, v9  }
0xdd: {  	[tilespmem:v29+s28+$0x0] =	vst.idx.msk $0xffff, v10  }
0xde: {  	s19 =	simm.s32 $0x120;
	p0 =	por $0x0, $0x0;
	s7 =	simm.s32 $0x0;
	[tilespmem:v28+s6+$0x0] =	vst.idx.msk $0xffff, v10  }
0xdf: {  	v16 =	vld [tilespmem:s19+$0xD8]  }
0xe0: {  	v37 =	vld [tilespmem:s19+$0xE8]  }
0xe1: {  	v19 =	vld [tilespmem:s19+$0xFFFFFF28]  }
0xe2: {  	v21 =	vld [tilespmem:s19+$0xFFFFFF70]  }
0xe3: {  	s14 =	simm.s32 $0x38;
	v22 =	vld [tilespmem:s19+$0xFFFFFFB8]  }
0xe4: {  	v25 =	vld [tilespmem:s19+$0x48];
	v10 =	vor.u32 s14, v3  }
0xe5: {  	v43 =	vld [tilespmem:s19+$0x108]  }
0xe6: {  	v45 =	vld [tilespmem:s19+$0xFFFFFF80]  }
0xe7: {  	v9 =	vor.u32 s7, v3;
	s13 =	simm.s32 $0x8;
	v46 =	vld [tilespmem:s19+$0xFFFFFFC8]  }
0xe8: {  	s11 =	simm.s32 $0x18;
	v48 =	vld [tilespmem:s19+$0x10];
	v11 =	vor.u32 s13, v3  }
0xe9: {  	s6 =	simm.s32 $0x30;
	v13 =	vor.u32 s11, v3;
	v10 =	vld.idx.msk [tilespmem:v10+s28+$0x0], $0xffff  }
0xea: {  	v50 =	vld [tilespmem:s19+$0x58];
	v17 =	vor.u32 s6, v3  }
0xeb: {  	v27 =	vld [tilespmem:s19+$0xFFFFFF00]  }
0xec: {  	v18 =	vor.u32 s14, v5;
	v9 =	vld.idx.msk [tilespmem:v9+s28+$0x0], $0xffff  }
0xed: {  	s12 =	simm.s32 $0x10;
	v11 =	vld.idx.msk [tilespmem:v11+s28+$0x0], $0xffff  }
0xee: {  	s8 =	simm.s32 $0x20;
	v12 =	vor.u32 s12, v3;
	v13 =	vld.idx.msk [tilespmem:v13+s28+$0x0], $0xffff;
	v10 =	vmul.f32 v16, v10  }
0xef: {  	s10 =	simm.s32 $0x28;
	v14 =	vor.u32 s8, v3;
	v16 =	vld.idx.msk [tilespmem:v17+s28+$0x0], $0xffff  }
0xf0: {  	v15 =	vor.u32 s10, v3;
	v17 =	vld [tilespmem:s19+$0xFFFFFEE0];
	[tilespmem:s19+$0xD8] =	vst v10  }
0xf1: {  	v10 =	vld.idx.msk [tilespmem:v18+s28+$0x0], $0xffff  }
0xf2: {  	v54 =	vld [tilespmem:s19+$0xFFFFFFD8]  }
0xf3: {  	v12 =	vld.idx.msk [tilespmem:v12+s28+$0x0], $0xffff  }
0xf4: {  	v23 =	vor.u32 s14, v6;
	v14 =	vld.idx.msk [tilespmem:v14+s28+$0x0], $0xffff;
	v11 =	vmul.f32 v19, v11  }
0xf5: {  	v15 =	vld.idx.msk [tilespmem:v15+s28+$0x0], $0xffff;
	v9 =	vmul.f32 v17, v9  }
0xf6: {  	v38 =	vor.u32 s12, v5;
	[tilespmem:s19+$0xFFFFFF28] =	vst v11;
	v11 =	vmul.f32 v22, v13;
	v13 =	vld [tilespmem:s19+$0xF8];
	v10 =	vmul.f32 v37, v10  }
0xf7: {  	v20 =	vor.u32 s7, v5;
	v17 =	vld [tilespmem:s19+$0x0];
	[tilespmem:s19+$0xFFFFFEE0] =	vst v9  }
0xf8: {  	v24 =	vor.u32 s13, v5;
	v12 =	vmul.f32 v21, v12;
	v9 =	vld [tilespmem:s19+$0x90];
	[tilespmem:s19+$0xE8] =	vst v10  }
0xf9: {  	v40 =	vld.idx.msk [tilespmem:v23+s28+$0x0], $0xffff  }
0xfa: {  	v56 =	vld [tilespmem:s19+$0x20];
	v41 =	vor.u32 s10, v5;
	[tilespmem:s19+$0xFFFFFF70] =	vst v12  }
0xfb: {  	[tilespmem:s19+$0xFFFFFFB8] =	vst v11;
	v11 =	vmul.f32 v25, v15;
	v15 =	vld.idx.msk [tilespmem:v38+s28+$0x0], $0xffff  }
0xfc: {  	v39 =	vld.idx.msk [tilespmem:v20+s28+$0x0], $0xffff  }
0xfd: {  	v10 =	vor.u32 s8, v5;
	v12 =	vmul.f32 v17, v14;
	v14 =	vld.idx.msk [tilespmem:v24+s28+$0x0], $0xffff;
	v9 =	vmul.f32 v9, v16  }
0xfe: {  	v26 =	vor.u32 s11, v5;
	[tilespmem:s19+$0x48] =	vst v11;
	v17 =	vld [tilespmem:s19+$0xFFFFFEF0];
	v11 =	vmul.f32 v13, v40  }
0xff: {  	v42 =	vor.u32 s6, v5;
	[tilespmem:s19+$0x90] =	vst v9;
	v9 =	vld.idx.msk [tilespmem:v41+s28+$0x0], $0xffff  }
0x100: {  	[tilespmem:s19+$0xF8] =	vst v11;
	v11 =	vld [tilespmem:s19+$0xFFFFFF38]  }
0x101: {  	v58 =	vld [tilespmem:s19+$0x68];
	[tilespmem:s19+$0x0] =	vst v12  }
0x102: {  	v49 =	vor.u32 s12, v6;
	v10 =	vld.idx.msk [tilespmem:v10+s28+$0x0], $0xffff  }
0x103: {  	v44 =	vor.u32 s7, v6;
	v15 =	vmul.f32 v45, v15;
	v12 =	vld.idx.msk [tilespmem:v26+s28+$0x0], $0xffff  }
0x104: {  	v17 =	vmul.f32 v17, v39;
	v13 =	vld.idx.msk [tilespmem:v42+s28+$0x0], $0xffff  }
0x105: {  	v47 =	vor.u32 s13, v6;
	[tilespmem:s19+$0xFFFFFF80] =	vst v15;
	v9 =	vmul.f32 v50, v9;
	v11 =	vmul.f32 v11, v14;
	v14 =	vld [tilespmem:s19+$0xA0]  }
0x106: {  	v60 =	vld [tilespmem:s19+$0xB0];
	v51 =	vor.u32 s11, v6;
	[tilespmem:s19+$0xFFFFFEF0] =	vst v17  }
0x107: {  	v15 =	vld.idx.msk [tilespmem:v49+s28+$0x0], $0xffff;
	v17 =	vor.u32 s8, v6;
	v10 =	vmul.f32 v48, v10;
	[tilespmem:s19+$0x58] =	vst v9  }
0x108: {  	v20 =	vld.idx.msk [tilespmem:v44+s28+$0x0], $0xffff;
	[tilespmem:s19+$0xFFFFFF38] =	vst v11;
	v11 =	vmul.f32 v46, v12  }
0x109: {  	v16 =	vor.u32 s14, v7;
	v9 =	vld [tilespmem:s19+$0xFFFFFF48];
	[tilespmem:s19+$0x10] =	vst v10  }
0x10a: {  	v12 =	vor.u32 s6, v6;
	v53 =	vld.idx.msk [tilespmem:v47+s28+$0x0], $0xffff;
	[tilespmem:s19+$0xFFFFFFC8] =	vst v11;
	v10 =	vmul.f32 v14, v13  }
0x10b: {  	v52 =	vor.u32 s10, v6;
	v11 =	vld.idx.msk [tilespmem:v51+s28+$0x0], $0xffff  }
0x10c: {  	v13 =	vld.idx.msk [tilespmem:v17+s28+$0x0], $0xffff;
	[tilespmem:s19+$0xA0] =	vst v10;
	v10 =	vor.u32 s7, v7  }
0x10d: {  	v17 =	vld [tilespmem:s19+$0xFFFFFF90]  }
0x10e: {  	v55 =	vor.u32 s13, v7;
	v16 =	vld.idx.msk [tilespmem:v16+s28+$0x0], $0xffff;
	v20 =	vmul.f32 v27, v20  }
0x10f: {  	v59 =	vor.u32 s11, v7;
	v12 =	vld.idx.msk [tilespmem:v12+s28+$0x0], $0xffff  }
0x110: {  	v61 =	vor.u32 s8, v7;
	[tilespmem:s19+$0xFFFFFF00] =	vst v20;
	v14 =	vld.idx.msk [tilespmem:v52+s28+$0x0], $0xffff;
	v9 =	vmul.f32 v9, v53  }
0x111: {  	v57 =	vor.u32 s12, v7;
	v11 =	vmul.f32 v54, v11;
	v62 =	vld.idx.msk [tilespmem:v10+s28+$0x0], $0xffff  }
0x112: {  	v63 =	vor.u32 s6, v7;
	[tilespmem:s19+$0xFFFFFF48] =	vst v9;
	v13 =	vmul.f32 v56, v13;
	v10 =	vmul.f32 v17, v15;
	v17 =	vld [tilespmem:s19+$0xFFFFFF10]  }
0x113: {  	v9 =	vld.idx.msk [tilespmem:v55+s28+$0x0], $0xffff;
	v15 =	vor.u32 s10, v7;
	[tilespmem:s19+$0xFFFFFFD8] =	vst v11  }
0x114: {  	p1 =	por $0x1, $0x1;
	[tilespmem:s19+$0x20] =	vst v13;
	v11 =	vld.idx.msk [tilespmem:v59+s28+$0x0], $0xffff;
	v20 =	vmul.f32 v60, v12  }
.Ltmp6:
0x115: {  	v14 =	vmul.f32 v58, v14;
	v12 =	vld.idx.msk [tilespmem:v61+s28+$0x0], $0xffff;
	[tilespmem:s19+$0xFFFFFF90] =	vst v10;
	(pc) =	sbr.rel @!p1 .LBB2_11-.Ltmp6, $4  }
0x116: {  	v16 =	vmul.f32 v43, v16;
	v10 =	vld.idx.msk [tilespmem:v57+s28+$0x0], $0xffff;
	[tilespmem:s19+$0xB0] =	vst v20  }
0x117: {  	[tilespmem:s19+$0x68] =	vst v14;
	v14 =	vld.idx.msk [tilespmem:v63+s28+$0x0], $0xffff;
	v17 =	vmul.f32 v17, v62  }
0x118: {  	p0 =	por $0x1, $0x1;
	s8 =	simm.s32 $0x120;
	[tilespmem:s19+$0x108] =	vst v16;
	v13 =	vld.idx.msk [tilespmem:v15+s28+$0x0], $0xffff  }
0x119: {  	s6 =	simm.s32 $0x120;
	s7 =	simm.s32 $0x40;
	s10 =	simm.s32 $0x10;
	v15 =	vld [tilespmem:s19+$0xFFFFFF58];
	[tilespmem:s19+$0xFFFFFF10] =	vst v17  }
.LBB2_12:
0x11a: {  	p1 =	slt.u32 s10, $0x78;
	v16 =	vor.u32 s7, v3;
	v30 =	vor.u32 s7, v5;
	v22 =	vor.u32 s7, v6;
	s12 =	sadd.s32 $0x8, s7;
	s11 =	sadd.s32 $0x38, s7;
	v31 =	vld [tilespmem:s8+$0xFFFFFFA0]  }
0x11b: {  	s13 =	sadd.s32 $0x10, s7;
	s14 =	sadd.s32 $0x18, s7;
	s15 =	sadd.s32 $0x20, s7;
	v17 =	vor.u32 s12, v3;
	v32 =	vor.u32 s12, v5;
	v18 =	vor.u32 s11, v3;
	v33 =	vld [tilespmem:s8+$0xFFFFFFE8]  }
0x11c: {  	s9 =	sadd.s32 $0x28, s7;
	s20 =	sadd.s32 $0x30, s7;
	v34 =	vor.u32 s13, v3;
	v35 =	vor.u32 s14, v3;
	v36 =	vor.u32 s15, v3;
	v37 =	vld [tilespmem:s8+$0x30]  }
0x11d: {  	v38 =	vor.u32 s13, v5;
	v39 =	vor.u32 s9, v3;
	v40 =	vor.u32 s20, v3;
	v41 =	vld [tilespmem:s8+$0x78]  }
0x11e: {  	v42 =	vor.u32 s14, v5;
	v43 =	vor.u32 s15, v5;
	v44 =	vor.u32 s9, v5;
	v45 =	vld [tilespmem:s8+$0xC0]  }
0x11f: {  	v29 =	vor.u32 s12, v6;
	v28 =	vor.u32 s13, v6;
	v47 =	vor.u32 s20, v5;
	v46 =	vld.idx.msk [tilespmem:v16+s28+$0x0], $0xffff  }
0x120: {  	v27 =	vor.u32 s14, v6;
	v25 =	vor.u32 s15, v6;
	v24 =	vor.u32 s9, v6;
	s8 =	sadd.s32 $0x240, s8;
	v48 =	vld.idx.msk [tilespmem:v18+s28+$0x0], $0xffff  }
0x121: {  	v21 =	vor.u32 s12, v7;
	v19 =	vor.u32 s13, v7;
	v26 =	vor.u32 s20, v6;
	v49 =	vld [tilespmem:s8+$0xD8]  }
0x122: {  	v20 =	vor.u32 s14, v7;
	v16 =	vor.u32 s9, v7;
	v18 =	vor.u32 s15, v7;
	v50 =	vld.idx.msk [tilespmem:v17+s28+$0x0], $0xffff  }
0x123: {  	v23 =	vor.u32 s7, v7;
	v9 =	vmul.f32 v15, v9;
	v17 =	vor.u32 s20, v7;
	v34 =	vld.idx.msk [tilespmem:v34+s28+$0x0], $0xffff  }
0x124: {  	v10 =	vmul.f32 v31, v10;
	v11 =	vmul.f32 v33, v11;
	v15 =	vld.idx.msk [tilespmem:v35+s28+$0x0], $0xffff;
	v35 =	vor.u32 s11, v5  }
0x125: {  	v31 =	vld.idx.msk [tilespmem:v36+s28+$0x0], $0xffff;
	[tilespmem:s6+$0xFFFFFF58] =	vst v9;
	v9 =	vmul.f32 v37, v12;
	v12 =	vmul.f32 v41, v13  }
0x126: {  	v13 =	vld.idx.msk [tilespmem:v39+s28+$0x0], $0xffff;
	v33 =	vmul.f32 v49, v48;
	[tilespmem:s6+$0xFFFFFFA0] =	vst v10;
	v10 =	vmul.f32 v45, v14  }
0x127: {  	v14 =	vld.idx.msk [tilespmem:v40+s28+$0x0], $0xffff;
	[tilespmem:s6+$0xFFFFFFE8] =	vst v11  }
0x128: {  	v11 =	vld [tilespmem:s8+$0xFFFFFEE0];
	[tilespmem:s8+$0xD8] =	vst v33  }
0x129: {  	v33 =	vld.idx.msk [tilespmem:v35+s28+$0x0], $0xffff;
	[tilespmem:s6+$0x30] =	vst v9  }
0x12a: {  	v9 =	vld [tilespmem:s8+$0xE8];
	[tilespmem:s6+$0x78] =	vst v12  }
0x12b: {  	v12 =	vld [tilespmem:s8+$0xFFFFFF28];
	[tilespmem:s6+$0xC0] =	vst v10;
	s6 =	smov.u32 s8  }
0x12c: {  	v10 =	vld [tilespmem:s8+$0xFFFFFF70]  }
0x12d: {  	v36 =	vor.u32 s11, v6;
	v11 =	vmul.f32 v11, v46;
	v35 =	vld [tilespmem:s8+$0xFFFFFFB8]  }
0x12e: {  	v37 =	vld [tilespmem:s8+$0x0]  }
0x12f: {  	[tilespmem:s8+$0xFFFFFEE0] =	vst v11;
	v11 =	vld [tilespmem:s8+$0x48];
	v9 =	vmul.f32 v9, v33  }
0x130: {  	v12 =	vmul.f32 v12, v50;
	v33 =	vld [tilespmem:s8+$0x90]  }
0x131: {  	v30 =	vld.idx.msk [tilespmem:v30+s28+$0x0], $0xffff;
	v10 =	vmul.f32 v10, v34;
	[tilespmem:s8+$0xE8] =	vst v9  }
0x132: {  	[tilespmem:s8+$0xFFFFFF28] =	vst v12;
	v9 =	vmul.f32 v35, v15;
	v12 =	vld.idx.msk [tilespmem:v36+s28+$0x0], $0xffff  }
0x133: {  	[tilespmem:s8+$0xFFFFFF70] =	vst v10;
	v10 =	vmul.f32 v37, v31;
	v15 =	vld [tilespmem:s8+$0xF8]  }
0x134: {  	v31 =	vld.idx.msk [tilespmem:v32+s28+$0x0], $0xffff;
	[tilespmem:s8+$0xFFFFFFB8] =	vst v9;
	v9 =	vmul.f32 v11, v13  }
0x135: {  	v11 =	vld.idx.msk [tilespmem:v38+s28+$0x0], $0xffff;
	[tilespmem:s8+$0x0] =	vst v10;
	v10 =	vmul.f32 v33, v14  }
0x136: {  	v13 =	vld.idx.msk [tilespmem:v42+s28+$0x0], $0xffff;
	[tilespmem:s8+$0x48] =	vst v9;
	v9 =	vor.u32 s11, v7  }
0x137: {  	v14 =	vld.idx.msk [tilespmem:v43+s28+$0x0], $0xffff;
	[tilespmem:s8+$0x90] =	vst v10  }
0x138: {  	v10 =	vld.idx.msk [tilespmem:v44+s28+$0x0], $0xffff;
	v12 =	vmul.f32 v15, v12  }
0x139: {  	v15 =	vld.idx.msk [tilespmem:v47+s28+$0x0], $0xffff  }
0x13a: {  	v32 =	vld [tilespmem:s8+$0xFFFFFEF0];
	[tilespmem:s8+$0xF8] =	vst v12  }
0x13b: {  	v9 =	vld.idx.msk [tilespmem:v9+s28+$0x0], $0xffff  }
0x13c: {  	v12 =	vld [tilespmem:s8+$0x108]  }
0x13d: {  	v33 =	vld [tilespmem:s8+$0xFFFFFF38]  }
0x13e: {  	v34 =	vld [tilespmem:s8+$0xFFFFFF80]  }
0x13f: {  	v30 =	vmul.f32 v32, v30;
	v32 =	vld [tilespmem:s8+$0xFFFFFFC8]  }
0x140: {  	v35 =	vld [tilespmem:s8+$0x10]  }
0x141: {  	[tilespmem:s8+$0xFFFFFEF0] =	vst v30;
	v30 =	vld [tilespmem:s8+$0x58];
	v9 =	vmul.f32 v12, v9  }
0x142: {  	v12 =	vmul.f32 v33, v31;
	v31 =	vld [tilespmem:s8+$0xA0]  }
0x143: {  	v22 =	vld.idx.msk [tilespmem:v22+s28+$0x0], $0xffff;
	v11 =	vmul.f32 v34, v11;
	[tilespmem:s8+$0x108] =	vst v9  }
0x144: {  	v9 =	vld [tilespmem:s8+$0xFFFFFF00];
	[tilespmem:s8+$0xFFFFFF38] =	vst v12;
	v12 =	vmul.f32 v32, v13  }
0x145: {  	v13 =	vld.idx.msk [tilespmem:v29+s28+$0x0], $0xffff;
	[tilespmem:s8+$0xFFFFFF80] =	vst v11;
	v11 =	vmul.f32 v35, v14  }
0x146: {  	v14 =	vld.idx.msk [tilespmem:v28+s28+$0x0], $0xffff;
	[tilespmem:s8+$0xFFFFFFC8] =	vst v12;
	v10 =	vmul.f32 v30, v10  }
0x147: {  	v12 =	vld.idx.msk [tilespmem:v27+s28+$0x0], $0xffff;
	[tilespmem:s8+$0x10] =	vst v11;
	v11 =	vmul.f32 v31, v15  }
0x148: {  	v15 =	vld.idx.msk [tilespmem:v25+s28+$0x0], $0xffff;
	[tilespmem:s8+$0x58] =	vst v10  }
0x149: {  	v9 =	vmul.f32 v9, v22;
	v22 =	vld.idx.msk [tilespmem:v24+s28+$0x0], $0xffff;
	[tilespmem:s8+$0xA0] =	vst v11  }
0x14a: {  	v24 =	vld.idx.msk [tilespmem:v26+s28+$0x0], $0xffff  }
0x14b: {  	[tilespmem:s8+$0xFFFFFF00] =	vst v9;
	v9 =	vld [tilespmem:s8+$0xFFFFFF48]  }
0x14c: {  	v10 =	vld [tilespmem:s8+$0xFFFFFF90]  }
0x14d: {  	v11 =	vld [tilespmem:s8+$0xFFFFFFD8]  }
0x14e: {  	v25 =	vld [tilespmem:s8+$0x20]  }
0x14f: {  	v26 =	vld [tilespmem:s8+$0x68]  }
0x150: {  	v9 =	vmul.f32 v9, v13;
	v13 =	vld [tilespmem:s8+$0xB0]  }
0x151: {  	v23 =	vld.idx.msk [tilespmem:v23+s28+$0x0], $0xffff;
	v10 =	vmul.f32 v10, v14  }
0x152: {  	v14 =	vld [tilespmem:s8+$0xFFFFFF10];
	[tilespmem:s8+$0xFFFFFF48] =	vst v9;
	v11 =	vmul.f32 v11, v12  }
0x153: {  	v9 =	vld.idx.msk [tilespmem:v21+s28+$0x0], $0xffff;
	[tilespmem:s8+$0xFFFFFF90] =	vst v10;
	v12 =	vmul.f32 v25, v15  }
0x154: {  	v10 =	vld.idx.msk [tilespmem:v19+s28+$0x0], $0xffff;
	[tilespmem:s8+$0xFFFFFFD8] =	vst v11;
	v15 =	vmul.f32 v26, v22  }
.Ltmp7:
0x155: {  	v11 =	vld.idx.msk [tilespmem:v20+s28+$0x0], $0xffff;
	[tilespmem:s8+$0x20] =	vst v12;
	v19 =	vmul.f32 v13, v24;
	(pc) =	sbr.rel @p1 .LBB2_12-.Ltmp7, $4  }
0x156: {  	v12 =	vld.idx.msk [tilespmem:v18+s28+$0x0], $0xffff;
	[tilespmem:s8+$0x68] =	vst v15  }
0x157: {  	v15 =	vmul.f32 v14, v23;
	v13 =	vld.idx.msk [tilespmem:v16+s28+$0x0], $0xffff;
	[tilespmem:s8+$0xB0] =	vst v19  }
0x158: {  	v14 =	vld.idx.msk [tilespmem:v17+s28+$0x0], $0xffff  }
0x159: {  	s7 =	sshll.u32 s10, $0x3;
	s10 =	sadd.s32 $0x8, s10;
	[tilespmem:s8+$0xFFFFFF10] =	vst v15;
	v15 =	vld [tilespmem:s8+$0xFFFFFF58]  }
.LBB2_13:
0x15a: {  	v20 =	vld @p0 [tilespmem:s8+$0xFFFFFFA0]  }
0x15b: {  	v19 =	vld @p0 [tilespmem:s8+$0xFFFFFFE8]  }
0x15c: {  	v16 =	vld @p0 [tilespmem:s8+$0x30]  }
0x15d: {  	v17 =	vld @p0 [tilespmem:s8+$0x78]  }
0x15e: {  	v18 =	vld @p0 [tilespmem:s8+$0xC0];
	s8 =	sadd.s32 @p0 $0x240, s8  }
0x15f: {  	s19 =	smov.u32 @p0 s8  }
0x160: {  	v28 =	vld [tilespmem:s19+$0xD8]  }
0x161: {  	v31 =	vld [tilespmem:s19+$0xFFFFFF28]  }
0x162: {  	v33 =	vld [tilespmem:s19+$0xFFFFFF70]  }
0x163: {  	v34 =	vld [tilespmem:s19+$0xFFFFFFB8]  }
0x164: {  	v37 =	vld [tilespmem:s19+$0x48]  }
0x165: {  	v47 =	vld [tilespmem:s19+$0xFFFFFF80]  }
0x166: {  	v48 =	vld [tilespmem:s19+$0xFFFFFFC8]  }
0x167: {  	v51 =	vld [tilespmem:s19+$0x58]  }
0x168: {  	v21 =	vor.u32 s7, v3;
	s15 =	sadd.s32 $0x38, s7;
	v39 =	vld [tilespmem:s19+$0xFFFFFF00]  }
0x169: {  	v22 =	vor.u32 s15, v3;
	v56 =	vld [tilespmem:s19+$0x20]  }
0x16a: {  	v58 =	vld [tilespmem:s19+$0x68]  }
0x16b: {  	s11 =	sadd.s32 $0x8, s7;
	v60 =	vld [tilespmem:s19+$0xB0]  }
0x16c: {  	s12 =	sadd.s32 $0x10, s7;
	v23 =	vor.u32 s11, v3;
	v62 =	vld [tilespmem:s19+$0xFFFFFF10]  }
0x16d: {  	s20 =	sadd.s32 $0x30, s7;
	v24 =	vor.u32 s12, v3;
	v21 =	vld.idx.msk [tilespmem:v21+s28+$0x0], $0xffff  }
0x16e: {  	v29 =	vor.u32 s20, v3;
	v22 =	vld.idx.msk [tilespmem:v22+s28+$0x0], $0xffff  }
0x16f: {  	s13 =	sadd.s32 $0x18, s7;
	v12 =	vmul.f32 @p0 v16, v12;
	v16 =	vld [tilespmem:s19+$0x30]  }
0x170: {  	s10 =	sadd.s32 $0x20, s7;
	v25 =	vor.u32 s13, v3;
	v13 =	vmul.f32 @p0 v17, v13;
	v17 =	vld [tilespmem:s19+$0x78]  }
0x171: {  	v26 =	vor.u32 s10, v3;
	v23 =	vld.idx.msk [tilespmem:v23+s28+$0x0], $0xffff  }
0x172: {  	v30 =	vor.u32 s15, v5;
	v24 =	vld.idx.msk [tilespmem:v24+s28+$0x0], $0xffff  }
0x173: {  	v22 =	vmul.f32 v28, v22;
	v28 =	vld.idx.msk [tilespmem:v29+s28+$0x0], $0xffff  }
0x174: {  	s14 =	sadd.s32 $0x28, s7;
	v29 =	vld [tilespmem:s19+$0xFFFFFEE0]  }
0x175: {  	v27 =	vor.u32 s14, v3;
	v25 =	vld.idx.msk [tilespmem:v25+s28+$0x0], $0xffff  }
0x176: {  	v26 =	vld.idx.msk [tilespmem:v26+s28+$0x0], $0xffff;
	[tilespmem:s19+$0xD8] =	vst v22  }
0x177: {  	v22 =	vld.idx.msk [tilespmem:v30+s28+$0x0], $0xffff  }
0x178: {  	v32 =	vor.u32 s7, v5;
	v30 =	vld [tilespmem:s19+$0xE8]  }
0x179: {  	v36 =	vor.u32 s11, v5;
	v23 =	vmul.f32 v31, v23;
	v21 =	vmul.f32 v29, v21;
	v29 =	vld [tilespmem:s19+$0x0]  }
0x17a: {  	v27 =	vld.idx.msk [tilespmem:v27+s28+$0x0], $0xffff  }
0x17b: {  	v35 =	vor.u32 s15, v6;
	[tilespmem:s19+$0xFFFFFF28] =	vst v23;
	v23 =	vmul.f32 v34, v25;
	v25 =	vld [tilespmem:s19+$0xF8]  }
0x17c: {  	v38 =	vor.u32 s13, v5;
	v24 =	vmul.f32 v33, v24;
	[tilespmem:s19+$0xFFFFFEE0] =	vst v21;
	v21 =	vld [tilespmem:s19+$0x90]  }
0x17d: {  	v22 =	vmul.f32 v30, v22;
	v30 =	vor.u32 s12, v5;
	v31 =	vld.idx.msk [tilespmem:v32+s28+$0x0], $0xffff  }
0x17e: {  	[tilespmem:s19+$0xFFFFFF70] =	vst v24;
	v24 =	vmul.f32 v29, v26;
	v26 =	vld.idx.msk [tilespmem:v36+s28+$0x0], $0xffff  }
0x17f: {  	v44 =	vor.u32 s14, v5;
	[tilespmem:s19+$0xE8] =	vst v22;
	v29 =	vld [tilespmem:s19+$0xFFFFFEF0]  }
0x180: {  	[tilespmem:s19+$0xFFFFFFB8] =	vst v23;
	v22 =	vor.u32 s10, v5;
	v43 =	vld.idx.msk [tilespmem:v35+s28+$0x0], $0xffff  }
0x181: {  	v23 =	vmul.f32 v37, v27;
	[tilespmem:s19+$0x0] =	vst v24;
	v24 =	vld.idx.msk [tilespmem:v38+s28+$0x0], $0xffff  }
0x182: {  	v45 =	vor.u32 s20, v5;
	v21 =	vmul.f32 v21, v28;
	v27 =	vld.idx.msk [tilespmem:v30+s28+$0x0], $0xffff  }
0x183: {  	[tilespmem:s19+$0x48] =	vst v23;
	v30 =	vld [tilespmem:s19+$0xFFFFFF38]  }
0x184: {  	v46 =	vor.u32 s7, v6;
	[tilespmem:s19+$0x90] =	vst v21;
	v21 =	vld.idx.msk [tilespmem:v44+s28+$0x0], $0xffff  }
0x185: {  	v28 =	vor.u32 s15, v7;
	v22 =	vld.idx.msk [tilespmem:v22+s28+$0x0], $0xffff  }
0x186: {  	v29 =	vmul.f32 v29, v31;
	v31 =	vld [tilespmem:s19+$0x10]  }
0x187: {  	v52 =	vor.u32 s13, v6;
	v23 =	vmul.f32 v25, v43;
	v25 =	vld.idx.msk [tilespmem:v45+s28+$0x0], $0xffff  }
0x188: {  	[tilespmem:s19+$0xFFFFFEF0] =	vst v29;
	v29 =	vld [tilespmem:s19+$0xA0]  }
0x189: {  	v49 =	vor.u32 s11, v6;
	v24 =	vmul.f32 v48, v24;
	[tilespmem:s19+$0xF8] =	vst v23;
	v32 =	vld.idx.msk [tilespmem:v46+s28+$0x0], $0xffff  }
0x18a: {  	v50 =	vor.u32 s12, v6;
	v23 =	vld.idx.msk [tilespmem:v28+s28+$0x0], $0xffff  }
0x18b: {  	v26 =	vmul.f32 v30, v26;
	v30 =	vor.u32 s10, v6;
	v28 =	vld [tilespmem:s19+$0x108];
	[tilespmem:s19+$0xFFFFFFC8] =	vst v24  }
0x18c: {  	v27 =	vmul.f32 v47, v27;
	v24 =	vld.idx.msk [tilespmem:v52+s28+$0x0], $0xffff  }
0x18d: {  	[tilespmem:s19+$0xFFFFFF38] =	vst v26;
	v26 =	vor.u32 s20, v6;
	v22 =	vmul.f32 v31, v22;
	v31 =	vld [tilespmem:s19+$0xFFFFFFD8]  }
0x18e: {  	v10 =	vmul.f32 @p0 v20, v10;
	[tilespmem:s19+$0xFFFFFF80] =	vst v27;
	v54 =	vld.idx.msk [tilespmem:v49+s28+$0x0], $0xffff  }
0x18f: {  	v27 =	vld.idx.msk [tilespmem:v50+s28+$0x0], $0xffff;
	[tilespmem:s19+$0x10] =	vst v22;
	v22 =	vmul.f32 v29, v25  }
0x190: {  	v53 =	vor.u32 s14, v6;
	v11 =	vmul.f32 @p0 v19, v11;
	[tilespmem:s6+$0xFFFFFFA0] =	vst @p0 v10;
	v25 =	vld.idx.msk [tilespmem:v30+s28+$0x0], $0xffff  }
0x191: {  	v30 =	vld [tilespmem:s19+$0xFFFFFF90];
	[tilespmem:s19+$0xA0] =	vst v22  }
0x192: {  	[tilespmem:s6+$0xFFFFFFE8] =	vst @p0 v11;
	v21 =	vmul.f32 v51, v21;
	v22 =	vld.idx.msk [tilespmem:v26+s28+$0x0], $0xffff  }
0x193: {  	[tilespmem:s6+$0x30] =	vst @p0 v12;
	v26 =	vld [tilespmem:s19+$0xFFFFFF48]  }
0x194: {  	v10 =	vld [tilespmem:s19+$0xFFFFFF58];
	[tilespmem:s19+$0x58] =	vst v21;
	v29 =	vor.u32 s7, v7;
	v32 =	vmul.f32 v39, v32  }
0x195: {  	v59 =	vor.u32 s13, v7;
	[tilespmem:s6+$0x78] =	vst @p0 v13;
	v21 =	vld.idx.msk [tilespmem:v53+s28+$0x0], $0xffff;
	v13 =	vmul.f32 v28, v23  }
0x196: {  	v57 =	vor.u32 s12, v7;
	v11 =	vld [tilespmem:s19+$0xFFFFFFA0];
	[tilespmem:s19+$0xFFFFFF00] =	vst v32;
	v24 =	vmul.f32 v31, v24  }
0x197: {  	v55 =	vor.u32 s11, v7;
	v12 =	vld [tilespmem:s19+$0xFFFFFFE8];
	[tilespmem:s19+$0x108] =	vst v13;
	v27 =	vmul.f32 v30, v27  }
0x198: {  	v13 =	vld [tilespmem:s19+$0xC0];
	[tilespmem:s19+$0xFFFFFFD8] =	vst v24;
	v30 =	vor.u32 s14, v7;
	v26 =	vmul.f32 v26, v54  }
0x199: {  	v61 =	vor.u32 s10, v7;
	v14 =	vmul.f32 @p0 v18, v14;
	v29 =	vld.idx.msk [tilespmem:v29+s28+$0x0], $0xffff;
	[tilespmem:s19+$0xFFFFFF90] =	vst v27  }
0x19a: {  	v21 =	vmul.f32 v58, v21;
	v24 =	vld.idx.msk [tilespmem:v59+s28+$0x0], $0xffff;
	[tilespmem:s19+$0xFFFFFF48] =	vst v26;
	v26 =	vor.u32 s20, v7  }
0x19b: {  	[tilespmem:s6+$0xC0] =	vst @p0 v14;
	v25 =	vmul.f32 v56, v25;
	v27 =	vld.idx.msk [tilespmem:v57+s28+$0x0], $0xffff  }
0x19c: {  	[tilespmem:s19+$0x68] =	vst v21;
	v22 =	vmul.f32 v60, v22;
	v31 =	vld.idx.msk [tilespmem:v55+s28+$0x0], $0xffff  }
0x19d: {  	v9 =	vmul.f32 @p0 v15, v9;
	[tilespmem:s19+$0x20] =	vst v25;
	v20 =	vld.idx.msk [tilespmem:v30+s28+$0x0], $0xffff  }
0x19e: {  	v15 =	vld.idx.msk [tilespmem:v61+s28+$0x0], $0xffff;
	[tilespmem:s19+$0xB0] =	vst v22;
	v14 =	vmul.f32 v62, v29  }
0x19f: {  	[tilespmem:s6+$0xFFFFFF58] =	vst @p0 v9;
	v12 =	vmul.f32 v12, v24;
	v9 =	vld.idx.msk [tilespmem:v26+s28+$0x0], $0xffff  }
0x1a0: {  	[tilespmem:s19+$0xFFFFFF10] =	vst v14;
	v11 =	vmul.f32 v11, v27  }
0x1a1: {  	[tilespmem:s19+$0xFFFFFFE8] =	vst v12;
	v10 =	vmul.f32 v10, v31  }
0x1a2: {  	[tilespmem:s19+$0xFFFFFFA0] =	vst v11;
	v11 =	vmul.f32 v17, v20  }
0x1a3: {  	[tilespmem:s19+$0xFFFFFF58] =	vst v10;
	v10 =	vmul.f32 v16, v15  }
0x1a4: {  	[tilespmem:s19+$0x78] =	vst v11;
	v9 =	vmul.f32 v13, v9  }
0x1a5: {  	s7 =	sand.u32 $0x3FFFFF00, s18;
	[tilespmem:s19+$0x30] =	vst v10  }
0x1a6: {  	s6 =	sadd.s32 $0x7900, s7;
	[tilespmem:s19+$0xC0] =	vst v9  }
0x1a7: {  	[spmem:s3] =	stream.indirect.scatter.add.f32 [tilespmem:s4], [sflag:$0x6], $0x48, s6, s21, $0xb8;
	[tilespmem:$0x15A10] =	vst v63  }
0x1a8: {  	p0 =	seq.s32 s16, $0x28;
	_ =	swait.ge [sflag:s17], $0x2400  }
0x1a9: {  	s8 =	simm.s32 @!p0 $0x0;
	[sflag:s17] =	ssyncset.done $0x0  }
0x1aa: {  	s7 =	simm.s32 @!p0 $0x80;
	s6 =	sadd.s32 @!p0 $0x5100, s18;
	[sflag:s17] =	ssyncadd.s32 $0xFFFFDC00  }
0x1ab: {  	[tilespmem:s8], [sflag:$0x2] =	stream.indirect.gather @!p0 [hbm4b:s5+s7], $0x48, s6, s7, $0xb8;
	[tilespmem:$0x15A10] =	vst v63  }
0x1ac: {  	s9 =	simm.s32 $0x4;
	s6 =	sadd.s32 @!p0 $0x7A00, s18;
	s8 =	simm.s32 @!p0 $0x4800  }
0x1ad: {  	v9 =	vor.u32 s9, v3;
	[tilespmem:s8], [sflag:$0x4] =	stream.indirect.gather @!p0 [hbm4b:s2+s7], $0x8, s6, s7, $0xb8;
	[tilespmem:$0x15A10] =	vst v63  }
0x1ae: {  	v10 =	vmul.u32 $0x48, v9;
	v9 =	vshll.u32 v9, $0x3;
	_ =	swait.ge [sflag:s29], $0x2400  }
0x1af: {  	s9 =	simm.s32 $0x2;
	v29 =	vor.u32 v1, v9;
	[sflag:s29] =	ssyncset.done $0x0  }
0x1b0: {  	v63 =	vadd.s32 v4, v10;
	v10 =	vor.u32 s9, v3;
	s8 =	simm.s32 $0x0;
	[sflag:s29] =	ssyncadd.s32 $0xFFFFDC00  }
0x1b1: {  	v12 =	vmul.u32 $0x48, v10;
	v10 =	vshll.u32 v10, $0x3;
	v9 =	vor.u32 s8, v3;
	_ =	swait.ge [sflag:s30], $0x400  }
0x1b2: {  	v23 =	vor.u32 v1, v10;
	v11 =	vmul.u32 $0x48, v9;
	v9 =	vshll.u32 v9, $0x3;
	[sflag:s30] =	ssyncset.done $0x0  }
0x1b3: {  	v20 =	vor.u32 v1, v9;
	[sflag:s30] =	ssyncadd.s32 $0xFFFFFC00  }
0x1b4: {  	v14 =	vadd.s32 v4, v11;
	v11 =	vadd.s32 v4, v12;
	v13 =	vld.idx.msk [tilespmem:v29+s24+$0x0], $0xffff  }
0x1b5: {  	s10 =	simm.s32 $0x6;
	v12 =	vld.idx.msk [tilespmem:v63+s23+$0x0], $0xffff  }
0x1b6: {  	v15 =	vor.u32 s10, v3  }
0x1b7: {  	v16 =	vmul.u32 $0x48, v15;
	v21 =	vld.idx.msk [tilespmem:v23+s24+$0x0], $0xffff  }
0x1b8: {  	v17 =	vld.idx.msk [tilespmem:v20+s24+$0x0], $0xffff  }
0x1b9: {  	s11 =	simm.s32 $0xC;
	v10 =	vshll.u32 v15, $0x3;
	v9 =	vadd.s32 v4, v16;
	v16 =	vld.idx.msk [tilespmem:v11+s23+$0x0], $0xffff  }
0x1ba: {  	s12 =	simm.s32 $0xE;
	v10 =	vor.u32 v1, v10;
	v15 =	vld.idx.msk [tilespmem:v14+s23+$0x0], $0xffff;
	v12 =	vadd.f32 v13, v12;
	v13 =	vor.u32 s11, v3  }
0x1bb: {  	s13 =	simm.s32 $0x8;
	s14 =	simm.s32 $0xA;
	v25 =	vor.u32 s12, v3;
	v19 =	vmul.u32 $0x48, v13;
	v13 =	vshll.u32 v13, $0x3  }
0x1bc: {  	v27 =	vor.u32 s14, v3;
	v26 =	vor.u32 s13, v3;
	v18 =	vor.u32 v1, v13  }
0x1bd: {  	v28 =	vmul.u32 $0x48, v27;
	v24 =	vmul.f32 $2.000000030e-01, v12;
	v22 =	vadd.s32 v4, v19  }
0x1be: {  	v27 =	vshll.u32 v27, $0x3;
	v31 =	vmul.u32 $0x48, v25;
	v13 =	vld.idx.msk [tilespmem:v9+s23+$0x0], $0xffff;
	v21 =	vadd.f32 v21, v16  }
0x1bf: {  	v47 =	vadd.f32 v17, v15;
	v19 =	vld.idx.msk [tilespmem:v10+s24+$0x0], $0xffff;
	v12 =	vmax.f32 v12, v24;
	v24 =	vmul.u32 $0x48, v26  }
0x1c0: {  	v16 =	vor.u32 v1, v27;
	v26 =	vshll.u32 v26, $0x3;
	v27 =	vmul.f32 $2.000000030e-01, v21  }
0x1c1: {  	v30 =	vsub.f32 v12, v8;
	v12 =	vadd.s32 v4, v24;
	v24 =	vshll.u32 v25, $0x3;
	v25 =	vld.idx.msk [tilespmem:v18+s24+$0x0], $0xffff  }
0x1c2: {  	v17 =	vadd.s32 v4, v28;
	v15 =	vor.u32 v1, v26;
	v26 =	vld.idx.msk [tilespmem:v22+s23+$0x0], $0xffff  }
0x1c3: {  	v48 =	vmul.f32 $2.000000030e-01, v47;
	v21 =	vmax.f32 v21, v27  }
0x1c4: {  	v30 =	vmul.f32 $1.442695020e+00, v30;
	v21 =	vsub.f32 v21, v8;
	v28 =	vadd.f32 v19, v13  }
0x1c5: {  	v13 =	vadd.s32 v4, v31;
	v19 =	vor.u32 v1, v24;
	v31 =	vmax.f32 v47, v48  }
0x1c6: {  	s18 =	simm.s32 $0x10;
	(erf) = vpow2.f32 v30;
	v27 =	vsub.f32 v31, v8;
	v24 =	vmul.f32 $2.000000030e-01, v28  }
0x1c7: {  	s20 =	simm.s32 $0x12;
	v49 =	vld.idx.msk [tilespmem:v17+s23+$0x0], $0xffff;
	v54 =	vmul.f32 $1.442695020e+00, v21;
	v21 =	vor.u32 s18, v3;
	v25 =	vadd.f32 v25, v26  }
0x1c8: {  	s19 =	simm.s32 $0x14;
	v55 =	vld.idx.msk [tilespmem:v16+s24+$0x0], $0xffff;
	v30 =	vor.u32 s20, v3;
	v52 =	vmul.f32 $1.442695020e+00, v27;
	v24 =	vmax.f32 v28, v24  }
0x1c9: {  	v53 =	vld.idx.msk [tilespmem:v15+s24+$0x0], $0xffff;
	v50 =	vsub.f32 v24, v8;
	v24 =	vor.u32 s19, v3;
	v27 =	vmul.f32 $2.000000030e-01, v25  }
0x1ca: {  	v41 =	vmul.u32 $0x48, v21;
	v31 =	vld.idx.msk [tilespmem:v12+s23+$0x0], $0xffff;
	v28 =	vmul.u32 $0x48, v24;
	v24 =	vshll.u32 v24, $0x3  }
0x1cb: {  	v43 =	vshll.u32 v21, $0x3;
	v40 =	vld.idx.msk [tilespmem:v13+s23+$0x0], $0xffff;
	v26 =	vor.u32 v1, v24;
	v24 =	vmax.f32 v25, v27  }
0x1cc: {  	v21 =	vadd.s32 v4, v41;
	v42 =	vld.idx.msk [tilespmem:v19+s24+$0x0], $0xffff;
	v27 =	vadd.s32 v4, v28;
	v28 =	vsub.f32 v24, v8  }
0x1cd: {  	s15 =	simm.s32 $0x16;
	v39 =	vadd.f32 v55, v49;
	v25 =	vmul.u32 $0x48, v30;
	v30 =	vshll.u32 v30, $0x3  }
0x1ce: {  	v51 =	vor.u32 s15, v3;
	v30 =	vor.u32 v1, v30;
	v44 =	vmul.f32 $1.442695020e+00, v28  }
0x1cf: {  	v56 =	vmul.u32 $0x48, v51;
	v62 =	vmul.f32 $2.000000030e-01, v39;
	v24 =	vadd.s32 v4, v25  }
0x1d0: {  	v37 =	vadd.f32 v53, v31;
	v25 =	vor.u32 v1, v43;
	v57 =	vld.idx.msk [tilespmem:v26+s24+$0x0], $0xffff;
	(erf) = vpow2.f32 v44  }
0x1d1: {  	v35 =	vmax.f32 v39, v62;
	v58 =	vpop (erf);
	v40 =	vadd.f32 v42, v40;
	v28 =	vadd.s32 v4, v56;
	v59 =	vld.idx.msk [tilespmem:v27+s23+$0x0], $0xffff  }
0x1d2: {  	v31 =	vld.idx.msk [tilespmem:v21+s23+$0x0], $0xffff;
	v61 =	vmul.f32 $2.000000030e-01, v37;
	[tilespmem:v29+s28+$0x0] =	vst.idx.msk $0xffff, v58;
	v29 =	vshll.u32 v51, $0x3;
	(erf) = vpow2.f32 v52  }
0x1d3: {  	v60 =	vmul.f32 $1.442695020e+00, v50;
	[tilespmem:v63+s23+$0x0] =	vst.idx.msk $0xffff, v58;
	v29 =	vor.u32 v1, v29;
	v63 =	vmul.f32 $2.000000030e-01, v40;
	v34 =	vld.idx.msk [tilespmem:v30+s24+$0x0], $0xffff  }
0x1d4: {  	v38 =	vsub.f32 v35, v8;
	v37 =	vmax.f32 v37, v61;
	v32 =	vld.idx.msk [tilespmem:v24+s23+$0x0], $0xffff;
	(erf) = vpow2.f32 v54  }
0x1d5: {  	v39 =	vsub.f32 v37, v8;
	v36 =	vmax.f32 v40, v63;
	v33 =	vld.idx.msk [tilespmem:v25+s24+$0x0], $0xffff;
	(erf) = vpow2.f32 v60  }
0x1d6: {  	s6 =	simm.s32 $0x8;
	s7 =	simm.s32 $0x1E;
	v36 =	vsub.f32 v36, v8;
	v35 =	vld.idx.msk [tilespmem:v28+s23+$0x0], $0xffff;
	v37 =	vadd.f32 v57, v59  }
.LBB2_14:
0x1d7: {  	v40 =	vor.u32 s7, v3;
	v39 =	vmul.f32 $1.442695020e+00, v39;
	v38 =	vmul.f32 $1.442695020e+00, v38;
	v42 =	vmovc v16;
	v16 =	vmovc v30  }
0x1d8: {  	s8 =	sadd.s32 $0xFFFFFFFA, s7;
	s9 =	sadd.s32 $0xFFFFFFFC, s7;
	s10 =	sadd.s32 $0xFFFFFFFE, s7;
	v41 =	vld.idx.msk [tilespmem:v29+s24+$0x0], $0xffff;
	v43 =	vmovc v9;
	v9 =	vmovc v13;
	v13 =	vmov v28;
	v44 =	vmov v10;
	v10 =	vmov v19  }
0x1d9: {  	s6 =	sadd.s32 $0x4, s6;
	v28 =	vor.u32 s8, v3;
	v49 =	vor.u32 s10, v3;
	v30 =	vmul.f32 $2.000000030e-01, v37;
	v45 =	vpop (erf)  }
0x1da: {  	v19 =	vmovc v29;
	v46 =	vor.u32 s9, v3;
	p0 =	slt.u32 s6, $0x3C;
	v50 =	vmul.u32 $0x48, v49;
	v48 =	vshll.u32 v49, $0x3;
	[tilespmem:v18+s28+$0x0] =	vst.idx.msk $0xffff, v45;
	v18 =	vmovc v26  }
0x1db: {  	v29 =	vmul.u32 $0x48, v28;
	v26 =	vor.u32 v1, v48;
	v30 =	vmax.f32 v37, v30;
	[tilespmem:v22+s23+$0x0] =	vst.idx.msk $0xffff, v45;
	v22 =	vpop (erf)  }
0x1dc: {  	v37 =	vmul.u32 $0x48, v46;
	v45 =	vadd.s32 v4, v50;
	v30 =	vsub.f32 v30, v8;
	[tilespmem:v20+s28+$0x0] =	vst.idx.msk $0xffff, v22  }
0x1dd: {  	v20 =	vshll.u32 v28, $0x3;
	v28 =	vshll.u32 v46, $0x3;
	v46 =	vmul.u32 $0x48, v40;
	[tilespmem:v14+s23+$0x0] =	vst.idx.msk $0xffff, v22;
	v47 =	vpop (erf)  }
0x1de: {  	v48 =	vadd.s32 v4, v29;
	v14 =	vshll.u32 v40, $0x3;
	v40 =	vmul.f32 $1.442695020e+00, v30;
	[tilespmem:v23+s28+$0x0] =	vst.idx.msk $0xffff, v47;
	v23 =	vpop (erf)  }
0x1df: {  	v49 =	vor.u32 v1, v20;
	v50 =	vadd.s32 v4, v37;
	v22 =	vmovc v27;
	v30 =	vor.u32 v1, v28  }
0x1e0: {  	v27 =	vmovc v45;
	v28 =	vadd.s32 v4, v46;
	v29 =	vor.u32 v1, v14;
	v37 =	vld.idx.msk [tilespmem:v26+s24+$0x0], $0xffff;
	(erf) = vpow2.f32 v40  }
0x1e1: {  	v36 =	vmul.f32 $1.442695020e+00, v36;
	v34 =	vadd.f32 v34, v32;
	v14 =	vmovc v12;
	v40 =	vld.idx.msk [tilespmem:v45+s23+$0x0], $0xffff;
	v45 =	vadd.f32 v33, v31  }
0x1e2: {  	v35 =	vadd.f32 v41, v35;
	v12 =	vmovc v21;
	v21 =	vmov v48;
	(erf) = vpow2.f32 v39;
	[tilespmem:v11+s23+$0x0] =	vst.idx.msk $0xffff, v47  }
.Ltmp8:
0x1e3: {  	v41 =	vmul.f32 $2.000000030e-01, v34;
	v20 =	vmovc v15;
	v15 =	vmov v25;
	v31 =	vld.idx.msk [tilespmem:v48+s23+$0x0], $0xffff;
	v39 =	vmul.f32 $2.000000030e-01, v45;
	[tilespmem:v44+s28+$0x0] =	vst.idx.msk $0xffff, v23;
	(pc) =	sbr.rel @p0 .LBB2_14-.Ltmp8, $4  }
0x1e4: {  	v25 =	vmovc v49;
	v11 =	vmov v17;
	v44 =	vmul.f32 $2.000000030e-01, v35;
	v32 =	vld.idx.msk [tilespmem:v50+s23+$0x0], $0xffff;
	(erf) = vpow2.f32 v38;
	[tilespmem:v43+s23+$0x0] =	vst.idx.msk $0xffff, v23  }
0x1e5: {  	v17 =	vmovc v24;
	v38 =	vmax.f32 v34, v41;
	v33 =	vld.idx.msk [tilespmem:v49+s24+$0x0], $0xffff;
	v43 =	vmax.f32 v45, v39;
	(erf) = vpow2.f32 v36  }
0x1e6: {  	v38 =	vsub.f32 v38, v8;
	v41 =	vmax.f32 v35, v44;
	v34 =	vld.idx.msk [tilespmem:v30+s24+$0x0], $0xffff;
	v39 =	vsub.f32 v43, v8  }
0x1e7: {  	s7 =	sadd.s32 $0x8, s7;
	v24 =	vmovc v50;
	v23 =	vmov v42;
	v37 =	vadd.f32 v37, v40;
	v36 =	vsub.f32 v41, v8;
	v35 =	vld.idx.msk [tilespmem:v28+s23+$0x0], $0xffff  }
0x1e8: {  	_ = 	snop  }
0x1e9: {  	v40 =	vmul.f32 $2.000000030e-01, v37;
	_ =	sdelay $0x1  }
0x1ea: {  	v37 =	vmax.f32 v37, v40  }
0x1eb: {  	v51 =	vld.idx.msk [tilespmem:v29+s24+$0x0], $0xffff;
	v37 =	vsub.f32 v37, v8;
	_ =	sdelay $0x1  }
0x1ec: {  	v31 =	vadd.f32 v33, v31;
	v37 =	vmul.f32 $1.442695020e+00, v37  }
0x1ed: {  	v52 =	vmul.f32 $1.442695020e+00, v39  }
0x1ee: {  	v32 =	vadd.f32 v34, v32;
	v54 =	vmul.f32 $2.000000030e-01, v31;
	(erf) = vpow2.f32 v37  }
0x1ef: {  	v38 =	vmul.f32 $1.442695020e+00, v38;
	v53 =	vpop (erf);
	v56 =	vadd.f32 v51, v35  }
0x1f0: {  	[tilespmem:v18+s28+$0x0] =	vst.idx.msk $0xffff, v53;
	v57 =	vmul.f32 $2.000000030e-01, v32;
	v31 =	vmax.f32 v31, v54;
	(erf) = vpow2.f32 v52  }
0x1f1: {  	v58 =	vmul.f32 $1.442695020e+00, v36;
	[tilespmem:v22+s23+$0x0] =	vst.idx.msk $0xffff, v53;
	v55 =	vpop (erf);
	v31 =	vsub.f32 v31, v8  }
0x1f2: {  	[tilespmem:v20+s28+$0x0] =	vst.idx.msk $0xffff, v55;
	v59 =	vpop (erf);
	v60 =	vmul.f32 $2.000000030e-01, v56;
	v32 =	vmax.f32 v32, v57;
	(erf) = vpow2.f32 v38  }
0x1f3: {  	[tilespmem:v23+s28+$0x0] =	vst.idx.msk $0xffff, v59;
	v61 =	vsub.f32 v32, v8  }
0x1f4: {  	v63 =	vpop (erf);
	[tilespmem:v11+s23+$0x0] =	vst.idx.msk $0xffff, v59;
	v62 =	vmul.f32 $1.442695020e+00, v31;
	v11 =	vmax.f32 v56, v60;
	(erf) = vpow2.f32 v58  }
0x1f5: {  	[tilespmem:v10+s28+$0x0] =	vst.idx.msk $0xffff, v63;
	v10 =	vsub.f32 v11, v8  }
0x1f6: {  	[tilespmem:v14+s23+$0x0] =	vst.idx.msk $0xffff, v55;
	v11 =	vmul.f32 $1.442695020e+00, v61;
	(erf) = vpow2.f32 v62  }
0x1f7: {  	[tilespmem:v9+s23+$0x0] =	vst.idx.msk $0xffff, v63;
	v10 =	vmul.f32 $1.442695020e+00, v10;
	v9 =	vpop (erf)  }
0x1f8: {  	(erf) = vpow2.f32 v11;
	[tilespmem:v26+s28+$0x0] =	vst.idx.msk $0xffff, v9  }
0x1f9: {  	[tilespmem:v27+s23+$0x0] =	vst.idx.msk $0xffff, v9;
	v9 =	vpop (erf)  }
0x1fa: {  	(erf) = vpow2.f32 v10;
	[tilespmem:v15+s28+$0x0] =	vst.idx.msk $0xffff, v9  }
0x1fb: {  	v10 =	vpop (erf);
	[tilespmem:v12+s23+$0x0] =	vst.idx.msk $0xffff, v9  }
0x1fc: {  	[tilespmem:v16+s28+$0x0] =	vst.idx.msk $0xffff, v10  }
0x1fd: {  	v9 =	vpop (erf);
	[tilespmem:v17+s23+$0x0] =	vst.idx.msk $0xffff, v10  }
0x1fe: {  	[tilespmem:v19+s28+$0x0] =	vst.idx.msk $0xffff, v9  }
0x1ff: {  	[tilespmem:v13+s23+$0x0] =	vst.idx.msk $0xffff, v9;
	v9 =	vpop (erf)  }
0x200: {  	p1 =	por $0x1, $0x1;
	[tilespmem:v25+s28+$0x0] =	vst.idx.msk $0xffff, v9  }
.Ltmp9:
0x201: {  	[tilespmem:v21+s23+$0x0] =	vst.idx.msk $0xffff, v9;
	v9 =	vpop (erf);
	(pc) =	sbr.rel @!p1 .LBB2_16-.Ltmp9, $4  }
0x202: {  	[tilespmem:v30+s28+$0x0] =	vst.idx.msk $0xffff, v9  }
0x203: {  	v10 =	vpop (erf);
	[tilespmem:v24+s23+$0x0] =	vst.idx.msk $0xffff, v9  }
0x204: {  	[tilespmem:v29+s28+$0x0] =	vst.idx.msk $0xffff, v10  }
0x205: {  	s18 =	simm.s32 $0x2520;
	s7 =	simm.s32 $0x0;
	p0 =	por $0x0, $0x0;
	[tilespmem:v28+s23+$0x0] =	vst.idx.msk $0xffff, v10  }
0x206: {  	v16 =	vld [tilespmem:s18+$0xD8]  }
0x207: {  	v37 =	vld [tilespmem:s18+$0xE8]  }
0x208: {  	v19 =	vld [tilespmem:s18+$0xFFFFFF28]  }
0x209: {  	v21 =	vld [tilespmem:s18+$0xFFFFFF70]  }
0x20a: {  	s14 =	simm.s32 $0x38;
	v22 =	vld [tilespmem:s18+$0xFFFFFFB8]  }
0x20b: {  	v25 =	vld [tilespmem:s18+$0x48];
	v10 =	vor.u32 s14, v3  }
0x20c: {  	v43 =	vld [tilespmem:s18+$0x108]  }
0x20d: {  	v45 =	vld [tilespmem:s18+$0xFFFFFF80]  }
0x20e: {  	v9 =	vor.u32 s7, v3;
	s13 =	simm.s32 $0x8;
	v46 =	vld [tilespmem:s18+$0xFFFFFFC8]  }
0x20f: {  	s11 =	simm.s32 $0x18;
	v48 =	vld [tilespmem:s18+$0x10];
	v11 =	vor.u32 s13, v3  }
0x210: {  	s6 =	simm.s32 $0x30;
	v13 =	vor.u32 s11, v3;
	v10 =	vld.idx.msk [tilespmem:v10+s28+$0x0], $0xffff  }
0x211: {  	v50 =	vld [tilespmem:s18+$0x58];
	v17 =	vor.u32 s6, v3  }
0x212: {  	v27 =	vld [tilespmem:s18+$0xFFFFFF00]  }
0x213: {  	v18 =	vor.u32 s14, v5;
	v9 =	vld.idx.msk [tilespmem:v9+s28+$0x0], $0xffff  }
0x214: {  	s12 =	simm.s32 $0x10;
	v11 =	vld.idx.msk [tilespmem:v11+s28+$0x0], $0xffff  }
0x215: {  	s8 =	simm.s32 $0x20;
	v12 =	vor.u32 s12, v3;
	v13 =	vld.idx.msk [tilespmem:v13+s28+$0x0], $0xffff;
	v10 =	vmul.f32 v16, v10  }
0x216: {  	s10 =	simm.s32 $0x28;
	v14 =	vor.u32 s8, v3;
	v16 =	vld.idx.msk [tilespmem:v17+s28+$0x0], $0xffff  }
0x217: {  	v15 =	vor.u32 s10, v3;
	v17 =	vld [tilespmem:s18+$0xFFFFFEE0];
	[tilespmem:s18+$0xD8] =	vst v10  }
0x218: {  	v10 =	vld.idx.msk [tilespmem:v18+s28+$0x0], $0xffff  }
0x219: {  	v54 =	vld [tilespmem:s18+$0xFFFFFFD8]  }
0x21a: {  	v12 =	vld.idx.msk [tilespmem:v12+s28+$0x0], $0xffff  }
0x21b: {  	v23 =	vor.u32 s14, v6;
	v14 =	vld.idx.msk [tilespmem:v14+s28+$0x0], $0xffff;
	v11 =	vmul.f32 v19, v11  }
0x21c: {  	v15 =	vld.idx.msk [tilespmem:v15+s28+$0x0], $0xffff;
	v9 =	vmul.f32 v17, v9  }
0x21d: {  	v38 =	vor.u32 s12, v5;
	[tilespmem:s18+$0xFFFFFF28] =	vst v11;
	v11 =	vmul.f32 v22, v13;
	v13 =	vld [tilespmem:s18+$0xF8];
	v10 =	vmul.f32 v37, v10  }
0x21e: {  	v20 =	vor.u32 s7, v5;
	v17 =	vld [tilespmem:s18+$0x0];
	[tilespmem:s18+$0xFFFFFEE0] =	vst v9  }
0x21f: {  	v24 =	vor.u32 s13, v5;
	v12 =	vmul.f32 v21, v12;
	v9 =	vld [tilespmem:s18+$0x90];
	[tilespmem:s18+$0xE8] =	vst v10  }
0x220: {  	v40 =	vld.idx.msk [tilespmem:v23+s28+$0x0], $0xffff  }
0x221: {  	v56 =	vld [tilespmem:s18+$0x20];
	v41 =	vor.u32 s10, v5;
	[tilespmem:s18+$0xFFFFFF70] =	vst v12  }
0x222: {  	[tilespmem:s18+$0xFFFFFFB8] =	vst v11;
	v11 =	vmul.f32 v25, v15;
	v15 =	vld.idx.msk [tilespmem:v38+s28+$0x0], $0xffff  }
0x223: {  	v39 =	vld.idx.msk [tilespmem:v20+s28+$0x0], $0xffff  }
0x224: {  	v10 =	vor.u32 s8, v5;
	v12 =	vmul.f32 v17, v14;
	v14 =	vld.idx.msk [tilespmem:v24+s28+$0x0], $0xffff;
	v9 =	vmul.f32 v9, v16  }
0x225: {  	v26 =	vor.u32 s11, v5;
	[tilespmem:s18+$0x48] =	vst v11;
	v17 =	vld [tilespmem:s18+$0xFFFFFEF0];
	v11 =	vmul.f32 v13, v40  }
0x226: {  	v42 =	vor.u32 s6, v5;
	[tilespmem:s18+$0x90] =	vst v9;
	v9 =	vld.idx.msk [tilespmem:v41+s28+$0x0], $0xffff  }
0x227: {  	[tilespmem:s18+$0xF8] =	vst v11;
	v11 =	vld [tilespmem:s18+$0xFFFFFF38]  }
0x228: {  	v58 =	vld [tilespmem:s18+$0x68];
	[tilespmem:s18+$0x0] =	vst v12  }
0x229: {  	v49 =	vor.u32 s12, v6;
	v10 =	vld.idx.msk [tilespmem:v10+s28+$0x0], $0xffff  }
0x22a: {  	v44 =	vor.u32 s7, v6;
	v15 =	vmul.f32 v45, v15;
	v12 =	vld.idx.msk [tilespmem:v26+s28+$0x0], $0xffff  }
0x22b: {  	v17 =	vmul.f32 v17, v39;
	v13 =	vld.idx.msk [tilespmem:v42+s28+$0x0], $0xffff  }
0x22c: {  	v47 =	vor.u32 s13, v6;
	[tilespmem:s18+$0xFFFFFF80] =	vst v15;
	v9 =	vmul.f32 v50, v9;
	v11 =	vmul.f32 v11, v14;
	v14 =	vld [tilespmem:s18+$0xA0]  }
0x22d: {  	v60 =	vld [tilespmem:s18+$0xB0];
	v51 =	vor.u32 s11, v6;
	[tilespmem:s18+$0xFFFFFEF0] =	vst v17  }
0x22e: {  	v15 =	vld.idx.msk [tilespmem:v49+s28+$0x0], $0xffff;
	v17 =	vor.u32 s8, v6;
	v10 =	vmul.f32 v48, v10;
	[tilespmem:s18+$0x58] =	vst v9  }
0x22f: {  	v20 =	vld.idx.msk [tilespmem:v44+s28+$0x0], $0xffff;
	[tilespmem:s18+$0xFFFFFF38] =	vst v11;
	v11 =	vmul.f32 v46, v12  }
0x230: {  	v16 =	vor.u32 s14, v7;
	v9 =	vld [tilespmem:s18+$0xFFFFFF48];
	[tilespmem:s18+$0x10] =	vst v10  }
0x231: {  	v12 =	vor.u32 s6, v6;
	v53 =	vld.idx.msk [tilespmem:v47+s28+$0x0], $0xffff;
	[tilespmem:s18+$0xFFFFFFC8] =	vst v11;
	v10 =	vmul.f32 v14, v13  }
0x232: {  	v52 =	vor.u32 s10, v6;
	v11 =	vld.idx.msk [tilespmem:v51+s28+$0x0], $0xffff  }
0x233: {  	v13 =	vld.idx.msk [tilespmem:v17+s28+$0x0], $0xffff;
	[tilespmem:s18+$0xA0] =	vst v10;
	v10 =	vor.u32 s7, v7  }
0x234: {  	v17 =	vld [tilespmem:s18+$0xFFFFFF90]  }
0x235: {  	v55 =	vor.u32 s13, v7;
	v16 =	vld.idx.msk [tilespmem:v16+s28+$0x0], $0xffff;
	v20 =	vmul.f32 v27, v20  }
0x236: {  	v59 =	vor.u32 s11, v7;
	v12 =	vld.idx.msk [tilespmem:v12+s28+$0x0], $0xffff  }
0x237: {  	v61 =	vor.u32 s8, v7;
	[tilespmem:s18+$0xFFFFFF00] =	vst v20;
	v14 =	vld.idx.msk [tilespmem:v52+s28+$0x0], $0xffff;
	v9 =	vmul.f32 v9, v53  }
0x238: {  	v57 =	vor.u32 s12, v7;
	v11 =	vmul.f32 v54, v11;
	v62 =	vld.idx.msk [tilespmem:v10+s28+$0x0], $0xffff  }
0x239: {  	v63 =	vor.u32 s6, v7;
	[tilespmem:s18+$0xFFFFFF48] =	vst v9;
	v13 =	vmul.f32 v56, v13;
	v10 =	vmul.f32 v17, v15;
	v17 =	vld [tilespmem:s18+$0xFFFFFF10]  }
0x23a: {  	v9 =	vld.idx.msk [tilespmem:v55+s28+$0x0], $0xffff;
	v15 =	vor.u32 s10, v7;
	[tilespmem:s18+$0xFFFFFFD8] =	vst v11  }
0x23b: {  	p1 =	por $0x1, $0x1;
	[tilespmem:s18+$0x20] =	vst v13;
	v11 =	vld.idx.msk [tilespmem:v59+s28+$0x0], $0xffff;
	v20 =	vmul.f32 v60, v12  }
.Ltmp10:
0x23c: {  	v14 =	vmul.f32 v58, v14;
	v12 =	vld.idx.msk [tilespmem:v61+s28+$0x0], $0xffff;
	[tilespmem:s18+$0xFFFFFF90] =	vst v10;
	(pc) =	sbr.rel @!p1 .LBB2_18-.Ltmp10, $4  }
0x23d: {  	v16 =	vmul.f32 v43, v16;
	v10 =	vld.idx.msk [tilespmem:v57+s28+$0x0], $0xffff;
	[tilespmem:s18+$0xB0] =	vst v20  }
0x23e: {  	[tilespmem:s18+$0x68] =	vst v14;
	v14 =	vld.idx.msk [tilespmem:v63+s28+$0x0], $0xffff;
	v17 =	vmul.f32 v17, v62  }
0x23f: {  	p0 =	por $0x1, $0x1;
	s8 =	simm.s32 $0x2520;
	[tilespmem:s18+$0x108] =	vst v16;
	v13 =	vld.idx.msk [tilespmem:v15+s28+$0x0], $0xffff  }
0x240: {  	s6 =	simm.s32 $0x2520;
	s7 =	simm.s32 $0x40;
	s10 =	simm.s32 $0x10;
	v15 =	vld [tilespmem:s18+$0xFFFFFF58];
	[tilespmem:s18+$0xFFFFFF10] =	vst v17  }
.LBB2_19:
0x241: {  	p1 =	slt.u32 s10, $0x78;
	v16 =	vor.u32 s7, v3;
	v30 =	vor.u32 s7, v5;
	v22 =	vor.u32 s7, v6;
	s9 =	sadd.s32 $0x8, s7;
	s11 =	sadd.s32 $0x38, s7;
	v31 =	vld [tilespmem:s8+$0xFFFFFFA0]  }
0x242: {  	s12 =	sadd.s32 $0x10, s7;
	s13 =	sadd.s32 $0x18, s7;
	s14 =	sadd.s32 $0x20, s7;
	v17 =	vor.u32 s9, v3;
	v32 =	vor.u32 s9, v5;
	v18 =	vor.u32 s11, v3;
	v33 =	vld [tilespmem:s8+$0xFFFFFFE8]  }
0x243: {  	s15 =	sadd.s32 $0x28, s7;
	s19 =	sadd.s32 $0x30, s7;
	v34 =	vor.u32 s12, v3;
	v35 =	vor.u32 s13, v3;
	v36 =	vor.u32 s14, v3;
	v37 =	vld [tilespmem:s8+$0x30]  }
0x244: {  	v38 =	vor.u32 s12, v5;
	v39 =	vor.u32 s15, v3;
	v40 =	vor.u32 s19, v3;
	v41 =	vld [tilespmem:s8+$0x78]  }
0x245: {  	v42 =	vor.u32 s13, v5;
	v43 =	vor.u32 s14, v5;
	v44 =	vor.u32 s15, v5;
	v45 =	vld [tilespmem:s8+$0xC0]  }
0x246: {  	v29 =	vor.u32 s9, v6;
	v28 =	vor.u32 s12, v6;
	v47 =	vor.u32 s19, v5;
	v46 =	vld.idx.msk [tilespmem:v16+s28+$0x0], $0xffff  }
0x247: {  	v27 =	vor.u32 s13, v6;
	v25 =	vor.u32 s14, v6;
	v24 =	vor.u32 s15, v6;
	s8 =	sadd.s32 $0x240, s8;
	v48 =	vld.idx.msk [tilespmem:v18+s28+$0x0], $0xffff  }
0x248: {  	v21 =	vor.u32 s9, v7;
	v19 =	vor.u32 s12, v7;
	v26 =	vor.u32 s19, v6;
	v49 =	vld [tilespmem:s8+$0xD8]  }
0x249: {  	v20 =	vor.u32 s13, v7;
	v16 =	vor.u32 s15, v7;
	v18 =	vor.u32 s14, v7;
	v50 =	vld.idx.msk [tilespmem:v17+s28+$0x0], $0xffff  }
0x24a: {  	v23 =	vor.u32 s7, v7;
	v9 =	vmul.f32 v15, v9;
	v17 =	vor.u32 s19, v7;
	v34 =	vld.idx.msk [tilespmem:v34+s28+$0x0], $0xffff  }
0x24b: {  	v10 =	vmul.f32 v31, v10;
	v11 =	vmul.f32 v33, v11;
	v15 =	vld.idx.msk [tilespmem:v35+s28+$0x0], $0xffff;
	v35 =	vor.u32 s11, v5  }
0x24c: {  	v31 =	vld.idx.msk [tilespmem:v36+s28+$0x0], $0xffff;
	[tilespmem:s6+$0xFFFFFF58] =	vst v9;
	v9 =	vmul.f32 v37, v12;
	v12 =	vmul.f32 v41, v13  }
0x24d: {  	v13 =	vld.idx.msk [tilespmem:v39+s28+$0x0], $0xffff;
	v33 =	vmul.f32 v49, v48;
	[tilespmem:s6+$0xFFFFFFA0] =	vst v10;
	v10 =	vmul.f32 v45, v14  }
0x24e: {  	v14 =	vld.idx.msk [tilespmem:v40+s28+$0x0], $0xffff;
	[tilespmem:s6+$0xFFFFFFE8] =	vst v11  }
0x24f: {  	v11 =	vld [tilespmem:s8+$0xFFFFFEE0];
	[tilespmem:s8+$0xD8] =	vst v33  }
0x250: {  	v33 =	vld.idx.msk [tilespmem:v35+s28+$0x0], $0xffff;
	[tilespmem:s6+$0x30] =	vst v9  }
0x251: {  	v9 =	vld [tilespmem:s8+$0xE8];
	[tilespmem:s6+$0x78] =	vst v12  }
0x252: {  	v12 =	vld [tilespmem:s8+$0xFFFFFF28];
	[tilespmem:s6+$0xC0] =	vst v10;
	s6 =	smov.u32 s8  }
0x253: {  	v10 =	vld [tilespmem:s8+$0xFFFFFF70]  }
0x254: {  	v36 =	vor.u32 s11, v6;
	v11 =	vmul.f32 v11, v46;
	v35 =	vld [tilespmem:s8+$0xFFFFFFB8]  }
0x255: {  	v37 =	vld [tilespmem:s8+$0x0]  }
0x256: {  	[tilespmem:s8+$0xFFFFFEE0] =	vst v11;
	v11 =	vld [tilespmem:s8+$0x48];
	v9 =	vmul.f32 v9, v33  }
0x257: {  	v12 =	vmul.f32 v12, v50;
	v33 =	vld [tilespmem:s8+$0x90]  }
0x258: {  	v30 =	vld.idx.msk [tilespmem:v30+s28+$0x0], $0xffff;
	v10 =	vmul.f32 v10, v34;
	[tilespmem:s8+$0xE8] =	vst v9  }
0x259: {  	[tilespmem:s8+$0xFFFFFF28] =	vst v12;
	v9 =	vmul.f32 v35, v15;
	v12 =	vld.idx.msk [tilespmem:v36+s28+$0x0], $0xffff  }
0x25a: {  	[tilespmem:s8+$0xFFFFFF70] =	vst v10;
	v10 =	vmul.f32 v37, v31;
	v15 =	vld [tilespmem:s8+$0xF8]  }
0x25b: {  	v31 =	vld.idx.msk [tilespmem:v32+s28+$0x0], $0xffff;
	[tilespmem:s8+$0xFFFFFFB8] =	vst v9;
	v9 =	vmul.f32 v11, v13  }
0x25c: {  	v11 =	vld.idx.msk [tilespmem:v38+s28+$0x0], $0xffff;
	[tilespmem:s8+$0x0] =	vst v10;
	v10 =	vmul.f32 v33, v14  }
0x25d: {  	v13 =	vld.idx.msk [tilespmem:v42+s28+$0x0], $0xffff;
	[tilespmem:s8+$0x48] =	vst v9;
	v9 =	vor.u32 s11, v7  }
0x25e: {  	v14 =	vld.idx.msk [tilespmem:v43+s28+$0x0], $0xffff;
	[tilespmem:s8+$0x90] =	vst v10  }
0x25f: {  	v10 =	vld.idx.msk [tilespmem:v44+s28+$0x0], $0xffff;
	v12 =	vmul.f32 v15, v12  }
0x260: {  	v15 =	vld.idx.msk [tilespmem:v47+s28+$0x0], $0xffff  }
0x261: {  	v32 =	vld [tilespmem:s8+$0xFFFFFEF0];
	[tilespmem:s8+$0xF8] =	vst v12  }
0x262: {  	v9 =	vld.idx.msk [tilespmem:v9+s28+$0x0], $0xffff  }
0x263: {  	v12 =	vld [tilespmem:s8+$0x108]  }
0x264: {  	v33 =	vld [tilespmem:s8+$0xFFFFFF38]  }
0x265: {  	v34 =	vld [tilespmem:s8+$0xFFFFFF80]  }
0x266: {  	v30 =	vmul.f32 v32, v30;
	v32 =	vld [tilespmem:s8+$0xFFFFFFC8]  }
0x267: {  	v35 =	vld [tilespmem:s8+$0x10]  }
0x268: {  	[tilespmem:s8+$0xFFFFFEF0] =	vst v30;
	v30 =	vld [tilespmem:s8+$0x58];
	v9 =	vmul.f32 v12, v9  }
0x269: {  	v12 =	vmul.f32 v33, v31;
	v31 =	vld [tilespmem:s8+$0xA0]  }
0x26a: {  	v22 =	vld.idx.msk [tilespmem:v22+s28+$0x0], $0xffff;
	v11 =	vmul.f32 v34, v11;
	[tilespmem:s8+$0x108] =	vst v9  }
0x26b: {  	v9 =	vld [tilespmem:s8+$0xFFFFFF00];
	[tilespmem:s8+$0xFFFFFF38] =	vst v12;
	v12 =	vmul.f32 v32, v13  }
0x26c: {  	v13 =	vld.idx.msk [tilespmem:v29+s28+$0x0], $0xffff;
	[tilespmem:s8+$0xFFFFFF80] =	vst v11;
	v11 =	vmul.f32 v35, v14  }
0x26d: {  	v14 =	vld.idx.msk [tilespmem:v28+s28+$0x0], $0xffff;
	[tilespmem:s8+$0xFFFFFFC8] =	vst v12;
	v10 =	vmul.f32 v30, v10  }
0x26e: {  	v12 =	vld.idx.msk [tilespmem:v27+s28+$0x0], $0xffff;
	[tilespmem:s8+$0x10] =	vst v11;
	v11 =	vmul.f32 v31, v15  }
0x26f: {  	v15 =	vld.idx.msk [tilespmem:v25+s28+$0x0], $0xffff;
	[tilespmem:s8+$0x58] =	vst v10  }
0x270: {  	v9 =	vmul.f32 v9, v22;
	v22 =	vld.idx.msk [tilespmem:v24+s28+$0x0], $0xffff;
	[tilespmem:s8+$0xA0] =	vst v11  }
0x271: {  	v24 =	vld.idx.msk [tilespmem:v26+s28+$0x0], $0xffff  }
0x272: {  	[tilespmem:s8+$0xFFFFFF00] =	vst v9;
	v9 =	vld [tilespmem:s8+$0xFFFFFF48]  }
0x273: {  	v10 =	vld [tilespmem:s8+$0xFFFFFF90]  }
0x274: {  	v11 =	vld [tilespmem:s8+$0xFFFFFFD8]  }
0x275: {  	v25 =	vld [tilespmem:s8+$0x20]  }
0x276: {  	v26 =	vld [tilespmem:s8+$0x68]  }
0x277: {  	v9 =	vmul.f32 v9, v13;
	v13 =	vld [tilespmem:s8+$0xB0]  }
0x278: {  	v23 =	vld.idx.msk [tilespmem:v23+s28+$0x0], $0xffff;
	v10 =	vmul.f32 v10, v14  }
0x279: {  	v14 =	vld [tilespmem:s8+$0xFFFFFF10];
	[tilespmem:s8+$0xFFFFFF48] =	vst v9;
	v11 =	vmul.f32 v11, v12  }
0x27a: {  	v9 =	vld.idx.msk [tilespmem:v21+s28+$0x0], $0xffff;
	[tilespmem:s8+$0xFFFFFF90] =	vst v10;
	v12 =	vmul.f32 v25, v15  }
0x27b: {  	v10 =	vld.idx.msk [tilespmem:v19+s28+$0x0], $0xffff;
	[tilespmem:s8+$0xFFFFFFD8] =	vst v11;
	v15 =	vmul.f32 v26, v22  }
.Ltmp11:
0x27c: {  	v11 =	vld.idx.msk [tilespmem:v20+s28+$0x0], $0xffff;
	[tilespmem:s8+$0x20] =	vst v12;
	v19 =	vmul.f32 v13, v24;
	(pc) =	sbr.rel @p1 .LBB2_19-.Ltmp11, $4  }
0x27d: {  	v12 =	vld.idx.msk [tilespmem:v18+s28+$0x0], $0xffff;
	[tilespmem:s8+$0x68] =	vst v15  }
0x27e: {  	v15 =	vmul.f32 v14, v23;
	v13 =	vld.idx.msk [tilespmem:v16+s28+$0x0], $0xffff;
	[tilespmem:s8+$0xB0] =	vst v19  }
0x27f: {  	v14 =	vld.idx.msk [tilespmem:v17+s28+$0x0], $0xffff  }
0x280: {  	s7 =	sshll.u32 s10, $0x3;
	s10 =	sadd.s32 $0x8, s10;
	[tilespmem:s8+$0xFFFFFF10] =	vst v15;
	v15 =	vld [tilespmem:s8+$0xFFFFFF58]  }
.LBB2_20:
0x281: {  	v20 =	vld @p0 [tilespmem:s8+$0xFFFFFFA0]  }
0x282: {  	v19 =	vld @p0 [tilespmem:s8+$0xFFFFFFE8]  }
0x283: {  	v16 =	vld @p0 [tilespmem:s8+$0x30]  }
0x284: {  	v17 =	vld @p0 [tilespmem:s8+$0x78]  }
0x285: {  	v18 =	vld @p0 [tilespmem:s8+$0xC0];
	s8 =	sadd.s32 @p0 $0x240, s8  }
0x286: {  	s18 =	smov.u32 @p0 s8  }
0x287: {  	v28 =	vld [tilespmem:s18+$0xD8]  }
0x288: {  	v50 =	vld [tilespmem:s18+$0xFFFFFEE0]  }
0x289: {  	v51 =	vld [tilespmem:s18+$0xE8]  }
0x28a: {  	v31 =	vld [tilespmem:s18+$0xFFFFFF28]  }
0x28b: {  	v33 =	vld [tilespmem:s18+$0xFFFFFF70]  }
0x28c: {  	v34 =	vld [tilespmem:s18+$0xFFFFFFB8]  }
0x28d: {  	v52 =	vld [tilespmem:s18+$0x0]  }
0x28e: {  	v37 =	vld [tilespmem:s18+$0x48]  }
0x28f: {  	v21 =	vor.u32 s7, v3;
	s15 =	sadd.s32 $0x38, s7;
	v54 =	vld [tilespmem:s18+$0x90]  }
0x290: {  	s11 =	sadd.s32 $0x8, s7;
	v22 =	vor.u32 s15, v3;
	v60 =	vld [tilespmem:s18+$0xF8]  }
0x291: {  	s12 =	sadd.s32 $0x10, s7;
	v23 =	vor.u32 s11, v3;
	v47 =	vld [tilespmem:s18+$0xFFFFFEF0]  }
0x292: {  	s13 =	sadd.s32 $0x18, s7;
	v24 =	vor.u32 s12, v3;
	v48 =	vld [tilespmem:s18+$0xFFFFFF38]  }
0x293: {  	s10 =	sadd.s32 $0x20, s7;
	v25 =	vor.u32 s13, v3;
	v39 =	vld [tilespmem:s18+$0xFFFFFF00]  }
0x294: {  	s14 =	sadd.s32 $0x28, s7;
	v26 =	vor.u32 s10, v3;
	v21 =	vld.idx.msk [tilespmem:v21+s28+$0x0], $0xffff  }
0x295: {  	s20 =	sadd.s32 $0x30, s7;
	v27 =	vor.u32 s14, v3;
	v22 =	vld.idx.msk [tilespmem:v22+s28+$0x0], $0xffff  }
0x296: {  	v29 =	vor.u32 s20, v3;
	v23 =	vld.idx.msk [tilespmem:v23+s28+$0x0], $0xffff  }
0x297: {  	v24 =	vld.idx.msk [tilespmem:v24+s28+$0x0], $0xffff  }
0x298: {  	v25 =	vld.idx.msk [tilespmem:v25+s28+$0x0], $0xffff  }
0x299: {  	v26 =	vld.idx.msk [tilespmem:v26+s28+$0x0], $0xffff  }
0x29a: {  	v10 =	vmul.f32 @p0 v20, v10;
	v27 =	vld.idx.msk [tilespmem:v27+s28+$0x0], $0xffff  }
0x29b: {  	v32 =	vor.u32 s7, v5;
	v11 =	vmul.f32 @p0 v19, v11;
	v49 =	vld.idx.msk [tilespmem:v29+s28+$0x0], $0xffff  }
0x29c: {  	v30 =	vor.u32 s15, v5;
	[tilespmem:s6+$0xFFFFFFA0] =	vst @p0 v10;
	v10 =	vld [tilespmem:s18+$0xFFFFFF58]  }
0x29d: {  	v36 =	vor.u32 s11, v5;
	[tilespmem:s6+$0xFFFFFFE8] =	vst @p0 v11;
	v11 =	vld [tilespmem:s18+$0xFFFFFFA0];
	v21 =	vmul.f32 v50, v21  }
0x29e: {  	v53 =	vor.u32 s12, v5;
	v50 =	vld [tilespmem:s18+$0xFFFFFF80];
	v22 =	vmul.f32 v28, v22  }
0x29f: {  	v38 =	vor.u32 s13, v5;
	v23 =	vmul.f32 v31, v23;
	v28 =	vld [tilespmem:s18+$0x108];
	[tilespmem:s18+$0xFFFFFEE0] =	vst v21  }
0x2a0: {  	v58 =	vor.u32 s14, v5;
	v24 =	vmul.f32 v33, v24;
	[tilespmem:s18+$0xD8] =	vst v22;
	v55 =	vld.idx.msk [tilespmem:v32+s28+$0x0], $0xffff  }
0x2a1: {  	v59 =	vmul.f32 v34, v25;
	[tilespmem:s18+$0xFFFFFF28] =	vst v23;
	v22 =	vld.idx.msk [tilespmem:v30+s28+$0x0], $0xffff  }
0x2a2: {  	v61 =	vor.u32 s20, v5;
	v40 =	vmul.f32 v37, v27;
	[tilespmem:s18+$0xFFFFFF70] =	vst v24;
	v63 =	vld.idx.msk [tilespmem:v36+s28+$0x0], $0xffff  }
0x2a3: {  	[tilespmem:s18+$0xFFFFFFB8] =	vst v59;
	v41 =	vld.idx.msk [tilespmem:v53+s28+$0x0], $0xffff  }
0x2a4: {  	v21 =	vmul.f32 v54, v49;
	[tilespmem:s18+$0x48] =	vst v40;
	v42 =	vld.idx.msk [tilespmem:v38+s28+$0x0], $0xffff  }
0x2a5: {  	v44 =	vld.idx.msk [tilespmem:v58+s28+$0x0], $0xffff  }
0x2a6: {  	[tilespmem:s18+$0x90] =	vst v21;
	v53 =	vld [tilespmem:s18+$0x10]  }
0x2a7: {  	v46 =	vld.idx.msk [tilespmem:v61+s28+$0x0], $0xffff  }
0x2a8: {  	v56 =	vor.u32 s10, v5;
	v29 =	vmul.f32 v47, v55;
	v55 =	vld [tilespmem:s18+$0x58]  }
0x2a9: {  	v62 =	vmul.f32 v52, v26;
	v49 =	vor.u32 s7, v6;
	v22 =	vmul.f32 v51, v22;
	v51 =	vld [tilespmem:s18+$0xFFFFFFC8]  }
0x2aa: {  	v35 =	vor.u32 s15, v6;
	v27 =	vmul.f32 v50, v41;
	v41 =	vld [tilespmem:s18+$0xFFFFFF48]  }
0x2ab: {  	v52 =	vor.u32 s11, v6;
	[tilespmem:s18+$0x0] =	vst v62;
	v26 =	vmul.f32 v48, v63;
	v48 =	vld [tilespmem:s18+$0x68]  }
0x2ac: {  	v54 =	vor.u32 s12, v6;
	v50 =	vld [tilespmem:s18+$0xB0];
	[tilespmem:s18+$0xFFFFFEF0] =	vst v29  }
0x2ad: {  	[tilespmem:s18+$0xE8] =	vst v22;
	v22 =	vld.idx.msk [tilespmem:v56+s28+$0x0], $0xffff  }
0x2ae: {  	v59 =	vor.u32 s14, v6;
	v32 =	vld.idx.msk [tilespmem:v49+s28+$0x0], $0xffff  }
0x2af: {  	[tilespmem:s18+$0xFFFFFF38] =	vst v26;
	v57 =	vld.idx.msk [tilespmem:v35+s28+$0x0], $0xffff  }
0x2b0: {  	[tilespmem:s18+$0xFFFFFF80] =	vst v27;
	v61 =	vld.idx.msk [tilespmem:v52+s28+$0x0], $0xffff;
	v21 =	vmul.f32 v55, v44  }
0x2b1: {  	v56 =	vor.u32 s13, v6;
	v27 =	vld.idx.msk [tilespmem:v54+s28+$0x0], $0xffff  }
0x2b2: {  	v58 =	vor.u32 s10, v6;
	v44 =	vld [tilespmem:s18+$0xFFFFFFD8];
	[tilespmem:s18+$0x58] =	vst v21  }
0x2b3: {  	v24 =	vmul.f32 v51, v42;
	v42 =	vor.u32 s7, v7;
	v21 =	vld.idx.msk [tilespmem:v59+s28+$0x0], $0xffff  }
0x2b4: {  	v22 =	vmul.f32 v53, v22;
	v53 =	vld [tilespmem:s18+$0xFFFFFF10]  }
0x2b5: {  	v43 =	vor.u32 s15, v7;
	[tilespmem:s18+$0xFFFFFFC8] =	vst v24;
	v32 =	vmul.f32 v39, v32;
	v45 =	vmul.f32 v60, v57;
	v57 =	vld [tilespmem:s18+$0xA0]  }
0x2b6: {  	v24 =	vld.idx.msk [tilespmem:v56+s28+$0x0], $0xffff;
	[tilespmem:s18+$0x10] =	vst v22  }
0x2b7: {  	[tilespmem:s18+$0xFFFFFF00] =	vst v32;
	v63 =	vld.idx.msk [tilespmem:v58+s28+$0x0], $0xffff  }
0x2b8: {  	[tilespmem:s18+$0xF8] =	vst v45;
	v45 =	vor.u32 s11, v7;
	v29 =	vld.idx.msk [tilespmem:v42+s28+$0x0], $0xffff  }
0x2b9: {  	v9 =	vmul.f32 @p0 v15, v9;
	v60 =	vor.u32 s20, v6;
	v58 =	vld [tilespmem:s18+$0xFFFFFFE8]  }
0x2ba: {  	v52 =	vor.u32 s14, v7;
	v26 =	vmul.f32 v41, v61;
	v23 =	vld.idx.msk [tilespmem:v43+s28+$0x0], $0xffff  }
0x2bb: {  	[tilespmem:s6+$0xFFFFFF58] =	vst @p0 v9;
	v43 =	vld [tilespmem:s18+$0xFFFFFF90];
	v62 =	vmul.f32 v57, v46  }
0x2bc: {  	v49 =	vor.u32 s13, v7;
	[tilespmem:s18+$0xFFFFFF48] =	vst v26;
	v21 =	vmul.f32 v48, v21;
	v46 =	vld [tilespmem:s18+$0x20]  }
0x2bd: {  	v12 =	vmul.f32 @p0 v16, v12;
	[tilespmem:s18+$0xA0] =	vst v62;
	v55 =	vld.idx.msk [tilespmem:v45+s28+$0x0], $0xffff  }
0x2be: {  	v47 =	vor.u32 s12, v7;
	v24 =	vmul.f32 v44, v24;
	[tilespmem:s18+$0x68] =	vst v21;
	v22 =	vld.idx.msk [tilespmem:v60+s28+$0x0], $0xffff  }
0x2bf: {  	v13 =	vmul.f32 @p0 v17, v13;
	[tilespmem:s6+$0x30] =	vst @p0 v12;
	v51 =	vor.u32 s10, v7;
	v57 =	vld.idx.msk [tilespmem:v52+s28+$0x0], $0xffff  }
0x2c0: {  	[tilespmem:s18+$0xFFFFFFD8] =	vst v24;
	v62 =	vld [tilespmem:s18+$0x78];
	v27 =	vmul.f32 v43, v27  }
0x2c1: {  	[tilespmem:s6+$0x78] =	vst @p0 v13;
	v54 =	vor.u32 s20, v7;
	v24 =	vld.idx.msk [tilespmem:v49+s28+$0x0], $0xffff;
	v25 =	vmul.f32 v46, v63  }
0x2c2: {  	v14 =	vmul.f32 @p0 v18, v14;
	v60 =	vld [tilespmem:s18+$0x30];
	[tilespmem:s18+$0xFFFFFF90] =	vst v27  }
0x2c3: {  	v27 =	vld.idx.msk [tilespmem:v47+s28+$0x0], $0xffff;
	[tilespmem:s18+$0x20] =	vst v25;
	v22 =	vmul.f32 v50, v22  }
0x2c4: {  	[tilespmem:s6+$0xC0] =	vst @p0 v14;
	v61 =	vmul.f32 v53, v29;
	v56 =	vld.idx.msk [tilespmem:v51+s28+$0x0], $0xffff  }
0x2c5: {  	v59 =	vmul.f32 v28, v23;
	v63 =	vld [tilespmem:s18+$0xC0];
	[tilespmem:s18+$0xB0] =	vst v22  }
0x2c6: {  	[tilespmem:s18+$0xFFFFFF10] =	vst v61;
	v10 =	vmul.f32 v10, v55;
	v9 =	vld.idx.msk [tilespmem:v54+s28+$0x0], $0xffff  }
0x2c7: {  	[tilespmem:s18+$0x108] =	vst v59;
	v12 =	vmul.f32 v58, v24  }
0x2c8: {  	[tilespmem:s18+$0xFFFFFF58] =	vst v10;
	v11 =	vmul.f32 v11, v27  }
0x2c9: {  	[tilespmem:s18+$0xFFFFFFE8] =	vst v12;
	v10 =	vmul.f32 v60, v56  }
0x2ca: {  	[tilespmem:s18+$0xFFFFFFA0] =	vst v11;
	v11 =	vmul.f32 v62, v57  }
0x2cb: {  	[tilespmem:s18+$0x30] =	vst v10;
	v9 =	vmul.f32 v63, v9  }
0x2cc: {  	s16 =	sadd.s32 $0x1, s16;
	[tilespmem:s18+$0x78] =	vst v11  }
0x2cd: {  	p0 =	sne.s32 s16, $0x29;
	[tilespmem:s18+$0xC0] =	vst v9  }
0x2ce: {  	[spmem:s3] =	stream.indirect.scatter.add.f32 [tilespmem:s23], [sflag:$0x6], $0x48, s0, s21, $0xb8;
	[tilespmem:$0x15A10] =	vst v63  }
.Ltmp12:
0x2cf: {  	_ = 	snop;
	(pc) =	sbr.rel @p0 .LBB2_6-.Ltmp12, $4  }
.Ltmp13:
0x2d0: {  	_ = 	snop;
	(pc) =	sbr.rel @!p0 .LBB2_21-.Ltmp13, $4  }
0x2d1: {  	_ =	swait.ge [sflag:s17], $0x2400  }
0x2d2: {  	[sflag:s17] =	ssyncset.done $0x0  }
0x2d3: {  	[sflag:s17] =	ssyncadd.s32 $0xFFFFDC00  }
0x2d4: {  	_ = 	snop  }
.LBB2_9:
.Ltmp14:
0x2d5: {  	(pc) =	sbr.rel .LBB2_13-.Ltmp14, $2  }
0x2d6: {  	_ =	sdelay $0x2  }
0x2d7: {  	s8 =	simm.s32 $0x120  }
.LBB2_16:
.Ltmp15:
0x2d8: {  	(pc) =	sbr.rel .LBB2_20-.Ltmp15, $2  }
0x2d9: {  	_ =	sdelay $0x2  }
0x2da: {  	s8 =	simm.s32 $0x2520  }
.LBB2_11:
.Ltmp16:
0x2db: {  	(pc) =	sbr.rel .LBB2_13-.Ltmp16, $2  }
0x2dc: {  	_ =	sdelay $0x2  }
0x2dd: {  	s8 =	simm.s32 $0x120;
	s6 =	simm.s32 $0x120  }
.LBB2_18:
.Ltmp17:
0x2de: {  	(pc) =	sbr.rel .LBB2_20-.Ltmp17, $2  }
0x2df: {  	_ =	sdelay $0x2  }
0x2e0: {  	s8 =	simm.s32 $0x2520;
	s6 =	simm.s32 $0x2520  }
.LBB2_22:
0x2e1: {  	_ =	sfence.sel $0x180000  }
0x2e2: {  	[bflag:$0x0] =	sbarrier.arrive $0xFFFF  }
0x2e3: {  	_ =	strace $0x90000047  }
0x2e4: {  	s0 =	stileid.u32;
	[bflag:$0x2] =	sbarrier.arrive $0xFFFF  }
0x2e5: {  	p0 =	sne.s32 s0, $0x0;
	s0 =	rddreg [dreg:$0x3]  }
0x2e6: {  	s0 =	sadd.s32 @!p0 $0x100000, s0  }
0x2e7: {  	[sflag:s0] =	ssyncadd.tile.s32 @!p0 $0x1;
	_ =	shalt  }
.Lfunc_end2:
_tile_overlayer_lowered:
.L_overlay_start_2:
0x2e8: {  	(tag) =	ssettag $0x2  }
0x2e9: {  	s0 =	rddreg [dreg:$0x0];
	s2 =	stileid.u32  }
0x2ea: {  	s1 =	rddreg [dreg:$0x1];
	p0 =	sne.s32 s2, $0x0  }
0x2eb: {  	s3 =	rddreg [dreg:$0x2];
	[bflag:$0x3] =	sbarrier.arrive $0xFFFF;
	s2 =	simm.s32 @!p0 $0x1C06  }
0x2ec: {  	[timem:s3], [sflag:s2] =	dma.local @!p0 [hbm:s0], s1  }
0x2ed: {  	s0 =	simm.s32 @!p0 $0x6  }
0x2ee: {  	_ =	swait.ge @!p0 [sflag:s0], s1  }
0x2ef: {  	s1 =	ssub.s32 @!p0 $0x0, s1;
	[sflag:s0] =	ssyncset.done @!p0 $0x0  }
0x2f0: {  	[sflag:s0] =	ssyncadd.s32 @!p0 s1  }
0x2f1: {  	[bflag:$0x3] =	sbarrier.arrive $0xFFFF  }
0x2f2: {  	_ =	shalt  }

</sc_bundles>
